<compile_context>
chip_gen: v7x
topology: tpu7x:2x2x1
jax: 0.10.2.dev20260603
libtpu: 0.0.44.dev20260713+nightly
codegen_flags: <defaults>
</compile_context>

<pallas_src>
import jax
import jax.numpy as jnp
from jax import lax
from jax.experimental import pallas as pl
from jax.experimental.pallas import tpu as pltpu
from jax.experimental.pallas import tpu_sc as plsc

_N_ENTRIES = 262144
_H = 8192
_T = 131072
_J = 15
_W = 32
_HPW = _H // _W
_NB = _HPW // 16
_EPW = _HPW * _J
_CH = 128


def _hint_kernel(entries_hbm, blk_hbm, off_hbm, starts_hbm, sizes_hbm, bs_hbm,
                 out_hbm, starts_v, sizes_v, rowidx_v, bwin_v, owin_v, eilist_v,
                 rows_v, outbuf_v, bs_v, sem_a, sem_b):
    wid = lax.axis_index("s") * 2 + lax.axis_index("c")
    base = wid * _HPW
    iota = lax.iota(jnp.int32, 16)

    pltpu.sync_copy(starts_hbm.at[pl.ds(base, _HPW)], starts_v)
    pltpu.sync_copy(sizes_hbm.at[pl.ds(base, _HPW)], sizes_v)
    pltpu.sync_copy(bs_hbm, bs_v)

    def stage1(b, c):
        s = starts_v[pl.ds(16 * b, 16)]
        r = jnp.right_shift(s, 4)
        rowidx_v[pl.ds(16 * b, 16)] = r
        rowidx_v[pl.ds(_HPW + 16 * b, 16)] = r + 1
        return c

    lax.fori_loop(jnp.int32(0), jnp.int32(_NB), stage1, 0)

    descs = []
    for c in range(2 * _HPW // _CH):
        descs.append(pltpu.async_copy(
            blk_hbm.at[rowidx_v.at[pl.ds(_CH * c, _CH)]],
            bwin_v.at[pl.ds(_CH * c, _CH)], sem_a))
        descs.append(pltpu.async_copy(
            off_hbm.at[rowidx_v.at[pl.ds(_CH * c, _CH)]],
            owin_v.at[pl.ds(_CH * c, _CH)], sem_a))
    for d in descs:
        d.wait()

    def stage3(b, c):
        s = starts_v[pl.ds(16 * b, 16)]
        w0 = jnp.bitwise_and(s, 15)
        i_vec = iota + 16 * b
        bs = bs_v[...]
        for j in range(_J):
            w = w0 + j
            row = i_vec + jnp.left_shift(jnp.right_shift(w, 4), 8)
            col = jnp.bitwise_and(w, 15)
            bword = plsc.load_gather(bwin_v, [row, col])
            oword = plsc.load_gather(owin_v, [row, col])
            eilist_v[pl.ds(_J * 16 * b + 16 * j, 16)] = bword * bs + oword
        return c

    lax.fori_loop(jnp.int32(0), jnp.int32(_NB), stage3, 0)

    descs = []
    for c in range(_EPW // _CH):
        descs.append(pltpu.async_copy(
            entries_hbm.at[eilist_v.at[pl.ds(_CH * c, _CH)]],
            rows_v.at[pl.ds(_CH * c, _CH)], sem_b))
    for d in descs:
        d.wait()

    def stage5(b, c):
        sz = sizes_v[pl.ds(16 * b, 16)]
        accs = [jnp.zeros((16,), jnp.int32) for _ in range(10)]
        for j in range(_J):
            m = sz > j
            rows = iota + (_J * 16 * b + 16 * j)
            for w in range(10):
                val = plsc.load_gather(rows_v, [rows, jnp.full((16,), w, jnp.int32)])
                accs[w] = jnp.bitwise_xor(accs[w], jnp.where(m, val, 0))
        i_vec = jnp.left_shift(iota + 16 * b, 4)
        for w in range(10):
            plsc.store_scatter(outbuf_v, [i_vec + w], accs[w])
        return c

    lax.fori_loop(jnp.int32(0), jnp.int32(_NB), stage5, 0)

    pltpu.sync_copy(outbuf_v, out_hbm.at[pl.ds(base * 16, _HPW * 16)])


def kernel(entries, subset_blocks, subset_offsets, subset_starts, subset_sizes, block_size):
    entries16 = lax.bitcast_convert_type(
        jnp.pad(entries, ((0, 0), (0, 3))), jnp.int32).reshape(_N_ENTRIES, 16)
    blocks2d = subset_blocks.astype(jnp.int32).reshape(_T // 16, 16)
    offs2d = subset_offsets.astype(jnp.int32).reshape(_T // 16, 16)
    starts32 = subset_starts.astype(jnp.int32)
    sizes32 = subset_sizes.astype(jnp.int32)
    bs_arr = jnp.full((16,), block_size, jnp.int32)

    mesh = plsc.VectorSubcoreMesh(
        core_axis_name="c", subcore_axis_name="s", num_cores=2, num_subcores=16)
    out32 = pl.kernel(
        _hint_kernel,
        out_type=jax.ShapeDtypeStruct((_H * 16,), jnp.int32),
        mesh=mesh,
        compiler_params=pltpu.CompilerParams(
            needs_layout_passes=False, use_tc_tiling_on_sc=False,
            skip_device_barrier=True),
        scratch_types=[
            pltpu.VMEM((_HPW,), jnp.int32),
            pltpu.VMEM((_HPW,), jnp.int32),
            pltpu.VMEM((2 * _HPW,), jnp.int32),
            pltpu.VMEM((2 * _HPW, 16), jnp.int32),
            pltpu.VMEM((2 * _HPW, 16), jnp.int32),
            pltpu.VMEM((_EPW,), jnp.int32),
            pltpu.VMEM((_EPW, 16), jnp.int32),
            pltpu.VMEM((_HPW * 16,), jnp.int32),
            pltpu.VMEM((16,), jnp.int32),
            pltpu.SemaphoreType.DMA,
            pltpu.SemaphoreType.DMA,
        ],
    )(entries16, blocks2d, offs2d, starts32, sizes32, bs_arr)

    out = lax.bitcast_convert_type(
        out32.reshape(_H, 16)[:, :10].reshape(_H, 5, 2), jnp.int64)
    return out

# --- scband reference (transcript-rebuilt; emitter-appended) ---
"""Pipeline reference for scband-hint-gen-kernel-8057358647761 (READ-ONLY COPY).

The authoritative reference and input builder live on the scoring server;
editing this copy changes nothing except your own understanding.
"""

import jax, jax.numpy as jnp
import numpy as np
jax.config.update("jax_enable_x64", True)

N_ENTRIES = 262144
NUM_HINTS = 8192
TOTAL_SUBSETS = 131072
MAX_SIZE = 16
BLOCK_SIZE = 256
NUM_BLOCKS = 1024


def setup_inputs(seed: int = 0) -> dict:
    key = jax.random.key(seed)
    k1, k2, k3, k4, k5 = jax.random.split(key, 5)
    entries = jax.random.randint(k1, (N_ENTRIES, 5), 0, 1000000000, dtype=jnp.int64)
    subset_blocks = jax.random.randint(k2, (TOTAL_SUBSETS,), 0, NUM_BLOCKS, dtype=jnp.int64)
    subset_offsets = jax.random.randint(k3, (TOTAL_SUBSETS,), 0, BLOCK_SIZE, dtype=jnp.int64)
    subset_starts = jnp.sort(jax.random.randint(k4, (NUM_HINTS,), 0, TOTAL_SUBSETS - MAX_SIZE, dtype=jnp.int64))
    subset_sizes = jax.random.randint(k5, (NUM_HINTS,), 0, MAX_SIZE, dtype=jnp.int64)
    return {
        "entries": entries,
        "subset_blocks": subset_blocks,
        "subset_offsets": subset_offsets,
        "subset_starts": subset_starts,
        "subset_sizes": subset_sizes,
        "block_size": BLOCK_SIZE,
    }


def reference(entries, subset_blocks, subset_offsets, subset_starts, subset_sizes, block_size):
    # Vectorized, padded translation of the per-hint gather + XOR-reduce loop.
    # Each hint reads subset_blocks/offsets[start : start+size] (size < MAX_SIZE),
    # forms entry indices blocks*block_size + offsets (clamped), gathers entries,
    # and XORs the gathered rows together. size==0 -> zeros (XOR identity).
    total = subset_blocks.shape[0]
    n_entries = entries.shape[0]
    lane = jnp.arange(MAX_SIZE, dtype=jnp.int64)
    pos = subset_starts[:, None] + lane[None, :]            # [H, MAX_SIZE]
    pos_c = jnp.clip(pos, 0, total - 1)
    blocks = jnp.take(subset_blocks, pos_c, axis=0)
    offsets = jnp.take(subset_offsets, pos_c, axis=0)
    entry_indices = blocks.astype(jnp.int64) * block_size + offsets.astype(jnp.int64)
    entry_indices = jnp.clip(entry_indices, 0, n_entries - 1)
    selected = jnp.take(entries, entry_indices, axis=0)      # [H, MAX_SIZE, 5]
    mask = (lane[None, :] < subset_sizes[:, None])[:, :, None]
    selected = jnp.where(mask, selected, jnp.zeros_like(selected))
    parities = jax.lax.reduce(selected, np.int64(0), jax.lax.bitwise_xor, (1,))
    return parities

if __name__ == "__main__":
    import jax
    _d = setup_inputs()
    print(jax.jit(kernel)(*tuple(_d.values())))

</pallas_src>

<mosaic_0001>
#map = affine_map<(d0, d1) -> (0, 0)>
#map1 = affine_map<(d0, d1) -> (0)>
module attributes {stable_mosaic.version = 14 : i64} {
  func.func @_hint_kernel(%arg0: i32, %arg1: i32, %arg2: memref<262144x16xi32, #tpu.memory_space<hbm>>, %arg3: memref<8192x16xi32, #tpu.memory_space<hbm>>, %arg4: memref<8192x16xi32, #tpu.memory_space<hbm>>, %arg5: memref<8192xi32, #tpu.memory_space<hbm>>, %arg6: memref<8192xi32, #tpu.memory_space<hbm>>, %arg7: memref<16xi32, #tpu.memory_space<hbm>>, %arg8: memref<131072xi32, #tpu.memory_space<hbm>>, %arg9: memref<256xi32, #tpu.memory_space<vmem>>, %arg10: memref<256xi32, #tpu.memory_space<vmem>>, %arg11: memref<512xi32, #tpu.memory_space<vmem>>, %arg12: memref<512x16xi32, #tpu.memory_space<vmem>>, %arg13: memref<512x16xi32, #tpu.memory_space<vmem>>, %arg14: memref<3840xi32, #tpu.memory_space<vmem>>, %arg15: memref<3840x16xi32, #tpu.memory_space<vmem>>, %arg16: memref<4096xi32, #tpu.memory_space<vmem>>, %arg17: memref<16xi32, #tpu.memory_space<vmem>>, %arg18: memref<!tpu.dma_semaphore, #tpu.memory_space<semaphore_mem>>, %arg19: memref<!tpu.dma_semaphore, #tpu.memory_space<semaphore_mem>>) attributes {dimension_semantics = [#tpu.dimension_semantics<core_parallel>, #tpu.dimension_semantics<subcore_parallel>], iteration_bounds = array<i64: 2, 16>, scalar_prefetch = 0 : i64, scratch_operands = 11 : i64, tpu.core_type = #tpu.core_type<sc_vector_subcore>, window_params = [{transform_indices = #map}, {transform_indices = #map}, {transform_indices = #map}, {transform_indices = #map1}, {transform_indices = #map1}, {transform_indices = #map1}, {transform_indices = #map1}]} {
    %mul3A = arith.constant 2 : i32
    %mul3A_0 = arith.muli %arg1, %mul3A : i32
    %add3A = arith.addi %mul3A_0, %arg0 : i32
    %mul3A_1 = arith.constant 256 : i32
    %mul3A_2 = arith.muli %add3A, %mul3A_1 : i32
    %iota3A = tpu.iota {dimensions = array<i32: 0>} : vector<16xi32>
    "tpu.region"() ({
      %run_scoped3A = tpu.sem_alloc : memref<!tpu.dma_semaphore, #tpu.memory_space<semaphore_mem>>
      %dma_start3A_643 = tpu.memref_slice %arg5[%mul3A_2] : memref<8192xi32, #tpu.memory_space<hbm>> -> memref<256xi32, #tpu.memory_space<hbm>>
      %dma_start3A_644 = tpu.memref_slice %arg5[%mul3A_2] : memref<8192xi32, #tpu.memory_space<hbm>> -> memref<256xi32, #tpu.memory_space<hbm>>
      tpu.enqueue_dma source(%dma_start3A_644 : memref<256xi32, #tpu.memory_space<hbm>>) target(%arg9 : memref<256xi32, #tpu.memory_space<vmem>>) target_semaphore(%run_scoped3A : memref<!tpu.dma_semaphore, #tpu.memory_space<semaphore_mem>>)
      %dma_wait3A_645 = tpu.memref_slice %arg5[%mul3A_2] : memref<8192xi32, #tpu.memory_space<hbm>> -> memref<256xi32, #tpu.memory_space<hbm>>
      %dma_wait3A_646 = tpu.memref_slice %arg5[%mul3A_2] : memref<8192xi32, #tpu.memory_space<hbm>> -> memref<256xi32, #tpu.memory_space<hbm>>
      tpu.wait_dma2 semaphore(%run_scoped3A : memref<!tpu.dma_semaphore, #tpu.memory_space<semaphore_mem>>) src(%dma_wait3A_646 : memref<256xi32, #tpu.memory_space<hbm>>) dst(%arg9 : memref<256xi32, #tpu.memory_space<vmem>>)
      tpu.yield
    }) : () -> ()
    "tpu.region"() ({
      %run_scoped3A = tpu.sem_alloc : memref<!tpu.dma_semaphore, #tpu.memory_space<semaphore_mem>>
      %dma_start3A_643 = tpu.memref_slice %arg6[%mul3A_2] : memref<8192xi32, #tpu.memory_space<hbm>> -> memref<256xi32, #tpu.memory_space<hbm>>
      %dma_start3A_644 = tpu.memref_slice %arg6[%mul3A_2] : memref<8192xi32, #tpu.memory_space<hbm>> -> memref<256xi32, #tpu.memory_space<hbm>>
      tpu.enqueue_dma source(%dma_start3A_644 : memref<256xi32, #tpu.memory_space<hbm>>) target(%arg10 : memref<256xi32, #tpu.memory_space<vmem>>) target_semaphore(%run_scoped3A : memref<!tpu.dma_semaphore, #tpu.memory_space<semaphore_mem>>)
      %dma_wait3A_645 = tpu.memref_slice %arg6[%mul3A_2] : memref<8192xi32, #tpu.memory_space<hbm>> -> memref<256xi32, #tpu.memory_space<hbm>>
      %dma_wait3A_646 = tpu.memref_slice %arg6[%mul3A_2] : memref<8192xi32, #tpu.memory_space<hbm>> -> memref<256xi32, #tpu.memory_space<hbm>>
      tpu.wait_dma2 semaphore(%run_scoped3A : memref<!tpu.dma_semaphore, #tpu.memory_space<semaphore_mem>>) src(%dma_wait3A_646 : memref<256xi32, #tpu.memory_space<hbm>>) dst(%arg10 : memref<256xi32, #tpu.memory_space<vmem>>)
      tpu.yield
    }) : () -> ()
    "tpu.region"() ({
      %run_scoped3A = tpu.sem_alloc : memref<!tpu.dma_semaphore, #tpu.memory_space<semaphore_mem>>
      tpu.enqueue_dma source(%arg7 : memref<16xi32, #tpu.memory_space<hbm>>) target(%arg17 : memref<16xi32, #tpu.memory_space<vmem>>) target_semaphore(%run_scoped3A : memref<!tpu.dma_semaphore, #tpu.memory_space<semaphore_mem>>)
      tpu.wait_dma2 semaphore(%run_scoped3A : memref<!tpu.dma_semaphore, #tpu.memory_space<semaphore_mem>>) src(%arg7 : memref<16xi32, #tpu.memory_space<hbm>>) dst(%arg17 : memref<16xi32, #tpu.memory_space<vmem>>)
      tpu.yield
    }) : () -> ()
    %while3A = arith.constant 0 : i64
    %while3A_3 = arith.constant 0 : i32
    %while3A_4 = arith.constant 16 : i32
    %while3A_5 = arith.subi %while3A_4, %while3A_3 : i32
    %while3A_6 = arith.addi %while3A_3, %while3A_5 : i32
    %while3A_7 = arith.constant 1 : i32
    %while3A_8 = arith.divsi %while3A_5, %while3A_7 : i32
    %while3A_9 = arith.muli %while3A_8, %while3A_7 : i32
    %while3A_10 = arith.addi %while3A_3, %while3A_9 : i32
    %while3A_11 = arith.constant 1 : i32
    scf.for %while3A_643 = %while3A_3 to %while3A_10 step %while3A_11  : i32 {
      %mul3A_644 = arith.constant 16 : i32
      %mul3A_645 = arith.muli %mul3A_644, %while3A_643 : i32
      %get3A = arith.index_cast %mul3A_645 : i32 to index
      %get3A_646 = tpu.vector_load %arg9[%get3A] {strides = array<i32>} : memref<256xi32, #tpu.memory_space<vmem>>, vector<16xi32>,
      %shift_right_arithmetic3A = arith.constant 4 : i32
      %shift_right_arithmetic3A_647 = vector.broadcast %shift_right_arithmetic3A : i32 to vector<16xi32>
      %shift_right_arithmetic3A_648 = arith.shrsi %get3A_646, %shift_right_arithmetic3A_647 : vector<16xi32>
      %mul3A_649 = arith.constant 16 : i32
      %mul3A_650 = arith.muli %mul3A_649, %while3A_643 : i32
      %swap3A = arith.index_cast %mul3A_650 : i32 to index
      %swap3A_651 = tpu.vector_load %arg11[%swap3A] {strides = array<i32>} : memref<512xi32, #tpu.memory_space<vmem>>, vector<16xi32>,
      tpu.vector_store %arg11[%swap3A], %shift_right_arithmetic3A_648 {strides = array<i32>} : memref<512xi32, #tpu.memory_space<vmem>>, vector<16xi32>,
      %add3A_652 = arith.constant 1 : i32
      %add3A_653 = vector.broadcast %add3A_652 : i32 to vector<16xi32>
      %add3A_654 = arith.addi %shift_right_arithmetic3A_648, %add3A_653 : vector<16xi32>
      %mul3A_655 = arith.constant 16 : i32
      %mul3A_656 = arith.muli %mul3A_655, %while3A_643 : i32
      %add3A_657 = arith.constant 256 : i32
      %add3A_658 = arith.addi %add3A_657, %mul3A_656 : i32
      %swap3A_659 = arith.index_cast %add3A_658 : i32 to index
      %swap3A_660 = tpu.vector_load %arg11[%swap3A_659] {strides = array<i32>} : memref<512xi32, #tpu.memory_space<vmem>>, vector<16xi32>,
      tpu.vector_store %arg11[%swap3A_659], %add3A_654 {strides = array<i32>} : memref<512xi32, #tpu.memory_space<vmem>>, vector<16xi32>,
    }
    %while3A_12 = arith.constant 1 : i32
    scf.for %while3A_643 = %while3A_10 to %while3A_6 step %while3A_12  : i32 {
      %mul3A_644 = arith.constant 16 : i32
      %mul3A_645 = arith.muli %mul3A_644, %while3A_643 : i32
      %get3A = arith.index_cast %mul3A_645 : i32 to index
      %get3A_646 = tpu.vector_load %arg9[%get3A] {strides = array<i32>} : memref<256xi32, #tpu.memory_space<vmem>>, vector<16xi32>,
      %shift_right_arithmetic3A = arith.constant 4 : i32
      %shift_right_arithmetic3A_647 = vector.broadcast %shift_right_arithmetic3A : i32 to vector<16xi32>
      %shift_right_arithmetic3A_648 = arith.shrsi %get3A_646, %shift_right_arithmetic3A_647 : vector<16xi32>
      %mul3A_649 = arith.constant 16 : i32
      %mul3A_650 = arith.muli %mul3A_649, %while3A_643 : i32
      %swap3A = arith.index_cast %mul3A_650 : i32 to index
      %swap3A_651 = tpu.vector_load %arg11[%swap3A] {strides = array<i32>} : memref<512xi32, #tpu.memory_space<vmem>>, vector<16xi32>,
      tpu.vector_store %arg11[%swap3A], %shift_right_arithmetic3A_648 {strides = array<i32>} : memref<512xi32, #tpu.memory_space<vmem>>, vector<16xi32>,
      %add3A_652 = arith.constant 1 : i32
      %add3A_653 = vector.broadcast %add3A_652 : i32 to vector<16xi32>
      %add3A_654 = arith.addi %shift_right_arithmetic3A_648, %add3A_653 : vector<16xi32>
      %mul3A_655 = arith.constant 16 : i32
      %mul3A_656 = arith.muli %mul3A_655, %while3A_643 : i32
      %add3A_657 = arith.constant 256 : i32
      %add3A_658 = arith.addi %add3A_657, %mul3A_656 : i32
      %swap3A_659 = arith.index_cast %add3A_658 : i32 to index
      %swap3A_660 = tpu.vector_load %arg11[%swap3A_659] {strides = array<i32>} : memref<512xi32, #tpu.memory_space<vmem>>, vector<16xi32>,
      tpu.vector_store %arg11[%swap3A_659], %add3A_654 {strides = array<i32>} : memref<512xi32, #tpu.memory_space<vmem>>, vector<16xi32>,
    }
    %dma_start3A = arith.constant 0 : i32
    %dma_start3A_13 = arith.constant 0 : i32
    %dma_start3A_14 = tpu.memref_slice %arg12[%dma_start3A, %dma_start3A_13] : memref<512x16xi32, #tpu.memory_space<vmem>> -> memref<128x16xi32, #tpu.memory_space<vmem>>
    %dma_start3A_15 = arith.constant 0 : i32
    %dma_start3A_16 = tpu.memref_slice %arg11[%dma_start3A_15] : memref<512xi32, #tpu.memory_space<vmem>> -> memref<128xi32, #tpu.memory_space<vmem>>
    %dma_start3A_17 = arith.constant 0 : i32
    %dma_start3A_18 = arith.constant 0 : i32
    %dma_start3A_19 = tpu.memref_slice %arg3[%dma_start3A_17, %dma_start3A_18] : memref<8192x16xi32, #tpu.memory_space<hbm>> -> memref<8192x16xi32, #tpu.memory_space<hbm>>
    tpu.enqueue_indirect_dma source(%dma_start3A_19 : memref<8192x16xi32, #tpu.memory_space<hbm>>) target(%dma_start3A_14 : memref<128x16xi32, #tpu.memory_space<vmem>>) offsets(%dma_start3A_16 : memref<128xi32, #tpu.memory_space<vmem>>) semaphore(%arg18 : memref<!tpu.dma_semaphore, #tpu.memory_space<semaphore_mem>>)
    %dma_start3A_20 = arith.constant 0 : i32
    %dma_start3A_21 = arith.constant 0 : i32
    %dma_start3A_22 = tpu.memref_slice %arg13[%dma_start3A_20, %dma_start3A_21] : memref<512x16xi32, #tpu.memory_space<vmem>> -> memref<128x16xi32, #tpu.memory_space<vmem>>
    %dma_start3A_23 = arith.constant 0 : i32
    %dma_start3A_24 = tpu.memref_slice %arg11[%dma_start3A_23] : memref<512xi32, #tpu.memory_space<vmem>> -> memref<128xi32, #tpu.memory_space<vmem>>
    %dma_start3A_25 = arith.constant 0 : i32
    %dma_start3A_26 = arith.constant 0 : i32
    %dma_start3A_27 = tpu.memref_slice %arg4[%dma_start3A_25, %dma_start3A_26] : memref<8192x16xi32, #tpu.memory_space<hbm>> -> memref<8192x16xi32, #tpu.memory_space<hbm>>
    tpu.enqueue_indirect_dma source(%dma_start3A_27 : memref<8192x16xi32, #tpu.memory_space<hbm>>) target(%dma_start3A_22 : memref<128x16xi32, #tpu.memory_space<vmem>>) offsets(%dma_start3A_24 : memref<128xi32, #tpu.memory_space<vmem>>) semaphore(%arg18 : memref<!tpu.dma_semaphore, #tpu.memory_space<semaphore_mem>>)
    %dma_start3A_28 = arith.constant 128 : i32
    %dma_start3A_29 = arith.constant 0 : i32
    %dma_start3A_30 = tpu.memref_slice %arg12[%dma_start3A_28, %dma_start3A_29] : memref<512x16xi32, #tpu.memory_space<vmem>> -> memref<128x16xi32, #tpu.memory_space<vmem>>
    %dma_start3A_31 = arith.constant 128 : i32
    %dma_start3A_32 = tpu.memref_slice %arg11[%dma_start3A_31] : memref<512xi32, #tpu.memory_space<vmem>> -> memref<128xi32, #tpu.memory_space<vmem>>
    %dma_start3A_33 = arith.constant 0 : i32
    %dma_start3A_34 = arith.constant 0 : i32
    %dma_start3A_35 = tpu.memref_slice %arg3[%dma_start3A_33, %dma_start3A_34] : memref<8192x16xi32, #tpu.memory_space<hbm>> -> memref<8192x16xi32, #tpu.memory_space<hbm>>
    tpu.enqueue_indirect_dma source(%dma_start3A_35 : memref<8192x16xi32, #tpu.memory_space<hbm>>) target(%dma_start3A_30 : memref<128x16xi32, #tpu.memory_space<vmem>>) offsets(%dma_start3A_32 : memref<128xi32, #tpu.memory_space<vmem>>) semaphore(%arg18 : memref<!tpu.dma_semaphore, #tpu.memory_space<semaphore_mem>>)
    %dma_start3A_36 = arith.constant 128 : i32
    %dma_start3A_37 = arith.constant 0 : i32
    %dma_start3A_38 = tpu.memref_slice %arg13[%dma_start3A_36, %dma_start3A_37] : memref<512x16xi32, #tpu.memory_space<vmem>> -> memref<128x16xi32, #tpu.memory_space<vmem>>
    %dma_start3A_39 = arith.constant 128 : i32
    %dma_start3A_40 = tpu.memref_slice %arg11[%dma_start3A_39] : memref<512xi32, #tpu.memory_space<vmem>> -> memref<128xi32, #tpu.memory_space<vmem>>
    %dma_start3A_41 = arith.constant 0 : i32
    %dma_start3A_42 = arith.constant 0 : i32
    %dma_start3A_43 = tpu.memref_slice %arg4[%dma_start3A_41, %dma_start3A_42] : memref<8192x16xi32, #tpu.memory_space<hbm>> -> memref<8192x16xi32, #tpu.memory_space<hbm>>
    tpu.enqueue_indirect_dma source(%dma_start3A_43 : memref<8192x16xi32, #tpu.memory_space<hbm>>) target(%dma_start3A_38 : memref<128x16xi32, #tpu.memory_space<vmem>>) offsets(%dma_start3A_40 : memref<128xi32, #tpu.memory_space<vmem>>) semaphore(%arg18 : memref<!tpu.dma_semaphore, #tpu.memory_space<semaphore_mem>>)
    %dma_start3A_44 = arith.constant 256 : i32
    %dma_start3A_45 = arith.constant 0 : i32
    %dma_start3A_46 = tpu.memref_slice %arg12[%dma_start3A_44, %dma_start3A_45] : memref<512x16xi32, #tpu.memory_space<vmem>> -> memref<128x16xi32, #tpu.memory_space<vmem>>
    %dma_start3A_47 = arith.constant 256 : i32
    %dma_start3A_48 = tpu.memref_slice %arg11[%dma_start3A_47] : memref<512xi32, #tpu.memory_space<vmem>> -> memref<128xi32, #tpu.memory_space<vmem>>
    %dma_start3A_49 = arith.constant 0 : i32
    %dma_start3A_50 = arith.constant 0 : i32
    %dma_start3A_51 = tpu.memref_slice %arg3[%dma_start3A_49, %dma_start3A_50] : memref<8192x16xi32, #tpu.memory_space<hbm>> -> memref<8192x16xi32, #tpu.memory_space<hbm>>
    tpu.enqueue_indirect_dma source(%dma_start3A_51 : memref<8192x16xi32, #tpu.memory_space<hbm>>) target(%dma_start3A_46 : memref<128x16xi32, #tpu.memory_space<vmem>>) offsets(%dma_start3A_48 : memref<128xi32, #tpu.memory_space<vmem>>) semaphore(%arg18 : memref<!tpu.dma_semaphore, #tpu.memory_space<semaphore_mem>>)
    %dma_start3A_52 = arith.constant 256 : i32
    %dma_start3A_53 = arith.constant 0 : i32
    %dma_start3A_54 = tpu.memref_slice %arg13[%dma_start3A_52, %dma_start3A_53] : memref<512x16xi32, #tpu.memory_space<vmem>> -> memref<128x16xi32, #tpu.memory_space<vmem>>
    %dma_start3A_55 = arith.constant 256 : i32
    %dma_start3A_56 = tpu.memref_slice %arg11[%dma_start3A_55] : memref<512xi32, #tpu.memory_space<vmem>> -> memref<128xi32, #tpu.memory_space<vmem>>
    %dma_start3A_57 = arith.constant 0 : i32
    %dma_start3A_58 = arith.constant 0 : i32
    %dma_start3A_59 = tpu.memref_slice %arg4[%dma_start3A_57, %dma_start3A_58] : memref<8192x16xi32, #tpu.memory_space<hbm>> -> memref<8192x16xi32, #tpu.memory_space<hbm>>
    tpu.enqueue_indirect_dma source(%dma_start3A_59 : memref<8192x16xi32, #tpu.memory_space<hbm>>) target(%dma_start3A_54 : memref<128x16xi32, #tpu.memory_space<vmem>>) offsets(%dma_start3A_56 : memref<128xi32, #tpu.memory_space<vmem>>) semaphore(%arg18 : memref<!tpu.dma_semaphore, #tpu.memory_space<semaphore_mem>>)
    %dma_start3A_60 = arith.constant 384 : i32
    %dma_start3A_61 = arith.constant 0 : i32
    %dma_start3A_62 = tpu.memref_slice %arg12[%dma_start3A_60, %dma_start3A_61] : memref<512x16xi32, #tpu.memory_space<vmem>> -> memref<128x16xi32, #tpu.memory_space<vmem>>
    %dma_start3A_63 = arith.constant 384 : i32
    %dma_start3A_64 = tpu.memref_slice %arg11[%dma_start3A_63] : memref<512xi32, #tpu.memory_space<vmem>> -> memref<128xi32, #tpu.memory_space<vmem>>
    %dma_start3A_65 = arith.constant 0 : i32
    %dma_start3A_66 = arith.constant 0 : i32
    %dma_start3A_67 = tpu.memref_slice %arg3[%dma_start3A_65, %dma_start3A_66] : memref<8192x16xi32, #tpu.memory_space<hbm>> -> memref<8192x16xi32, #tpu.memory_space<hbm>>
    tpu.enqueue_indirect_dma source(%dma_start3A_67 : memref<8192x16xi32, #tpu.memory_space<hbm>>) target(%dma_start3A_62 : memref<128x16xi32, #tpu.memory_space<vmem>>) offsets(%dma_start3A_64 : memref<128xi32, #tpu.memory_space<vmem>>) semaphore(%arg18 : memref<!tpu.dma_semaphore, #tpu.memory_space<semaphore_mem>>)
    %dma_start3A_68 = arith.constant 384 : i32
    %dma_start3A_69 = arith.constant 0 : i32
    %dma_start3A_70 = tpu.memref_slice %arg13[%dma_start3A_68, %dma_start3A_69] : memref<512x16xi32, #tpu.memory_space<vmem>> -> memref<128x16xi32, #tpu.memory_space<vmem>>
    %dma_start3A_71 = arith.constant 384 : i32
    %dma_start3A_72 = tpu.memref_slice %arg11[%dma_start3A_71] : memref<512xi32, #tpu.memory_space<vmem>> -> memref<128xi32, #tpu.memory_space<vmem>>
    %dma_start3A_73 = arith.constant 0 : i32
    %dma_start3A_74 = arith.constant 0 : i32
    %dma_start3A_75 = tpu.memref_slice %arg4[%dma_start3A_73, %dma_start3A_74] : memref<8192x16xi32, #tpu.memory_space<hbm>> -> memref<8192x16xi32, #tpu.memory_space<hbm>>
    tpu.enqueue_indirect_dma source(%dma_start3A_75 : memref<8192x16xi32, #tpu.memory_space<hbm>>) target(%dma_start3A_70 : memref<128x16xi32, #tpu.memory_space<vmem>>) offsets(%dma_start3A_72 : memref<128xi32, #tpu.memory_space<vmem>>) semaphore(%arg18 : memref<!tpu.dma_semaphore, #tpu.memory_space<semaphore_mem>>)
    %dma_wait3A = arith.constant 0 : i32
    %dma_wait3A_76 = arith.constant 0 : i32
    %dma_wait3A_77 = tpu.memref_slice %arg12[%dma_wait3A, %dma_wait3A_76] : memref<512x16xi32, #tpu.memory_space<vmem>> -> memref<128x16xi32, #tpu.memory_space<vmem>>
    %dma_wait3A_78 = arith.constant 0 : i32
    %dma_wait3A_79 = tpu.memref_slice %arg11[%dma_wait3A_78] : memref<512xi32, #tpu.memory_space<vmem>> -> memref<128xi32, #tpu.memory_space<vmem>>
    %dma_wait3A_80 = arith.constant 0 : i32
    %dma_wait3A_81 = arith.constant 0 : i32
    %dma_wait3A_82 = tpu.memref_slice %arg3[%dma_wait3A_80, %dma_wait3A_81] : memref<8192x16xi32, #tpu.memory_space<hbm>> -> memref<8192x16xi32, #tpu.memory_space<hbm>>
    tpu.wait_indirect_dma semaphore(%arg18 : memref<!tpu.dma_semaphore, #tpu.memory_space<semaphore_mem>>) src(%dma_wait3A_82 : memref<8192x16xi32, #tpu.memory_space<hbm>>) dst(%dma_wait3A_77 : memref<128x16xi32, #tpu.memory_space<vmem>>)
    %dma_wait3A_83 = arith.constant 0 : i32
    %dma_wait3A_84 = arith.constant 0 : i32
    %dma_wait3A_85 = tpu.memref_slice %arg13[%dma_wait3A_83, %dma_wait3A_84] : memref<512x16xi32, #tpu.memory_space<vmem>> -> memref<128x16xi32, #tpu.memory_space<vmem>>
    %dma_wait3A_86 = arith.constant 0 : i32
    %dma_wait3A_87 = tpu.memref_slice %arg11[%dma_wait3A_86] : memref<512xi32, #tpu.memory_space<vmem>> -> memref<128xi32, #tpu.memory_space<vmem>>
    %dma_wait3A_88 = arith.constant 0 : i32
    %dma_wait3A_89 = arith.constant 0 : i32
    %dma_wait3A_90 = tpu.memref_slice %arg4[%dma_wait3A_88, %dma_wait3A_89] : memref<8192x16xi32, #tpu.memory_space<hbm>> -> memref<8192x16xi32, #tpu.memory_space<hbm>>
    tpu.wait_indirect_dma semaphore(%arg18 : memref<!tpu.dma_semaphore, #tpu.memory_space<semaphore_mem>>) src(%dma_wait3A_90 : memref<8192x16xi32, #tpu.memory_space<hbm>>) dst(%dma_wait3A_85 : memref<128x16xi32, #tpu.memory_space<vmem>>)
    %dma_wait3A_91 = arith.constant 128 : i32
    %dma_wait3A_92 = arith.constant 0 : i32
    %dma_wait3A_93 = tpu.memref_slice %arg12[%dma_wait3A_91, %dma_wait3A_92] : memref<512x16xi32, #tpu.memory_space<vmem>> -> memref<128x16xi32, #tpu.memory_space<vmem>>
    %dma_wait3A_94 = arith.constant 128 : i32
    %dma_wait3A_95 = tpu.memref_slice %arg11[%dma_wait3A_94] : memref<512xi32, #tpu.memory_space<vmem>> -> memref<128xi32, #tpu.memory_space<vmem>>
    %dma_wait3A_96 = arith.constant 0 : i32
    %dma_wait3A_97 = arith.constant 0 : i32
    %dma_wait3A_98 = tpu.memref_slice %arg3[%dma_wait3A_96, %dma_wait3A_97] : memref<8192x16xi32, #tpu.memory_space<hbm>> -> memref<8192x16xi32, #tpu.memory_space<hbm>>
    tpu.wait_indirect_dma semaphore(%arg18 : memref<!tpu.dma_semaphore, #tpu.memory_space<semaphore_mem>>) src(%dma_wait3A_98 : memref<8192x16xi32, #tpu.memory_space<hbm>>) dst(%dma_wait3A_93 : memref<128x16xi32, #tpu.memory_space<vmem>>)
    %dma_wait3A_99 = arith.constant 128 : i32
    %dma_wait3A_100 = arith.constant 0 : i32
    %dma_wait3A_101 = tpu.memref_slice %arg13[%dma_wait3A_99, %dma_wait3A_100] : memref<512x16xi32, #tpu.memory_space<vmem>> -> memref<128x16xi32, #tpu.memory_space<vmem>>
    %dma_wait3A_102 = arith.constant 128 : i32
    %dma_wait3A_103 = tpu.memref_slice %arg11[%dma_wait3A_102] : memref<512xi32, #tpu.memory_space<vmem>> -> memref<128xi32, #tpu.memory_space<vmem>>
    %dma_wait3A_104 = arith.constant 0 : i32
    %dma_wait3A_105 = arith.constant 0 : i32
    %dma_wait3A_106 = tpu.memref_slice %arg4[%dma_wait3A_104, %dma_wait3A_105] : memref<8192x16xi32, #tpu.memory_space<hbm>> -> memref<8192x16xi32, #tpu.memory_space<hbm>>
    tpu.wait_indirect_dma semaphore(%arg18 : memref<!tpu.dma_semaphore, #tpu.memory_space<semaphore_mem>>) src(%dma_wait3A_106 : memref<8192x16xi32, #tpu.memory_space<hbm>>) dst(%dma_wait3A_101 : memref<128x16xi32, #tpu.memory_space<vmem>>)
    %dma_wait3A_107 = arith.constant 256 : i32
    %dma_wait3A_108 = arith.constant 0 : i32
    %dma_wait3A_109 = tpu.memref_slice %arg12[%dma_wait3A_107, %dma_wait3A_108] : memref<512x16xi32, #tpu.memory_space<vmem>> -> memref<128x16xi32, #tpu.memory_space<vmem>>
    %dma_wait3A_110 = arith.constant 256 : i32
    %dma_wait3A_111 = tpu.memref_slice %arg11[%dma_wait3A_110] : memref<512xi32, #tpu.memory_space<vmem>> -> memref<128xi32, #tpu.memory_space<vmem>>
    %dma_wait3A_112 = arith.constant 0 : i32
    %dma_wait3A_113 = arith.constant 0 : i32
    %dma_wait3A_114 = tpu.memref_slice %arg3[%dma_wait3A_112, %dma_wait3A_113] : memref<8192x16xi32, #tpu.memory_space<hbm>> -> memref<8192x16xi32, #tpu.memory_space<hbm>>
    tpu.wait_indirect_dma semaphore(%arg18 : memref<!tpu.dma_semaphore, #tpu.memory_space<semaphore_mem>>) src(%dma_wait3A_114 : memref<8192x16xi32, #tpu.memory_space<hbm>>) dst(%dma_wait3A_109 : memref<128x16xi32, #tpu.memory_space<vmem>>)
    %dma_wait3A_115 = arith.constant 256 : i32
    %dma_wait3A_116 = arith.constant 0 : i32
    %dma_wait3A_117 = tpu.memref_slice %arg13[%dma_wait3A_115, %dma_wait3A_116] : memref<512x16xi32, #tpu.memory_space<vmem>> -> memref<128x16xi32, #tpu.memory_space<vmem>>
    %dma_wait3A_118 = arith.constant 256 : i32
    %dma_wait3A_119 = tpu.memref_slice %arg11[%dma_wait3A_118] : memref<512xi32, #tpu.memory_space<vmem>> -> memref<128xi32, #tpu.memory_space<vmem>>
    %dma_wait3A_120 = arith.constant 0 : i32
    %dma_wait3A_121 = arith.constant 0 : i32
    %dma_wait3A_122 = tpu.memref_slice %arg4[%dma_wait3A_120, %dma_wait3A_121] : memref<8192x16xi32, #tpu.memory_space<hbm>> -> memref<8192x16xi32, #tpu.memory_space<hbm>>
    tpu.wait_indirect_dma semaphore(%arg18 : memref<!tpu.dma_semaphore, #tpu.memory_space<semaphore_mem>>) src(%dma_wait3A_122 : memref<8192x16xi32, #tpu.memory_space<hbm>>) dst(%dma_wait3A_117 : memref<128x16xi32, #tpu.memory_space<vmem>>)
    %dma_wait3A_123 = arith.constant 384 : i32
    %dma_wait3A_124 = arith.constant 0 : i32
    %dma_wait3A_125 = tpu.memref_slice %arg12[%dma_wait3A_123, %dma_wait3A_124] : memref<512x16xi32, #tpu.memory_space<vmem>> -> memref<128x16xi32, #tpu.memory_space<vmem>>
    %dma_wait3A_126 = arith.constant 384 : i32
    %dma_wait3A_127 = tpu.memref_slice %arg11[%dma_wait3A_126] : memref<512xi32, #tpu.memory_space<vmem>> -> memref<128xi32, #tpu.memory_space<vmem>>
    %dma_wait3A_128 = arith.constant 0 : i32
    %dma_wait3A_129 = arith.constant 0 : i32
    %dma_wait3A_130 = tpu.memref_slice %arg3[%dma_wait3A_128, %dma_wait3A_129] : memref<8192x16xi32, #tpu.memory_space<hbm>> -> memref<8192x16xi32, #tpu.memory_space<hbm>>
    tpu.wait_indirect_dma semaphore(%arg18 : memref<!tpu.dma_semaphore, #tpu.memory_space<semaphore_mem>>) src(%dma_wait3A_130 : memref<8192x16xi32, #tpu.memory_space<hbm>>) dst(%dma_wait3A_125 : memref<128x16xi32, #tpu.memory_space<vmem>>)
    %dma_wait3A_131 = arith.constant 384 : i32
    %dma_wait3A_132 = arith.constant 0 : i32
    %dma_wait3A_133 = tpu.memref_slice %arg13[%dma_wait3A_131, %dma_wait3A_132] : memref<512x16xi32, #tpu.memory_space<vmem>> -> memref<128x16xi32, #tpu.memory_space<vmem>>
    %dma_wait3A_134 = arith.constant 384 : i32
    %dma_wait3A_135 = tpu.memref_slice %arg11[%dma_wait3A_134] : memref<512xi32, #tpu.memory_space<vmem>> -> memref<128xi32, #tpu.memory_space<vmem>>
    %dma_wait3A_136 = arith.constant 0 : i32
    %dma_wait3A_137 = arith.constant 0 : i32
    %dma_wait3A_138 = tpu.memref_slice %arg4[%dma_wait3A_136, %dma_wait3A_137] : memref<8192x16xi32, #tpu.memory_space<hbm>> -> memref<8192x16xi32, #tpu.memory_space<hbm>>
    tpu.wait_indirect_dma semaphore(%arg18 : memref<!tpu.dma_semaphore, #tpu.memory_space<semaphore_mem>>) src(%dma_wait3A_138 : memref<8192x16xi32, #tpu.memory_space<hbm>>) dst(%dma_wait3A_133 : memref<128x16xi32, #tpu.memory_space<vmem>>)
    %while3A_139 = arith.constant 0 : i64
    %while3A_140 = arith.constant 0 : i32
    %while3A_141 = arith.constant 16 : i32
    %while3A_142 = arith.subi %while3A_141, %while3A_140 : i32
    %while3A_143 = arith.addi %while3A_140, %while3A_142 : i32
    %while3A_144 = arith.constant 1 : i32
    %while3A_145 = arith.divsi %while3A_142, %while3A_144 : i32
    %while3A_146 = arith.muli %while3A_145, %while3A_144 : i32
    %while3A_147 = arith.addi %while3A_140, %while3A_146 : i32
    %while3A_148 = arith.constant 1 : i32
    scf.for %while3A_643 = %while3A_140 to %while3A_147 step %while3A_148  : i32 {
      %mul3A_644 = arith.constant 16 : i32
      %mul3A_645 = arith.muli %mul3A_644, %while3A_643 : i32
      %get3A = arith.index_cast %mul3A_645 : i32 to index
      %get3A_646 = tpu.vector_load %arg9[%get3A] {strides = array<i32>} : memref<256xi32, #tpu.memory_space<vmem>>, vector<16xi32>,
      %and3A = arith.constant 15 : i32
      %and3A_647 = vector.broadcast %and3A : i32 to vector<16xi32>
      %and3A_648 = arith.andi %get3A_646, %and3A_647 : vector<16xi32>
      %mul3A_649 = arith.constant 16 : i32
      %mul3A_650 = arith.muli %mul3A_649, %while3A_643 : i32
      %add3A_651 = vector.broadcast %mul3A_650 : i32 to vector<16xi32>
      %add3A_652 = arith.addi %iota3A, %add3A_651 : vector<16xi32>
      %get3A_653 = arith.constant 0 : index
      %get3A_654 = tpu.vector_load %arg17[%get3A_653] {strides = array<i32>} : memref<16xi32, #tpu.memory_space<vmem>>, vector<16xi32>,
      %add3A_655 = arith.constant 0 : i32
      %add3A_656 = vector.broadcast %add3A_655 : i32 to vector<16xi32>
      %add3A_657 = arith.addi %and3A_648, %add3A_656 : vector<16xi32>
      %shift_right_arithmetic3A = arith.constant 4 : i32
      %shift_right_arithmetic3A_658 = vector.broadcast %shift_right_arithmetic3A : i32 to vector<16xi32>
      %shift_right_arithmetic3A_659 = arith.shrsi %add3A_657, %shift_right_arithmetic3A_658 : vector<16xi32>
      %shift_left3A = arith.constant 8 : i32
      %shift_left3A_660 = vector.broadcast %shift_left3A : i32 to vector<16xi32>
      %shift_left3A_661 = arith.shli %shift_right_arithmetic3A_659, %shift_left3A_660 : vector<16xi32>
      %add3A_662 = arith.addi %add3A_652, %shift_left3A_661 : vector<16xi32>
      %and3A_663 = arith.constant 15 : i32
      %and3A_664 = vector.broadcast %and3A_663 : i32 to vector<16xi32>
      %and3A_665 = arith.andi %add3A_657, %and3A_664 : vector<16xi32>
      %gather3A = tpu.vector_load_idx %arg12[%add3A_662, %and3A_665] : memref<512x16xi32, #tpu.memory_space<vmem>>[vector<16xi32>, vector<16xi32>], vector<16xi32>,
      %gather3A_666 = tpu.vector_load_idx %arg13[%add3A_662, %and3A_665] : memref<512x16xi32, #tpu.memory_space<vmem>>[vector<16xi32>, vector<16xi32>], vector<16xi32>,
      %mul3A_667 = arith.muli %gather3A, %get3A_654 : vector<16xi32>
      %add3A_668 = arith.addi %mul3A_667, %gather3A_666 : vector<16xi32>
      %mul3A_669 = arith.constant 240 : i32
      %mul3A_670 = arith.muli %mul3A_669, %while3A_643 : i32
      %add3A_671 = arith.constant 0 : i32
      %add3A_672 = arith.addi %mul3A_670, %add3A_671 : i32
      %swap3A = arith.index_cast %add3A_672 : i32 to index
      %swap3A_673 = tpu.vector_load %arg14[%swap3A] {strides = array<i32>} : memref<3840xi32, #tpu.memory_space<vmem>>, vector<16xi32>,
      tpu.vector_store %arg14[%swap3A], %add3A_668 {strides = array<i32>} : memref<3840xi32, #tpu.memory_space<vmem>>, vector<16xi32>,
      %add3A_674 = arith.constant 1 : i32
      %add3A_675 = vector.broadcast %add3A_674 : i32 to vector<16xi32>
      %add3A_676 = arith.addi %and3A_648, %add3A_675 : vector<16xi32>
      %shift_right_arithmetic3A_677 = arith.constant 4 : i32
      %shift_right_arithmetic3A_678 = vector.broadcast %shift_right_arithmetic3A_677 : i32 to vector<16xi32>
      %shift_right_arithmetic3A_679 = arith.shrsi %add3A_676, %shift_right_arithmetic3A_678 : vector<16xi32>
      %shift_left3A_680 = arith.constant 8 : i32
      %shift_left3A_681 = vector.broadcast %shift_left3A_680 : i32 to vector<16xi32>
      %shift_left3A_682 = arith.shli %shift_right_arithmetic3A_679, %shift_left3A_681 : vector<16xi32>
      %add3A_683 = arith.addi %add3A_652, %shift_left3A_682 : vector<16xi32>
      %and3A_684 = arith.constant 15 : i32
      %and3A_685 = vector.broadcast %and3A_684 : i32 to vector<16xi32>
      %and3A_686 = arith.andi %add3A_676, %and3A_685 : vector<16xi32>
      %gather3A_687 = tpu.vector_load_idx %arg12[%add3A_683, %and3A_686] : memref<512x16xi32, #tpu.memory_space<vmem>>[vector<16xi32>, vector<16xi32>], vector<16xi32>,
      %gather3A_688 = tpu.vector_load_idx %arg13[%add3A_683, %and3A_686] : memref<512x16xi32, #tpu.memory_space<vmem>>[vector<16xi32>, vector<16xi32>], vector<16xi32>,
      %mul3A_689 = arith.muli %gather3A_687, %get3A_654 : vector<16xi32>
      %add3A_690 = arith.addi %mul3A_689, %gather3A_688 : vector<16xi32>
      %mul3A_691 = arith.constant 240 : i32
      %mul3A_692 = arith.muli %mul3A_691, %while3A_643 : i32
      %add3A_693 = arith.constant 16 : i32
      %add3A_694 = arith.addi %mul3A_692, %add3A_693 : i32
      %swap3A_695 = arith.index_cast %add3A_694 : i32 to index
      %swap3A_696 = tpu.vector_load %arg14[%swap3A_695] {strides = array<i32>} : memref<3840xi32, #tpu.memory_space<vmem>>, vector<16xi32>,
      tpu.vector_store %arg14[%swap3A_695], %add3A_690 {strides = array<i32>} : memref<3840xi32, #tpu.memory_space<vmem>>, vector<16xi32>,
      %add3A_697 = arith.constant 2 : i32
      %add3A_698 = vector.broadcast %add3A_697 : i32 to vector<16xi32>
      %add3A_699 = arith.addi %and3A_648, %add3A_698 : vector<16xi32>
      %shift_right_arithmetic3A_700 = arith.constant 4 : i32
      %shift_right_arithmetic3A_701 = vector.broadcast %shift_right_arithmetic3A_700 : i32 to vector<16xi32>
      %shift_right_arithmetic3A_702 = arith.shrsi %add3A_699, %shift_right_arithmetic3A_701 : vector<16xi32>
      %shift_left3A_703 = arith.constant 8 : i32
      %shift_left3A_704 = vector.broadcast %shift_left3A_703 : i32 to vector<16xi32>
      %shift_left3A_705 = arith.shli %shift_right_arithmetic3A_702, %shift_left3A_704 : vector<16xi32>
      %add3A_706 = arith.addi %add3A_652, %shift_left3A_705 : vector<16xi32>
      %and3A_707 = arith.constant 15 : i32
      %and3A_708 = vector.broadcast %and3A_707 : i32 to vector<16xi32>
      %and3A_709 = arith.andi %add3A_699, %and3A_708 : vector<16xi32>
      %gather3A_710 = tpu.vector_load_idx %arg12[%add3A_706, %and3A_709] : memref<512x16xi32, #tpu.memory_space<vmem>>[vector<16xi32>, vector<16xi32>], vector<16xi32>,
      %gather3A_711 = tpu.vector_load_idx %arg13[%add3A_706, %and3A_709] : memref<512x16xi32, #tpu.memory_space<vmem>>[vector<16xi32>, vector<16xi32>], vector<16xi32>,
      %mul3A_712 = arith.muli %gather3A_710, %get3A_654 : vector<16xi32>
      %add3A_713 = arith.addi %mul3A_712, %gather3A_711 : vector<16xi32>
      %mul3A_714 = arith.constant 240 : i32
      %mul3A_715 = arith.muli %mul3A_714, %while3A_643 : i32
      %add3A_716 = arith.constant 32 : i32
      %add3A_717 = arith.addi %mul3A_715, %add3A_716 : i32
      %swap3A_718 = arith.index_cast %add3A_717 : i32 to index
      %swap3A_719 = tpu.vector_load %arg14[%swap3A_718] {strides = array<i32>} : memref<3840xi32, #tpu.memory_space<vmem>>, vector<16xi32>,
      tpu.vector_store %arg14[%swap3A_718], %add3A_713 {strides = array<i32>} : memref<3840xi32, #tpu.memory_space<vmem>>, vector<16xi32>,
      %add3A_720 = arith.constant 3 : i32
      %add3A_721 = vector.broadcast %add3A_720 : i32 to vector<16xi32>
      %add3A_722 = arith.addi %and3A_648, %add3A_721 : vector<16xi32>
      %shift_right_arithmetic3A_723 = arith.constant 4 : i32
      %shift_right_arithmetic3A_724 = vector.broadcast %shift_right_arithmetic3A_723 : i32 to vector<16xi32>
      %shift_right_arithmetic3A_725 = arith.shrsi %add3A_722, %shift_right_arithmetic3A_724 : vector<16xi32>
      %shift_left3A_726 = arith.constant 8 : i32
      %shift_left3A_727 = vector.broadcast %shift_left3A_726 : i32 to vector<16xi32>
      %shift_left3A_728 = arith.shli %shift_right_arithmetic3A_725, %shift_left3A_727 : vector<16xi32>
      %add3A_729 = arith.addi %add3A_652, %shift_left3A_728 : vector<16xi32>
      %and3A_730 = arith.constant 15 : i32
      %and3A_731 = vector.broadcast %and3A_730 : i32 to vector<16xi32>
      %and3A_732 = arith.andi %add3A_722, %and3A_731 : vector<16xi32>
      %gather3A_733 = tpu.vector_load_idx %arg12[%add3A_729, %and3A_732] : memref<512x16xi32, #tpu.memory_space<vmem>>[vector<16xi32>, vector<16xi32>], vector<16xi32>,
      %gather3A_734 = tpu.vector_load_idx %arg13[%add3A_729, %and3A_732] : memref<512x16xi32, #tpu.memory_space<vmem>>[vector<16xi32>, vector<16xi32>], vector<16xi32>,
      %mul3A_735 = arith.muli %gather3A_733, %get3A_654 : vector<16xi32>
      %add3A_736 = arith.addi %mul3A_735, %gather3A_734 : vector<16xi32>
      %mul3A_737 = arith.constant 240 : i32
      %mul3A_738 = arith.muli %mul3A_737, %while3A_643 : i32
      %add3A_739 = arith.constant 48 : i32
      %add3A_740 = arith.addi %mul3A_738, %add3A_739 : i32
      %swap3A_741 = arith.index_cast %add3A_740 : i32 to index
      %swap3A_742 = tpu.vector_load %arg14[%swap3A_741] {strides = array<i32>} : memref<3840xi32, #tpu.memory_space<vmem>>, vector<16xi32>,
      tpu.vector_store %arg14[%swap3A_741], %add3A_736 {strides = array<i32>} : memref<3840xi32, #tpu.memory_space<vmem>>, vector<16xi32>,
      %add3A_743 = arith.constant 4 : i32
      %add3A_744 = vector.broadcast %add3A_743 : i32 to vector<16xi32>
      %add3A_745 = arith.addi %and3A_648, %add3A_744 : vector<16xi32>
      %shift_right_arithmetic3A_746 = arith.constant 4 : i32
      %shift_right_arithmetic3A_747 = vector.broadcast %shift_right_arithmetic3A_746 : i32 to vector<16xi32>
      %shift_right_arithmetic3A_748 = arith.shrsi %add3A_745, %shift_right_arithmetic3A_747 : vector<16xi32>
      %shift_left3A_749 = arith.constant 8 : i32
      %shift_left3A_750 = vector.broadcast %shift_left3A_749 : i32 to vector<16xi32>
      %shift_left3A_751 = arith.shli %shift_right_arithmetic3A_748, %shift_left3A_750 : vector<16xi32>
      %add3A_752 = arith.addi %add3A_652, %shift_left3A_751 : vector<16xi32>
      %and3A_753 = arith.constant 15 : i32
      %and3A_754 = vector.broadcast %and3A_753 : i32 to vector<16xi32>
      %and3A_755 = arith.andi %add3A_745, %and3A_754 : vector<16xi32>
      %gather3A_756 = tpu.vector_load_idx %arg12[%add3A_752, %and3A_755] : memref<512x16xi32, #tpu.memory_space<vmem>>[vector<16xi32>, vector<16xi32>], vector<16xi32>,
      %gather3A_757 = tpu.vector_load_idx %arg13[%add3A_752, %and3A_755] : memref<512x16xi32, #tpu.memory_space<vmem>>[vector<16xi32>, vector<16xi32>], vector<16xi32>,
      %mul3A_758 = arith.muli %gather3A_756, %get3A_654 : vector<16xi32>
      %add3A_759 = arith.addi %mul3A_758, %gather3A_757 : vector<16xi32>
      %mul3A_760 = arith.constant 240 : i32
      %mul3A_761 = arith.muli %mul3A_760, %while3A_643 : i32
      %add3A_762 = arith.constant 64 : i32
      %add3A_763 = arith.addi %mul3A_761, %add3A_762 : i32
      %swap3A_764 = arith.index_cast %add3A_763 : i32 to index
      %swap3A_765 = tpu.vector_load %arg14[%swap3A_764] {strides = array<i32>} : memref<3840xi32, #tpu.memory_space<vmem>>, vector<16xi32>,
      tpu.vector_store %arg14[%swap3A_764], %add3A_759 {strides = array<i32>} : memref<3840xi32, #tpu.memory_space<vmem>>, vector<16xi32>,
      %add3A_766 = arith.constant 5 : i32
      %add3A_767 = vector.broadcast %add3A_766 : i32 to vector<16xi32>
      %add3A_768 = arith.addi %and3A_648, %add3A_767 : vector<16xi32>
      %shift_right_arithmetic3A_769 = arith.constant 4 : i32
      %shift_right_arithmetic3A_770 = vector.broadcast %shift_right_arithmetic3A_769 : i32 to vector<16xi32>
      %shift_right_arithmetic3A_771 = arith.shrsi %add3A_768, %shift_right_arithmetic3A_770 : vector<16xi32>
      %shift_left3A_772 = arith.constant 8 : i32
      %shift_left3A_773 = vector.broadcast %shift_left3A_772 : i32 to vector<16xi32>
      %shift_left3A_774 = arith.shli %shift_right_arithmetic3A_771, %shift_left3A_773 : vector<16xi32>
      %add3A_775 = arith.addi %add3A_652, %shift_left3A_774 : vector<16xi32>
      %and3A_776 = arith.constant 15 : i32
      %and3A_777 = vector.broadcast %and3A_776 : i32 to vector<16xi32>
      %and3A_778 = arith.andi %add3A_768, %and3A_777 : vector<16xi32>
      %gather3A_779 = tpu.vector_load_idx %arg12[%add3A_775, %and3A_778] : memref<512x16xi32, #tpu.memory_space<vmem>>[vector<16xi32>, vector<16xi32>], vector<16xi32>,
      %gather3A_780 = tpu.vector_load_idx %arg13[%add3A_775, %and3A_778] : memref<512x16xi32, #tpu.memory_space<vmem>>[vector<16xi32>, vector<16xi32>], vector<16xi32>,
      %mul3A_781 = arith.muli %gather3A_779, %get3A_654 : vector<16xi32>
      %add3A_782 = arith.addi %mul3A_781, %gather3A_780 : vector<16xi32>
      %mul3A_783 = arith.constant 240 : i32
      %mul3A_784 = arith.muli %mul3A_783, %while3A_643 : i32
      %add3A_785 = arith.constant 80 : i32
      %add3A_786 = arith.addi %mul3A_784, %add3A_785 : i32
      %swap3A_787 = arith.index_cast %add3A_786 : i32 to index
      %swap3A_788 = tpu.vector_load %arg14[%swap3A_787] {strides = array<i32>} : memref<3840xi32, #tpu.memory_space<vmem>>, vector<16xi32>,
      tpu.vector_store %arg14[%swap3A_787], %add3A_782 {strides = array<i32>} : memref<3840xi32, #tpu.memory_space<vmem>>, vector<16xi32>,
      %add3A_789 = arith.constant 6 : i32
      %add3A_790 = vector.broadcast %add3A_789 : i32 to vector<16xi32>
      %add3A_791 = arith.addi %and3A_648, %add3A_790 : vector<16xi32>
      %shift_right_arithmetic3A_792 = arith.constant 4 : i32
      %shift_right_arithmetic3A_793 = vector.broadcast %shift_right_arithmetic3A_792 : i32 to vector<16xi32>
      %shift_right_arithmetic3A_794 = arith.shrsi %add3A_791, %shift_right_arithmetic3A_793 : vector<16xi32>
      %shift_left3A_795 = arith.constant 8 : i32
      %shift_left3A_796 = vector.broadcast %shift_left3A_795 : i32 to vector<16xi32>
      %shift_left3A_797 = arith.shli %shift_right_arithmetic3A_794, %shift_left3A_796 : vector<16xi32>
      %add3A_798 = arith.addi %add3A_652, %shift_left3A_797 : vector<16xi32>
      %and3A_799 = arith.constant 15 : i32
      %and3A_800 = vector.broadcast %and3A_799 : i32 to vector<16xi32>
      %and3A_801 = arith.andi %add3A_791, %and3A_800 : vector<16xi32>
      %gather3A_802 = tpu.vector_load_idx %arg12[%add3A_798, %and3A_801] : memref<512x16xi32, #tpu.memory_space<vmem>>[vector<16xi32>, vector<16xi32>], vector<16xi32>,
      %gather3A_803 = tpu.vector_load_idx %arg13[%add3A_798, %and3A_801] : memref<512x16xi32, #tpu.memory_space<vmem>>[vector<16xi32>, vector<16xi32>], vector<16xi32>,
      %mul3A_804 = arith.muli %gather3A_802, %get3A_654 : vector<16xi32>
      %add3A_805 = arith.addi %mul3A_804, %gather3A_803 : vector<16xi32>
      %mul3A_806 = arith.constant 240 : i32
      %mul3A_807 = arith.muli %mul3A_806, %while3A_643 : i32
      %add3A_808 = arith.constant 96 : i32
      %add3A_809 = arith.addi %mul3A_807, %add3A_808 : i32
      %swap3A_810 = arith.index_cast %add3A_809 : i32 to index
      %swap3A_811 = tpu.vector_load %arg14[%swap3A_810] {strides = array<i32>} : memref<3840xi32, #tpu.memory_space<vmem>>, vector<16xi32>,
      tpu.vector_store %arg14[%swap3A_810], %add3A_805 {strides = array<i32>} : memref<3840xi32, #tpu.memory_space<vmem>>, vector<16xi32>,
      %add3A_812 = arith.constant 7 : i32
      %add3A_813 = vector.broadcast %add3A_812 : i32 to vector<16xi32>
      %add3A_814 = arith.addi %and3A_648, %add3A_813 : vector<16xi32>
      %shift_right_arithmetic3A_815 = arith.constant 4 : i32
      %shift_right_arithmetic3A_816 = vector.broadcast %shift_right_arithmetic3A_815 : i32 to vector<16xi32>
      %shift_right_arithmetic3A_817 = arith.shrsi %add3A_814, %shift_right_arithmetic3A_816 : vector<16xi32>
      %shift_left3A_818 = arith.constant 8 : i32
      %shift_left3A_819 = vector.broadcast %shift_left3A_818 : i32 to vector<16xi32>
      %shift_left3A_820 = arith.shli %shift_right_arithmetic3A_817, %shift_left3A_819 : vector<16xi32>
      %add3A_821 = arith.addi %add3A_652, %shift_left3A_820 : vector<16xi32>
      %and3A_822 = arith.constant 15 : i32
      %and3A_823 = vector.broadcast %and3A_822 : i32 to vector<16xi32>
      %and3A_824 = arith.andi %add3A_814, %and3A_823 : vector<16xi32>
      %gather3A_825 = tpu.vector_load_idx %arg12[%add3A_821, %and3A_824] : memref<512x16xi32, #tpu.memory_space<vmem>>[vector<16xi32>, vector<16xi32>], vector<16xi32>,
      %gather3A_826 = tpu.vector_load_idx %arg13[%add3A_821, %and3A_824] : memref<512x16xi32, #tpu.memory_space<vmem>>[vector<16xi32>, vector<16xi32>], vector<16xi32>,
      %mul3A_827 = arith.muli %gather3A_825, %get3A_654 : vector<16xi32>
      %add3A_828 = arith.addi %mul3A_827, %gather3A_826 : vector<16xi32>
      %mul3A_829 = arith.constant 240 : i32
      %mul3A_830 = arith.muli %mul3A_829, %while3A_643 : i32
      %add3A_831 = arith.constant 112 : i32
      %add3A_832 = arith.addi %mul3A_830, %add3A_831 : i32
      %swap3A_833 = arith.index_cast %add3A_832 : i32 to index
      %swap3A_834 = tpu.vector_load %arg14[%swap3A_833] {strides = array<i32>} : memref<3840xi32, #tpu.memory_space<vmem>>, vector<16xi32>,
      tpu.vector_store %arg14[%swap3A_833], %add3A_828 {strides = array<i32>} : memref<3840xi32, #tpu.memory_space<vmem>>, vector<16xi32>,
      %add3A_835 = arith.constant 8 : i32
      %add3A_836 = vector.broadcast %add3A_835 : i32 to vector<16xi32>
      %add3A_837 = arith.addi %and3A_648, %add3A_836 : vector<16xi32>
      %shift_right_arithmetic3A_838 = arith.constant 4 : i32
      %shift_right_arithmetic3A_839 = vector.broadcast %shift_right_arithmetic3A_838 : i32 to vector<16xi32>
      %shift_right_arithmetic3A_840 = arith.shrsi %add3A_837, %shift_right_arithmetic3A_839 : vector<16xi32>
      %shift_left3A_841 = arith.constant 8 : i32
      %shift_left3A_842 = vector.broadcast %shift_left3A_841 : i32 to vector<16xi32>
      %shift_left3A_843 = arith.shli %shift_right_arithmetic3A_840, %shift_left3A_842 : vector<16xi32>
      %add3A_844 = arith.addi %add3A_652, %shift_left3A_843 : vector<16xi32>
      %and3A_845 = arith.constant 15 : i32
      %and3A_846 = vector.broadcast %and3A_845 : i32 to vector<16xi32>
      %and3A_847 = arith.andi %add3A_837, %and3A_846 : vector<16xi32>
      %gather3A_848 = tpu.vector_load_idx %arg12[%add3A_844, %and3A_847] : memref<512x16xi32, #tpu.memory_space<vmem>>[vector<16xi32>, vector<16xi32>], vector<16xi32>,
      %gather3A_849 = tpu.vector_load_idx %arg13[%add3A_844, %and3A_847] : memref<512x16xi32, #tpu.memory_space<vmem>>[vector<16xi32>, vector<16xi32>], vector<16xi32>,
      %mul3A_850 = arith.muli %gather3A_848, %get3A_654 : vector<16xi32>
      %add3A_851 = arith.addi %mul3A_850, %gather3A_849 : vector<16xi32>
      %mul3A_852 = arith.constant 240 : i32
      %mul3A_853 = arith.muli %mul3A_852, %while3A_643 : i32
      %add3A_854 = arith.constant 128 : i32
      %add3A_855 = arith.addi %mul3A_853, %add3A_854 : i32
      %swap3A_856 = arith.index_cast %add3A_855 : i32 to index
      %swap3A_857 = tpu.vector_load %arg14[%swap3A_856] {strides = array<i32>} : memref<3840xi32, #tpu.memory_space<vmem>>, vector<16xi32>,
      tpu.vector_store %arg14[%swap3A_856], %add3A_851 {strides = array<i32>} : memref<3840xi32, #tpu.memory_space<vmem>>, vector<16xi32>,
      %add3A_858 = arith.constant 9 : i32
      %add3A_859 = vector.broadcast %add3A_858 : i32 to vector<16xi32>
      %add3A_860 = arith.addi %and3A_648, %add3A_859 : vector<16xi32>
      %shift_right_arithmetic3A_861 = arith.constant 4 : i32
      %shift_right_arithmetic3A_862 = vector.broadcast %shift_right_arithmetic3A_861 : i32 to vector<16xi32>
      %shift_right_arithmetic3A_863 = arith.shrsi %add3A_860, %shift_right_arithmetic3A_862 : vector<16xi32>
      %shift_left3A_864 = arith.constant 8 : i32
      %shift_left3A_865 = vector.broadcast %shift_left3A_864 : i32 to vector<16xi32>
      %shift_left3A_866 = arith.shli %shift_right_arithmetic3A_863, %shift_left3A_865 : vector<16xi32>
      %add3A_867 = arith.addi %add3A_652, %shift_left3A_866 : vector<16xi32>
      %and3A_868 = arith.constant 15 : i32
      %and3A_869 = vector.broadcast %and3A_868 : i32 to vector<16xi32>
      %and3A_870 = arith.andi %add3A_860, %and3A_869 : vector<16xi32>
      %gather3A_871 = tpu.vector_load_idx %arg12[%add3A_867, %and3A_870] : memref<512x16xi32, #tpu.memory_space<vmem>>[vector<16xi32>, vector<16xi32>], vector<16xi32>,
      %gather3A_872 = tpu.vector_load_idx %arg13[%add3A_867, %and3A_870] : memref<512x16xi32, #tpu.memory_space<vmem>>[vector<16xi32>, vector<16xi32>], vector<16xi32>,
      %mul3A_873 = arith.muli %gather3A_871, %get3A_654 : vector<16xi32>
      %add3A_874 = arith.addi %mul3A_873, %gather3A_872 : vector<16xi32>
      %mul3A_875 = arith.constant 240 : i32
      %mul3A_876 = arith.muli %mul3A_875, %while3A_643 : i32
      %add3A_877 = arith.constant 144 : i32
      %add3A_878 = arith.addi %mul3A_876, %add3A_877 : i32
      %swap3A_879 = arith.index_cast %add3A_878 : i32 to index
      %swap3A_880 = tpu.vector_load %arg14[%swap3A_879] {strides = array<i32>} : memref<3840xi32, #tpu.memory_space<vmem>>, vector<16xi32>,
      tpu.vector_store %arg14[%swap3A_879], %add3A_874 {strides = array<i32>} : memref<3840xi32, #tpu.memory_space<vmem>>, vector<16xi32>,
      %add3A_881 = arith.constant 10 : i32
      %add3A_882 = vector.broadcast %add3A_881 : i32 to vector<16xi32>
      %add3A_883 = arith.addi %and3A_648, %add3A_882 : vector<16xi32>
      %shift_right_arithmetic3A_884 = arith.constant 4 : i32
      %shift_right_arithmetic3A_885 = vector.broadcast %shift_right_arithmetic3A_884 : i32 to vector<16xi32>
      %shift_right_arithmetic3A_886 = arith.shrsi %add3A_883, %shift_right_arithmetic3A_885 : vector<16xi32>
      %shift_left3A_887 = arith.constant 8 : i32
      %shift_left3A_888 = vector.broadcast %shift_left3A_887 : i32 to vector<16xi32>
      %shift_left3A_889 = arith.shli %shift_right_arithmetic3A_886, %shift_left3A_888 : vector<16xi32>
      %add3A_890 = arith.addi %add3A_652, %shift_left3A_889 : vector<16xi32>
      %and3A_891 = arith.constant 15 : i32
      %and3A_892 = vector.broadcast %and3A_891 : i32 to vector<16xi32>
      %and3A_893 = arith.andi %add3A_883, %and3A_892 : vector<16xi32>
      %gather3A_894 = tpu.vector_load_idx %arg12[%add3A_890, %and3A_893] : memref<512x16xi32, #tpu.memory_space<vmem>>[vector<16xi32>, vector<16xi32>], vector<16xi32>,
      %gather3A_895 = tpu.vector_load_idx %arg13[%add3A_890, %and3A_893] : memref<512x16xi32, #tpu.memory_space<vmem>>[vector<16xi32>, vector<16xi32>], vector<16xi32>,
      %mul3A_896 = arith.muli %gather3A_894, %get3A_654 : vector<16xi32>
      %add3A_897 = arith.addi %mul3A_896, %gather3A_895 : vector<16xi32>
      %mul3A_898 = arith.constant 240 : i32
      %mul3A_899 = arith.muli %mul3A_898, %while3A_643 : i32
      %add3A_900 = arith.constant 160 : i32
      %add3A_901 = arith.addi %mul3A_899, %add3A_900 : i32
      %swap3A_902 = arith.index_cast %add3A_901 : i32 to index
      %swap3A_903 = tpu.vector_load %arg14[%swap3A_902] {strides = array<i32>} : memref<3840xi32, #tpu.memory_space<vmem>>, vector<16xi32>,
      tpu.vector_store %arg14[%swap3A_902], %add3A_897 {strides = array<i32>} : memref<3840xi32, #tpu.memory_space<vmem>>, vector<16xi32>,
      %add3A_904 = arith.constant 11 : i32
      %add3A_905 = vector.broadcast %add3A_904 : i32 to vector<16xi32>
      %add3A_906 = arith.addi %and3A_648, %add3A_905 : vector<16xi32>
      %shift_right_arithmetic3A_907 = arith.constant 4 : i32
      %shift_right_arithmetic3A_908 = vector.broadcast %shift_right_arithmetic3A_907 : i32 to vector<16xi32>
      %shift_right_arithmetic3A_909 = arith.shrsi %add3A_906, %shift_right_arithmetic3A_908 : vector<16xi32>
      %shift_left3A_910 = arith.constant 8 : i32
      %shift_left3A_911 = vector.broadcast %shift_left3A_910 : i32 to vector<16xi32>
      %shift_left3A_912 = arith.shli %shift_right_arithmetic3A_909, %shift_left3A_911 : vector<16xi32>
      %add3A_913 = arith.addi %add3A_652, %shift_left3A_912 : vector<16xi32>
      %and3A_914 = arith.constant 15 : i32
      %and3A_915 = vector.broadcast %and3A_914 : i32 to vector<16xi32>
      %and3A_916 = arith.andi %add3A_906, %and3A_915 : vector<16xi32>
      %gather3A_917 = tpu.vector_load_idx %arg12[%add3A_913, %and3A_916] : memref<512x16xi32, #tpu.memory_space<vmem>>[vector<16xi32>, vector<16xi32>], vector<16xi32>,
      %gather3A_918 = tpu.vector_load_idx %arg13[%add3A_913, %and3A_916] : memref<512x16xi32, #tpu.memory_space<vmem>>[vector<16xi32>, vector<16xi32>], vector<16xi32>,
      %mul3A_919 = arith.muli %gather3A_917, %get3A_654 : vector<16xi32>
      %add3A_920 = arith.addi %mul3A_919, %gather3A_918 : vector<16xi32>
      %mul3A_921 = arith.constant 240 : i32
      %mul3A_922 = arith.muli %mul3A_921, %while3A_643 : i32
      %add3A_923 = arith.constant 176 : i32
      %add3A_924 = arith.addi %mul3A_922, %add3A_923 : i32
      %swap3A_925 = arith.index_cast %add3A_924 : i32 to index
      %swap3A_926 = tpu.vector_load %arg14[%swap3A_925] {strides = array<i32>} : memref<3840xi32, #tpu.memory_space<vmem>>, vector<16xi32>,
      tpu.vector_store %arg14[%swap3A_925], %add3A_920 {strides = array<i32>} : memref<3840xi32, #tpu.memory_space<vmem>>, vector<16xi32>,
      %add3A_927 = arith.constant 12 : i32
      %add3A_928 = vector.broadcast %add3A_927 : i32 to vector<16xi32>
      %add3A_929 = arith.addi %and3A_648, %add3A_928 : vector<16xi32>
      %shift_right_arithmetic3A_930 = arith.constant 4 : i32
      %shift_right_arithmetic3A_931 = vector.broadcast %shift_right_arithmetic3A_930 : i32 to vector<16xi32>
      %shift_right_arithmetic3A_932 = arith.shrsi %add3A_929, %shift_right_arithmetic3A_931 : vector<16xi32>
      %shift_left3A_933 = arith.constant 8 : i32
      %shift_left3A_934 = vector.broadcast %shift_left3A_933 : i32 to vector<16xi32>
      %shift_left3A_935 = arith.shli %shift_right_arithmetic3A_932, %shift_left3A_934 : vector<16xi32>
      %add3A_936 = arith.addi %add3A_652, %shift_left3A_935 : vector<16xi32>
      %and3A_937 = arith.constant 15 : i32
      %and3A_938 = vector.broadcast %and3A_937 : i32 to vector<16xi32>
      %and3A_939 = arith.andi %add3A_929, %and3A_938 : vector<16xi32>
      %gather3A_940 = tpu.vector_load_idx %arg12[%add3A_936, %and3A_939] : memref<512x16xi32, #tpu.memory_space<vmem>>[vector<16xi32>, vector<16xi32>], vector<16xi32>,
      %gather3A_941 = tpu.vector_load_idx %arg13[%add3A_936, %and3A_939] : memref<512x16xi32, #tpu.memory_space<vmem>>[vector<16xi32>, vector<16xi32>], vector<16xi32>,
      %mul3A_942 = arith.muli %gather3A_940, %get3A_654 : vector<16xi32>
      %add3A_943 = arith.addi %mul3A_942, %gather3A_941 : vector<16xi32>
      %mul3A_944 = arith.constant 240 : i32
      %mul3A_945 = arith.muli %mul3A_944, %while3A_643 : i32
      %add3A_946 = arith.constant 192 : i32
      %add3A_947 = arith.addi %mul3A_945, %add3A_946 : i32
      %swap3A_948 = arith.index_cast %add3A_947 : i32 to index
      %swap3A_949 = tpu.vector_load %arg14[%swap3A_948] {strides = array<i32>} : memref<3840xi32, #tpu.memory_space<vmem>>, vector<16xi32>,
      tpu.vector_store %arg14[%swap3A_948], %add3A_943 {strides = array<i32>} : memref<3840xi32, #tpu.memory_space<vmem>>, vector<16xi32>,
      %add3A_950 = arith.constant 13 : i32
      %add3A_951 = vector.broadcast %add3A_950 : i32 to vector<16xi32>
      %add3A_952 = arith.addi %and3A_648, %add3A_951 : vector<16xi32>
      %shift_right_arithmetic3A_953 = arith.constant 4 : i32
      %shift_right_arithmetic3A_954 = vector.broadcast %shift_right_arithmetic3A_953 : i32 to vector<16xi32>
      %shift_right_arithmetic3A_955 = arith.shrsi %add3A_952, %shift_right_arithmetic3A_954 : vector<16xi32>
      %shift_left3A_956 = arith.constant 8 : i32
      %shift_left3A_957 = vector.broadcast %shift_left3A_956 : i32 to vector<16xi32>
      %shift_left3A_958 = arith.shli %shift_right_arithmetic3A_955, %shift_left3A_957 : vector<16xi32>
      %add3A_959 = arith.addi %add3A_652, %shift_left3A_958 : vector<16xi32>
      %and3A_960 = arith.constant 15 : i32
      %and3A_961 = vector.broadcast %and3A_960 : i32 to vector<16xi32>
      %and3A_962 = arith.andi %add3A_952, %and3A_961 : vector<16xi32>
      %gather3A_963 = tpu.vector_load_idx %arg12[%add3A_959, %and3A_962] : memref<512x16xi32, #tpu.memory_space<vmem>>[vector<16xi32>, vector<16xi32>], vector<16xi32>,
      %gather3A_964 = tpu.vector_load_idx %arg13[%add3A_959, %and3A_962] : memref<512x16xi32, #tpu.memory_space<vmem>>[vector<16xi32>, vector<16xi32>], vector<16xi32>,
      %mul3A_965 = arith.muli %gather3A_963, %get3A_654 : vector<16xi32>
      %add3A_966 = arith.addi %mul3A_965, %gather3A_964 : vector<16xi32>
      %mul3A_967 = arith.constant 240 : i32
      %mul3A_968 = arith.muli %mul3A_967, %while3A_643 : i32
      %add3A_969 = arith.constant 208 : i32
      %add3A_970 = arith.addi %mul3A_968, %add3A_969 : i32
      %swap3A_971 = arith.index_cast %add3A_970 : i32 to index
      %swap3A_972 = tpu.vector_load %arg14[%swap3A_971] {strides = array<i32>} : memref<3840xi32, #tpu.memory_space<vmem>>, vector<16xi32>,
      tpu.vector_store %arg14[%swap3A_971], %add3A_966 {strides = array<i32>} : memref<3840xi32, #tpu.memory_space<vmem>>, vector<16xi32>,
      %add3A_973 = arith.constant 14 : i32
      %add3A_974 = vector.broadcast %add3A_973 : i32 to vector<16xi32>
      %add3A_975 = arith.addi %and3A_648, %add3A_974 : vector<16xi32>
      %shift_right_arithmetic3A_976 = arith.constant 4 : i32
      %shift_right_arithmetic3A_977 = vector.broadcast %shift_right_arithmetic3A_976 : i32 to vector<16xi32>
      %shift_right_arithmetic3A_978 = arith.shrsi %add3A_975, %shift_right_arithmetic3A_977 : vector<16xi32>
      %shift_left3A_979 = arith.constant 8 : i32
      %shift_left3A_980 = vector.broadcast %shift_left3A_979 : i32 to vector<16xi32>
      %shift_left3A_981 = arith.shli %shift_right_arithmetic3A_978, %shift_left3A_980 : vector<16xi32>
      %add3A_982 = arith.addi %add3A_652, %shift_left3A_981 : vector<16xi32>
      %and3A_983 = arith.constant 15 : i32
      %and3A_984 = vector.broadcast %and3A_983 : i32 to vector<16xi32>
      %and3A_985 = arith.andi %add3A_975, %and3A_984 : vector<16xi32>
      %gather3A_986 = tpu.vector_load_idx %arg12[%add3A_982, %and3A_985] : memref<512x16xi32, #tpu.memory_space<vmem>>[vector<16xi32>, vector<16xi32>], vector<16xi32>,
      %gather3A_987 = tpu.vector_load_idx %arg13[%add3A_982, %and3A_985] : memref<512x16xi32, #tpu.memory_space<vmem>>[vector<16xi32>, vector<16xi32>], vector<16xi32>,
      %mul3A_988 = arith.muli %gather3A_986, %get3A_654 : vector<16xi32>
      %add3A_989 = arith.addi %mul3A_988, %gather3A_987 : vector<16xi32>
      %mul3A_990 = arith.constant 240 : i32
      %mul3A_991 = arith.muli %mul3A_990, %while3A_643 : i32
      %add3A_992 = arith.constant 224 : i32
      %add3A_993 = arith.addi %mul3A_991, %add3A_992 : i32
      %swap3A_994 = arith.index_cast %add3A_993 : i32 to index
      %swap3A_995 = tpu.vector_load %arg14[%swap3A_994] {strides = array<i32>} : memref<3840xi32, #tpu.memory_space<vmem>>, vector<16xi32>,
      tpu.vector_store %arg14[%swap3A_994], %add3A_989 {strides = array<i32>} : memref<3840xi32, #tpu.memory_space<vmem>>, vector<16xi32>,
    }
    %while3A_149 = arith.constant 1 : i32
    scf.for %while3A_643 = %while3A_147 to %while3A_143 step %while3A_149  : i32 {
      %mul3A_644 = arith.constant 16 : i32
      %mul3A_645 = arith.muli %mul3A_644, %while3A_643 : i32
      %get3A = arith.index_cast %mul3A_645 : i32 to index
      %get3A_646 = tpu.vector_load %arg9[%get3A] {strides = array<i32>} : memref<256xi32, #tpu.memory_space<vmem>>, vector<16xi32>,
      %and3A = arith.constant 15 : i32
      %and3A_647 = vector.broadcast %and3A : i32 to vector<16xi32>
      %and3A_648 = arith.andi %get3A_646, %and3A_647 : vector<16xi32>
      %mul3A_649 = arith.constant 16 : i32
      %mul3A_650 = arith.muli %mul3A_649, %while3A_643 : i32
      %add3A_651 = vector.broadcast %mul3A_650 : i32 to vector<16xi32>
      %add3A_652 = arith.addi %iota3A, %add3A_651 : vector<16xi32>
      %get3A_653 = arith.constant 0 : index
      %get3A_654 = tpu.vector_load %arg17[%get3A_653] {strides = array<i32>} : memref<16xi32, #tpu.memory_space<vmem>>, vector<16xi32>,
      %add3A_655 = arith.constant 0 : i32
      %add3A_656 = vector.broadcast %add3A_655 : i32 to vector<16xi32>
      %add3A_657 = arith.addi %and3A_648, %add3A_656 : vector<16xi32>
      %shift_right_arithmetic3A = arith.constant 4 : i32
      %shift_right_arithmetic3A_658 = vector.broadcast %shift_right_arithmetic3A : i32 to vector<16xi32>
      %shift_right_arithmetic3A_659 = arith.shrsi %add3A_657, %shift_right_arithmetic3A_658 : vector<16xi32>
      %shift_left3A = arith.constant 8 : i32
      %shift_left3A_660 = vector.broadcast %shift_left3A : i32 to vector<16xi32>
      %shift_left3A_661 = arith.shli %shift_right_arithmetic3A_659, %shift_left3A_660 : vector<16xi32>
      %add3A_662 = arith.addi %add3A_652, %shift_left3A_661 : vector<16xi32>
      %and3A_663 = arith.constant 15 : i32
      %and3A_664 = vector.broadcast %and3A_663 : i32 to vector<16xi32>
      %and3A_665 = arith.andi %add3A_657, %and3A_664 : vector<16xi32>
      %gather3A = tpu.vector_load_idx %arg12[%add3A_662, %and3A_665] : memref<512x16xi32, #tpu.memory_space<vmem>>[vector<16xi32>, vector<16xi32>], vector<16xi32>,
      %gather3A_666 = tpu.vector_load_idx %arg13[%add3A_662, %and3A_665] : memref<512x16xi32, #tpu.memory_space<vmem>>[vector<16xi32>, vector<16xi32>], vector<16xi32>,
      %mul3A_667 = arith.muli %gather3A, %get3A_654 : vector<16xi32>
      %add3A_668 = arith.addi %mul3A_667, %gather3A_666 : vector<16xi32>
      %mul3A_669 = arith.constant 240 : i32
      %mul3A_670 = arith.muli %mul3A_669, %while3A_643 : i32
      %add3A_671 = arith.constant 0 : i32
      %add3A_672 = arith.addi %mul3A_670, %add3A_671 : i32
      %swap3A = arith.index_cast %add3A_672 : i32 to index
      %swap3A_673 = tpu.vector_load %arg14[%swap3A] {strides = array<i32>} : memref<3840xi32, #tpu.memory_space<vmem>>, vector<16xi32>,
      tpu.vector_store %arg14[%swap3A], %add3A_668 {strides = array<i32>} : memref<3840xi32, #tpu.memory_space<vmem>>, vector<16xi32>,
      %add3A_674 = arith.constant 1 : i32
      %add3A_675 = vector.broadcast %add3A_674 : i32 to vector<16xi32>
      %add3A_676 = arith.addi %and3A_648, %add3A_675 : vector<16xi32>
      %shift_right_arithmetic3A_677 = arith.constant 4 : i32
      %shift_right_arithmetic3A_678 = vector.broadcast %shift_right_arithmetic3A_677 : i32 to vector<16xi32>
      %shift_right_arithmetic3A_679 = arith.shrsi %add3A_676, %shift_right_arithmetic3A_678 : vector<16xi32>
      %shift_left3A_680 = arith.constant 8 : i32
      %shift_left3A_681 = vector.broadcast %shift_left3A_680 : i32 to vector<16xi32>
      %shift_left3A_682 = arith.shli %shift_right_arithmetic3A_679, %shift_left3A_681 : vector<16xi32>
      %add3A_683 = arith.addi %add3A_652, %shift_left3A_682 : vector<16xi32>
      %and3A_684 = arith.constant 15 : i32
      %and3A_685 = vector.broadcast %and3A_684 : i32 to vector<16xi32>
      %and3A_686 = arith.andi %add3A_676, %and3A_685 : vector<16xi32>
      %gather3A_687 = tpu.vector_load_idx %arg12[%add3A_683, %and3A_686] : memref<512x16xi32, #tpu.memory_space<vmem>>[vector<16xi32>, vector<16xi32>], vector<16xi32>,
      %gather3A_688 = tpu.vector_load_idx %arg13[%add3A_683, %and3A_686] : memref<512x16xi32, #tpu.memory_space<vmem>>[vector<16xi32>, vector<16xi32>], vector<16xi32>,
      %mul3A_689 = arith.muli %gather3A_687, %get3A_654 : vector<16xi32>
      %add3A_690 = arith.addi %mul3A_689, %gather3A_688 : vector<16xi32>
      %mul3A_691 = arith.constant 240 : i32
      %mul3A_692 = arith.muli %mul3A_691, %while3A_643 : i32
      %add3A_693 = arith.constant 16 : i32
      %add3A_694 = arith.addi %mul3A_692, %add3A_693 : i32
      %swap3A_695 = arith.index_cast %add3A_694 : i32 to index
      %swap3A_696 = tpu.vector_load %arg14[%swap3A_695] {strides = array<i32>} : memref<3840xi32, #tpu.memory_space<vmem>>, vector<16xi32>,
      tpu.vector_store %arg14[%swap3A_695], %add3A_690 {strides = array<i32>} : memref<3840xi32, #tpu.memory_space<vmem>>, vector<16xi32>,
      %add3A_697 = arith.constant 2 : i32
      %add3A_698 = vector.broadcast %add3A_697 : i32 to vector<16xi32>
      %add3A_699 = arith.addi %and3A_648, %add3A_698 : vector<16xi32>
      %shift_right_arithmetic3A_700 = arith.constant 4 : i32
      %shift_right_arithmetic3A_701 = vector.broadcast %shift_right_arithmetic3A_700 : i32 to vector<16xi32>
      %shift_right_arithmetic3A_702 = arith.shrsi %add3A_699, %shift_right_arithmetic3A_701 : vector<16xi32>
      %shift_left3A_703 = arith.constant 8 : i32
      %shift_left3A_704 = vector.broadcast %shift_left3A_703 : i32 to vector<16xi32>
      %shift_left3A_705 = arith.shli %shift_right_arithmetic3A_702, %shift_left3A_704 : vector<16xi32>
      %add3A_706 = arith.addi %add3A_652, %shift_left3A_705 : vector<16xi32>
      %and3A_707 = arith.constant 15 : i32
      %and3A_708 = vector.broadcast %and3A_707 : i32 to vector<16xi32>
      %and3A_709 = arith.andi %add3A_699, %and3A_708 : vector<16xi32>
      %gather3A_710 = tpu.vector_load_idx %arg12[%add3A_706, %and3A_709] : memref<512x16xi32, #tpu.memory_space<vmem>>[vector<16xi32>, vector<16xi32>], vector<16xi32>,
      %gather3A_711 = tpu.vector_load_idx %arg13[%add3A_706, %and3A_709] : memref<512x16xi32, #tpu.memory_space<vmem>>[vector<16xi32>, vector<16xi32>], vector<16xi32>,
      %mul3A_712 = arith.muli %gather3A_710, %get3A_654 : vector<16xi32>
      %add3A_713 = arith.addi %mul3A_712, %gather3A_711 : vector<16xi32>
      %mul3A_714 = arith.constant 240 : i32
      %mul3A_715 = arith.muli %mul3A_714, %while3A_643 : i32
      %add3A_716 = arith.constant 32 : i32
      %add3A_717 = arith.addi %mul3A_715, %add3A_716 : i32
      %swap3A_718 = arith.index_cast %add3A_717 : i32 to index
      %swap3A_719 = tpu.vector_load %arg14[%swap3A_718] {strides = array<i32>} : memref<3840xi32, #tpu.memory_space<vmem>>, vector<16xi32>,
      tpu.vector_store %arg14[%swap3A_718], %add3A_713 {strides = array<i32>} : memref<3840xi32, #tpu.memory_space<vmem>>, vector<16xi32>,
      %add3A_720 = arith.constant 3 : i32
      %add3A_721 = vector.broadcast %add3A_720 : i32 to vector<16xi32>
      %add3A_722 = arith.addi %and3A_648, %add3A_721 : vector<16xi32>
      %shift_right_arithmetic3A_723 = arith.constant 4 : i32
      %shift_right_arithmetic3A_724 = vector.broadcast %shift_right_arithmetic3A_723 : i32 to vector<16xi32>
      %shift_right_arithmetic3A_725 = arith.shrsi %add3A_722, %shift_right_arithmetic3A_724 : vector<16xi32>
      %shift_left3A_726 = arith.constant 8 : i32
      %shift_left3A_727 = vector.broadcast %shift_left3A_726 : i32 to vector<16xi32>
      %shift_left3A_728 = arith.shli %shift_right_arithmetic3A_725, %shift_left3A_727 : vector<16xi32>
      %add3A_729 = arith.addi %add3A_652, %shift_left3A_728 : vector<16xi32>
      %and3A_730 = arith.constant 15 : i32
      %and3A_731 = vector.broadcast %and3A_730 : i32 to vector<16xi32>
      %and3A_732 = arith.andi %add3A_722, %and3A_731 : vector<16xi32>
      %gather3A_733 = tpu.vector_load_idx %arg12[%add3A_729, %and3A_732] : memref<512x16xi32, #tpu.memory_space<vmem>>[vector<16xi32>, vector<16xi32>], vector<16xi32>,
      %gather3A_734 = tpu.vector_load_idx %arg13[%add3A_729, %and3A_732] : memref<512x16xi32, #tpu.memory_space<vmem>>[vector<16xi32>, vector<16xi32>], vector<16xi32>,
      %mul3A_735 = arith.muli %gather3A_733, %get3A_654 : vector<16xi32>
      %add3A_736 = arith.addi %mul3A_735, %gather3A_734 : vector<16xi32>
      %mul3A_737 = arith.constant 240 : i32
      %mul3A_738 = arith.muli %mul3A_737, %while3A_643 : i32
      %add3A_739 = arith.constant 48 : i32
      %add3A_740 = arith.addi %mul3A_738, %add3A_739 : i32
      %swap3A_741 = arith.index_cast %add3A_740 : i32 to index
      %swap3A_742 = tpu.vector_load %arg14[%swap3A_741] {strides = array<i32>} : memref<3840xi32, #tpu.memory_space<vmem>>, vector<16xi32>,
      tpu.vector_store %arg14[%swap3A_741], %add3A_736 {strides = array<i32>} : memref<3840xi32, #tpu.memory_space<vmem>>, vector<16xi32>,
      %add3A_743 = arith.constant 4 : i32
      %add3A_744 = vector.broadcast %add3A_743 : i32 to vector<16xi32>
      %add3A_745 = arith.addi %and3A_648, %add3A_744 : vector<16xi32>
      %shift_right_arithmetic3A_746 = arith.constant 4 : i32
      %shift_right_arithmetic3A_747 = vector.broadcast %shift_right_arithmetic3A_746 : i32 to vector<16xi32>
      %shift_right_arithmetic3A_748 = arith.shrsi %add3A_745, %shift_right_arithmetic3A_747 : vector<16xi32>
      %shift_left3A_749 = arith.constant 8 : i32
      %shift_left3A_750 = vector.broadcast %shift_left3A_749 : i32 to vector<16xi32>
      %shift_left3A_751 = arith.shli %shift_right_arithmetic3A_748, %shift_left3A_750 : vector<16xi32>
      %add3A_752 = arith.addi %add3A_652, %shift_left3A_751 : vector<16xi32>
      %and3A_753 = arith.constant 15 : i32
      %and3A_754 = vector.broadcast %and3A_753 : i32 to vector<16xi32>
      %and3A_755 = arith.andi %add3A_745, %and3A_754 : vector<16xi32>
      %gather3A_756 = tpu.vector_load_idx %arg12[%add3A_752, %and3A_755] : memref<512x16xi32, #tpu.memory_space<vmem>>[vector<16xi32>, vector<16xi32>], vector<16xi32>,
      %gather3A_757 = tpu.vector_load_idx %arg13[%add3A_752, %and3A_755] : memref<512x16xi32, #tpu.memory_space<vmem>>[vector<16xi32>, vector<16xi32>], vector<16xi32>,
      %mul3A_758 = arith.muli %gather3A_756, %get3A_654 : vector<16xi32>
      %add3A_759 = arith.addi %mul3A_758, %gather3A_757 : vector<16xi32>
      %mul3A_760 = arith.constant 240 : i32
      %mul3A_761 = arith.muli %mul3A_760, %while3A_643 : i32
      %add3A_762 = arith.constant 64 : i32
      %add3A_763 = arith.addi %mul3A_761, %add3A_762 : i32
      %swap3A_764 = arith.index_cast %add3A_763 : i32 to index
      %swap3A_765 = tpu.vector_load %arg14[%swap3A_764] {strides = array<i32>} : memref<3840xi32, #tpu.memory_space<vmem>>, vector<16xi32>,
      tpu.vector_store %arg14[%swap3A_764], %add3A_759 {strides = array<i32>} : memref<3840xi32, #tpu.memory_space<vmem>>, vector<16xi32>,
      %add3A_766 = arith.constant 5 : i32
      %add3A_767 = vector.broadcast %add3A_766 : i32 to vector<16xi32>
      %add3A_768 = arith.addi %and3A_648, %add3A_767 : vector<16xi32>
      %shift_right_arithmetic3A_769 = arith.constant 4 : i32
      %shift_right_arithmetic3A_770 = vector.broadcast %shift_right_arithmetic3A_769 : i32 to vector<16xi32>
      %shift_right_arithmetic3A_771 = arith.shrsi %add3A_768, %shift_right_arithmetic3A_770 : vector<16xi32>
      %shift_left3A_772 = arith.constant 8 : i32
      %shift_left3A_773 = vector.broadcast %shift_left3A_772 : i32 to vector<16xi32>
      %shift_left3A_774 = arith.shli %shift_right_arithmetic3A_771, %shift_left3A_773 : vector<16xi32>
      %add3A_775 = arith.addi %add3A_652, %shift_left3A_774 : vector<16xi32>
      %and3A_776 = arith.constant 15 : i32
      %and3A_777 = vector.broadcast %and3A_776 : i32 to vector<16xi32>
      %and3A_778 = arith.andi %add3A_768, %and3A_777 : vector<16xi32>
      %gather3A_779 = tpu.vector_load_idx %arg12[%add3A_775, %and3A_778] : memref<512x16xi32, #tpu.memory_space<vmem>>[vector<16xi32>, vector<16xi32>], vector<16xi32>,
      %gather3A_780 = tpu.vector_load_idx %arg13[%add3A_775, %and3A_778] : memref<512x16xi32, #tpu.memory_space<vmem>>[vector<16xi32>, vector<16xi32>], vector<16xi32>,
      %mul3A_781 = arith.muli %gather3A_779, %get3A_654 : vector<16xi32>
      %add3A_782 = arith.addi %mul3A_781, %gather3A_780 : vector<16xi32>
      %mul3A_783 = arith.constant 240 : i32
      %mul3A_784 = arith.muli %mul3A_783, %while3A_643 : i32
      %add3A_785 = arith.constant 80 : i32
      %add3A_786 = arith.addi %mul3A_784, %add3A_785 : i32
      %swap3A_787 = arith.index_cast %add3A_786 : i32 to index
      %swap3A_788 = tpu.vector_load %arg14[%swap3A_787] {strides = array<i32>} : memref<3840xi32, #tpu.memory_space<vmem>>, vector<16xi32>,
      tpu.vector_store %arg14[%swap3A_787], %add3A_782 {strides = array<i32>} : memref<3840xi32, #tpu.memory_space<vmem>>, vector<16xi32>,
      %add3A_789 = arith.constant 6 : i32
      %add3A_790 = vector.broadcast %add3A_789 : i32 to vector<16xi32>
      %add3A_791 = arith.addi %and3A_648, %add3A_790 : vector<16xi32>
      %shift_right_arithmetic3A_792 = arith.constant 4 : i32
      %shift_right_arithmetic3A_793 = vector.broadcast %shift_right_arithmetic3A_792 : i32 to vector<16xi32>
      %shift_right_arithmetic3A_794 = arith.shrsi %add3A_791, %shift_right_arithmetic3A_793 : vector<16xi32>
      %shift_left3A_795 = arith.constant 8 : i32
      %shift_left3A_796 = vector.broadcast %shift_left3A_795 : i32 to vector<16xi32>
      %shift_left3A_797 = arith.shli %shift_right_arithmetic3A_794, %shift_left3A_796 : vector<16xi32>
      %add3A_798 = arith.addi %add3A_652, %shift_left3A_797 : vector<16xi32>
      %and3A_799 = arith.constant 15 : i32
      %and3A_800 = vector.broadcast %and3A_799 : i32 to vector<16xi32>
      %and3A_801 = arith.andi %add3A_791, %and3A_800 : vector<16xi32>
      %gather3A_802 = tpu.vector_load_idx %arg12[%add3A_798, %and3A_801] : memref<512x16xi32, #tpu.memory_space<vmem>>[vector<16xi32>, vector<16xi32>], vector<16xi32>,
      %gather3A_803 = tpu.vector_load_idx %arg13[%add3A_798, %and3A_801] : memref<512x16xi32, #tpu.memory_space<vmem>>[vector<16xi32>, vector<16xi32>], vector<16xi32>,
      %mul3A_804 = arith.muli %gather3A_802, %get3A_654 : vector<16xi32>
      %add3A_805 = arith.addi %mul3A_804, %gather3A_803 : vector<16xi32>
      %mul3A_806 = arith.constant 240 : i32
      %mul3A_807 = arith.muli %mul3A_806, %while3A_643 : i32
      %add3A_808 = arith.constant 96 : i32
      %add3A_809 = arith.addi %mul3A_807, %add3A_808 : i32
      %swap3A_810 = arith.index_cast %add3A_809 : i32 to index
      %swap3A_811 = tpu.vector_load %arg14[%swap3A_810] {strides = array<i32>} : memref<3840xi32, #tpu.memory_space<vmem>>, vector<16xi32>,
      tpu.vector_store %arg14[%swap3A_810], %add3A_805 {strides = array<i32>} : memref<3840xi32, #tpu.memory_space<vmem>>, vector<16xi32>,
      %add3A_812 = arith.constant 7 : i32
      %add3A_813 = vector.broadcast %add3A_812 : i32 to vector<16xi32>
      %add3A_814 = arith.addi %and3A_648, %add3A_813 : vector<16xi32>
      %shift_right_arithmetic3A_815 = arith.constant 4 : i32
      %shift_right_arithmetic3A_816 = vector.broadcast %shift_right_arithmetic3A_815 : i32 to vector<16xi32>
      %shift_right_arithmetic3A_817 = arith.shrsi %add3A_814, %shift_right_arithmetic3A_816 : vector<16xi32>
      %shift_left3A_818 = arith.constant 8 : i32
      %shift_left3A_819 = vector.broadcast %shift_left3A_818 : i32 to vector<16xi32>
      %shift_left3A_820 = arith.shli %shift_right_arithmetic3A_817, %shift_left3A_819 : vector<16xi32>
      %add3A_821 = arith.addi %add3A_652, %shift_left3A_820 : vector<16xi32>
      %and3A_822 = arith.constant 15 : i32
      %and3A_823 = vector.broadcast %and3A_822 : i32 to vector<16xi32>
      %and3A_824 = arith.andi %add3A_814, %and3A_823 : vector<16xi32>
      %gather3A_825 = tpu.vector_load_idx %arg12[%add3A_821, %and3A_824] : memref<512x16xi32, #tpu.memory_space<vmem>>[vector<16xi32>, vector<16xi32>], vector<16xi32>,
      %gather3A_826 = tpu.vector_load_idx %arg13[%add3A_821, %and3A_824] : memref<512x16xi32, #tpu.memory_space<vmem>>[vector<16xi32>, vector<16xi32>], vector<16xi32>,
      %mul3A_827 = arith.muli %gather3A_825, %get3A_654 : vector<16xi32>
      %add3A_828 = arith.addi %mul3A_827, %gather3A_826 : vector<16xi32>
      %mul3A_829 = arith.constant 240 : i32
      %mul3A_830 = arith.muli %mul3A_829, %while3A_643 : i32
      %add3A_831 = arith.constant 112 : i32
      %add3A_832 = arith.addi %mul3A_830, %add3A_831 : i32
      %swap3A_833 = arith.index_cast %add3A_832 : i32 to index
      %swap3A_834 = tpu.vector_load %arg14[%swap3A_833] {strides = array<i32>} : memref<3840xi32, #tpu.memory_space<vmem>>, vector<16xi32>,
      tpu.vector_store %arg14[%swap3A_833], %add3A_828 {strides = array<i32>} : memref<3840xi32, #tpu.memory_space<vmem>>, vector<16xi32>,
      %add3A_835 = arith.constant 8 : i32
      %add3A_836 = vector.broadcast %add3A_835 : i32 to vector<16xi32>
      %add3A_837 = arith.addi %and3A_648, %add3A_836 : vector<16xi32>
      %shift_right_arithmetic3A_838 = arith.constant 4 : i32
      %shift_right_arithmetic3A_839 = vector.broadcast %shift_right_arithmetic3A_838 : i32 to vector<16xi32>
      %shift_right_arithmetic3A_840 = arith.shrsi %add3A_837, %shift_right_arithmetic3A_839 : vector<16xi32>
      %shift_left3A_841 = arith.constant 8 : i32
      %shift_left3A_842 = vector.broadcast %shift_left3A_841 : i32 to vector<16xi32>
      %shift_left3A_843 = arith.shli %shift_right_arithmetic3A_840, %shift_left3A_842 : vector<16xi32>
      %add3A_844 = arith.addi %add3A_652, %shift_left3A_843 : vector<16xi32>
      %and3A_845 = arith.constant 15 : i32
      %and3A_846 = vector.broadcast %and3A_845 : i32 to vector<16xi32>
      %and3A_847 = arith.andi %add3A_837, %and3A_846 : vector<16xi32>
      %gather3A_848 = tpu.vector_load_idx %arg12[%add3A_844, %and3A_847] : memref<512x16xi32, #tpu.memory_space<vmem>>[vector<16xi32>, vector<16xi32>], vector<16xi32>,
      %gather3A_849 = tpu.vector_load_idx %arg13[%add3A_844, %and3A_847] : memref<512x16xi32, #tpu.memory_space<vmem>>[vector<16xi32>, vector<16xi32>], vector<16xi32>,
      %mul3A_850 = arith.muli %gather3A_848, %get3A_654 : vector<16xi32>
      %add3A_851 = arith.addi %mul3A_850, %gather3A_849 : vector<16xi32>
      %mul3A_852 = arith.constant 240 : i32
      %mul3A_853 = arith.muli %mul3A_852, %while3A_643 : i32
      %add3A_854 = arith.constant 128 : i32
      %add3A_855 = arith.addi %mul3A_853, %add3A_854 : i32
      %swap3A_856 = arith.index_cast %add3A_855 : i32 to index
      %swap3A_857 = tpu.vector_load %arg14[%swap3A_856] {strides = array<i32>} : memref<3840xi32, #tpu.memory_space<vmem>>, vector<16xi32>,
      tpu.vector_store %arg14[%swap3A_856], %add3A_851 {strides = array<i32>} : memref<3840xi32, #tpu.memory_space<vmem>>, vector<16xi32>,
      %add3A_858 = arith.constant 9 : i32
      %add3A_859 = vector.broadcast %add3A_858 : i32 to vector<16xi32>
      %add3A_860 = arith.addi %and3A_648, %add3A_859 : vector<16xi32>
      %shift_right_arithmetic3A_861 = arith.constant 4 : i32
      %shift_right_arithmetic3A_862 = vector.broadcast %shift_right_arithmetic3A_861 : i32 to vector<16xi32>
      %shift_right_arithmetic3A_863 = arith.shrsi %add3A_860, %shift_right_arithmetic3A_862 : vector<16xi32>
      %shift_left3A_864 = arith.constant 8 : i32
      %shift_left3A_865 = vector.broadcast %shift_left3A_864 : i32 to vector<16xi32>
      %shift_left3A_866 = arith.shli %shift_right_arithmetic3A_863, %shift_left3A_865 : vector<16xi32>
      %add3A_867 = arith.addi %add3A_652, %shift_left3A_866 : vector<16xi32>
      %and3A_868 = arith.constant 15 : i32
      %and3A_869 = vector.broadcast %and3A_868 : i32 to vector<16xi32>
      %and3A_870 = arith.andi %add3A_860, %and3A_869 : vector<16xi32>
      %gather3A_871 = tpu.vector_load_idx %arg12[%add3A_867, %and3A_870] : memref<512x16xi32, #tpu.memory_space<vmem>>[vector<16xi32>, vector<16xi32>], vector<16xi32>,
      %gather3A_872 = tpu.vector_load_idx %arg13[%add3A_867, %and3A_870] : memref<512x16xi32, #tpu.memory_space<vmem>>[vector<16xi32>, vector<16xi32>], vector<16xi32>,
      %mul3A_873 = arith.muli %gather3A_871, %get3A_654 : vector<16xi32>
      %add3A_874 = arith.addi %mul3A_873, %gather3A_872 : vector<16xi32>
      %mul3A_875 = arith.constant 240 : i32
      %mul3A_876 = arith.muli %mul3A_875, %while3A_643 : i32
      %add3A_877 = arith.constant 144 : i32
      %add3A_878 = arith.addi %mul3A_876, %add3A_877 : i32
      %swap3A_879 = arith.index_cast %add3A_878 : i32 to index
      %swap3A_880 = tpu.vector_load %arg14[%swap3A_879] {strides = array<i32>} : memref<3840xi32, #tpu.memory_space<vmem>>, vector<16xi32>,
      tpu.vector_store %arg14[%swap3A_879], %add3A_874 {strides = array<i32>} : memref<3840xi32, #tpu.memory_space<vmem>>, vector<16xi32>,
      %add3A_881 = arith.constant 10 : i32
      %add3A_882 = vector.broadcast %add3A_881 : i32 to vector<16xi32>
      %add3A_883 = arith.addi %and3A_648, %add3A_882 : vector<16xi32>
      %shift_right_arithmetic3A_884 = arith.constant 4 : i32
      %shift_right_arithmetic3A_885 = vector.broadcast %shift_right_arithmetic3A_884 : i32 to vector<16xi32>
      %shift_right_arithmetic3A_886 = arith.shrsi %add3A_883, %shift_right_arithmetic3A_885 : vector<16xi32>
      %shift_left3A_887 = arith.constant 8 : i32
      %shift_left3A_888 = vector.broadcast %shift_left3A_887 : i32 to vector<16xi32>
      %shift_left3A_889 = arith.shli %shift_right_arithmetic3A_886, %shift_left3A_888 : vector<16xi32>
      %add3A_890 = arith.addi %add3A_652, %shift_left3A_889 : vector<16xi32>
      %and3A_891 = arith.constant 15 : i32
      %and3A_892 = vector.broadcast %and3A_891 : i32 to vector<16xi32>
      %and3A_893 = arith.andi %add3A_883, %and3A_892 : vector<16xi32>
      %gather3A_894 = tpu.vector_load_idx %arg12[%add3A_890, %and3A_893] : memref<512x16xi32, #tpu.memory_space<vmem>>[vector<16xi32>, vector<16xi32>], vector<16xi32>,
      %gather3A_895 = tpu.vector_load_idx %arg13[%add3A_890, %and3A_893] : memref<512x16xi32, #tpu.memory_space<vmem>>[vector<16xi32>, vector<16xi32>], vector<16xi32>,
      %mul3A_896 = arith.muli %gather3A_894, %get3A_654 : vector<16xi32>
      %add3A_897 = arith.addi %mul3A_896, %gather3A_895 : vector<16xi32>
      %mul3A_898 = arith.constant 240 : i32
      %mul3A_899 = arith.muli %mul3A_898, %while3A_643 : i32
      %add3A_900 = arith.constant 160 : i32
      %add3A_901 = arith.addi %mul3A_899, %add3A_900 : i32
      %swap3A_902 = arith.index_cast %add3A_901 : i32 to index
      %swap3A_903 = tpu.vector_load %arg14[%swap3A_902] {strides = array<i32>} : memref<3840xi32, #tpu.memory_space<vmem>>, vector<16xi32>,
      tpu.vector_store %arg14[%swap3A_902], %add3A_897 {strides = array<i32>} : memref<3840xi32, #tpu.memory_space<vmem>>, vector<16xi32>,
      %add3A_904 = arith.constant 11 : i32
      %add3A_905 = vector.broadcast %add3A_904 : i32 to vector<16xi32>
      %add3A_906 = arith.addi %and3A_648, %add3A_905 : vector<16xi32>
      %shift_right_arithmetic3A_907 = arith.constant 4 : i32
      %shift_right_arithmetic3A_908 = vector.broadcast %shift_right_arithmetic3A_907 : i32 to vector<16xi32>
      %shift_right_arithmetic3A_909 = arith.shrsi %add3A_906, %shift_right_arithmetic3A_908 : vector<16xi32>
      %shift_left3A_910 = arith.constant 8 : i32
      %shift_left3A_911 = vector.broadcast %shift_left3A_910 : i32 to vector<16xi32>
      %shift_left3A_912 = arith.shli %shift_right_arithmetic3A_909, %shift_left3A_911 : vector<16xi32>
      %add3A_913 = arith.addi %add3A_652, %shift_left3A_912 : vector<16xi32>
      %and3A_914 = arith.constant 15 : i32
      %and3A_915 = vector.broadcast %and3A_914 : i32 to vector<16xi32>
      %and3A_916 = arith.andi %add3A_906, %and3A_915 : vector<16xi32>
      %gather3A_917 = tpu.vector_load_idx %arg12[%add3A_913, %and3A_916] : memref<512x16xi32, #tpu.memory_space<vmem>>[vector<16xi32>, vector<16xi32>], vector<16xi32>,
      %gather3A_918 = tpu.vector_load_idx %arg13[%add3A_913, %and3A_916] : memref<512x16xi32, #tpu.memory_space<vmem>>[vector<16xi32>, vector<16xi32>], vector<16xi32>,
      %mul3A_919 = arith.muli %gather3A_917, %get3A_654 : vector<16xi32>
      %add3A_920 = arith.addi %mul3A_919, %gather3A_918 : vector<16xi32>
      %mul3A_921 = arith.constant 240 : i32
      %mul3A_922 = arith.muli %mul3A_921, %while3A_643 : i32
      %add3A_923 = arith.constant 176 : i32
      %add3A_924 = arith.addi %mul3A_922, %add3A_923 : i32
      %swap3A_925 = arith.index_cast %add3A_924 : i32 to index
      %swap3A_926 = tpu.vector_load %arg14[%swap3A_925] {strides = array<i32>} : memref<3840xi32, #tpu.memory_space<vmem>>, vector<16xi32>,
      tpu.vector_store %arg14[%swap3A_925], %add3A_920 {strides = array<i32>} : memref<3840xi32, #tpu.memory_space<vmem>>, vector<16xi32>,
      %add3A_927 = arith.constant 12 : i32
      %add3A_928 = vector.broadcast %add3A_927 : i32 to vector<16xi32>
      %add3A_929 = arith.addi %and3A_648, %add3A_928 : vector<16xi32>
      %shift_right_arithmetic3A_930 = arith.constant 4 : i32
      %shift_right_arithmetic3A_931 = vector.broadcast %shift_right_arithmetic3A_930 : i32 to vector<16xi32>
      %shift_right_arithmetic3A_932 = arith.shrsi %add3A_929, %shift_right_arithmetic3A_931 : vector<16xi32>
      %shift_left3A_933 = arith.constant 8 : i32
      %shift_left3A_934 = vector.broadcast %shift_left3A_933 : i32 to vector<16xi32>
      %shift_left3A_935 = arith.shli %shift_right_arithmetic3A_932, %shift_left3A_934 : vector<16xi32>
      %add3A_936 = arith.addi %add3A_652, %shift_left3A_935 : vector<16xi32>
      %and3A_937 = arith.constant 15 : i32
      %and3A_938 = vector.broadcast %and3A_937 : i32 to vector<16xi32>
      %and3A_939 = arith.andi %add3A_929, %and3A_938 : vector<16xi32>
      %gather3A_940 = tpu.vector_load_idx %arg12[%add3A_936, %and3A_939] : memref<512x16xi32, #tpu.memory_space<vmem>>[vector<16xi32>, vector<16xi32>], vector<16xi32>,
      %gather3A_941 = tpu.vector_load_idx %arg13[%add3A_936, %and3A_939] : memref<512x16xi32, #tpu.memory_space<vmem>>[vector<16xi32>, vector<16xi32>], vector<16xi32>,
      %mul3A_942 = arith.muli %gather3A_940, %get3A_654 : vector<16xi32>
      %add3A_943 = arith.addi %mul3A_942, %gather3A_941 : vector<16xi32>
      %mul3A_944 = arith.constant 240 : i32
      %mul3A_945 = arith.muli %mul3A_944, %while3A_643 : i32
      %add3A_946 = arith.constant 192 : i32
      %add3A_947 = arith.addi %mul3A_945, %add3A_946 : i32
      %swap3A_948 = arith.index_cast %add3A_947 : i32 to index
      %swap3A_949 = tpu.vector_load %arg14[%swap3A_948] {strides = array<i32>} : memref<3840xi32, #tpu.memory_space<vmem>>, vector<16xi32>,
      tpu.vector_store %arg14[%swap3A_948], %add3A_943 {strides = array<i32>} : memref<3840xi32, #tpu.memory_space<vmem>>, vector<16xi32>,
      %add3A_950 = arith.constant 13 : i32
      %add3A_951 = vector.broadcast %add3A_950 : i32 to vector<16xi32>
      %add3A_952 = arith.addi %and3A_648, %add3A_951 : vector<16xi32>
      %shift_right_arithmetic3A_953 = arith.constant 4 : i32
      %shift_right_arithmetic3A_954 = vector.broadcast %shift_right_arithmetic3A_953 : i32 to vector<16xi32>
      %shift_right_arithmetic3A_955 = arith.shrsi %add3A_952, %shift_right_arithmetic3A_954 : vector<16xi32>
      %shift_left3A_956 = arith.constant 8 : i32
      %shift_left3A_957 = vector.broadcast %shift_left3A_956 : i32 to vector<16xi32>
      %shift_left3A_958 = arith.shli %shift_right_arithmetic3A_955, %shift_left3A_957 : vector<16xi32>
      %add3A_959 = arith.addi %add3A_652, %shift_left3A_958 : vector<16xi32>
      %and3A_960 = arith.constant 15 : i32
      %and3A_961 = vector.broadcast %and3A_960 : i32 to vector<16xi32>
      %and3A_962 = arith.andi %add3A_952, %and3A_961 : vector<16xi32>
      %gather3A_963 = tpu.vector_load_idx %arg12[%add3A_959, %and3A_962] : memref<512x16xi32, #tpu.memory_space<vmem>>[vector<16xi32>, vector<16xi32>], vector<16xi32>,
      %gather3A_964 = tpu.vector_load_idx %arg13[%add3A_959, %and3A_962] : memref<512x16xi32, #tpu.memory_space<vmem>>[vector<16xi32>, vector<16xi32>], vector<16xi32>,
      %mul3A_965 = arith.muli %gather3A_963, %get3A_654 : vector<16xi32>
      %add3A_966 = arith.addi %mul3A_965, %gather3A_964 : vector<16xi32>
      %mul3A_967 = arith.constant 240 : i32
      %mul3A_968 = arith.muli %mul3A_967, %while3A_643 : i32
      %add3A_969 = arith.constant 208 : i32
      %add3A_970 = arith.addi %mul3A_968, %add3A_969 : i32
      %swap3A_971 = arith.index_cast %add3A_970 : i32 to index
      %swap3A_972 = tpu.vector_load %arg14[%swap3A_971] {strides = array<i32>} : memref<3840xi32, #tpu.memory_space<vmem>>, vector<16xi32>,
      tpu.vector_store %arg14[%swap3A_971], %add3A_966 {strides = array<i32>} : memref<3840xi32, #tpu.memory_space<vmem>>, vector<16xi32>,
      %add3A_973 = arith.constant 14 : i32
      %add3A_974 = vector.broadcast %add3A_973 : i32 to vector<16xi32>
      %add3A_975 = arith.addi %and3A_648, %add3A_974 : vector<16xi32>
      %shift_right_arithmetic3A_976 = arith.constant 4 : i32
      %shift_right_arithmetic3A_977 = vector.broadcast %shift_right_arithmetic3A_976 : i32 to vector<16xi32>
      %shift_right_arithmetic3A_978 = arith.shrsi %add3A_975, %shift_right_arithmetic3A_977 : vector<16xi32>
      %shift_left3A_979 = arith.constant 8 : i32
      %shift_left3A_980 = vector.broadcast %shift_left3A_979 : i32 to vector<16xi32>
      %shift_left3A_981 = arith.shli %shift_right_arithmetic3A_978, %shift_left3A_980 : vector<16xi32>
      %add3A_982 = arith.addi %add3A_652, %shift_left3A_981 : vector<16xi32>
      %and3A_983 = arith.constant 15 : i32
      %and3A_984 = vector.broadcast %and3A_983 : i32 to vector<16xi32>
      %and3A_985 = arith.andi %add3A_975, %and3A_984 : vector<16xi32>
      %gather3A_986 = tpu.vector_load_idx %arg12[%add3A_982, %and3A_985] : memref<512x16xi32, #tpu.memory_space<vmem>>[vector<16xi32>, vector<16xi32>], vector<16xi32>,
      %gather3A_987 = tpu.vector_load_idx %arg13[%add3A_982, %and3A_985] : memref<512x16xi32, #tpu.memory_space<vmem>>[vector<16xi32>, vector<16xi32>], vector<16xi32>,
      %mul3A_988 = arith.muli %gather3A_986, %get3A_654 : vector<16xi32>
      %add3A_989 = arith.addi %mul3A_988, %gather3A_987 : vector<16xi32>
      %mul3A_990 = arith.constant 240 : i32
      %mul3A_991 = arith.muli %mul3A_990, %while3A_643 : i32
      %add3A_992 = arith.constant 224 : i32
      %add3A_993 = arith.addi %mul3A_991, %add3A_992 : i32
      %swap3A_994 = arith.index_cast %add3A_993 : i32 to index
      %swap3A_995 = tpu.vector_load %arg14[%swap3A_994] {strides = array<i32>} : memref<3840xi32, #tpu.memory_space<vmem>>, vector<16xi32>,
      tpu.vector_store %arg14[%swap3A_994], %add3A_989 {strides = array<i32>} : memref<3840xi32, #tpu.memory_space<vmem>>, vector<16xi32>,
    }
    %dma_start3A_150 = arith.constant 0 : i32
    %dma_start3A_151 = arith.constant 0 : i32
    %dma_start3A_152 = tpu.memref_slice %arg15[%dma_start3A_150, %dma_start3A_151] : memref<3840x16xi32, #tpu.memory_space<vmem>> -> memref<128x16xi32, #tpu.memory_space<vmem>>
    %dma_start3A_153 = arith.constant 0 : i32
    %dma_start3A_154 = tpu.memref_slice %arg14[%dma_start3A_153] : memref<3840xi32, #tpu.memory_space<vmem>> -> memref<128xi32, #tpu.memory_space<vmem>>
    %dma_start3A_155 = arith.constant 0 : i32
    %dma_start3A_156 = arith.constant 0 : i32
    %dma_start3A_157 = tpu.memref_slice %arg2[%dma_start3A_155, %dma_start3A_156] : memref<262144x16xi32, #tpu.memory_space<hbm>> -> memref<262144x16xi32, #tpu.memory_space<hbm>>
    tpu.enqueue_indirect_dma source(%dma_start3A_157 : memref<262144x16xi32, #tpu.memory_space<hbm>>) target(%dma_start3A_152 : memref<128x16xi32, #tpu.memory_space<vmem>>) offsets(%dma_start3A_154 : memref<128xi32, #tpu.memory_space<vmem>>) semaphore(%arg19 : memref<!tpu.dma_semaphore, #tpu.memory_space<semaphore_mem>>)
    %dma_start3A_158 = arith.constant 128 : i32
    %dma_start3A_159 = arith.constant 0 : i32
    %dma_start3A_160 = tpu.memref_slice %arg15[%dma_start3A_158, %dma_start3A_159] : memref<3840x16xi32, #tpu.memory_space<vmem>> -> memref<128x16xi32, #tpu.memory_space<vmem>>
    %dma_start3A_161 = arith.constant 128 : i32
    %dma_start3A_162 = tpu.memref_slice %arg14[%dma_start3A_161] : memref<3840xi32, #tpu.memory_space<vmem>> -> memref<128xi32, #tpu.memory_space<vmem>>
    %dma_start3A_163 = arith.constant 0 : i32
    %dma_start3A_164 = arith.constant 0 : i32
    %dma_start3A_165 = tpu.memref_slice %arg2[%dma_start3A_163, %dma_start3A_164] : memref<262144x16xi32, #tpu.memory_space<hbm>> -> memref<262144x16xi32, #tpu.memory_space<hbm>>
    tpu.enqueue_indirect_dma source(%dma_start3A_165 : memref<262144x16xi32, #tpu.memory_space<hbm>>) target(%dma_start3A_160 : memref<128x16xi32, #tpu.memory_space<vmem>>) offsets(%dma_start3A_162 : memref<128xi32, #tpu.memory_space<vmem>>) semaphore(%arg19 : memref<!tpu.dma_semaphore, #tpu.memory_space<semaphore_mem>>)
    %dma_start3A_166 = arith.constant 256 : i32
    %dma_start3A_167 = arith.constant 0 : i32
    %dma_start3A_168 = tpu.memref_slice %arg15[%dma_start3A_166, %dma_start3A_167] : memref<3840x16xi32, #tpu.memory_space<vmem>> -> memref<128x16xi32, #tpu.memory_space<vmem>>
    %dma_start3A_169 = arith.constant 256 : i32
    %dma_start3A_170 = tpu.memref_slice %arg14[%dma_start3A_169] : memref<3840xi32, #tpu.memory_space<vmem>> -> memref<128xi32, #tpu.memory_space<vmem>>
    %dma_start3A_171 = arith.constant 0 : i32
    %dma_start3A_172 = arith.constant 0 : i32
    %dma_start3A_173 = tpu.memref_slice %arg2[%dma_start3A_171, %dma_start3A_172] : memref<262144x16xi32, #tpu.memory_space<hbm>> -> memref<262144x16xi32, #tpu.memory_space<hbm>>
    tpu.enqueue_indirect_dma source(%dma_start3A_173 : memref<262144x16xi32, #tpu.memory_space<hbm>>) target(%dma_start3A_168 : memref<128x16xi32, #tpu.memory_space<vmem>>) offsets(%dma_start3A_170 : memref<128xi32, #tpu.memory_space<vmem>>) semaphore(%arg19 : memref<!tpu.dma_semaphore, #tpu.memory_space<semaphore_mem>>)
    %dma_start3A_174 = arith.constant 384 : i32
    %dma_start3A_175 = arith.constant 0 : i32
    %dma_start3A_176 = tpu.memref_slice %arg15[%dma_start3A_174, %dma_start3A_175] : memref<3840x16xi32, #tpu.memory_space<vmem>> -> memref<128x16xi32, #tpu.memory_space<vmem>>
    %dma_start3A_177 = arith.constant 384 : i32
    %dma_start3A_178 = tpu.memref_slice %arg14[%dma_start3A_177] : memref<3840xi32, #tpu.memory_space<vmem>> -> memref<128xi32, #tpu.memory_space<vmem>>
    %dma_start3A_179 = arith.constant 0 : i32
    %dma_start3A_180 = arith.constant 0 : i32
    %dma_start3A_181 = tpu.memref_slice %arg2[%dma_start3A_179, %dma_start3A_180] : memref<262144x16xi32, #tpu.memory_space<hbm>> -> memref<262144x16xi32, #tpu.memory_space<hbm>>
    tpu.enqueue_indirect_dma source(%dma_start3A_181 : memref<262144x16xi32, #tpu.memory_space<hbm>>) target(%dma_start3A_176 : memref<128x16xi32, #tpu.memory_space<vmem>>) offsets(%dma_start3A_178 : memref<128xi32, #tpu.memory_space<vmem>>) semaphore(%arg19 : memref<!tpu.dma_semaphore, #tpu.memory_space<semaphore_mem>>)
    %dma_start3A_182 = arith.constant 512 : i32
    %dma_start3A_183 = arith.constant 0 : i32
    %dma_start3A_184 = tpu.memref_slice %arg15[%dma_start3A_182, %dma_start3A_183] : memref<3840x16xi32, #tpu.memory_space<vmem>> -> memref<128x16xi32, #tpu.memory_space<vmem>>
    %dma_start3A_185 = arith.constant 512 : i32
    %dma_start3A_186 = tpu.memref_slice %arg14[%dma_start3A_185] : memref<3840xi32, #tpu.memory_space<vmem>> -> memref<128xi32, #tpu.memory_space<vmem>>
    %dma_start3A_187 = arith.constant 0 : i32
    %dma_start3A_188 = arith.constant 0 : i32
    %dma_start3A_189 = tpu.memref_slice %arg2[%dma_start3A_187, %dma_start3A_188] : memref<262144x16xi32, #tpu.memory_space<hbm>> -> memref<262144x16xi32, #tpu.memory_space<hbm>>
    tpu.enqueue_indirect_dma source(%dma_start3A_189 : memref<262144x16xi32, #tpu.memory_space<hbm>>) target(%dma_start3A_184 : memref<128x16xi32, #tpu.memory_space<vmem>>) offsets(%dma_start3A_186 : memref<128xi32, #tpu.memory_space<vmem>>) semaphore(%arg19 : memref<!tpu.dma_semaphore, #tpu.memory_space<semaphore_mem>>)
    %dma_start3A_190 = arith.constant 640 : i32
    %dma_start3A_191 = arith.constant 0 : i32
    %dma_start3A_192 = tpu.memref_slice %arg15[%dma_start3A_190, %dma_start3A_191] : memref<3840x16xi32, #tpu.memory_space<vmem>> -> memref<128x16xi32, #tpu.memory_space<vmem>>
    %dma_start3A_193 = arith.constant 640 : i32
    %dma_start3A_194 = tpu.memref_slice %arg14[%dma_start3A_193] : memref<3840xi32, #tpu.memory_space<vmem>> -> memref<128xi32, #tpu.memory_space<vmem>>
    %dma_start3A_195 = arith.constant 0 : i32
    %dma_start3A_196 = arith.constant 0 : i32
    %dma_start3A_197 = tpu.memref_slice %arg2[%dma_start3A_195, %dma_start3A_196] : memref<262144x16xi32, #tpu.memory_space<hbm>> -> memref<262144x16xi32, #tpu.memory_space<hbm>>
    tpu.enqueue_indirect_dma source(%dma_start3A_197 : memref<262144x16xi32, #tpu.memory_space<hbm>>) target(%dma_start3A_192 : memref<128x16xi32, #tpu.memory_space<vmem>>) offsets(%dma_start3A_194 : memref<128xi32, #tpu.memory_space<vmem>>) semaphore(%arg19 : memref<!tpu.dma_semaphore, #tpu.memory_space<semaphore_mem>>)
    %dma_start3A_198 = arith.constant 768 : i32
    %dma_start3A_199 = arith.constant 0 : i32
    %dma_start3A_200 = tpu.memref_slice %arg15[%dma_start3A_198, %dma_start3A_199] : memref<3840x16xi32, #tpu.memory_space<vmem>> -> memref<128x16xi32, #tpu.memory_space<vmem>>
    %dma_start3A_201 = arith.constant 768 : i32
    %dma_start3A_202 = tpu.memref_slice %arg14[%dma_start3A_201] : memref<3840xi32, #tpu.memory_space<vmem>> -> memref<128xi32, #tpu.memory_space<vmem>>
    %dma_start3A_203 = arith.constant 0 : i32
    %dma_start3A_204 = arith.constant 0 : i32
    %dma_start3A_205 = tpu.memref_slice %arg2[%dma_start3A_203, %dma_start3A_204] : memref<262144x16xi32, #tpu.memory_space<hbm>> -> memref<262144x16xi32, #tpu.memory_space<hbm>>
    tpu.enqueue_indirect_dma source(%dma_start3A_205 : memref<262144x16xi32, #tpu.memory_space<hbm>>) target(%dma_start3A_200 : memref<128x16xi32, #tpu.memory_space<vmem>>) offsets(%dma_start3A_202 : memref<128xi32, #tpu.memory_space<vmem>>) semaphore(%arg19 : memref<!tpu.dma_semaphore, #tpu.memory_space<semaphore_mem>>)
    %dma_start3A_206 = arith.constant 896 : i32
    %dma_start3A_207 = arith.constant 0 : i32
    %dma_start3A_208 = tpu.memref_slice %arg15[%dma_start3A_206, %dma_start3A_207] : memref<3840x16xi32, #tpu.memory_space<vmem>> -> memref<128x16xi32, #tpu.memory_space<vmem>>
    %dma_start3A_209 = arith.constant 896 : i32
    %dma_start3A_210 = tpu.memref_slice %arg14[%dma_start3A_209] : memref<3840xi32, #tpu.memory_space<vmem>> -> memref<128xi32, #tpu.memory_space<vmem>>
    %dma_start3A_211 = arith.constant 0 : i32
    %dma_start3A_212 = arith.constant 0 : i32
    %dma_start3A_213 = tpu.memref_slice %arg2[%dma_start3A_211, %dma_start3A_212] : memref<262144x16xi32, #tpu.memory_space<hbm>> -> memref<262144x16xi32, #tpu.memory_space<hbm>>
    tpu.enqueue_indirect_dma source(%dma_start3A_213 : memref<262144x16xi32, #tpu.memory_space<hbm>>) target(%dma_start3A_208 : memref<128x16xi32, #tpu.memory_space<vmem>>) offsets(%dma_start3A_210 : memref<128xi32, #tpu.memory_space<vmem>>) semaphore(%arg19 : memref<!tpu.dma_semaphore, #tpu.memory_space<semaphore_mem>>)
    %dma_start3A_214 = arith.constant 1024 : i32
    %dma_start3A_215 = arith.constant 0 : i32
    %dma_start3A_216 = tpu.memref_slice %arg15[%dma_start3A_214, %dma_start3A_215] : memref<3840x16xi32, #tpu.memory_space<vmem>> -> memref<128x16xi32, #tpu.memory_space<vmem>>
    %dma_start3A_217 = arith.constant 1024 : i32
    %dma_start3A_218 = tpu.memref_slice %arg14[%dma_start3A_217] : memref<3840xi32, #tpu.memory_space<vmem>> -> memref<128xi32, #tpu.memory_space<vmem>>
    %dma_start3A_219 = arith.constant 0 : i32
    %dma_start3A_220 = arith.constant 0 : i32
    %dma_start3A_221 = tpu.memref_slice %arg2[%dma_start3A_219, %dma_start3A_220] : memref<262144x16xi32, #tpu.memory_space<hbm>> -> memref<262144x16xi32, #tpu.memory_space<hbm>>
    tpu.enqueue_indirect_dma source(%dma_start3A_221 : memref<262144x16xi32, #tpu.memory_space<hbm>>) target(%dma_start3A_216 : memref<128x16xi32, #tpu.memory_space<vmem>>) offsets(%dma_start3A_218 : memref<128xi32, #tpu.memory_space<vmem>>) semaphore(%arg19 : memref<!tpu.dma_semaphore, #tpu.memory_space<semaphore_mem>>)
    %dma_start3A_222 = arith.constant 1152 : i32
    %dma_start3A_223 = arith.constant 0 : i32
    %dma_start3A_224 = tpu.memref_slice %arg15[%dma_start3A_222, %dma_start3A_223] : memref<3840x16xi32, #tpu.memory_space<vmem>> -> memref<128x16xi32, #tpu.memory_space<vmem>>
    %dma_start3A_225 = arith.constant 1152 : i32
    %dma_start3A_226 = tpu.memref_slice %arg14[%dma_start3A_225] : memref<3840xi32, #tpu.memory_space<vmem>> -> memref<128xi32, #tpu.memory_space<vmem>>
    %dma_start3A_227 = arith.constant 0 : i32
    %dma_start3A_228 = arith.constant 0 : i32
    %dma_start3A_229 = tpu.memref_slice %arg2[%dma_start3A_227, %dma_start3A_228] : memref<262144x16xi32, #tpu.memory_space<hbm>> -> memref<262144x16xi32, #tpu.memory_space<hbm>>
    tpu.enqueue_indirect_dma source(%dma_start3A_229 : memref<262144x16xi32, #tpu.memory_space<hbm>>) target(%dma_start3A_224 : memref<128x16xi32, #tpu.memory_space<vmem>>) offsets(%dma_start3A_226 : memref<128xi32, #tpu.memory_space<vmem>>) semaphore(%arg19 : memref<!tpu.dma_semaphore, #tpu.memory_space<semaphore_mem>>)
    %dma_start3A_230 = arith.constant 1280 : i32
    %dma_start3A_231 = arith.constant 0 : i32
    %dma_start3A_232 = tpu.memref_slice %arg15[%dma_start3A_230, %dma_start3A_231] : memref<3840x16xi32, #tpu.memory_space<vmem>> -> memref<128x16xi32, #tpu.memory_space<vmem>>
    %dma_start3A_233 = arith.constant 1280 : i32
    %dma_start3A_234 = tpu.memref_slice %arg14[%dma_start3A_233] : memref<3840xi32, #tpu.memory_space<vmem>> -> memref<128xi32, #tpu.memory_space<vmem>>
    %dma_start3A_235 = arith.constant 0 : i32
    %dma_start3A_236 = arith.constant 0 : i32
    %dma_start3A_237 = tpu.memref_slice %arg2[%dma_start3A_235, %dma_start3A_236] : memref<262144x16xi32, #tpu.memory_space<hbm>> -> memref<262144x16xi32, #tpu.memory_space<hbm>>
    tpu.enqueue_indirect_dma source(%dma_start3A_237 : memref<262144x16xi32, #tpu.memory_space<hbm>>) target(%dma_start3A_232 : memref<128x16xi32, #tpu.memory_space<vmem>>) offsets(%dma_start3A_234 : memref<128xi32, #tpu.memory_space<vmem>>) semaphore(%arg19 : memref<!tpu.dma_semaphore, #tpu.memory_space<semaphore_mem>>)
    %dma_start3A_238 = arith.constant 1408 : i32
    %dma_start3A_239 = arith.constant 0 : i32
    %dma_start3A_240 = tpu.memref_slice %arg15[%dma_start3A_238, %dma_start3A_239] : memref<3840x16xi32, #tpu.memory_space<vmem>> -> memref<128x16xi32, #tpu.memory_space<vmem>>
    %dma_start3A_241 = arith.constant 1408 : i32
    %dma_start3A_242 = tpu.memref_slice %arg14[%dma_start3A_241] : memref<3840xi32, #tpu.memory_space<vmem>> -> memref<128xi32, #tpu.memory_space<vmem>>
    %dma_start3A_243 = arith.constant 0 : i32
    %dma_start3A_244 = arith.constant 0 : i32
    %dma_start3A_245 = tpu.memref_slice %arg2[%dma_start3A_243, %dma_start3A_244] : memref<262144x16xi32, #tpu.memory_space<hbm>> -> memref<262144x16xi32, #tpu.memory_space<hbm>>
    tpu.enqueue_indirect_dma source(%dma_start3A_245 : memref<262144x16xi32, #tpu.memory_space<hbm>>) target(%dma_start3A_240 : memref<128x16xi32, #tpu.memory_space<vmem>>) offsets(%dma_start3A_242 : memref<128xi32, #tpu.memory_space<vmem>>) semaphore(%arg19 : memref<!tpu.dma_semaphore, #tpu.memory_space<semaphore_mem>>)
    %dma_start3A_246 = arith.constant 1536 : i32
    %dma_start3A_247 = arith.constant 0 : i32
    %dma_start3A_248 = tpu.memref_slice %arg15[%dma_start3A_246, %dma_start3A_247] : memref<3840x16xi32, #tpu.memory_space<vmem>> -> memref<128x16xi32, #tpu.memory_space<vmem>>
    %dma_start3A_249 = arith.constant 1536 : i32
    %dma_start3A_250 = tpu.memref_slice %arg14[%dma_start3A_249] : memref<3840xi32, #tpu.memory_space<vmem>> -> memref<128xi32, #tpu.memory_space<vmem>>
    %dma_start3A_251 = arith.constant 0 : i32
    %dma_start3A_252 = arith.constant 0 : i32
    %dma_start3A_253 = tpu.memref_slice %arg2[%dma_start3A_251, %dma_start3A_252] : memref<262144x16xi32, #tpu.memory_space<hbm>> -> memref<262144x16xi32, #tpu.memory_space<hbm>>
    tpu.enqueue_indirect_dma source(%dma_start3A_253 : memref<262144x16xi32, #tpu.memory_space<hbm>>) target(%dma_start3A_248 : memref<128x16xi32, #tpu.memory_space<vmem>>) offsets(%dma_start3A_250 : memref<128xi32, #tpu.memory_space<vmem>>) semaphore(%arg19 : memref<!tpu.dma_semaphore, #tpu.memory_space<semaphore_mem>>)
    %dma_start3A_254 = arith.constant 1664 : i32
    %dma_start3A_255 = arith.constant 0 : i32
    %dma_start3A_256 = tpu.memref_slice %arg15[%dma_start3A_254, %dma_start3A_255] : memref<3840x16xi32, #tpu.memory_space<vmem>> -> memref<128x16xi32, #tpu.memory_space<vmem>>
    %dma_start3A_257 = arith.constant 1664 : i32
    %dma_start3A_258 = tpu.memref_slice %arg14[%dma_start3A_257] : memref<3840xi32, #tpu.memory_space<vmem>> -> memref<128xi32, #tpu.memory_space<vmem>>
    %dma_start3A_259 = arith.constant 0 : i32
    %dma_start3A_260 = arith.constant 0 : i32
    %dma_start3A_261 = tpu.memref_slice %arg2[%dma_start3A_259, %dma_start3A_260] : memref<262144x16xi32, #tpu.memory_space<hbm>> -> memref<262144x16xi32, #tpu.memory_space<hbm>>
    tpu.enqueue_indirect_dma source(%dma_start3A_261 : memref<262144x16xi32, #tpu.memory_space<hbm>>) target(%dma_start3A_256 : memref<128x16xi32, #tpu.memory_space<vmem>>) offsets(%dma_start3A_258 : memref<128xi32, #tpu.memory_space<vmem>>) semaphore(%arg19 : memref<!tpu.dma_semaphore, #tpu.memory_space<semaphore_mem>>)
    %dma_start3A_262 = arith.constant 1792 : i32
    %dma_start3A_263 = arith.constant 0 : i32
    %dma_start3A_264 = tpu.memref_slice %arg15[%dma_start3A_262, %dma_start3A_263] : memref<3840x16xi32, #tpu.memory_space<vmem>> -> memref<128x16xi32, #tpu.memory_space<vmem>>
    %dma_start3A_265 = arith.constant 1792 : i32
    %dma_start3A_266 = tpu.memref_slice %arg14[%dma_start3A_265] : memref<3840xi32, #tpu.memory_space<vmem>> -> memref<128xi32, #tpu.memory_space<vmem>>
    %dma_start3A_267 = arith.constant 0 : i32
    %dma_start3A_268 = arith.constant 0 : i32
    %dma_start3A_269 = tpu.memref_slice %arg2[%dma_start3A_267, %dma_start3A_268] : memref<262144x16xi32, #tpu.memory_space<hbm>> -> memref<262144x16xi32, #tpu.memory_space<hbm>>
    tpu.enqueue_indirect_dma source(%dma_start3A_269 : memref<262144x16xi32, #tpu.memory_space<hbm>>) target(%dma_start3A_264 : memref<128x16xi32, #tpu.memory_space<vmem>>) offsets(%dma_start3A_266 : memref<128xi32, #tpu.memory_space<vmem>>) semaphore(%arg19 : memref<!tpu.dma_semaphore, #tpu.memory_space<semaphore_mem>>)
    %dma_start3A_270 = arith.constant 1920 : i32
    %dma_start3A_271 = arith.constant 0 : i32
    %dma_start3A_272 = tpu.memref_slice %arg15[%dma_start3A_270, %dma_start3A_271] : memref<3840x16xi32, #tpu.memory_space<vmem>> -> memref<128x16xi32, #tpu.memory_space<vmem>>
    %dma_start3A_273 = arith.constant 1920 : i32
    %dma_start3A_274 = tpu.memref_slice %arg14[%dma_start3A_273] : memref<3840xi32, #tpu.memory_space<vmem>> -> memref<128xi32, #tpu.memory_space<vmem>>
    %dma_start3A_275 = arith.constant 0 : i32
    %dma_start3A_276 = arith.constant 0 : i32
    %dma_start3A_277 = tpu.memref_slice %arg2[%dma_start3A_275, %dma_start3A_276] : memref<262144x16xi32, #tpu.memory_space<hbm>> -> memref<262144x16xi32, #tpu.memory_space<hbm>>
    tpu.enqueue_indirect_dma source(%dma_start3A_277 : memref<262144x16xi32, #tpu.memory_space<hbm>>) target(%dma_start3A_272 : memref<128x16xi32, #tpu.memory_space<vmem>>) offsets(%dma_start3A_274 : memref<128xi32, #tpu.memory_space<vmem>>) semaphore(%arg19 : memref<!tpu.dma_semaphore, #tpu.memory_space<semaphore_mem>>)
    %dma_start3A_278 = arith.constant 2048 : i32
    %dma_start3A_279 = arith.constant 0 : i32
    %dma_start3A_280 = tpu.memref_slice %arg15[%dma_start3A_278, %dma_start3A_279] : memref<3840x16xi32, #tpu.memory_space<vmem>> -> memref<128x16xi32, #tpu.memory_space<vmem>>
    %dma_start3A_281 = arith.constant 2048 : i32
    %dma_start3A_282 = tpu.memref_slice %arg14[%dma_start3A_281] : memref<3840xi32, #tpu.memory_space<vmem>> -> memref<128xi32, #tpu.memory_space<vmem>>
    %dma_start3A_283 = arith.constant 0 : i32
    %dma_start3A_284 = arith.constant 0 : i32
    %dma_start3A_285 = tpu.memref_slice %arg2[%dma_start3A_283, %dma_start3A_284] : memref<262144x16xi32, #tpu.memory_space<hbm>> -> memref<262144x16xi32, #tpu.memory_space<hbm>>
    tpu.enqueue_indirect_dma source(%dma_start3A_285 : memref<262144x16xi32, #tpu.memory_space<hbm>>) target(%dma_start3A_280 : memref<128x16xi32, #tpu.memory_space<vmem>>) offsets(%dma_start3A_282 : memref<128xi32, #tpu.memory_space<vmem>>) semaphore(%arg19 : memref<!tpu.dma_semaphore, #tpu.memory_space<semaphore_mem>>)
    %dma_start3A_286 = arith.constant 2176 : i32
    %dma_start3A_287 = arith.constant 0 : i32
    %dma_start3A_288 = tpu.memref_slice %arg15[%dma_start3A_286, %dma_start3A_287] : memref<3840x16xi32, #tpu.memory_space<vmem>> -> memref<128x16xi32, #tpu.memory_space<vmem>>
    %dma_start3A_289 = arith.constant 2176 : i32
    %dma_start3A_290 = tpu.memref_slice %arg14[%dma_start3A_289] : memref<3840xi32, #tpu.memory_space<vmem>> -> memref<128xi32, #tpu.memory_space<vmem>>
    %dma_start3A_291 = arith.constant 0 : i32
    %dma_start3A_292 = arith.constant 0 : i32
    %dma_start3A_293 = tpu.memref_slice %arg2[%dma_start3A_291, %dma_start3A_292] : memref<262144x16xi32, #tpu.memory_space<hbm>> -> memref<262144x16xi32, #tpu.memory_space<hbm>>
    tpu.enqueue_indirect_dma source(%dma_start3A_293 : memref<262144x16xi32, #tpu.memory_space<hbm>>) target(%dma_start3A_288 : memref<128x16xi32, #tpu.memory_space<vmem>>) offsets(%dma_start3A_290 : memref<128xi32, #tpu.memory_space<vmem>>) semaphore(%arg19 : memref<!tpu.dma_semaphore, #tpu.memory_space<semaphore_mem>>)
    %dma_start3A_294 = arith.constant 2304 : i32
    %dma_start3A_295 = arith.constant 0 : i32
    %dma_start3A_296 = tpu.memref_slice %arg15[%dma_start3A_294, %dma_start3A_295] : memref<3840x16xi32, #tpu.memory_space<vmem>> -> memref<128x16xi32, #tpu.memory_space<vmem>>
    %dma_start3A_297 = arith.constant 2304 : i32
    %dma_start3A_298 = tpu.memref_slice %arg14[%dma_start3A_297] : memref<3840xi32, #tpu.memory_space<vmem>> -> memref<128xi32, #tpu.memory_space<vmem>>
    %dma_start3A_299 = arith.constant 0 : i32
    %dma_start3A_300 = arith.constant 0 : i32
    %dma_start3A_301 = tpu.memref_slice %arg2[%dma_start3A_299, %dma_start3A_300] : memref<262144x16xi32, #tpu.memory_space<hbm>> -> memref<262144x16xi32, #tpu.memory_space<hbm>>
    tpu.enqueue_indirect_dma source(%dma_start3A_301 : memref<262144x16xi32, #tpu.memory_space<hbm>>) target(%dma_start3A_296 : memref<128x16xi32, #tpu.memory_space<vmem>>) offsets(%dma_start3A_298 : memref<128xi32, #tpu.memory_space<vmem>>) semaphore(%arg19 : memref<!tpu.dma_semaphore, #tpu.memory_space<semaphore_mem>>)
    %dma_start3A_302 = arith.constant 2432 : i32
    %dma_start3A_303 = arith.constant 0 : i32
    %dma_start3A_304 = tpu.memref_slice %arg15[%dma_start3A_302, %dma_start3A_303] : memref<3840x16xi32, #tpu.memory_space<vmem>> -> memref<128x16xi32, #tpu.memory_space<vmem>>
    %dma_start3A_305 = arith.constant 2432 : i32
    %dma_start3A_306 = tpu.memref_slice %arg14[%dma_start3A_305] : memref<3840xi32, #tpu.memory_space<vmem>> -> memref<128xi32, #tpu.memory_space<vmem>>
    %dma_start3A_307 = arith.constant 0 : i32
    %dma_start3A_308 = arith.constant 0 : i32
    %dma_start3A_309 = tpu.memref_slice %arg2[%dma_start3A_307, %dma_start3A_308] : memref<262144x16xi32, #tpu.memory_space<hbm>> -> memref<262144x16xi32, #tpu.memory_space<hbm>>
    tpu.enqueue_indirect_dma source(%dma_start3A_309 : memref<262144x16xi32, #tpu.memory_space<hbm>>) target(%dma_start3A_304 : memref<128x16xi32, #tpu.memory_space<vmem>>) offsets(%dma_start3A_306 : memref<128xi32, #tpu.memory_space<vmem>>) semaphore(%arg19 : memref<!tpu.dma_semaphore, #tpu.memory_space<semaphore_mem>>)
    %dma_start3A_310 = arith.constant 2560 : i32
    %dma_start3A_311 = arith.constant 0 : i32
    %dma_start3A_312 = tpu.memref_slice %arg15[%dma_start3A_310, %dma_start3A_311] : memref<3840x16xi32, #tpu.memory_space<vmem>> -> memref<128x16xi32, #tpu.memory_space<vmem>>
    %dma_start3A_313 = arith.constant 2560 : i32
    %dma_start3A_314 = tpu.memref_slice %arg14[%dma_start3A_313] : memref<3840xi32, #tpu.memory_space<vmem>> -> memref<128xi32, #tpu.memory_space<vmem>>
    %dma_start3A_315 = arith.constant 0 : i32
    %dma_start3A_316 = arith.constant 0 : i32
    %dma_start3A_317 = tpu.memref_slice %arg2[%dma_start3A_315, %dma_start3A_316] : memref<262144x16xi32, #tpu.memory_space<hbm>> -> memref<262144x16xi32, #tpu.memory_space<hbm>>
    tpu.enqueue_indirect_dma source(%dma_start3A_317 : memref<262144x16xi32, #tpu.memory_space<hbm>>) target(%dma_start3A_312 : memref<128x16xi32, #tpu.memory_space<vmem>>) offsets(%dma_start3A_314 : memref<128xi32, #tpu.memory_space<vmem>>) semaphore(%arg19 : memref<!tpu.dma_semaphore, #tpu.memory_space<semaphore_mem>>)
    %dma_start3A_318 = arith.constant 2688 : i32
    %dma_start3A_319 = arith.constant 0 : i32
    %dma_start3A_320 = tpu.memref_slice %arg15[%dma_start3A_318, %dma_start3A_319] : memref<3840x16xi32, #tpu.memory_space<vmem>> -> memref<128x16xi32, #tpu.memory_space<vmem>>
    %dma_start3A_321 = arith.constant 2688 : i32
    %dma_start3A_322 = tpu.memref_slice %arg14[%dma_start3A_321] : memref<3840xi32, #tpu.memory_space<vmem>> -> memref<128xi32, #tpu.memory_space<vmem>>
    %dma_start3A_323 = arith.constant 0 : i32
    %dma_start3A_324 = arith.constant 0 : i32
    %dma_start3A_325 = tpu.memref_slice %arg2[%dma_start3A_323, %dma_start3A_324] : memref<262144x16xi32, #tpu.memory_space<hbm>> -> memref<262144x16xi32, #tpu.memory_space<hbm>>
    tpu.enqueue_indirect_dma source(%dma_start3A_325 : memref<262144x16xi32, #tpu.memory_space<hbm>>) target(%dma_start3A_320 : memref<128x16xi32, #tpu.memory_space<vmem>>) offsets(%dma_start3A_322 : memref<128xi32, #tpu.memory_space<vmem>>) semaphore(%arg19 : memref<!tpu.dma_semaphore, #tpu.memory_space<semaphore_mem>>)
    %dma_start3A_326 = arith.constant 2816 : i32
    %dma_start3A_327 = arith.constant 0 : i32
    %dma_start3A_328 = tpu.memref_slice %arg15[%dma_start3A_326, %dma_start3A_327] : memref<3840x16xi32, #tpu.memory_space<vmem>> -> memref<128x16xi32, #tpu.memory_space<vmem>>
    %dma_start3A_329 = arith.constant 2816 : i32
    %dma_start3A_330 = tpu.memref_slice %arg14[%dma_start3A_329] : memref<3840xi32, #tpu.memory_space<vmem>> -> memref<128xi32, #tpu.memory_space<vmem>>
    %dma_start3A_331 = arith.constant 0 : i32
    %dma_start3A_332 = arith.constant 0 : i32
    %dma_start3A_333 = tpu.memref_slice %arg2[%dma_start3A_331, %dma_start3A_332] : memref<262144x16xi32, #tpu.memory_space<hbm>> -> memref<262144x16xi32, #tpu.memory_space<hbm>>
    tpu.enqueue_indirect_dma source(%dma_start3A_333 : memref<262144x16xi32, #tpu.memory_space<hbm>>) target(%dma_start3A_328 : memref<128x16xi32, #tpu.memory_space<vmem>>) offsets(%dma_start3A_330 : memref<128xi32, #tpu.memory_space<vmem>>) semaphore(%arg19 : memref<!tpu.dma_semaphore, #tpu.memory_space<semaphore_mem>>)
    %dma_start3A_334 = arith.constant 2944 : i32
    %dma_start3A_335 = arith.constant 0 : i32
    %dma_start3A_336 = tpu.memref_slice %arg15[%dma_start3A_334, %dma_start3A_335] : memref<3840x16xi32, #tpu.memory_space<vmem>> -> memref<128x16xi32, #tpu.memory_space<vmem>>
    %dma_start3A_337 = arith.constant 2944 : i32
    %dma_start3A_338 = tpu.memref_slice %arg14[%dma_start3A_337] : memref<3840xi32, #tpu.memory_space<vmem>> -> memref<128xi32, #tpu.memory_space<vmem>>
    %dma_start3A_339 = arith.constant 0 : i32
    %dma_start3A_340 = arith.constant 0 : i32
    %dma_start3A_341 = tpu.memref_slice %arg2[%dma_start3A_339, %dma_start3A_340] : memref<262144x16xi32, #tpu.memory_space<hbm>> -> memref<262144x16xi32, #tpu.memory_space<hbm>>
    tpu.enqueue_indirect_dma source(%dma_start3A_341 : memref<262144x16xi32, #tpu.memory_space<hbm>>) target(%dma_start3A_336 : memref<128x16xi32, #tpu.memory_space<vmem>>) offsets(%dma_start3A_338 : memref<128xi32, #tpu.memory_space<vmem>>) semaphore(%arg19 : memref<!tpu.dma_semaphore, #tpu.memory_space<semaphore_mem>>)
    %dma_start3A_342 = arith.constant 3072 : i32
    %dma_start3A_343 = arith.constant 0 : i32
    %dma_start3A_344 = tpu.memref_slice %arg15[%dma_start3A_342, %dma_start3A_343] : memref<3840x16xi32, #tpu.memory_space<vmem>> -> memref<128x16xi32, #tpu.memory_space<vmem>>
    %dma_start3A_345 = arith.constant 3072 : i32
    %dma_start3A_346 = tpu.memref_slice %arg14[%dma_start3A_345] : memref<3840xi32, #tpu.memory_space<vmem>> -> memref<128xi32, #tpu.memory_space<vmem>>
    %dma_start3A_347 = arith.constant 0 : i32
    %dma_start3A_348 = arith.constant 0 : i32
    %dma_start3A_349 = tpu.memref_slice %arg2[%dma_start3A_347, %dma_start3A_348] : memref<262144x16xi32, #tpu.memory_space<hbm>> -> memref<262144x16xi32, #tpu.memory_space<hbm>>
    tpu.enqueue_indirect_dma source(%dma_start3A_349 : memref<262144x16xi32, #tpu.memory_space<hbm>>) target(%dma_start3A_344 : memref<128x16xi32, #tpu.memory_space<vmem>>) offsets(%dma_start3A_346 : memref<128xi32, #tpu.memory_space<vmem>>) semaphore(%arg19 : memref<!tpu.dma_semaphore, #tpu.memory_space<semaphore_mem>>)
    %dma_start3A_350 = arith.constant 3200 : i32
    %dma_start3A_351 = arith.constant 0 : i32
    %dma_start3A_352 = tpu.memref_slice %arg15[%dma_start3A_350, %dma_start3A_351] : memref<3840x16xi32, #tpu.memory_space<vmem>> -> memref<128x16xi32, #tpu.memory_space<vmem>>
    %dma_start3A_353 = arith.constant 3200 : i32
    %dma_start3A_354 = tpu.memref_slice %arg14[%dma_start3A_353] : memref<3840xi32, #tpu.memory_space<vmem>> -> memref<128xi32, #tpu.memory_space<vmem>>
    %dma_start3A_355 = arith.constant 0 : i32
    %dma_start3A_356 = arith.constant 0 : i32
    %dma_start3A_357 = tpu.memref_slice %arg2[%dma_start3A_355, %dma_start3A_356] : memref<262144x16xi32, #tpu.memory_space<hbm>> -> memref<262144x16xi32, #tpu.memory_space<hbm>>
    tpu.enqueue_indirect_dma source(%dma_start3A_357 : memref<262144x16xi32, #tpu.memory_space<hbm>>) target(%dma_start3A_352 : memref<128x16xi32, #tpu.memory_space<vmem>>) offsets(%dma_start3A_354 : memref<128xi32, #tpu.memory_space<vmem>>) semaphore(%arg19 : memref<!tpu.dma_semaphore, #tpu.memory_space<semaphore_mem>>)
    %dma_start3A_358 = arith.constant 3328 : i32
    %dma_start3A_359 = arith.constant 0 : i32
    %dma_start3A_360 = tpu.memref_slice %arg15[%dma_start3A_358, %dma_start3A_359] : memref<3840x16xi32, #tpu.memory_space<vmem>> -> memref<128x16xi32, #tpu.memory_space<vmem>>
    %dma_start3A_361 = arith.constant 3328 : i32
    %dma_start3A_362 = tpu.memref_slice %arg14[%dma_start3A_361] : memref<3840xi32, #tpu.memory_space<vmem>> -> memref<128xi32, #tpu.memory_space<vmem>>
    %dma_start3A_363 = arith.constant 0 : i32
    %dma_start3A_364 = arith.constant 0 : i32
    %dma_start3A_365 = tpu.memref_slice %arg2[%dma_start3A_363, %dma_start3A_364] : memref<262144x16xi32, #tpu.memory_space<hbm>> -> memref<262144x16xi32, #tpu.memory_space<hbm>>
    tpu.enqueue_indirect_dma source(%dma_start3A_365 : memref<262144x16xi32, #tpu.memory_space<hbm>>) target(%dma_start3A_360 : memref<128x16xi32, #tpu.memory_space<vmem>>) offsets(%dma_start3A_362 : memref<128xi32, #tpu.memory_space<vmem>>) semaphore(%arg19 : memref<!tpu.dma_semaphore, #tpu.memory_space<semaphore_mem>>)
    %dma_start3A_366 = arith.constant 3456 : i32
    %dma_start3A_367 = arith.constant 0 : i32
    %dma_start3A_368 = tpu.memref_slice %arg15[%dma_start3A_366, %dma_start3A_367] : memref<3840x16xi32, #tpu.memory_space<vmem>> -> memref<128x16xi32, #tpu.memory_space<vmem>>
    %dma_start3A_369 = arith.constant 3456 : i32
    %dma_start3A_370 = tpu.memref_slice %arg14[%dma_start3A_369] : memref<3840xi32, #tpu.memory_space<vmem>> -> memref<128xi32, #tpu.memory_space<vmem>>
    %dma_start3A_371 = arith.constant 0 : i32
    %dma_start3A_372 = arith.constant 0 : i32
    %dma_start3A_373 = tpu.memref_slice %arg2[%dma_start3A_371, %dma_start3A_372] : memref<262144x16xi32, #tpu.memory_space<hbm>> -> memref<262144x16xi32, #tpu.memory_space<hbm>>
    tpu.enqueue_indirect_dma source(%dma_start3A_373 : memref<262144x16xi32, #tpu.memory_space<hbm>>) target(%dma_start3A_368 : memref<128x16xi32, #tpu.memory_space<vmem>>) offsets(%dma_start3A_370 : memref<128xi32, #tpu.memory_space<vmem>>) semaphore(%arg19 : memref<!tpu.dma_semaphore, #tpu.memory_space<semaphore_mem>>)
    %dma_start3A_374 = arith.constant 3584 : i32
    %dma_start3A_375 = arith.constant 0 : i32
    %dma_start3A_376 = tpu.memref_slice %arg15[%dma_start3A_374, %dma_start3A_375] : memref<3840x16xi32, #tpu.memory_space<vmem>> -> memref<128x16xi32, #tpu.memory_space<vmem>>
    %dma_start3A_377 = arith.constant 3584 : i32
    %dma_start3A_378 = tpu.memref_slice %arg14[%dma_start3A_377] : memref<3840xi32, #tpu.memory_space<vmem>> -> memref<128xi32, #tpu.memory_space<vmem>>
    %dma_start3A_379 = arith.constant 0 : i32
    %dma_start3A_380 = arith.constant 0 : i32
    %dma_start3A_381 = tpu.memref_slice %arg2[%dma_start3A_379, %dma_start3A_380] : memref<262144x16xi32, #tpu.memory_space<hbm>> -> memref<262144x16xi32, #tpu.memory_space<hbm>>
    tpu.enqueue_indirect_dma source(%dma_start3A_381 : memref<262144x16xi32, #tpu.memory_space<hbm>>) target(%dma_start3A_376 : memref<128x16xi32, #tpu.memory_space<vmem>>) offsets(%dma_start3A_378 : memref<128xi32, #tpu.memory_space<vmem>>) semaphore(%arg19 : memref<!tpu.dma_semaphore, #tpu.memory_space<semaphore_mem>>)
    %dma_start3A_382 = arith.constant 3712 : i32
    %dma_start3A_383 = arith.constant 0 : i32
    %dma_start3A_384 = tpu.memref_slice %arg15[%dma_start3A_382, %dma_start3A_383] : memref<3840x16xi32, #tpu.memory_space<vmem>> -> memref<128x16xi32, #tpu.memory_space<vmem>>
    %dma_start3A_385 = arith.constant 3712 : i32
    %dma_start3A_386 = tpu.memref_slice %arg14[%dma_start3A_385] : memref<3840xi32, #tpu.memory_space<vmem>> -> memref<128xi32, #tpu.memory_space<vmem>>
    %dma_start3A_387 = arith.constant 0 : i32
    %dma_start3A_388 = arith.constant 0 : i32
    %dma_start3A_389 = tpu.memref_slice %arg2[%dma_start3A_387, %dma_start3A_388] : memref<262144x16xi32, #tpu.memory_space<hbm>> -> memref<262144x16xi32, #tpu.memory_space<hbm>>
    tpu.enqueue_indirect_dma source(%dma_start3A_389 : memref<262144x16xi32, #tpu.memory_space<hbm>>) target(%dma_start3A_384 : memref<128x16xi32, #tpu.memory_space<vmem>>) offsets(%dma_start3A_386 : memref<128xi32, #tpu.memory_space<vmem>>) semaphore(%arg19 : memref<!tpu.dma_semaphore, #tpu.memory_space<semaphore_mem>>)
    %dma_wait3A_390 = arith.constant 0 : i32
    %dma_wait3A_391 = arith.constant 0 : i32
    %dma_wait3A_392 = tpu.memref_slice %arg15[%dma_wait3A_390, %dma_wait3A_391] : memref<3840x16xi32, #tpu.memory_space<vmem>> -> memref<128x16xi32, #tpu.memory_space<vmem>>
    %dma_wait3A_393 = arith.constant 0 : i32
    %dma_wait3A_394 = tpu.memref_slice %arg14[%dma_wait3A_393] : memref<3840xi32, #tpu.memory_space<vmem>> -> memref<128xi32, #tpu.memory_space<vmem>>
    %dma_wait3A_395 = arith.constant 0 : i32
    %dma_wait3A_396 = arith.constant 0 : i32
    %dma_wait3A_397 = tpu.memref_slice %arg2[%dma_wait3A_395, %dma_wait3A_396] : memref<262144x16xi32, #tpu.memory_space<hbm>> -> memref<262144x16xi32, #tpu.memory_space<hbm>>
    tpu.wait_indirect_dma semaphore(%arg19 : memref<!tpu.dma_semaphore, #tpu.memory_space<semaphore_mem>>) src(%dma_wait3A_397 : memref<262144x16xi32, #tpu.memory_space<hbm>>) dst(%dma_wait3A_392 : memref<128x16xi32, #tpu.memory_space<vmem>>)
    %dma_wait3A_398 = arith.constant 128 : i32
    %dma_wait3A_399 = arith.constant 0 : i32
    %dma_wait3A_400 = tpu.memref_slice %arg15[%dma_wait3A_398, %dma_wait3A_399] : memref<3840x16xi32, #tpu.memory_space<vmem>> -> memref<128x16xi32, #tpu.memory_space<vmem>>
    %dma_wait3A_401 = arith.constant 128 : i32
    %dma_wait3A_402 = tpu.memref_slice %arg14[%dma_wait3A_401] : memref<3840xi32, #tpu.memory_space<vmem>> -> memref<128xi32, #tpu.memory_space<vmem>>
    %dma_wait3A_403 = arith.constant 0 : i32
    %dma_wait3A_404 = arith.constant 0 : i32
    %dma_wait3A_405 = tpu.memref_slice %arg2[%dma_wait3A_403, %dma_wait3A_404] : memref<262144x16xi32, #tpu.memory_space<hbm>> -> memref<262144x16xi32, #tpu.memory_space<hbm>>
    tpu.wait_indirect_dma semaphore(%arg19 : memref<!tpu.dma_semaphore, #tpu.memory_space<semaphore_mem>>) src(%dma_wait3A_405 : memref<262144x16xi32, #tpu.memory_space<hbm>>) dst(%dma_wait3A_400 : memref<128x16xi32, #tpu.memory_space<vmem>>)
    %dma_wait3A_406 = arith.constant 256 : i32
    %dma_wait3A_407 = arith.constant 0 : i32
    %dma_wait3A_408 = tpu.memref_slice %arg15[%dma_wait3A_406, %dma_wait3A_407] : memref<3840x16xi32, #tpu.memory_space<vmem>> -> memref<128x16xi32, #tpu.memory_space<vmem>>
    %dma_wait3A_409 = arith.constant 256 : i32
    %dma_wait3A_410 = tpu.memref_slice %arg14[%dma_wait3A_409] : memref<3840xi32, #tpu.memory_space<vmem>> -> memref<128xi32, #tpu.memory_space<vmem>>
    %dma_wait3A_411 = arith.constant 0 : i32
    %dma_wait3A_412 = arith.constant 0 : i32
    %dma_wait3A_413 = tpu.memref_slice %arg2[%dma_wait3A_411, %dma_wait3A_412] : memref<262144x16xi32, #tpu.memory_space<hbm>> -> memref<262144x16xi32, #tpu.memory_space<hbm>>
    tpu.wait_indirect_dma semaphore(%arg19 : memref<!tpu.dma_semaphore, #tpu.memory_space<semaphore_mem>>) src(%dma_wait3A_413 : memref<262144x16xi32, #tpu.memory_space<hbm>>) dst(%dma_wait3A_408 : memref<128x16xi32, #tpu.memory_space<vmem>>)
    %dma_wait3A_414 = arith.constant 384 : i32
    %dma_wait3A_415 = arith.constant 0 : i32
    %dma_wait3A_416 = tpu.memref_slice %arg15[%dma_wait3A_414, %dma_wait3A_415] : memref<3840x16xi32, #tpu.memory_space<vmem>> -> memref<128x16xi32, #tpu.memory_space<vmem>>
    %dma_wait3A_417 = arith.constant 384 : i32
    %dma_wait3A_418 = tpu.memref_slice %arg14[%dma_wait3A_417] : memref<3840xi32, #tpu.memory_space<vmem>> -> memref<128xi32, #tpu.memory_space<vmem>>
    %dma_wait3A_419 = arith.constant 0 : i32
    %dma_wait3A_420 = arith.constant 0 : i32
    %dma_wait3A_421 = tpu.memref_slice %arg2[%dma_wait3A_419, %dma_wait3A_420] : memref<262144x16xi32, #tpu.memory_space<hbm>> -> memref<262144x16xi32, #tpu.memory_space<hbm>>
    tpu.wait_indirect_dma semaphore(%arg19 : memref<!tpu.dma_semaphore, #tpu.memory_space<semaphore_mem>>) src(%dma_wait3A_421 : memref<262144x16xi32, #tpu.memory_space<hbm>>) dst(%dma_wait3A_416 : memref<128x16xi32, #tpu.memory_space<vmem>>)
    %dma_wait3A_422 = arith.constant 512 : i32
    %dma_wait3A_423 = arith.constant 0 : i32
    %dma_wait3A_424 = tpu.memref_slice %arg15[%dma_wait3A_422, %dma_wait3A_423] : memref<3840x16xi32, #tpu.memory_space<vmem>> -> memref<128x16xi32, #tpu.memory_space<vmem>>
    %dma_wait3A_425 = arith.constant 512 : i32
    %dma_wait3A_426 = tpu.memref_slice %arg14[%dma_wait3A_425] : memref<3840xi32, #tpu.memory_space<vmem>> -> memref<128xi32, #tpu.memory_space<vmem>>
    %dma_wait3A_427 = arith.constant 0 : i32
    %dma_wait3A_428 = arith.constant 0 : i32
    %dma_wait3A_429 = tpu.memref_slice %arg2[%dma_wait3A_427, %dma_wait3A_428] : memref<262144x16xi32, #tpu.memory_space<hbm>> -> memref<262144x16xi32, #tpu.memory_space<hbm>>
    tpu.wait_indirect_dma semaphore(%arg19 : memref<!tpu.dma_semaphore, #tpu.memory_space<semaphore_mem>>) src(%dma_wait3A_429 : memref<262144x16xi32, #tpu.memory_space<hbm>>) dst(%dma_wait3A_424 : memref<128x16xi32, #tpu.memory_space<vmem>>)
    %dma_wait3A_430 = arith.constant 640 : i32
    %dma_wait3A_431 = arith.constant 0 : i32
    %dma_wait3A_432 = tpu.memref_slice %arg15[%dma_wait3A_430, %dma_wait3A_431] : memref<3840x16xi32, #tpu.memory_space<vmem>> -> memref<128x16xi32, #tpu.memory_space<vmem>>
    %dma_wait3A_433 = arith.constant 640 : i32
    %dma_wait3A_434 = tpu.memref_slice %arg14[%dma_wait3A_433] : memref<3840xi32, #tpu.memory_space<vmem>> -> memref<128xi32, #tpu.memory_space<vmem>>
    %dma_wait3A_435 = arith.constant 0 : i32
    %dma_wait3A_436 = arith.constant 0 : i32
    %dma_wait3A_437 = tpu.memref_slice %arg2[%dma_wait3A_435, %dma_wait3A_436] : memref<262144x16xi32, #tpu.memory_space<hbm>> -> memref<262144x16xi32, #tpu.memory_space<hbm>>
    tpu.wait_indirect_dma semaphore(%arg19 : memref<!tpu.dma_semaphore, #tpu.memory_space<semaphore_mem>>) src(%dma_wait3A_437 : memref<262144x16xi32, #tpu.memory_space<hbm>>) dst(%dma_wait3A_432 : memref<128x16xi32, #tpu.memory_space<vmem>>)
    %dma_wait3A_438 = arith.constant 768 : i32
    %dma_wait3A_439 = arith.constant 0 : i32
    %dma_wait3A_440 = tpu.memref_slice %arg15[%dma_wait3A_438, %dma_wait3A_439] : memref<3840x16xi32, #tpu.memory_space<vmem>> -> memref<128x16xi32, #tpu.memory_space<vmem>>
    %dma_wait3A_441 = arith.constant 768 : i32
    %dma_wait3A_442 = tpu.memref_slice %arg14[%dma_wait3A_441] : memref<3840xi32, #tpu.memory_space<vmem>> -> memref<128xi32, #tpu.memory_space<vmem>>
    %dma_wait3A_443 = arith.constant 0 : i32
    %dma_wait3A_444 = arith.constant 0 : i32
    %dma_wait3A_445 = tpu.memref_slice %arg2[%dma_wait3A_443, %dma_wait3A_444] : memref<262144x16xi32, #tpu.memory_space<hbm>> -> memref<262144x16xi32, #tpu.memory_space<hbm>>
    tpu.wait_indirect_dma semaphore(%arg19 : memref<!tpu.dma_semaphore, #tpu.memory_space<semaphore_mem>>) src(%dma_wait3A_445 : memref<262144x16xi32, #tpu.memory_space<hbm>>) dst(%dma_wait3A_440 : memref<128x16xi32, #tpu.memory_space<vmem>>)
    %dma_wait3A_446 = arith.constant 896 : i32
    %dma_wait3A_447 = arith.constant 0 : i32
    %dma_wait3A_448 = tpu.memref_slice %arg15[%dma_wait3A_446, %dma_wait3A_447] : memref<3840x16xi32, #tpu.memory_space<vmem>> -> memref<128x16xi32, #tpu.memory_space<vmem>>
    %dma_wait3A_449 = arith.constant 896 : i32
    %dma_wait3A_450 = tpu.memref_slice %arg14[%dma_wait3A_449] : memref<3840xi32, #tpu.memory_space<vmem>> -> memref<128xi32, #tpu.memory_space<vmem>>
    %dma_wait3A_451 = arith.constant 0 : i32
    %dma_wait3A_452 = arith.constant 0 : i32
    %dma_wait3A_453 = tpu.memref_slice %arg2[%dma_wait3A_451, %dma_wait3A_452] : memref<262144x16xi32, #tpu.memory_space<hbm>> -> memref<262144x16xi32, #tpu.memory_space<hbm>>
    tpu.wait_indirect_dma semaphore(%arg19 : memref<!tpu.dma_semaphore, #tpu.memory_space<semaphore_mem>>) src(%dma_wait3A_453 : memref<262144x16xi32, #tpu.memory_space<hbm>>) dst(%dma_wait3A_448 : memref<128x16xi32, #tpu.memory_space<vmem>>)
    %dma_wait3A_454 = arith.constant 1024 : i32
    %dma_wait3A_455 = arith.constant 0 : i32
    %dma_wait3A_456 = tpu.memref_slice %arg15[%dma_wait3A_454, %dma_wait3A_455] : memref<3840x16xi32, #tpu.memory_space<vmem>> -> memref<128x16xi32, #tpu.memory_space<vmem>>
    %dma_wait3A_457 = arith.constant 1024 : i32
    %dma_wait3A_458 = tpu.memref_slice %arg14[%dma_wait3A_457] : memref<3840xi32, #tpu.memory_space<vmem>> -> memref<128xi32, #tpu.memory_space<vmem>>
    %dma_wait3A_459 = arith.constant 0 : i32
    %dma_wait3A_460 = arith.constant 0 : i32
    %dma_wait3A_461 = tpu.memref_slice %arg2[%dma_wait3A_459, %dma_wait3A_460] : memref<262144x16xi32, #tpu.memory_space<hbm>> -> memref<262144x16xi32, #tpu.memory_space<hbm>>
    tpu.wait_indirect_dma semaphore(%arg19 : memref<!tpu.dma_semaphore, #tpu.memory_space<semaphore_mem>>) src(%dma_wait3A_461 : memref<262144x16xi32, #tpu.memory_space<hbm>>) dst(%dma_wait3A_456 : memref<128x16xi32, #tpu.memory_space<vmem>>)
    %dma_wait3A_462 = arith.constant 1152 : i32
    %dma_wait3A_463 = arith.constant 0 : i32
    %dma_wait3A_464 = tpu.memref_slice %arg15[%dma_wait3A_462, %dma_wait3A_463] : memref<3840x16xi32, #tpu.memory_space<vmem>> -> memref<128x16xi32, #tpu.memory_space<vmem>>
    %dma_wait3A_465 = arith.constant 1152 : i32
    %dma_wait3A_466 = tpu.memref_slice %arg14[%dma_wait3A_465] : memref<3840xi32, #tpu.memory_space<vmem>> -> memref<128xi32, #tpu.memory_space<vmem>>
    %dma_wait3A_467 = arith.constant 0 : i32
    %dma_wait3A_468 = arith.constant 0 : i32
    %dma_wait3A_469 = tpu.memref_slice %arg2[%dma_wait3A_467, %dma_wait3A_468] : memref<262144x16xi32, #tpu.memory_space<hbm>> -> memref<262144x16xi32, #tpu.memory_space<hbm>>
    tpu.wait_indirect_dma semaphore(%arg19 : memref<!tpu.dma_semaphore, #tpu.memory_space<semaphore_mem>>) src(%dma_wait3A_469 : memref<262144x16xi32, #tpu.memory_space<hbm>>) dst(%dma_wait3A_464 : memref<128x16xi32, #tpu.memory_space<vmem>>)
    %dma_wait3A_470 = arith.constant 1280 : i32
    %dma_wait3A_471 = arith.constant 0 : i32
    %dma_wait3A_472 = tpu.memref_slice %arg15[%dma_wait3A_470, %dma_wait3A_471] : memref<3840x16xi32, #tpu.memory_space<vmem>> -> memref<128x16xi32, #tpu.memory_space<vmem>>
    %dma_wait3A_473 = arith.constant 1280 : i32
    %dma_wait3A_474 = tpu.memref_slice %arg14[%dma_wait3A_473] : memref<3840xi32, #tpu.memory_space<vmem>> -> memref<128xi32, #tpu.memory_space<vmem>>
    %dma_wait3A_475 = arith.constant 0 : i32
    %dma_wait3A_476 = arith.constant 0 : i32
    %dma_wait3A_477 = tpu.memref_slice %arg2[%dma_wait3A_475, %dma_wait3A_476] : memref<262144x16xi32, #tpu.memory_space<hbm>> -> memref<262144x16xi32, #tpu.memory_space<hbm>>
    tpu.wait_indirect_dma semaphore(%arg19 : memref<!tpu.dma_semaphore, #tpu.memory_space<semaphore_mem>>) src(%dma_wait3A_477 : memref<262144x16xi32, #tpu.memory_space<hbm>>) dst(%dma_wait3A_472 : memref<128x16xi32, #tpu.memory_space<vmem>>)
    %dma_wait3A_478 = arith.constant 1408 : i32
    %dma_wait3A_479 = arith.constant 0 : i32
    %dma_wait3A_480 = tpu.memref_slice %arg15[%dma_wait3A_478, %dma_wait3A_479] : memref<3840x16xi32, #tpu.memory_space<vmem>> -> memref<128x16xi32, #tpu.memory_space<vmem>>
    %dma_wait3A_481 = arith.constant 1408 : i32
    %dma_wait3A_482 = tpu.memref_slice %arg14[%dma_wait3A_481] : memref<3840xi32, #tpu.memory_space<vmem>> -> memref<128xi32, #tpu.memory_space<vmem>>
    %dma_wait3A_483 = arith.constant 0 : i32
    %dma_wait3A_484 = arith.constant 0 : i32
    %dma_wait3A_485 = tpu.memref_slice %arg2[%dma_wait3A_483, %dma_wait3A_484] : memref<262144x16xi32, #tpu.memory_space<hbm>> -> memref<262144x16xi32, #tpu.memory_space<hbm>>
    tpu.wait_indirect_dma semaphore(%arg19 : memref<!tpu.dma_semaphore, #tpu.memory_space<semaphore_mem>>) src(%dma_wait3A_485 : memref<262144x16xi32, #tpu.memory_space<hbm>>) dst(%dma_wait3A_480 : memref<128x16xi32, #tpu.memory_space<vmem>>)
    %dma_wait3A_486 = arith.constant 1536 : i32
    %dma_wait3A_487 = arith.constant 0 : i32
    %dma_wait3A_488 = tpu.memref_slice %arg15[%dma_wait3A_486, %dma_wait3A_487] : memref<3840x16xi32, #tpu.memory_space<vmem>> -> memref<128x16xi32, #tpu.memory_space<vmem>>
    %dma_wait3A_489 = arith.constant 1536 : i32
    %dma_wait3A_490 = tpu.memref_slice %arg14[%dma_wait3A_489] : memref<3840xi32, #tpu.memory_space<vmem>> -> memref<128xi32, #tpu.memory_space<vmem>>
    %dma_wait3A_491 = arith.constant 0 : i32
    %dma_wait3A_492 = arith.constant 0 : i32
    %dma_wait3A_493 = tpu.memref_slice %arg2[%dma_wait3A_491, %dma_wait3A_492] : memref<262144x16xi32, #tpu.memory_space<hbm>> -> memref<262144x16xi32, #tpu.memory_space<hbm>>
    tpu.wait_indirect_dma semaphore(%arg19 : memref<!tpu.dma_semaphore, #tpu.memory_space<semaphore_mem>>) src(%dma_wait3A_493 : memref<262144x16xi32, #tpu.memory_space<hbm>>) dst(%dma_wait3A_488 : memref<128x16xi32, #tpu.memory_space<vmem>>)
    %dma_wait3A_494 = arith.constant 1664 : i32
    %dma_wait3A_495 = arith.constant 0 : i32
    %dma_wait3A_496 = tpu.memref_slice %arg15[%dma_wait3A_494, %dma_wait3A_495] : memref<3840x16xi32, #tpu.memory_space<vmem>> -> memref<128x16xi32, #tpu.memory_space<vmem>>
    %dma_wait3A_497 = arith.constant 1664 : i32
    %dma_wait3A_498 = tpu.memref_slice %arg14[%dma_wait3A_497] : memref<3840xi32, #tpu.memory_space<vmem>> -> memref<128xi32, #tpu.memory_space<vmem>>
    %dma_wait3A_499 = arith.constant 0 : i32
    %dma_wait3A_500 = arith.constant 0 : i32
    %dma_wait3A_501 = tpu.memref_slice %arg2[%dma_wait3A_499, %dma_wait3A_500] : memref<262144x16xi32, #tpu.memory_space<hbm>> -> memref<262144x16xi32, #tpu.memory_space<hbm>>
    tpu.wait_indirect_dma semaphore(%arg19 : memref<!tpu.dma_semaphore, #tpu.memory_space<semaphore_mem>>) src(%dma_wait3A_501 : memref<262144x16xi32, #tpu.memory_space<hbm>>) dst(%dma_wait3A_496 : memref<128x16xi32, #tpu.memory_space<vmem>>)
    %dma_wait3A_502 = arith.constant 1792 : i32
    %dma_wait3A_503 = arith.constant 0 : i32
    %dma_wait3A_504 = tpu.memref_slice %arg15[%dma_wait3A_502, %dma_wait3A_503] : memref<3840x16xi32, #tpu.memory_space<vmem>> -> memref<128x16xi32, #tpu.memory_space<vmem>>
    %dma_wait3A_505 = arith.constant 1792 : i32
    %dma_wait3A_506 = tpu.memref_slice %arg14[%dma_wait3A_505] : memref<3840xi32, #tpu.memory_space<vmem>> -> memref<128xi32, #tpu.memory_space<vmem>>
    %dma_wait3A_507 = arith.constant 0 : i32
    %dma_wait3A_508 = arith.constant 0 : i32
    %dma_wait3A_509 = tpu.memref_slice %arg2[%dma_wait3A_507, %dma_wait3A_508] : memref<262144x16xi32, #tpu.memory_space<hbm>> -> memref<262144x16xi32, #tpu.memory_space<hbm>>
    tpu.wait_indirect_dma semaphore(%arg19 : memref<!tpu.dma_semaphore, #tpu.memory_space<semaphore_mem>>) src(%dma_wait3A_509 : memref<262144x16xi32, #tpu.memory_space<hbm>>) dst(%dma_wait3A_504 : memref<128x16xi32, #tpu.memory_space<vmem>>)
    %dma_wait3A_510 = arith.constant 1920 : i32
    %dma_wait3A_511 = arith.constant 0 : i32
    %dma_wait3A_512 = tpu.memref_slice %arg15[%dma_wait3A_510, %dma_wait3A_511] : memref<3840x16xi32, #tpu.memory_space<vmem>> -> memref<128x16xi32, #tpu.memory_space<vmem>>
    %dma_wait3A_513 = arith.constant 1920 : i32
    %dma_wait3A_514 = tpu.memref_slice %arg14[%dma_wait3A_513] : memref<3840xi32, #tpu.memory_space<vmem>> -> memref<128xi32, #tpu.memory_space<vmem>>
    %dma_wait3A_515 = arith.constant 0 : i32
    %dma_wait3A_516 = arith.constant 0 : i32
    %dma_wait3A_517 = tpu.memref_slice %arg2[%dma_wait3A_515, %dma_wait3A_516] : memref<262144x16xi32, #tpu.memory_space<hbm>> -> memref<262144x16xi32, #tpu.memory_space<hbm>>
    tpu.wait_indirect_dma semaphore(%arg19 : memref<!tpu.dma_semaphore, #tpu.memory_space<semaphore_mem>>) src(%dma_wait3A_517 : memref<262144x16xi32, #tpu.memory_space<hbm>>) dst(%dma_wait3A_512 : memref<128x16xi32, #tpu.memory_space<vmem>>)
    %dma_wait3A_518 = arith.constant 2048 : i32
    %dma_wait3A_519 = arith.constant 0 : i32
    %dma_wait3A_520 = tpu.memref_slice %arg15[%dma_wait3A_518, %dma_wait3A_519] : memref<3840x16xi32, #tpu.memory_space<vmem>> -> memref<128x16xi32, #tpu.memory_space<vmem>>
    %dma_wait3A_521 = arith.constant 2048 : i32
    %dma_wait3A_522 = tpu.memref_slice %arg14[%dma_wait3A_521] : memref<3840xi32, #tpu.memory_space<vmem>> -> memref<128xi32, #tpu.memory_space<vmem>>
    %dma_wait3A_523 = arith.constant 0 : i32
    %dma_wait3A_524 = arith.constant 0 : i32
    %dma_wait3A_525 = tpu.memref_slice %arg2[%dma_wait3A_523, %dma_wait3A_524] : memref<262144x16xi32, #tpu.memory_space<hbm>> -> memref<262144x16xi32, #tpu.memory_space<hbm>>
    tpu.wait_indirect_dma semaphore(%arg19 : memref<!tpu.dma_semaphore, #tpu.memory_space<semaphore_mem>>) src(%dma_wait3A_525 : memref<262144x16xi32, #tpu.memory_space<hbm>>) dst(%dma_wait3A_520 : memref<128x16xi32, #tpu.memory_space<vmem>>)
    %dma_wait3A_526 = arith.constant 2176 : i32
    %dma_wait3A_527 = arith.constant 0 : i32
    %dma_wait3A_528 = tpu.memref_slice %arg15[%dma_wait3A_526, %dma_wait3A_527] : memref<3840x16xi32, #tpu.memory_space<vmem>> -> memref<128x16xi32, #tpu.memory_space<vmem>>
    %dma_wait3A_529 = arith.constant 2176 : i32
    %dma_wait3A_530 = tpu.memref_slice %arg14[%dma_wait3A_529] : memref<3840xi32, #tpu.memory_space<vmem>> -> memref<128xi32, #tpu.memory_space<vmem>>
    %dma_wait3A_531 = arith.constant 0 : i32
    %dma_wait3A_532 = arith.constant 0 : i32
    %dma_wait3A_533 = tpu.memref_slice %arg2[%dma_wait3A_531, %dma_wait3A_532] : memref<262144x16xi32, #tpu.memory_space<hbm>> -> memref<262144x16xi32, #tpu.memory_space<hbm>>
    tpu.wait_indirect_dma semaphore(%arg19 : memref<!tpu.dma_semaphore, #tpu.memory_space<semaphore_mem>>) src(%dma_wait3A_533 : memref<262144x16xi32, #tpu.memory_space<hbm>>) dst(%dma_wait3A_528 : memref<128x16xi32, #tpu.memory_space<vmem>>)
    %dma_wait3A_534 = arith.constant 2304 : i32
    %dma_wait3A_535 = arith.constant 0 : i32
    %dma_wait3A_536 = tpu.memref_slice %arg15[%dma_wait3A_534, %dma_wait3A_535] : memref<3840x16xi32, #tpu.memory_space<vmem>> -> memref<128x16xi32, #tpu.memory_space<vmem>>
    %dma_wait3A_537 = arith.constant 2304 : i32
    %dma_wait3A_538 = tpu.memref_slice %arg14[%dma_wait3A_537] : memref<3840xi32, #tpu.memory_space<vmem>> -> memref<128xi32, #tpu.memory_space<vmem>>
    %dma_wait3A_539 = arith.constant 0 : i32
    %dma_wait3A_540 = arith.constant 0 : i32
    %dma_wait3A_541 = tpu.memref_slice %arg2[%dma_wait3A_539, %dma_wait3A_540] : memref<262144x16xi32, #tpu.memory_space<hbm>> -> memref<262144x16xi32, #tpu.memory_space<hbm>>
    tpu.wait_indirect_dma semaphore(%arg19 : memref<!tpu.dma_semaphore, #tpu.memory_space<semaphore_mem>>) src(%dma_wait3A_541 : memref<262144x16xi32, #tpu.memory_space<hbm>>) dst(%dma_wait3A_536 : memref<128x16xi32, #tpu.memory_space<vmem>>)
    %dma_wait3A_542 = arith.constant 2432 : i32
    %dma_wait3A_543 = arith.constant 0 : i32
    %dma_wait3A_544 = tpu.memref_slice %arg15[%dma_wait3A_542, %dma_wait3A_543] : memref<3840x16xi32, #tpu.memory_space<vmem>> -> memref<128x16xi32, #tpu.memory_space<vmem>>
    %dma_wait3A_545 = arith.constant 2432 : i32
    %dma_wait3A_546 = tpu.memref_slice %arg14[%dma_wait3A_545] : memref<3840xi32, #tpu.memory_space<vmem>> -> memref<128xi32, #tpu.memory_space<vmem>>
    %dma_wait3A_547 = arith.constant 0 : i32
    %dma_wait3A_548 = arith.constant 0 : i32
    %dma_wait3A_549 = tpu.memref_slice %arg2[%dma_wait3A_547, %dma_wait3A_548] : memref<262144x16xi32, #tpu.memory_space<hbm>> -> memref<262144x16xi32, #tpu.memory_space<hbm>>
    tpu.wait_indirect_dma semaphore(%arg19 : memref<!tpu.dma_semaphore, #tpu.memory_space<semaphore_mem>>) src(%dma_wait3A_549 : memref<262144x16xi32, #tpu.memory_space<hbm>>) dst(%dma_wait3A_544 : memref<128x16xi32, #tpu.memory_space<vmem>>)
    %dma_wait3A_550 = arith.constant 2560 : i32
    %dma_wait3A_551 = arith.constant 0 : i32
    %dma_wait3A_552 = tpu.memref_slice %arg15[%dma_wait3A_550, %dma_wait3A_551] : memref<3840x16xi32, #tpu.memory_space<vmem>> -> memref<128x16xi32, #tpu.memory_space<vmem>>
    %dma_wait3A_553 = arith.constant 2560 : i32
    %dma_wait3A_554 = tpu.memref_slice %arg14[%dma_wait3A_553] : memref<3840xi32, #tpu.memory_space<vmem>> -> memref<128xi32, #tpu.memory_space<vmem>>
    %dma_wait3A_555 = arith.constant 0 : i32
    %dma_wait3A_556 = arith.constant 0 : i32
    %dma_wait3A_557 = tpu.memref_slice %arg2[%dma_wait3A_555, %dma_wait3A_556] : memref<262144x16xi32, #tpu.memory_space<hbm>> -> memref<262144x16xi32, #tpu.memory_space<hbm>>
    tpu.wait_indirect_dma semaphore(%arg19 : memref<!tpu.dma_semaphore, #tpu.memory_space<semaphore_mem>>) src(%dma_wait3A_557 : memref<262144x16xi32, #tpu.memory_space<hbm>>) dst(%dma_wait3A_552 : memref<128x16xi32, #tpu.memory_space<vmem>>)
    %dma_wait3A_558 = arith.constant 2688 : i32
    %dma_wait3A_559 = arith.constant 0 : i32
    %dma_wait3A_560 = tpu.memref_slice %arg15[%dma_wait3A_558, %dma_wait3A_559] : memref<3840x16xi32, #tpu.memory_space<vmem>> -> memref<128x16xi32, #tpu.memory_space<vmem>>
    %dma_wait3A_561 = arith.constant 2688 : i32
    %dma_wait3A_562 = tpu.memref_slice %arg14[%dma_wait3A_561] : memref<3840xi32, #tpu.memory_space<vmem>> -> memref<128xi32, #tpu.memory_space<vmem>>
    %dma_wait3A_563 = arith.constant 0 : i32
    %dma_wait3A_564 = arith.constant 0 : i32
    %dma_wait3A_565 = tpu.memref_slice %arg2[%dma_wait3A_563, %dma_wait3A_564] : memref<262144x16xi32, #tpu.memory_space<hbm>> -> memref<262144x16xi32, #tpu.memory_space<hbm>>
    tpu.wait_indirect_dma semaphore(%arg19 : memref<!tpu.dma_semaphore, #tpu.memory_space<semaphore_mem>>) src(%dma_wait3A_565 : memref<262144x16xi32, #tpu.memory_space<hbm>>) dst(%dma_wait3A_560 : memref<128x16xi32, #tpu.memory_space<vmem>>)
    %dma_wait3A_566 = arith.constant 2816 : i32
    %dma_wait3A_567 = arith.constant 0 : i32
    %dma_wait3A_568 = tpu.memref_slice %arg15[%dma_wait3A_566, %dma_wait3A_567] : memref<3840x16xi32, #tpu.memory_space<vmem>> -> memref<128x16xi32, #tpu.memory_space<vmem>>
    %dma_wait3A_569 = arith.constant 2816 : i32
    %dma_wait3A_570 = tpu.memref_slice %arg14[%dma_wait3A_569] : memref<3840xi32, #tpu.memory_space<vmem>> -> memref<128xi32, #tpu.memory_space<vmem>>
    %dma_wait3A_571 = arith.constant 0 : i32
    %dma_wait3A_572 = arith.constant 0 : i32
    %dma_wait3A_573 = tpu.memref_slice %arg2[%dma_wait3A_571, %dma_wait3A_572] : memref<262144x16xi32, #tpu.memory_space<hbm>> -> memref<262144x16xi32, #tpu.memory_space<hbm>>
    tpu.wait_indirect_dma semaphore(%arg19 : memref<!tpu.dma_semaphore, #tpu.memory_space<semaphore_mem>>) src(%dma_wait3A_573 : memref<262144x16xi32, #tpu.memory_space<hbm>>) dst(%dma_wait3A_568 : memref<128x16xi32, #tpu.memory_space<vmem>>)
    %dma_wait3A_574 = arith.constant 2944 : i32
    %dma_wait3A_575 = arith.constant 0 : i32
    %dma_wait3A_576 = tpu.memref_slice %arg15[%dma_wait3A_574, %dma_wait3A_575] : memref<3840x16xi32, #tpu.memory_space<vmem>> -> memref<128x16xi32, #tpu.memory_space<vmem>>
    %dma_wait3A_577 = arith.constant 2944 : i32
    %dma_wait3A_578 = tpu.memref_slice %arg14[%dma_wait3A_577] : memref<3840xi32, #tpu.memory_space<vmem>> -> memref<128xi32, #tpu.memory_space<vmem>>
    %dma_wait3A_579 = arith.constant 0 : i32
    %dma_wait3A_580 = arith.constant 0 : i32
    %dma_wait3A_581 = tpu.memref_slice %arg2[%dma_wait3A_579, %dma_wait3A_580] : memref<262144x16xi32, #tpu.memory_space<hbm>> -> memref<262144x16xi32, #tpu.memory_space<hbm>>
    tpu.wait_indirect_dma semaphore(%arg19 : memref<!tpu.dma_semaphore, #tpu.memory_space<semaphore_mem>>) src(%dma_wait3A_581 : memref<262144x16xi32, #tpu.memory_space<hbm>>) dst(%dma_wait3A_576 : memref<128x16xi32, #tpu.memory_space<vmem>>)
    %dma_wait3A_582 = arith.constant 3072 : i32
    %dma_wait3A_583 = arith.constant 0 : i32
    %dma_wait3A_584 = tpu.memref_slice %arg15[%dma_wait3A_582, %dma_wait3A_583] : memref<3840x16xi32, #tpu.memory_space<vmem>> -> memref<128x16xi32, #tpu.memory_space<vmem>>
    %dma_wait3A_585 = arith.constant 3072 : i32
    %dma_wait3A_586 = tpu.memref_slice %arg14[%dma_wait3A_585] : memref<3840xi32, #tpu.memory_space<vmem>> -> memref<128xi32, #tpu.memory_space<vmem>>
    %dma_wait3A_587 = arith.constant 0 : i32
    %dma_wait3A_588 = arith.constant 0 : i32
    %dma_wait3A_589 = tpu.memref_slice %arg2[%dma_wait3A_587, %dma_wait3A_588] : memref<262144x16xi32, #tpu.memory_space<hbm>> -> memref<262144x16xi32, #tpu.memory_space<hbm>>
    tpu.wait_indirect_dma semaphore(%arg19 : memref<!tpu.dma_semaphore, #tpu.memory_space<semaphore_mem>>) src(%dma_wait3A_589 : memref<262144x16xi32, #tpu.memory_space<hbm>>) dst(%dma_wait3A_584 : memref<128x16xi32, #tpu.memory_space<vmem>>)
    %dma_wait3A_590 = arith.constant 3200 : i32
    %dma_wait3A_591 = arith.constant 0 : i32
    %dma_wait3A_592 = tpu.memref_slice %arg15[%dma_wait3A_590, %dma_wait3A_591] : memref<3840x16xi32, #tpu.memory_space<vmem>> -> memref<128x16xi32, #tpu.memory_space<vmem>>
    %dma_wait3A_593 = arith.constant 3200 : i32
    %dma_wait3A_594 = tpu.memref_slice %arg14[%dma_wait3A_593] : memref<3840xi32, #tpu.memory_space<vmem>> -> memref<128xi32, #tpu.memory_space<vmem>>
    %dma_wait3A_595 = arith.constant 0 : i32
    %dma_wait3A_596 = arith.constant 0 : i32
    %dma_wait3A_597 = tpu.memref_slice %arg2[%dma_wait3A_595, %dma_wait3A_596] : memref<262144x16xi32, #tpu.memory_space<hbm>> -> memref<262144x16xi32, #tpu.memory_space<hbm>>
    tpu.wait_indirect_dma semaphore(%arg19 : memref<!tpu.dma_semaphore, #tpu.memory_space<semaphore_mem>>) src(%dma_wait3A_597 : memref<262144x16xi32, #tpu.memory_space<hbm>>) dst(%dma_wait3A_592 : memref<128x16xi32, #tpu.memory_space<vmem>>)
    %dma_wait3A_598 = arith.constant 3328 : i32
    %dma_wait3A_599 = arith.constant 0 : i32
    %dma_wait3A_600 = tpu.memref_slice %arg15[%dma_wait3A_598, %dma_wait3A_599] : memref<3840x16xi32, #tpu.memory_space<vmem>> -> memref<128x16xi32, #tpu.memory_space<vmem>>
    %dma_wait3A_601 = arith.constant 3328 : i32
    %dma_wait3A_602 = tpu.memref_slice %arg14[%dma_wait3A_601] : memref<3840xi32, #tpu.memory_space<vmem>> -> memref<128xi32, #tpu.memory_space<vmem>>
    %dma_wait3A_603 = arith.constant 0 : i32
    %dma_wait3A_604 = arith.constant 0 : i32
    %dma_wait3A_605 = tpu.memref_slice %arg2[%dma_wait3A_603, %dma_wait3A_604] : memref<262144x16xi32, #tpu.memory_space<hbm>> -> memref<262144x16xi32, #tpu.memory_space<hbm>>
    tpu.wait_indirect_dma semaphore(%arg19 : memref<!tpu.dma_semaphore, #tpu.memory_space<semaphore_mem>>) src(%dma_wait3A_605 : memref<262144x16xi32, #tpu.memory_space<hbm>>) dst(%dma_wait3A_600 : memref<128x16xi32, #tpu.memory_space<vmem>>)
    %dma_wait3A_606 = arith.constant 3456 : i32
    %dma_wait3A_607 = arith.constant 0 : i32
    %dma_wait3A_608 = tpu.memref_slice %arg15[%dma_wait3A_606, %dma_wait3A_607] : memref<3840x16xi32, #tpu.memory_space<vmem>> -> memref<128x16xi32, #tpu.memory_space<vmem>>
    %dma_wait3A_609 = arith.constant 3456 : i32
    %dma_wait3A_610 = tpu.memref_slice %arg14[%dma_wait3A_609] : memref<3840xi32, #tpu.memory_space<vmem>> -> memref<128xi32, #tpu.memory_space<vmem>>
    %dma_wait3A_611 = arith.constant 0 : i32
    %dma_wait3A_612 = arith.constant 0 : i32
    %dma_wait3A_613 = tpu.memref_slice %arg2[%dma_wait3A_611, %dma_wait3A_612] : memref<262144x16xi32, #tpu.memory_space<hbm>> -> memref<262144x16xi32, #tpu.memory_space<hbm>>
    tpu.wait_indirect_dma semaphore(%arg19 : memref<!tpu.dma_semaphore, #tpu.memory_space<semaphore_mem>>) src(%dma_wait3A_613 : memref<262144x16xi32, #tpu.memory_space<hbm>>) dst(%dma_wait3A_608 : memref<128x16xi32, #tpu.memory_space<vmem>>)
    %dma_wait3A_614 = arith.constant 3584 : i32
    %dma_wait3A_615 = arith.constant 0 : i32
    %dma_wait3A_616 = tpu.memref_slice %arg15[%dma_wait3A_614, %dma_wait3A_615] : memref<3840x16xi32, #tpu.memory_space<vmem>> -> memref<128x16xi32, #tpu.memory_space<vmem>>
    %dma_wait3A_617 = arith.constant 3584 : i32
    %dma_wait3A_618 = tpu.memref_slice %arg14[%dma_wait3A_617] : memref<3840xi32, #tpu.memory_space<vmem>> -> memref<128xi32, #tpu.memory_space<vmem>>
    %dma_wait3A_619 = arith.constant 0 : i32
    %dma_wait3A_620 = arith.constant 0 : i32
    %dma_wait3A_621 = tpu.memref_slice %arg2[%dma_wait3A_619, %dma_wait3A_620] : memref<262144x16xi32, #tpu.memory_space<hbm>> -> memref<262144x16xi32, #tpu.memory_space<hbm>>
    tpu.wait_indirect_dma semaphore(%arg19 : memref<!tpu.dma_semaphore, #tpu.memory_space<semaphore_mem>>) src(%dma_wait3A_621 : memref<262144x16xi32, #tpu.memory_space<hbm>>) dst(%dma_wait3A_616 : memref<128x16xi32, #tpu.memory_space<vmem>>)
    %dma_wait3A_622 = arith.constant 3712 : i32
    %dma_wait3A_623 = arith.constant 0 : i32
    %dma_wait3A_624 = tpu.memref_slice %arg15[%dma_wait3A_622, %dma_wait3A_623] : memref<3840x16xi32, #tpu.memory_space<vmem>> -> memref<128x16xi32, #tpu.memory_space<vmem>>
    %dma_wait3A_625 = arith.constant 3712 : i32
    %dma_wait3A_626 = tpu.memref_slice %arg14[%dma_wait3A_625] : memref<3840xi32, #tpu.memory_space<vmem>> -> memref<128xi32, #tpu.memory_space<vmem>>
    %dma_wait3A_627 = arith.constant 0 : i32
    %dma_wait3A_628 = arith.constant 0 : i32
    %dma_wait3A_629 = tpu.memref_slice %arg2[%dma_wait3A_627, %dma_wait3A_628] : memref<262144x16xi32, #tpu.memory_space<hbm>> -> memref<262144x16xi32, #tpu.memory_space<hbm>>
    tpu.wait_indirect_dma semaphore(%arg19 : memref<!tpu.dma_semaphore, #tpu.memory_space<semaphore_mem>>) src(%dma_wait3A_629 : memref<262144x16xi32, #tpu.memory_space<hbm>>) dst(%dma_wait3A_624 : memref<128x16xi32, #tpu.memory_space<vmem>>)
    %while3A_630 = arith.constant 0 : i64
    %while3A_631 = arith.constant 0 : i32
    %while3A_632 = arith.constant 16 : i32
    %while3A_633 = arith.subi %while3A_632, %while3A_631 : i32
    %while3A_634 = arith.addi %while3A_631, %while3A_633 : i32
    %while3A_635 = arith.constant 1 : i32
    %while3A_636 = arith.divsi %while3A_633, %while3A_635 : i32
    %while3A_637 = arith.muli %while3A_636, %while3A_635 : i32
    %while3A_638 = arith.addi %while3A_631, %while3A_637 : i32
    %while3A_639 = arith.constant 1 : i32
    scf.for %while3A_643 = %while3A_631 to %while3A_638 step %while3A_639  : i32 {
      %mul3A_644 = arith.constant 16 : i32
      %mul3A_645 = arith.muli %mul3A_644, %while3A_643 : i32
      %get3A = arith.index_cast %mul3A_645 : i32 to index
      %get3A_646 = tpu.vector_load %arg10[%get3A] {strides = array<i32>} : memref<256xi32, #tpu.memory_space<vmem>>, vector<16xi32>,
      %broadcast_in_dim3A = arith.constant 0 : i32
      %broadcast_in_dim3A_647 = vector.broadcast %broadcast_in_dim3A : i32 to vector<16xi32>
      %broadcast_in_dim3A_648 = arith.constant 0 : i32
      %broadcast_in_dim3A_649 = vector.broadcast %broadcast_in_dim3A_648 : i32 to vector<16xi32>
      %broadcast_in_dim3A_650 = arith.constant 0 : i32
      %broadcast_in_dim3A_651 = vector.broadcast %broadcast_in_dim3A_650 : i32 to vector<16xi32>
      %broadcast_in_dim3A_652 = arith.constant 0 : i32
      %broadcast_in_dim3A_653 = vector.broadcast %broadcast_in_dim3A_652 : i32 to vector<16xi32>
      %broadcast_in_dim3A_654 = arith.constant 0 : i32
      %broadcast_in_dim3A_655 = vector.broadcast %broadcast_in_dim3A_654 : i32 to vector<16xi32>
      %broadcast_in_dim3A_656 = arith.constant 0 : i32
      %broadcast_in_dim3A_657 = vector.broadcast %broadcast_in_dim3A_656 : i32 to vector<16xi32>
      %broadcast_in_dim3A_658 = arith.constant 0 : i32
      %broadcast_in_dim3A_659 = vector.broadcast %broadcast_in_dim3A_658 : i32 to vector<16xi32>
      %broadcast_in_dim3A_660 = arith.constant 0 : i32
      %broadcast_in_dim3A_661 = vector.broadcast %broadcast_in_dim3A_660 : i32 to vector<16xi32>
      %broadcast_in_dim3A_662 = arith.constant 0 : i32
      %broadcast_in_dim3A_663 = vector.broadcast %broadcast_in_dim3A_662 : i32 to vector<16xi32>
      %broadcast_in_dim3A_664 = arith.constant 0 : i32
      %broadcast_in_dim3A_665 = vector.broadcast %broadcast_in_dim3A_664 : i32 to vector<16xi32>
      %gt3A = arith.constant 0 : i32
      %gt3A_666 = vector.broadcast %gt3A : i32 to vector<16xi32>
      %gt3A_667 = arith.cmpi sgt, %get3A_646, %gt3A_666 : vector<16xi32>
      %mul3A_668 = arith.constant 240 : i32
      %mul3A_669 = arith.muli %mul3A_668, %while3A_643 : i32
      %add3A_670 = arith.constant 0 : i32
      %add3A_671 = arith.addi %mul3A_669, %add3A_670 : i32
      %add3A_672 = vector.broadcast %add3A_671 : i32 to vector<16xi32>
      %add3A_673 = arith.addi %iota3A, %add3A_672 : vector<16xi32>
      %broadcast_in_dim3A_674 = arith.constant 0 : i32
      %broadcast_in_dim3A_675 = vector.broadcast %broadcast_in_dim3A_674 : i32 to vector<16xi32>
      %gather3A = tpu.vector_load_idx %arg15[%add3A_673, %broadcast_in_dim3A_675] : memref<3840x16xi32, #tpu.memory_space<vmem>>[vector<16xi32>, vector<16xi32>], vector<16xi32>,
      %jit3A = arith.constant 0 : i64
      %convert_element_type3A = arith.trunci %jit3A : i64 to i32
      %broadcast_in_dim3A_676 = vector.broadcast %convert_element_type3A : i32 to vector<16xi32>
      %select_n3A = arith.select %gt3A_667, %gather3A, %broadcast_in_dim3A_676 : vector<16xi1>, vector<16xi32>
      %xor3A = arith.xori %broadcast_in_dim3A_647, %select_n3A : vector<16xi32>
      %broadcast_in_dim3A_677 = arith.constant 1 : i32
      %broadcast_in_dim3A_678 = vector.broadcast %broadcast_in_dim3A_677 : i32 to vector<16xi32>
      %gather3A_679 = tpu.vector_load_idx %arg15[%add3A_673, %broadcast_in_dim3A_678] : memref<3840x16xi32, #tpu.memory_space<vmem>>[vector<16xi32>, vector<16xi32>], vector<16xi32>,
      %jit3A_680 = arith.constant 0 : i64
      %convert_element_type3A_681 = arith.trunci %jit3A_680 : i64 to i32
      %broadcast_in_dim3A_682 = vector.broadcast %convert_element_type3A_681 : i32 to vector<16xi32>
      %select_n3A_683 = arith.select %gt3A_667, %gather3A_679, %broadcast_in_dim3A_682 : vector<16xi1>, vector<16xi32>
      %xor3A_684 = arith.xori %broadcast_in_dim3A_649, %select_n3A_683 : vector<16xi32>
      %broadcast_in_dim3A_685 = arith.constant 2 : i32
      %broadcast_in_dim3A_686 = vector.broadcast %broadcast_in_dim3A_685 : i32 to vector<16xi32>
      %gather3A_687 = tpu.vector_load_idx %arg15[%add3A_673, %broadcast_in_dim3A_686] : memref<3840x16xi32, #tpu.memory_space<vmem>>[vector<16xi32>, vector<16xi32>], vector<16xi32>,
      %jit3A_688 = arith.constant 0 : i64
      %convert_element_type3A_689 = arith.trunci %jit3A_688 : i64 to i32
      %broadcast_in_dim3A_690 = vector.broadcast %convert_element_type3A_689 : i32 to vector<16xi32>
      %select_n3A_691 = arith.select %gt3A_667, %gather3A_687, %broadcast_in_dim3A_690 : vector<16xi1>, vector<16xi32>
      %xor3A_692 = arith.xori %broadcast_in_dim3A_651, %select_n3A_691 : vector<16xi32>
      %broadcast_in_dim3A_693 = arith.constant 3 : i32
      %broadcast_in_dim3A_694 = vector.broadcast %broadcast_in_dim3A_693 : i32 to vector<16xi32>
      %gather3A_695 = tpu.vector_load_idx %arg15[%add3A_673, %broadcast_in_dim3A_694] : memref<3840x16xi32, #tpu.memory_space<vmem>>[vector<16xi32>, vector<16xi32>], vector<16xi32>,
      %jit3A_696 = arith.constant 0 : i64
      %convert_element_type3A_697 = arith.trunci %jit3A_696 : i64 to i32
      %broadcast_in_dim3A_698 = vector.broadcast %convert_element_type3A_697 : i32 to vector<16xi32>
      %select_n3A_699 = arith.select %gt3A_667, %gather3A_695, %broadcast_in_dim3A_698 : vector<16xi1>, vector<16xi32>
      %xor3A_700 = arith.xori %broadcast_in_dim3A_653, %select_n3A_699 : vector<16xi32>
      %broadcast_in_dim3A_701 = arith.constant 4 : i32
      %broadcast_in_dim3A_702 = vector.broadcast %broadcast_in_dim3A_701 : i32 to vector<16xi32>
      %gather3A_703 = tpu.vector_load_idx %arg15[%add3A_673, %broadcast_in_dim3A_702] : memref<3840x16xi32, #tpu.memory_space<vmem>>[vector<16xi32>, vector<16xi32>], vector<16xi32>,
      %jit3A_704 = arith.constant 0 : i64
      %convert_element_type3A_705 = arith.trunci %jit3A_704 : i64 to i32
      %broadcast_in_dim3A_706 = vector.broadcast %convert_element_type3A_705 : i32 to vector<16xi32>
      %select_n3A_707 = arith.select %gt3A_667, %gather3A_703, %broadcast_in_dim3A_706 : vector<16xi1>, vector<16xi32>
      %xor3A_708 = arith.xori %broadcast_in_dim3A_655, %select_n3A_707 : vector<16xi32>
      %broadcast_in_dim3A_709 = arith.constant 5 : i32
      %broadcast_in_dim3A_710 = vector.broadcast %broadcast_in_dim3A_709 : i32 to vector<16xi32>
      %gather3A_711 = tpu.vector_load_idx %arg15[%add3A_673, %broadcast_in_dim3A_710] : memref<3840x16xi32, #tpu.memory_space<vmem>>[vector<16xi32>, vector<16xi32>], vector<16xi32>,
      %jit3A_712 = arith.constant 0 : i64
      %convert_element_type3A_713 = arith.trunci %jit3A_712 : i64 to i32
      %broadcast_in_dim3A_714 = vector.broadcast %convert_element_type3A_713 : i32 to vector<16xi32>
      %select_n3A_715 = arith.select %gt3A_667, %gather3A_711, %broadcast_in_dim3A_714 : vector<16xi1>, vector<16xi32>
      %xor3A_716 = arith.xori %broadcast_in_dim3A_657, %select_n3A_715 : vector<16xi32>
      %broadcast_in_dim3A_717 = arith.constant 6 : i32
      %broadcast_in_dim3A_718 = vector.broadcast %broadcast_in_dim3A_717 : i32 to vector<16xi32>
      %gather3A_719 = tpu.vector_load_idx %arg15[%add3A_673, %broadcast_in_dim3A_718] : memref<3840x16xi32, #tpu.memory_space<vmem>>[vector<16xi32>, vector<16xi32>], vector<16xi32>,
      %jit3A_720 = arith.constant 0 : i64
      %convert_element_type3A_721 = arith.trunci %jit3A_720 : i64 to i32
      %broadcast_in_dim3A_722 = vector.broadcast %convert_element_type3A_721 : i32 to vector<16xi32>
      %select_n3A_723 = arith.select %gt3A_667, %gather3A_719, %broadcast_in_dim3A_722 : vector<16xi1>, vector<16xi32>
      %xor3A_724 = arith.xori %broadcast_in_dim3A_659, %select_n3A_723 : vector<16xi32>
      %broadcast_in_dim3A_725 = arith.constant 7 : i32
      %broadcast_in_dim3A_726 = vector.broadcast %broadcast_in_dim3A_725 : i32 to vector<16xi32>
      %gather3A_727 = tpu.vector_load_idx %arg15[%add3A_673, %broadcast_in_dim3A_726] : memref<3840x16xi32, #tpu.memory_space<vmem>>[vector<16xi32>, vector<16xi32>], vector<16xi32>,
      %jit3A_728 = arith.constant 0 : i64
      %convert_element_type3A_729 = arith.trunci %jit3A_728 : i64 to i32
      %broadcast_in_dim3A_730 = vector.broadcast %convert_element_type3A_729 : i32 to vector<16xi32>
      %select_n3A_731 = arith.select %gt3A_667, %gather3A_727, %broadcast_in_dim3A_730 : vector<16xi1>, vector<16xi32>
      %xor3A_732 = arith.xori %broadcast_in_dim3A_661, %select_n3A_731 : vector<16xi32>
      %broadcast_in_dim3A_733 = arith.constant 8 : i32
      %broadcast_in_dim3A_734 = vector.broadcast %broadcast_in_dim3A_733 : i32 to vector<16xi32>
      %gather3A_735 = tpu.vector_load_idx %arg15[%add3A_673, %broadcast_in_dim3A_734] : memref<3840x16xi32, #tpu.memory_space<vmem>>[vector<16xi32>, vector<16xi32>], vector<16xi32>,
      %jit3A_736 = arith.constant 0 : i64
      %convert_element_type3A_737 = arith.trunci %jit3A_736 : i64 to i32
      %broadcast_in_dim3A_738 = vector.broadcast %convert_element_type3A_737 : i32 to vector<16xi32>
      %select_n3A_739 = arith.select %gt3A_667, %gather3A_735, %broadcast_in_dim3A_738 : vector<16xi1>, vector<16xi32>
      %xor3A_740 = arith.xori %broadcast_in_dim3A_663, %select_n3A_739 : vector<16xi32>
      %broadcast_in_dim3A_741 = arith.constant 9 : i32
      %broadcast_in_dim3A_742 = vector.broadcast %broadcast_in_dim3A_741 : i32 to vector<16xi32>
      %gather3A_743 = tpu.vector_load_idx %arg15[%add3A_673, %broadcast_in_dim3A_742] : memref<3840x16xi32, #tpu.memory_space<vmem>>[vector<16xi32>, vector<16xi32>], vector<16xi32>,
      %jit3A_744 = arith.constant 0 : i64
      %convert_element_type3A_745 = arith.trunci %jit3A_744 : i64 to i32
      %broadcast_in_dim3A_746 = vector.broadcast %convert_element_type3A_745 : i32 to vector<16xi32>
      %select_n3A_747 = arith.select %gt3A_667, %gather3A_743, %broadcast_in_dim3A_746 : vector<16xi1>, vector<16xi32>
      %xor3A_748 = arith.xori %broadcast_in_dim3A_665, %select_n3A_747 : vector<16xi32>
      %gt3A_749 = arith.constant 1 : i32
      %gt3A_750 = vector.broadcast %gt3A_749 : i32 to vector<16xi32>
      %gt3A_751 = arith.cmpi sgt, %get3A_646, %gt3A_750 : vector<16xi32>
      %mul3A_752 = arith.constant 240 : i32
      %mul3A_753 = arith.muli %mul3A_752, %while3A_643 : i32
      %add3A_754 = arith.constant 16 : i32
      %add3A_755 = arith.addi %mul3A_753, %add3A_754 : i32
      %add3A_756 = vector.broadcast %add3A_755 : i32 to vector<16xi32>
      %add3A_757 = arith.addi %iota3A, %add3A_756 : vector<16xi32>
      %broadcast_in_dim3A_758 = arith.constant 0 : i32
      %broadcast_in_dim3A_759 = vector.broadcast %broadcast_in_dim3A_758 : i32 to vector<16xi32>
      %gather3A_760 = tpu.vector_load_idx %arg15[%add3A_757, %broadcast_in_dim3A_759] : memref<3840x16xi32, #tpu.memory_space<vmem>>[vector<16xi32>, vector<16xi32>], vector<16xi32>,
      %jit3A_761 = arith.constant 0 : i64
      %convert_element_type3A_762 = arith.trunci %jit3A_761 : i64 to i32
      %broadcast_in_dim3A_763 = vector.broadcast %convert_element_type3A_762 : i32 to vector<16xi32>
      %select_n3A_764 = arith.select %gt3A_751, %gather3A_760, %broadcast_in_dim3A_763 : vector<16xi1>, vector<16xi32>
      %xor3A_765 = arith.xori %xor3A, %select_n3A_764 : vector<16xi32>
      %broadcast_in_dim3A_766 = arith.constant 1 : i32
      %broadcast_in_dim3A_767 = vector.broadcast %broadcast_in_dim3A_766 : i32 to vector<16xi32>
      %gather3A_768 = tpu.vector_load_idx %arg15[%add3A_757, %broadcast_in_dim3A_767] : memref<3840x16xi32, #tpu.memory_space<vmem>>[vector<16xi32>, vector<16xi32>], vector<16xi32>,
      %jit3A_769 = arith.constant 0 : i64
      %convert_element_type3A_770 = arith.trunci %jit3A_769 : i64 to i32
      %broadcast_in_dim3A_771 = vector.broadcast %convert_element_type3A_770 : i32 to vector<16xi32>
      %select_n3A_772 = arith.select %gt3A_751, %gather3A_768, %broadcast_in_dim3A_771 : vector<16xi1>, vector<16xi32>
      %xor3A_773 = arith.xori %xor3A_684, %select_n3A_772 : vector<16xi32>
      %broadcast_in_dim3A_774 = arith.constant 2 : i32
      %broadcast_in_dim3A_775 = vector.broadcast %broadcast_in_dim3A_774 : i32 to vector<16xi32>
      %gather3A_776 = tpu.vector_load_idx %arg15[%add3A_757, %broadcast_in_dim3A_775] : memref<3840x16xi32, #tpu.memory_space<vmem>>[vector<16xi32>, vector<16xi32>], vector<16xi32>,
      %jit3A_777 = arith.constant 0 : i64
      %convert_element_type3A_778 = arith.trunci %jit3A_777 : i64 to i32
      %broadcast_in_dim3A_779 = vector.broadcast %convert_element_type3A_778 : i32 to vector<16xi32>
      %select_n3A_780 = arith.select %gt3A_751, %gather3A_776, %broadcast_in_dim3A_779 : vector<16xi1>, vector<16xi32>
      %xor3A_781 = arith.xori %xor3A_692, %select_n3A_780 : vector<16xi32>
      %broadcast_in_dim3A_782 = arith.constant 3 : i32
      %broadcast_in_dim3A_783 = vector.broadcast %broadcast_in_dim3A_782 : i32 to vector<16xi32>
      %gather3A_784 = tpu.vector_load_idx %arg15[%add3A_757, %broadcast_in_dim3A_783] : memref<3840x16xi32, #tpu.memory_space<vmem>>[vector<16xi32>, vector<16xi32>], vector<16xi32>,
      %jit3A_785 = arith.constant 0 : i64
      %convert_element_type3A_786 = arith.trunci %jit3A_785 : i64 to i32
      %broadcast_in_dim3A_787 = vector.broadcast %convert_element_type3A_786 : i32 to vector<16xi32>
      %select_n3A_788 = arith.select %gt3A_751, %gather3A_784, %broadcast_in_dim3A_787 : vector<16xi1>, vector<16xi32>
      %xor3A_789 = arith.xori %xor3A_700, %select_n3A_788 : vector<16xi32>
      %broadcast_in_dim3A_790 = arith.constant 4 : i32
      %broadcast_in_dim3A_791 = vector.broadcast %broadcast_in_dim3A_790 : i32 to vector<16xi32>
      %gather3A_792 = tpu.vector_load_idx %arg15[%add3A_757, %broadcast_in_dim3A_791] : memref<3840x16xi32, #tpu.memory_space<vmem>>[vector<16xi32>, vector<16xi32>], vector<16xi32>,
      %jit3A_793 = arith.constant 0 : i64
      %convert_element_type3A_794 = arith.trunci %jit3A_793 : i64 to i32
      %broadcast_in_dim3A_795 = vector.broadcast %convert_element_type3A_794 : i32 to vector<16xi32>
      %select_n3A_796 = arith.select %gt3A_751, %gather3A_792, %broadcast_in_dim3A_795 : vector<16xi1>, vector<16xi32>
      %xor3A_797 = arith.xori %xor3A_708, %select_n3A_796 : vector<16xi32>
      %broadcast_in_dim3A_798 = arith.constant 5 : i32
      %broadcast_in_dim3A_799 = vector.broadcast %broadcast_in_dim3A_798 : i32 to vector<16xi32>
      %gather3A_800 = tpu.vector_load_idx %arg15[%add3A_757, %broadcast_in_dim3A_799] : memref<3840x16xi32, #tpu.memory_space<vmem>>[vector<16xi32>, vector<16xi32>], vector<16xi32>,
      %jit3A_801 = arith.constant 0 : i64
      %convert_element_type3A_802 = arith.trunci %jit3A_801 : i64 to i32
      %broadcast_in_dim3A_803 = vector.broadcast %convert_element_type3A_802 : i32 to vector<16xi32>
      %select_n3A_804 = arith.select %gt3A_751, %gather3A_800, %broadcast_in_dim3A_803 : vector<16xi1>, vector<16xi32>
      %xor3A_805 = arith.xori %xor3A_716, %select_n3A_804 : vector<16xi32>
      %broadcast_in_dim3A_806 = arith.constant 6 : i32
      %broadcast_in_dim3A_807 = vector.broadcast %broadcast_in_dim3A_806 : i32 to vector<16xi32>
      %gather3A_808 = tpu.vector_load_idx %arg15[%add3A_757, %broadcast_in_dim3A_807] : memref<3840x16xi32, #tpu.memory_space<vmem>>[vector<16xi32>, vector<16xi32>], vector<16xi32>,
      %jit3A_809 = arith.constant 0 : i64
      %convert_element_type3A_810 = arith.trunci %jit3A_809 : i64 to i32
      %broadcast_in_dim3A_811 = vector.broadcast %convert_element_type3A_810 : i32 to vector<16xi32>
      %select_n3A_812 = arith.select %gt3A_751, %gather3A_808, %broadcast_in_dim3A_811 : vector<16xi1>, vector<16xi32>
      %xor3A_813 = arith.xori %xor3A_724, %select_n3A_812 : vector<16xi32>
      %broadcast_in_dim3A_814 = arith.constant 7 : i32
      %broadcast_in_dim3A_815 = vector.broadcast %broadcast_in_dim3A_814 : i32 to vector<16xi32>
      %gather3A_816 = tpu.vector_load_idx %arg15[%add3A_757, %broadcast_in_dim3A_815] : memref<3840x16xi32, #tpu.memory_space<vmem>>[vector<16xi32>, vector<16xi32>], vector<16xi32>,
      %jit3A_817 = arith.constant 0 : i64
      %convert_element_type3A_818 = arith.trunci %jit3A_817 : i64 to i32
      %broadcast_in_dim3A_819 = vector.broadcast %convert_element_type3A_818 : i32 to vector<16xi32>
      %select_n3A_820 = arith.select %gt3A_751, %gather3A_816, %broadcast_in_dim3A_819 : vector<16xi1>, vector<16xi32>
      %xor3A_821 = arith.xori %xor3A_732, %select_n3A_820 : vector<16xi32>
      %broadcast_in_dim3A_822 = arith.constant 8 : i32
      %broadcast_in_dim3A_823 = vector.broadcast %broadcast_in_dim3A_822 : i32 to vector<16xi32>
      %gather3A_824 = tpu.vector_load_idx %arg15[%add3A_757, %broadcast_in_dim3A_823] : memref<3840x16xi32, #tpu.memory_space<vmem>>[vector<16xi32>, vector<16xi32>], vector<16xi32>,
      %jit3A_825 = arith.constant 0 : i64
      %convert_element_type3A_826 = arith.trunci %jit3A_825 : i64 to i32
      %broadcast_in_dim3A_827 = vector.broadcast %convert_element_type3A_826 : i32 to vector<16xi32>
      %select_n3A_828 = arith.select %gt3A_751, %gather3A_824, %broadcast_in_dim3A_827 : vector<16xi1>, vector<16xi32>
      %xor3A_829 = arith.xori %xor3A_740, %select_n3A_828 : vector<16xi32>
      %broadcast_in_dim3A_830 = arith.constant 9 : i32
      %broadcast_in_dim3A_831 = vector.broadcast %broadcast_in_dim3A_830 : i32 to vector<16xi32>
      %gather3A_832 = tpu.vector_load_idx %arg15[%add3A_757, %broadcast_in_dim3A_831] : memref<3840x16xi32, #tpu.memory_space<vmem>>[vector<16xi32>, vector<16xi32>], vector<16xi32>,
      %jit3A_833 = arith.constant 0 : i64
      %convert_element_type3A_834 = arith.trunci %jit3A_833 : i64 to i32
      %broadcast_in_dim3A_835 = vector.broadcast %convert_element_type3A_834 : i32 to vector<16xi32>
      %select_n3A_836 = arith.select %gt3A_751, %gather3A_832, %broadcast_in_dim3A_835 : vector<16xi1>, vector<16xi32>
      %xor3A_837 = arith.xori %xor3A_748, %select_n3A_836 : vector<16xi32>
      %gt3A_838 = arith.constant 2 : i32
      %gt3A_839 = vector.broadcast %gt3A_838 : i32 to vector<16xi32>
      %gt3A_840 = arith.cmpi sgt, %get3A_646, %gt3A_839 : vector<16xi32>
      %mul3A_841 = arith.constant 240 : i32
      %mul3A_842 = arith.muli %mul3A_841, %while3A_643 : i32
      %add3A_843 = arith.constant 32 : i32
      %add3A_844 = arith.addi %mul3A_842, %add3A_843 : i32
      %add3A_845 = vector.broadcast %add3A_844 : i32 to vector<16xi32>
      %add3A_846 = arith.addi %iota3A, %add3A_845 : vector<16xi32>
      %broadcast_in_dim3A_847 = arith.constant 0 : i32
      %broadcast_in_dim3A_848 = vector.broadcast %broadcast_in_dim3A_847 : i32 to vector<16xi32>
      %gather3A_849 = tpu.vector_load_idx %arg15[%add3A_846, %broadcast_in_dim3A_848] : memref<3840x16xi32, #tpu.memory_space<vmem>>[vector<16xi32>, vector<16xi32>], vector<16xi32>,
      %jit3A_850 = arith.constant 0 : i64
      %convert_element_type3A_851 = arith.trunci %jit3A_850 : i64 to i32
      %broadcast_in_dim3A_852 = vector.broadcast %convert_element_type3A_851 : i32 to vector<16xi32>
      %select_n3A_853 = arith.select %gt3A_840, %gather3A_849, %broadcast_in_dim3A_852 : vector<16xi1>, vector<16xi32>
      %xor3A_854 = arith.xori %xor3A_765, %select_n3A_853 : vector<16xi32>
      %broadcast_in_dim3A_855 = arith.constant 1 : i32
      %broadcast_in_dim3A_856 = vector.broadcast %broadcast_in_dim3A_855 : i32 to vector<16xi32>
      %gather3A_857 = tpu.vector_load_idx %arg15[%add3A_846, %broadcast_in_dim3A_856] : memref<3840x16xi32, #tpu.memory_space<vmem>>[vector<16xi32>, vector<16xi32>], vector<16xi32>,
      %jit3A_858 = arith.constant 0 : i64
      %convert_element_type3A_859 = arith.trunci %jit3A_858 : i64 to i32
      %broadcast_in_dim3A_860 = vector.broadcast %convert_element_type3A_859 : i32 to vector<16xi32>
      %select_n3A_861 = arith.select %gt3A_840, %gather3A_857, %broadcast_in_dim3A_860 : vector<16xi1>, vector<16xi32>
      %xor3A_862 = arith.xori %xor3A_773, %select_n3A_861 : vector<16xi32>
      %broadcast_in_dim3A_863 = arith.constant 2 : i32
      %broadcast_in_dim3A_864 = vector.broadcast %broadcast_in_dim3A_863 : i32 to vector<16xi32>
      %gather3A_865 = tpu.vector_load_idx %arg15[%add3A_846, %broadcast_in_dim3A_864] : memref<3840x16xi32, #tpu.memory_space<vmem>>[vector<16xi32>, vector<16xi32>], vector<16xi32>,
      %jit3A_866 = arith.constant 0 : i64
      %convert_element_type3A_867 = arith.trunci %jit3A_866 : i64 to i32
      %broadcast_in_dim3A_868 = vector.broadcast %convert_element_type3A_867 : i32 to vector<16xi32>
      %select_n3A_869 = arith.select %gt3A_840, %gather3A_865, %broadcast_in_dim3A_868 : vector<16xi1>, vector<16xi32>
      %xor3A_870 = arith.xori %xor3A_781, %select_n3A_869 : vector<16xi32>
      %broadcast_in_dim3A_871 = arith.constant 3 : i32
      %broadcast_in_dim3A_872 = vector.broadcast %broadcast_in_dim3A_871 : i32 to vector<16xi32>
      %gather3A_873 = tpu.vector_load_idx %arg15[%add3A_846, %broadcast_in_dim3A_872] : memref<3840x16xi32, #tpu.memory_space<vmem>>[vector<16xi32>, vector<16xi32>], vector<16xi32>,
      %jit3A_874 = arith.constant 0 : i64
      %convert_element_type3A_875 = arith.trunci %jit3A_874 : i64 to i32
      %broadcast_in_dim3A_876 = vector.broadcast %convert_element_type3A_875 : i32 to vector<16xi32>
      %select_n3A_877 = arith.select %gt3A_840, %gather3A_873, %broadcast_in_dim3A_876 : vector<16xi1>, vector<16xi32>
      %xor3A_878 = arith.xori %xor3A_789, %select_n3A_877 : vector<16xi32>
      %broadcast_in_dim3A_879 = arith.constant 4 : i32
      %broadcast_in_dim3A_880 = vector.broadcast %broadcast_in_dim3A_879 : i32 to vector<16xi32>
      %gather3A_881 = tpu.vector_load_idx %arg15[%add3A_846, %broadcast_in_dim3A_880] : memref<3840x16xi32, #tpu.memory_space<vmem>>[vector<16xi32>, vector<16xi32>], vector<16xi32>,
      %jit3A_882 = arith.constant 0 : i64
      %convert_element_type3A_883 = arith.trunci %jit3A_882 : i64 to i32
      %broadcast_in_dim3A_884 = vector.broadcast %convert_element_type3A_883 : i32 to vector<16xi32>
      %select_n3A_885 = arith.select %gt3A_840, %gather3A_881, %broadcast_in_dim3A_884 : vector<16xi1>, vector<16xi32>
      %xor3A_886 = arith.xori %xor3A_797, %select_n3A_885 : vector<16xi32>
      %broadcast_in_dim3A_887 = arith.constant 5 : i32
      %broadcast_in_dim3A_888 = vector.broadcast %broadcast_in_dim3A_887 : i32 to vector<16xi32>
      %gather3A_889 = tpu.vector_load_idx %arg15[%add3A_846, %broadcast_in_dim3A_888] : memref<3840x16xi32, #tpu.memory_space<vmem>>[vector<16xi32>, vector<16xi32>], vector<16xi32>,
      %jit3A_890 = arith.constant 0 : i64
      %convert_element_type3A_891 = arith.trunci %jit3A_890 : i64 to i32
      %broadcast_in_dim3A_892 = vector.broadcast %convert_element_type3A_891 : i32 to vector<16xi32>
      %select_n3A_893 = arith.select %gt3A_840, %gather3A_889, %broadcast_in_dim3A_892 : vector<16xi1>, vector<16xi32>
      %xor3A_894 = arith.xori %xor3A_805, %select_n3A_893 : vector<16xi32>
      %broadcast_in_dim3A_895 = arith.constant 6 : i32
      %broadcast_in_dim3A_896 = vector.broadcast %broadcast_in_dim3A_895 : i32 to vector<16xi32>
      %gather3A_897 = tpu.vector_load_idx %arg15[%add3A_846, %broadcast_in_dim3A_896] : memref<3840x16xi32, #tpu.memory_space<vmem>>[vector<16xi32>, vector<16xi32>], vector<16xi32>,
      %jit3A_898 = arith.constant 0 : i64
      %convert_element_type3A_899 = arith.trunci %jit3A_898 : i64 to i32
      %broadcast_in_dim3A_900 = vector.broadcast %convert_element_type3A_899 : i32 to vector<16xi32>
      %select_n3A_901 = arith.select %gt3A_840, %gather3A_897, %broadcast_in_dim3A_900 : vector<16xi1>, vector<16xi32>
      %xor3A_902 = arith.xori %xor3A_813, %select_n3A_901 : vector<16xi32>
      %broadcast_in_dim3A_903 = arith.constant 7 : i32
      %broadcast_in_dim3A_904 = vector.broadcast %broadcast_in_dim3A_903 : i32 to vector<16xi32>
      %gather3A_905 = tpu.vector_load_idx %arg15[%add3A_846, %broadcast_in_dim3A_904] : memref<3840x16xi32, #tpu.memory_space<vmem>>[vector<16xi32>, vector<16xi32>], vector<16xi32>,
      %jit3A_906 = arith.constant 0 : i64
      %convert_element_type3A_907 = arith.trunci %jit3A_906 : i64 to i32
      %broadcast_in_dim3A_908 = vector.broadcast %convert_element_type3A_907 : i32 to vector<16xi32>
      %select_n3A_909 = arith.select %gt3A_840, %gather3A_905, %broadcast_in_dim3A_908 : vector<16xi1>, vector<16xi32>
      %xor3A_910 = arith.xori %xor3A_821, %select_n3A_909 : vector<16xi32>
      %broadcast_in_dim3A_911 = arith.constant 8 : i32
      %broadcast_in_dim3A_912 = vector.broadcast %broadcast_in_dim3A_911 : i32 to vector<16xi32>
      %gather3A_913 = tpu.vector_load_idx %arg15[%add3A_846, %broadcast_in_dim3A_912] : memref<3840x16xi32, #tpu.memory_space<vmem>>[vector<16xi32>, vector<16xi32>], vector<16xi32>,
      %jit3A_914 = arith.constant 0 : i64
      %convert_element_type3A_915 = arith.trunci %jit3A_914 : i64 to i32
      %broadcast_in_dim3A_916 = vector.broadcast %convert_element_type3A_915 : i32 to vector<16xi32>
      %select_n3A_917 = arith.select %gt3A_840, %gather3A_913, %broadcast_in_dim3A_916 : vector<16xi1>, vector<16xi32>
      %xor3A_918 = arith.xori %xor3A_829, %select_n3A_917 : vector<16xi32>
      %broadcast_in_dim3A_919 = arith.constant 9 : i32
      %broadcast_in_dim3A_920 = vector.broadcast %broadcast_in_dim3A_919 : i32 to vector<16xi32>
      %gather3A_921 = tpu.vector_load_idx %arg15[%add3A_846, %broadcast_in_dim3A_920] : memref<3840x16xi32, #tpu.memory_space<vmem>>[vector<16xi32>, vector<16xi32>], vector<16xi32>,
      %jit3A_922 = arith.constant 0 : i64
      %convert_element_type3A_923 = arith.trunci %jit3A_922 : i64 to i32
      %broadcast_in_dim3A_924 = vector.broadcast %convert_element_type3A_923 : i32 to vector<16xi32>
      %select_n3A_925 = arith.select %gt3A_840, %gather3A_921, %broadcast_in_dim3A_924 : vector<16xi1>, vector<16xi32>
      %xor3A_926 = arith.xori %xor3A_837, %select_n3A_925 : vector<16xi32>
      %gt3A_927 = arith.constant 3 : i32
      %gt3A_928 = vector.broadcast %gt3A_927 : i32 to vector<16xi32>
      %gt3A_929 = arith.cmpi sgt, %get3A_646, %gt3A_928 : vector<16xi32>
      %mul3A_930 = arith.constant 240 : i32
      %mul3A_931 = arith.muli %mul3A_930, %while3A_643 : i32
      %add3A_932 = arith.constant 48 : i32
      %add3A_933 = arith.addi %mul3A_931, %add3A_932 : i32
      %add3A_934 = vector.broadcast %add3A_933 : i32 to vector<16xi32>
      %add3A_935 = arith.addi %iota3A, %add3A_934 : vector<16xi32>
      %broadcast_in_dim3A_936 = arith.constant 0 : i32
      %broadcast_in_dim3A_937 = vector.broadcast %broadcast_in_dim3A_936 : i32 to vector<16xi32>
      %gather3A_938 = tpu.vector_load_idx %arg15[%add3A_935, %broadcast_in_dim3A_937] : memref<3840x16xi32, #tpu.memory_space<vmem>>[vector<16xi32>, vector<16xi32>], vector<16xi32>,
      %jit3A_939 = arith.constant 0 : i64
      %convert_element_type3A_940 = arith.trunci %jit3A_939 : i64 to i32
      %broadcast_in_dim3A_941 = vector.broadcast %convert_element_type3A_940 : i32 to vector<16xi32>
      %select_n3A_942 = arith.select %gt3A_929, %gather3A_938, %broadcast_in_dim3A_941 : vector<16xi1>, vector<16xi32>
      %xor3A_943 = arith.xori %xor3A_854, %select_n3A_942 : vector<16xi32>
      %broadcast_in_dim3A_944 = arith.constant 1 : i32
      %broadcast_in_dim3A_945 = vector.broadcast %broadcast_in_dim3A_944 : i32 to vector<16xi32>
      %gather3A_946 = tpu.vector_load_idx %arg15[%add3A_935, %broadcast_in_dim3A_945] : memref<3840x16xi32, #tpu.memory_space<vmem>>[vector<16xi32>, vector<16xi32>], vector<16xi32>,
      %jit3A_947 = arith.constant 0 : i64
      %convert_element_type3A_948 = arith.trunci %jit3A_947 : i64 to i32
      %broadcast_in_dim3A_949 = vector.broadcast %convert_element_type3A_948 : i32 to vector<16xi32>
      %select_n3A_950 = arith.select %gt3A_929, %gather3A_946, %broadcast_in_dim3A_949 : vector<16xi1>, vector<16xi32>
      %xor3A_951 = arith.xori %xor3A_862, %select_n3A_950 : vector<16xi32>
      %broadcast_in_dim3A_952 = arith.constant 2 : i32
      %broadcast_in_dim3A_953 = vector.broadcast %broadcast_in_dim3A_952 : i32 to vector<16xi32>
      %gather3A_954 = tpu.vector_load_idx %arg15[%add3A_935, %broadcast_in_dim3A_953] : memref<3840x16xi32, #tpu.memory_space<vmem>>[vector<16xi32>, vector<16xi32>], vector<16xi32>,
      %jit3A_955 = arith.constant 0 : i64
      %convert_element_type3A_956 = arith.trunci %jit3A_955 : i64 to i32
      %broadcast_in_dim3A_957 = vector.broadcast %convert_element_type3A_956 : i32 to vector<16xi32>
      %select_n3A_958 = arith.select %gt3A_929, %gather3A_954, %broadcast_in_dim3A_957 : vector<16xi1>, vector<16xi32>
      %xor3A_959 = arith.xori %xor3A_870, %select_n3A_958 : vector<16xi32>
      %broadcast_in_dim3A_960 = arith.constant 3 : i32
      %broadcast_in_dim3A_961 = vector.broadcast %broadcast_in_dim3A_960 : i32 to vector<16xi32>
      %gather3A_962 = tpu.vector_load_idx %arg15[%add3A_935, %broadcast_in_dim3A_961] : memref<3840x16xi32, #tpu.memory_space<vmem>>[vector<16xi32>, vector<16xi32>], vector<16xi32>,
      %jit3A_963 = arith.constant 0 : i64
      %convert_element_type3A_964 = arith.trunci %jit3A_963 : i64 to i32
      %broadcast_in_dim3A_965 = vector.broadcast %convert_element_type3A_964 : i32 to vector<16xi32>
      %select_n3A_966 = arith.select %gt3A_929, %gather3A_962, %broadcast_in_dim3A_965 : vector<16xi1>, vector<16xi32>
      %xor3A_967 = arith.xori %xor3A_878, %select_n3A_966 : vector<16xi32>
      %broadcast_in_dim3A_968 = arith.constant 4 : i32
      %broadcast_in_dim3A_969 = vector.broadcast %broadcast_in_dim3A_968 : i32 to vector<16xi32>
      %gather3A_970 = tpu.vector_load_idx %arg15[%add3A_935, %broadcast_in_dim3A_969] : memref<3840x16xi32, #tpu.memory_space<vmem>>[vector<16xi32>, vector<16xi32>], vector<16xi32>,
      %jit3A_971 = arith.constant 0 : i64
      %convert_element_type3A_972 = arith.trunci %jit3A_971 : i64 to i32
      %broadcast_in_dim3A_973 = vector.broadcast %convert_element_type3A_972 : i32 to vector<16xi32>
      %select_n3A_974 = arith.select %gt3A_929, %gather3A_970, %broadcast_in_dim3A_973 : vector<16xi1>, vector<16xi32>
      %xor3A_975 = arith.xori %xor3A_886, %select_n3A_974 : vector<16xi32>
      %broadcast_in_dim3A_976 = arith.constant 5 : i32
      %broadcast_in_dim3A_977 = vector.broadcast %broadcast_in_dim3A_976 : i32 to vector<16xi32>
      %gather3A_978 = tpu.vector_load_idx %arg15[%add3A_935, %broadcast_in_dim3A_977] : memref<3840x16xi32, #tpu.memory_space<vmem>>[vector<16xi32>, vector<16xi32>], vector<16xi32>,
      %jit3A_979 = arith.constant 0 : i64
      %convert_element_type3A_980 = arith.trunci %jit3A_979 : i64 to i32
      %broadcast_in_dim3A_981 = vector.broadcast %convert_element_type3A_980 : i32 to vector<16xi32>
      %select_n3A_982 = arith.select %gt3A_929, %gather3A_978, %broadcast_in_dim3A_981 : vector<16xi1>, vector<16xi32>
      %xor3A_983 = arith.xori %xor3A_894, %select_n3A_982 : vector<16xi32>
      %broadcast_in_dim3A_984 = arith.constant 6 : i32
      %broadcast_in_dim3A_985 = vector.broadcast %broadcast_in_dim3A_984 : i32 to vector<16xi32>
      %gather3A_986 = tpu.vector_load_idx %arg15[%add3A_935, %broadcast_in_dim3A_985] : memref<3840x16xi32, #tpu.memory_space<vmem>>[vector<16xi32>, vector<16xi32>], vector<16xi32>,
      %jit3A_987 = arith.constant 0 : i64
      %convert_element_type3A_988 = arith.trunci %jit3A_987 : i64 to i32
      %broadcast_in_dim3A_989 = vector.broadcast %convert_element_type3A_988 : i32 to vector<16xi32>
      %select_n3A_990 = arith.select %gt3A_929, %gather3A_986, %broadcast_in_dim3A_989 : vector<16xi1>, vector<16xi32>
      %xor3A_991 = arith.xori %xor3A_902, %select_n3A_990 : vector<16xi32>
      %broadcast_in_dim3A_992 = arith.constant 7 : i32
      %broadcast_in_dim3A_993 = vector.broadcast %broadcast_in_dim3A_992 : i32 to vector<16xi32>
      %gather3A_994 = tpu.vector_load_idx %arg15[%add3A_935, %broadcast_in_dim3A_993] : memref<3840x16xi32, #tpu.memory_space<vmem>>[vector<16xi32>, vector<16xi32>], vector<16xi32>,
      %jit3A_995 = arith.constant 0 : i64
      %convert_element_type3A_996 = arith.trunci %jit3A_995 : i64 to i32
      %broadcast_in_dim3A_997 = vector.broadcast %convert_element_type3A_996 : i32 to vector<16xi32>
      %select_n3A_998 = arith.select %gt3A_929, %gather3A_994, %broadcast_in_dim3A_997 : vector<16xi1>, vector<16xi32>
      %xor3A_999 = arith.xori %xor3A_910, %select_n3A_998 : vector<16xi32>
      %broadcast_in_dim3A_1000 = arith.constant 8 : i32
      %broadcast_in_dim3A_1001 = vector.broadcast %broadcast_in_dim3A_1000 : i32 to vector<16xi32>
      %gather3A_1002 = tpu.vector_load_idx %arg15[%add3A_935, %broadcast_in_dim3A_1001] : memref<3840x16xi32, #tpu.memory_space<vmem>>[vector<16xi32>, vector<16xi32>], vector<16xi32>,
      %jit3A_1003 = arith.constant 0 : i64
      %convert_element_type3A_1004 = arith.trunci %jit3A_1003 : i64 to i32
      %broadcast_in_dim3A_1005 = vector.broadcast %convert_element_type3A_1004 : i32 to vector<16xi32>
      %select_n3A_1006 = arith.select %gt3A_929, %gather3A_1002, %broadcast_in_dim3A_1005 : vector<16xi1>, vector<16xi32>
      %xor3A_1007 = arith.xori %xor3A_918, %select_n3A_1006 : vector<16xi32>
      %broadcast_in_dim3A_1008 = arith.constant 9 : i32
      %broadcast_in_dim3A_1009 = vector.broadcast %broadcast_in_dim3A_1008 : i32 to vector<16xi32>
      %gather3A_1010 = tpu.vector_load_idx %arg15[%add3A_935, %broadcast_in_dim3A_1009] : memref<3840x16xi32, #tpu.memory_space<vmem>>[vector<16xi32>, vector<16xi32>], vector<16xi32>,
      %jit3A_1011 = arith.constant 0 : i64
      %convert_element_type3A_1012 = arith.trunci %jit3A_1011 : i64 to i32
      %broadcast_in_dim3A_1013 = vector.broadcast %convert_element_type3A_1012 : i32 to vector<16xi32>
      %select_n3A_1014 = arith.select %gt3A_929, %gather3A_1010, %broadcast_in_dim3A_1013 : vector<16xi1>, vector<16xi32>
      %xor3A_1015 = arith.xori %xor3A_926, %select_n3A_1014 : vector<16xi32>
      %gt3A_1016 = arith.constant 4 : i32
      %gt3A_1017 = vector.broadcast %gt3A_1016 : i32 to vector<16xi32>
      %gt3A_1018 = arith.cmpi sgt, %get3A_646, %gt3A_1017 : vector<16xi32>
      %mul3A_1019 = arith.constant 240 : i32
      %mul3A_1020 = arith.muli %mul3A_1019, %while3A_643 : i32
      %add3A_1021 = arith.constant 64 : i32
      %add3A_1022 = arith.addi %mul3A_1020, %add3A_1021 : i32
      %add3A_1023 = vector.broadcast %add3A_1022 : i32 to vector<16xi32>
      %add3A_1024 = arith.addi %iota3A, %add3A_1023 : vector<16xi32>
      %broadcast_in_dim3A_1025 = arith.constant 0 : i32
      %broadcast_in_dim3A_1026 = vector.broadcast %broadcast_in_dim3A_1025 : i32 to vector<16xi32>
      %gather3A_1027 = tpu.vector_load_idx %arg15[%add3A_1024, %broadcast_in_dim3A_1026] : memref<3840x16xi32, #tpu.memory_space<vmem>>[vector<16xi32>, vector<16xi32>], vector<16xi32>,
      %jit3A_1028 = arith.constant 0 : i64
      %convert_element_type3A_1029 = arith.trunci %jit3A_1028 : i64 to i32
      %broadcast_in_dim3A_1030 = vector.broadcast %convert_element_type3A_1029 : i32 to vector<16xi32>
      %select_n3A_1031 = arith.select %gt3A_1018, %gather3A_1027, %broadcast_in_dim3A_1030 : vector<16xi1>, vector<16xi32>
      %xor3A_1032 = arith.xori %xor3A_943, %select_n3A_1031 : vector<16xi32>
      %broadcast_in_dim3A_1033 = arith.constant 1 : i32
      %broadcast_in_dim3A_1034 = vector.broadcast %broadcast_in_dim3A_1033 : i32 to vector<16xi32>
      %gather3A_1035 = tpu.vector_load_idx %arg15[%add3A_1024, %broadcast_in_dim3A_1034] : memref<3840x16xi32, #tpu.memory_space<vmem>>[vector<16xi32>, vector<16xi32>], vector<16xi32>,
      %jit3A_1036 = arith.constant 0 : i64
      %convert_element_type3A_1037 = arith.trunci %jit3A_1036 : i64 to i32
      %broadcast_in_dim3A_1038 = vector.broadcast %convert_element_type3A_1037 : i32 to vector<16xi32>
      %select_n3A_1039 = arith.select %gt3A_1018, %gather3A_1035, %broadcast_in_dim3A_1038 : vector<16xi1>, vector<16xi32>
      %xor3A_1040 = arith.xori %xor3A_951, %select_n3A_1039 : vector<16xi32>
      %broadcast_in_dim3A_1041 = arith.constant 2 : i32
      %broadcast_in_dim3A_1042 = vector.broadcast %broadcast_in_dim3A_1041 : i32 to vector<16xi32>
      %gather3A_1043 = tpu.vector_load_idx %arg15[%add3A_1024, %broadcast_in_dim3A_1042] : memref<3840x16xi32, #tpu.memory_space<vmem>>[vector<16xi32>, vector<16xi32>], vector<16xi32>,
      %jit3A_1044 = arith.constant 0 : i64
      %convert_element_type3A_1045 = arith.trunci %jit3A_1044 : i64 to i32
      %broadcast_in_dim3A_1046 = vector.broadcast %convert_element_type3A_1045 : i32 to vector<16xi32>
      %select_n3A_1047 = arith.select %gt3A_1018, %gather3A_1043, %broadcast_in_dim3A_1046 : vector<16xi1>, vector<16xi32>
      %xor3A_1048 = arith.xori %xor3A_959, %select_n3A_1047 : vector<16xi32>
      %broadcast_in_dim3A_1049 = arith.constant 3 : i32
      %broadcast_in_dim3A_1050 = vector.broadcast %broadcast_in_dim3A_1049 : i32 to vector<16xi32>
      %gather3A_1051 = tpu.vector_load_idx %arg15[%add3A_1024, %broadcast_in_dim3A_1050] : memref<3840x16xi32, #tpu.memory_space<vmem>>[vector<16xi32>, vector<16xi32>], vector<16xi32>,
      %jit3A_1052 = arith.constant 0 : i64
      %convert_element_type3A_1053 = arith.trunci %jit3A_1052 : i64 to i32
      %broadcast_in_dim3A_1054 = vector.broadcast %convert_element_type3A_1053 : i32 to vector<16xi32>
      %select_n3A_1055 = arith.select %gt3A_1018, %gather3A_1051, %broadcast_in_dim3A_1054 : vector<16xi1>, vector<16xi32>
      %xor3A_1056 = arith.xori %xor3A_967, %select_n3A_1055 : vector<16xi32>
      %broadcast_in_dim3A_1057 = arith.constant 4 : i32
      %broadcast_in_dim3A_1058 = vector.broadcast %broadcast_in_dim3A_1057 : i32 to vector<16xi32>
      %gather3A_1059 = tpu.vector_load_idx %arg15[%add3A_1024, %broadcast_in_dim3A_1058] : memref<3840x16xi32, #tpu.memory_space<vmem>>[vector<16xi32>, vector<16xi32>], vector<16xi32>,
      %jit3A_1060 = arith.constant 0 : i64
      %convert_element_type3A_1061 = arith.trunci %jit3A_1060 : i64 to i32
      %broadcast_in_dim3A_1062 = vector.broadcast %convert_element_type3A_1061 : i32 to vector<16xi32>
      %select_n3A_1063 = arith.select %gt3A_1018, %gather3A_1059, %broadcast_in_dim3A_1062 : vector<16xi1>, vector<16xi32>
      %xor3A_1064 = arith.xori %xor3A_975, %select_n3A_1063 : vector<16xi32>
      %broadcast_in_dim3A_1065 = arith.constant 5 : i32
      %broadcast_in_dim3A_1066 = vector.broadcast %broadcast_in_dim3A_1065 : i32 to vector<16xi32>
      %gather3A_1067 = tpu.vector_load_idx %arg15[%add3A_1024, %broadcast_in_dim3A_1066] : memref<3840x16xi32, #tpu.memory_space<vmem>>[vector<16xi32>, vector<16xi32>], vector<16xi32>,
      %jit3A_1068 = arith.constant 0 : i64
      %convert_element_type3A_1069 = arith.trunci %jit3A_1068 : i64 to i32
      %broadcast_in_dim3A_1070 = vector.broadcast %convert_element_type3A_1069 : i32 to vector<16xi32>
      %select_n3A_1071 = arith.select %gt3A_1018, %gather3A_1067, %broadcast_in_dim3A_1070 : vector<16xi1>, vector<16xi32>
      %xor3A_1072 = arith.xori %xor3A_983, %select_n3A_1071 : vector<16xi32>
      %broadcast_in_dim3A_1073 = arith.constant 6 : i32
      %broadcast_in_dim3A_1074 = vector.broadcast %broadcast_in_dim3A_1073 : i32 to vector<16xi32>
      %gather3A_1075 = tpu.vector_load_idx %arg15[%add3A_1024, %broadcast_in_dim3A_1074] : memref<3840x16xi32, #tpu.memory_space<vmem>>[vector<16xi32>, vector<16xi32>], vector<16xi32>,
      %jit3A_1076 = arith.constant 0 : i64
      %convert_element_type3A_1077 = arith.trunci %jit3A_1076 : i64 to i32
      %broadcast_in_dim3A_1078 = vector.broadcast %convert_element_type3A_1077 : i32 to vector<16xi32>
      %select_n3A_1079 = arith.select %gt3A_1018, %gather3A_1075, %broadcast_in_dim3A_1078 : vector<16xi1>, vector<16xi32>
      %xor3A_1080 = arith.xori %xor3A_991, %select_n3A_1079 : vector<16xi32>
      %broadcast_in_dim3A_1081 = arith.constant 7 : i32
      %broadcast_in_dim3A_1082 = vector.broadcast %broadcast_in_dim3A_1081 : i32 to vector<16xi32>
      %gather3A_1083 = tpu.vector_load_idx %arg15[%add3A_1024, %broadcast_in_dim3A_1082] : memref<3840x16xi32, #tpu.memory_space<vmem>>[vector<16xi32>, vector<16xi32>], vector<16xi32>,
      %jit3A_1084 = arith.constant 0 : i64
      %convert_element_type3A_1085 = arith.trunci %jit3A_1084 : i64 to i32
      %broadcast_in_dim3A_1086 = vector.broadcast %convert_element_type3A_1085 : i32 to vector<16xi32>
      %select_n3A_1087 = arith.select %gt3A_1018, %gather3A_1083, %broadcast_in_dim3A_1086 : vector<16xi1>, vector<16xi32>
      %xor3A_1088 = arith.xori %xor3A_999, %select_n3A_1087 : vector<16xi32>
      %broadcast_in_dim3A_1089 = arith.constant 8 : i32
      %broadcast_in_dim3A_1090 = vector.broadcast %broadcast_in_dim3A_1089 : i32 to vector<16xi32>
      %gather3A_1091 = tpu.vector_load_idx %arg15[%add3A_1024, %broadcast_in_dim3A_1090] : memref<3840x16xi32, #tpu.memory_space<vmem>>[vector<16xi32>, vector<16xi32>], vector<16xi32>,
      %jit3A_1092 = arith.constant 0 : i64
      %convert_element_type3A_1093 = arith.trunci %jit3A_1092 : i64 to i32
      %broadcast_in_dim3A_1094 = vector.broadcast %convert_element_type3A_1093 : i32 to vector<16xi32>
      %select_n3A_1095 = arith.select %gt3A_1018, %gather3A_1091, %broadcast_in_dim3A_1094 : vector<16xi1>, vector<16xi32>
      %xor3A_1096 = arith.xori %xor3A_1007, %select_n3A_1095 : vector<16xi32>
      %broadcast_in_dim3A_1097 = arith.constant 9 : i32
      %broadcast_in_dim3A_1098 = vector.broadcast %broadcast_in_dim3A_1097 : i32 to vector<16xi32>
      %gather3A_1099 = tpu.vector_load_idx %arg15[%add3A_1024, %broadcast_in_dim3A_1098] : memref<3840x16xi32, #tpu.memory_space<vmem>>[vector<16xi32>, vector<16xi32>], vector<16xi32>,
      %jit3A_1100 = arith.constant 0 : i64
      %convert_element_type3A_1101 = arith.trunci %jit3A_1100 : i64 to i32
      %broadcast_in_dim3A_1102 = vector.broadcast %convert_element_type3A_1101 : i32 to vector<16xi32>
      %select_n3A_1103 = arith.select %gt3A_1018, %gather3A_1099, %broadcast_in_dim3A_1102 : vector<16xi1>, vector<16xi32>
      %xor3A_1104 = arith.xori %xor3A_1015, %select_n3A_1103 : vector<16xi32>
      %gt3A_1105 = arith.constant 5 : i32
      %gt3A_1106 = vector.broadcast %gt3A_1105 : i32 to vector<16xi32>
      %gt3A_1107 = arith.cmpi sgt, %get3A_646, %gt3A_1106 : vector<16xi32>
      %mul3A_1108 = arith.constant 240 : i32
      %mul3A_1109 = arith.muli %mul3A_1108, %while3A_643 : i32
      %add3A_1110 = arith.constant 80 : i32
      %add3A_1111 = arith.addi %mul3A_1109, %add3A_1110 : i32
      %add3A_1112 = vector.broadcast %add3A_1111 : i32 to vector<16xi32>
      %add3A_1113 = arith.addi %iota3A, %add3A_1112 : vector<16xi32>
      %broadcast_in_dim3A_1114 = arith.constant 0 : i32
      %broadcast_in_dim3A_1115 = vector.broadcast %broadcast_in_dim3A_1114 : i32 to vector<16xi32>
      %gather3A_1116 = tpu.vector_load_idx %arg15[%add3A_1113, %broadcast_in_dim3A_1115] : memref<3840x16xi32, #tpu.memory_space<vmem>>[vector<16xi32>, vector<16xi32>], vector<16xi32>,
      %jit3A_1117 = arith.constant 0 : i64
      %convert_element_type3A_1118 = arith.trunci %jit3A_1117 : i64 to i32
      %broadcast_in_dim3A_1119 = vector.broadcast %convert_element_type3A_1118 : i32 to vector<16xi32>
      %select_n3A_1120 = arith.select %gt3A_1107, %gather3A_1116, %broadcast_in_dim3A_1119 : vector<16xi1>, vector<16xi32>
      %xor3A_1121 = arith.xori %xor3A_1032, %select_n3A_1120 : vector<16xi32>
      %broadcast_in_dim3A_1122 = arith.constant 1 : i32
      %broadcast_in_dim3A_1123 = vector.broadcast %broadcast_in_dim3A_1122 : i32 to vector<16xi32>
      %gather3A_1124 = tpu.vector_load_idx %arg15[%add3A_1113, %broadcast_in_dim3A_1123] : memref<3840x16xi32, #tpu.memory_space<vmem>>[vector<16xi32>, vector<16xi32>], vector<16xi32>,
      %jit3A_1125 = arith.constant 0 : i64
      %convert_element_type3A_1126 = arith.trunci %jit3A_1125 : i64 to i32
      %broadcast_in_dim3A_1127 = vector.broadcast %convert_element_type3A_1126 : i32 to vector<16xi32>
      %select_n3A_1128 = arith.select %gt3A_1107, %gather3A_1124, %broadcast_in_dim3A_1127 : vector<16xi1>, vector<16xi32>
      %xor3A_1129 = arith.xori %xor3A_1040, %select_n3A_1128 : vector<16xi32>
      %broadcast_in_dim3A_1130 = arith.constant 2 : i32
      %broadcast_in_dim3A_1131 = vector.broadcast %broadcast_in_dim3A_1130 : i32 to vector<16xi32>
      %gather3A_1132 = tpu.vector_load_idx %arg15[%add3A_1113, %broadcast_in_dim3A_1131] : memref<3840x16xi32, #tpu.memory_space<vmem>>[vector<16xi32>, vector<16xi32>], vector<16xi32>,
      %jit3A_1133 = arith.constant 0 : i64
      %convert_element_type3A_1134 = arith.trunci %jit3A_1133 : i64 to i32
      %broadcast_in_dim3A_1135 = vector.broadcast %convert_element_type3A_1134 : i32 to vector<16xi32>
      %select_n3A_1136 = arith.select %gt3A_1107, %gather3A_1132, %broadcast_in_dim3A_1135 : vector<16xi1>, vector<16xi32>
      %xor3A_1137 = arith.xori %xor3A_1048, %select_n3A_1136 : vector<16xi32>
      %broadcast_in_dim3A_1138 = arith.constant 3 : i32
      %broadcast_in_dim3A_1139 = vector.broadcast %broadcast_in_dim3A_1138 : i32 to vector<16xi32>
      %gather3A_1140 = tpu.vector_load_idx %arg15[%add3A_1113, %broadcast_in_dim3A_1139] : memref<3840x16xi32, #tpu.memory_space<vmem>>[vector<16xi32>, vector<16xi32>], vector<16xi32>,
      %jit3A_1141 = arith.constant 0 : i64
      %convert_element_type3A_1142 = arith.trunci %jit3A_1141 : i64 to i32
      %broadcast_in_dim3A_1143 = vector.broadcast %convert_element_type3A_1142 : i32 to vector<16xi32>
      %select_n3A_1144 = arith.select %gt3A_1107, %gather3A_1140, %broadcast_in_dim3A_1143 : vector<16xi1>, vector<16xi32>
      %xor3A_1145 = arith.xori %xor3A_1056, %select_n3A_1144 : vector<16xi32>
      %broadcast_in_dim3A_1146 = arith.constant 4 : i32
      %broadcast_in_dim3A_1147 = vector.broadcast %broadcast_in_dim3A_1146 : i32 to vector<16xi32>
      %gather3A_1148 = tpu.vector_load_idx %arg15[%add3A_1113, %broadcast_in_dim3A_1147] : memref<3840x16xi32, #tpu.memory_space<vmem>>[vector<16xi32>, vector<16xi32>], vector<16xi32>,
      %jit3A_1149 = arith.constant 0 : i64
      %convert_element_type3A_1150 = arith.trunci %jit3A_1149 : i64 to i32
      %broadcast_in_dim3A_1151 = vector.broadcast %convert_element_type3A_1150 : i32 to vector<16xi32>
      %select_n3A_1152 = arith.select %gt3A_1107, %gather3A_1148, %broadcast_in_dim3A_1151 : vector<16xi1>, vector<16xi32>
      %xor3A_1153 = arith.xori %xor3A_1064, %select_n3A_1152 : vector<16xi32>
      %broadcast_in_dim3A_1154 = arith.constant 5 : i32
      %broadcast_in_dim3A_1155 = vector.broadcast %broadcast_in_dim3A_1154 : i32 to vector<16xi32>
      %gather3A_1156 = tpu.vector_load_idx %arg15[%add3A_1113, %broadcast_in_dim3A_1155] : memref<3840x16xi32, #tpu.memory_space<vmem>>[vector<16xi32>, vector<16xi32>], vector<16xi32>,
      %jit3A_1157 = arith.constant 0 : i64
      %convert_element_type3A_1158 = arith.trunci %jit3A_1157 : i64 to i32
      %broadcast_in_dim3A_1159 = vector.broadcast %convert_element_type3A_1158 : i32 to vector<16xi32>
      %select_n3A_1160 = arith.select %gt3A_1107, %gather3A_1156, %broadcast_in_dim3A_1159 : vector<16xi1>, vector<16xi32>
      %xor3A_1161 = arith.xori %xor3A_1072, %select_n3A_1160 : vector<16xi32>
      %broadcast_in_dim3A_1162 = arith.constant 6 : i32
      %broadcast_in_dim3A_1163 = vector.broadcast %broadcast_in_dim3A_1162 : i32 to vector<16xi32>
      %gather3A_1164 = tpu.vector_load_idx %arg15[%add3A_1113, %broadcast_in_dim3A_1163] : memref<3840x16xi32, #tpu.memory_space<vmem>>[vector<16xi32>, vector<16xi32>], vector<16xi32>,
      %jit3A_1165 = arith.constant 0 : i64
      %convert_element_type3A_1166 = arith.trunci %jit3A_1165 : i64 to i32
      %broadcast_in_dim3A_1167 = vector.broadcast %convert_element_type3A_1166 : i32 to vector<16xi32>
      %select_n3A_1168 = arith.select %gt3A_1107, %gather3A_1164, %broadcast_in_dim3A_1167 : vector<16xi1>, vector<16xi32>
      %xor3A_1169 = arith.xori %xor3A_1080, %select_n3A_1168 : vector<16xi32>
      %broadcast_in_dim3A_1170 = arith.constant 7 : i32
      %broadcast_in_dim3A_1171 = vector.broadcast %broadcast_in_dim3A_1170 : i32 to vector<16xi32>
      %gather3A_1172 = tpu.vector_load_idx %arg15[%add3A_1113, %broadcast_in_dim3A_1171] : memref<3840x16xi32, #tpu.memory_space<vmem>>[vector<16xi32>, vector<16xi32>], vector<16xi32>,
      %jit3A_1173 = arith.constant 0 : i64
      %convert_element_type3A_1174 = arith.trunci %jit3A_1173 : i64 to i32
      %broadcast_in_dim3A_1175 = vector.broadcast %convert_element_type3A_1174 : i32 to vector<16xi32>
      %select_n3A_1176 = arith.select %gt3A_1107, %gather3A_1172, %broadcast_in_dim3A_1175 : vector<16xi1>, vector<16xi32>
      %xor3A_1177 = arith.xori %xor3A_1088, %select_n3A_1176 : vector<16xi32>
      %broadcast_in_dim3A_1178 = arith.constant 8 : i32
      %broadcast_in_dim3A_1179 = vector.broadcast %broadcast_in_dim3A_1178 : i32 to vector<16xi32>
      %gather3A_1180 = tpu.vector_load_idx %arg15[%add3A_1113, %broadcast_in_dim3A_1179] : memref<3840x16xi32, #tpu.memory_space<vmem>>[vector<16xi32>, vector<16xi32>], vector<16xi32>,
      %jit3A_1181 = arith.constant 0 : i64
      %convert_element_type3A_1182 = arith.trunci %jit3A_1181 : i64 to i32
      %broadcast_in_dim3A_1183 = vector.broadcast %convert_element_type3A_1182 : i32 to vector<16xi32>
      %select_n3A_1184 = arith.select %gt3A_1107, %gather3A_1180, %broadcast_in_dim3A_1183 : vector<16xi1>, vector<16xi32>
      %xor3A_1185 = arith.xori %xor3A_1096, %select_n3A_1184 : vector<16xi32>
      %broadcast_in_dim3A_1186 = arith.constant 9 : i32
      %broadcast_in_dim3A_1187 = vector.broadcast %broadcast_in_dim3A_1186 : i32 to vector<16xi32>
      %gather3A_1188 = tpu.vector_load_idx %arg15[%add3A_1113, %broadcast_in_dim3A_1187] : memref<3840x16xi32, #tpu.memory_space<vmem>>[vector<16xi32>, vector<16xi32>], vector<16xi32>,
      %jit3A_1189 = arith.constant 0 : i64
      %convert_element_type3A_1190 = arith.trunci %jit3A_1189 : i64 to i32
      %broadcast_in_dim3A_1191 = vector.broadcast %convert_element_type3A_1190 : i32 to vector<16xi32>
      %select_n3A_1192 = arith.select %gt3A_1107, %gather3A_1188, %broadcast_in_dim3A_1191 : vector<16xi1>, vector<16xi32>
      %xor3A_1193 = arith.xori %xor3A_1104, %select_n3A_1192 : vector<16xi32>
      %gt3A_1194 = arith.constant 6 : i32
      %gt3A_1195 = vector.broadcast %gt3A_1194 : i32 to vector<16xi32>
      %gt3A_1196 = arith.cmpi sgt, %get3A_646, %gt3A_1195 : vector<16xi32>
      %mul3A_1197 = arith.constant 240 : i32
      %mul3A_1198 = arith.muli %mul3A_1197, %while3A_643 : i32
      %add3A_1199 = arith.constant 96 : i32
      %add3A_1200 = arith.addi %mul3A_1198, %add3A_1199 : i32
      %add3A_1201 = vector.broadcast %add3A_1200 : i32 to vector<16xi32>
      %add3A_1202 = arith.addi %iota3A, %add3A_1201 : vector<16xi32>
      %broadcast_in_dim3A_1203 = arith.constant 0 : i32
      %broadcast_in_dim3A_1204 = vector.broadcast %broadcast_in_dim3A_1203 : i32 to vector<16xi32>
      %gather3A_1205 = tpu.vector_load_idx %arg15[%add3A_1202, %broadcast_in_dim3A_1204] : memref<3840x16xi32, #tpu.memory_space<vmem>>[vector<16xi32>, vector<16xi32>], vector<16xi32>,
      %jit3A_1206 = arith.constant 0 : i64
      %convert_element_type3A_1207 = arith.trunci %jit3A_1206 : i64 to i32
      %broadcast_in_dim3A_1208 = vector.broadcast %convert_element_type3A_1207 : i32 to vector<16xi32>
      %select_n3A_1209 = arith.select %gt3A_1196, %gather3A_1205, %broadcast_in_dim3A_1208 : vector<16xi1>, vector<16xi32>
      %xor3A_1210 = arith.xori %xor3A_1121, %select_n3A_1209 : vector<16xi32>
      %broadcast_in_dim3A_1211 = arith.constant 1 : i32
      %broadcast_in_dim3A_1212 = vector.broadcast %broadcast_in_dim3A_1211 : i32 to vector<16xi32>
      %gather3A_1213 = tpu.vector_load_idx %arg15[%add3A_1202, %broadcast_in_dim3A_1212] : memref<3840x16xi32, #tpu.memory_space<vmem>>[vector<16xi32>, vector<16xi32>], vector<16xi32>,
      %jit3A_1214 = arith.constant 0 : i64
      %convert_element_type3A_1215 = arith.trunci %jit3A_1214 : i64 to i32
      %broadcast_in_dim3A_1216 = vector.broadcast %convert_element_type3A_1215 : i32 to vector<16xi32>
      %select_n3A_1217 = arith.select %gt3A_1196, %gather3A_1213, %broadcast_in_dim3A_1216 : vector<16xi1>, vector<16xi32>
      %xor3A_1218 = arith.xori %xor3A_1129, %select_n3A_1217 : vector<16xi32>
      %broadcast_in_dim3A_1219 = arith.constant 2 : i32
      %broadcast_in_dim3A_1220 = vector.broadcast %broadcast_in_dim3A_1219 : i32 to vector<16xi32>
      %gather3A_1221 = tpu.vector_load_idx %arg15[%add3A_1202, %broadcast_in_dim3A_1220] : memref<3840x16xi32, #tpu.memory_space<vmem>>[vector<16xi32>, vector<16xi32>], vector<16xi32>,
      %jit3A_1222 = arith.constant 0 : i64
      %convert_element_type3A_1223 = arith.trunci %jit3A_1222 : i64 to i32
      %broadcast_in_dim3A_1224 = vector.broadcast %convert_element_type3A_1223 : i32 to vector<16xi32>
      %select_n3A_1225 = arith.select %gt3A_1196, %gather3A_1221, %broadcast_in_dim3A_1224 : vector<16xi1>, vector<16xi32>
      %xor3A_1226 = arith.xori %xor3A_1137, %select_n3A_1225 : vector<16xi32>
      %broadcast_in_dim3A_1227 = arith.constant 3 : i32
      %broadcast_in_dim3A_1228 = vector.broadcast %broadcast_in_dim3A_1227 : i32 to vector<16xi32>
      %gather3A_1229 = tpu.vector_load_idx %arg15[%add3A_1202, %broadcast_in_dim3A_1228] : memref<3840x16xi32, #tpu.memory_space<vmem>>[vector<16xi32>, vector<16xi32>], vector<16xi32>,
      %jit3A_1230 = arith.constant 0 : i64
      %convert_element_type3A_1231 = arith.trunci %jit3A_1230 : i64 to i32
      %broadcast_in_dim3A_1232 = vector.broadcast %convert_element_type3A_1231 : i32 to vector<16xi32>
      %select_n3A_1233 = arith.select %gt3A_1196, %gather3A_1229, %broadcast_in_dim3A_1232 : vector<16xi1>, vector<16xi32>
      %xor3A_1234 = arith.xori %xor3A_1145, %select_n3A_1233 : vector<16xi32>
      %broadcast_in_dim3A_1235 = arith.constant 4 : i32
      %broadcast_in_dim3A_1236 = vector.broadcast %broadcast_in_dim3A_1235 : i32 to vector<16xi32>
      %gather3A_1237 = tpu.vector_load_idx %arg15[%add3A_1202, %broadcast_in_dim3A_1236] : memref<3840x16xi32, #tpu.memory_space<vmem>>[vector<16xi32>, vector<16xi32>], vector<16xi32>,
      %jit3A_1238 = arith.constant 0 : i64
      %convert_element_type3A_1239 = arith.trunci %jit3A_1238 : i64 to i32
      %broadcast_in_dim3A_1240 = vector.broadcast %convert_element_type3A_1239 : i32 to vector<16xi32>
      %select_n3A_1241 = arith.select %gt3A_1196, %gather3A_1237, %broadcast_in_dim3A_1240 : vector<16xi1>, vector<16xi32>
      %xor3A_1242 = arith.xori %xor3A_1153, %select_n3A_1241 : vector<16xi32>
      %broadcast_in_dim3A_1243 = arith.constant 5 : i32
      %broadcast_in_dim3A_1244 = vector.broadcast %broadcast_in_dim3A_1243 : i32 to vector<16xi32>
      %gather3A_1245 = tpu.vector_load_idx %arg15[%add3A_1202, %broadcast_in_dim3A_1244] : memref<3840x16xi32, #tpu.memory_space<vmem>>[vector<16xi32>, vector<16xi32>], vector<16xi32>,
      %jit3A_1246 = arith.constant 0 : i64
      %convert_element_type3A_1247 = arith.trunci %jit3A_1246 : i64 to i32
      %broadcast_in_dim3A_1248 = vector.broadcast %convert_element_type3A_1247 : i32 to vector<16xi32>
      %select_n3A_1249 = arith.select %gt3A_1196, %gather3A_1245, %broadcast_in_dim3A_1248 : vector<16xi1>, vector<16xi32>
      %xor3A_1250 = arith.xori %xor3A_1161, %select_n3A_1249 : vector<16xi32>
      %broadcast_in_dim3A_1251 = arith.constant 6 : i32
      %broadcast_in_dim3A_1252 = vector.broadcast %broadcast_in_dim3A_1251 : i32 to vector<16xi32>
      %gather3A_1253 = tpu.vector_load_idx %arg15[%add3A_1202, %broadcast_in_dim3A_1252] : memref<3840x16xi32, #tpu.memory_space<vmem>>[vector<16xi32>, vector<16xi32>], vector<16xi32>,
      %jit3A_1254 = arith.constant 0 : i64
      %convert_element_type3A_1255 = arith.trunci %jit3A_1254 : i64 to i32
      %broadcast_in_dim3A_1256 = vector.broadcast %convert_element_type3A_1255 : i32 to vector<16xi32>
      %select_n3A_1257 = arith.select %gt3A_1196, %gather3A_1253, %broadcast_in_dim3A_1256 : vector<16xi1>, vector<16xi32>
      %xor3A_1258 = arith.xori %xor3A_1169, %select_n3A_1257 : vector<16xi32>
      %broadcast_in_dim3A_1259 = arith.constant 7 : i32
      %broadcast_in_dim3A_1260 = vector.broadcast %broadcast_in_dim3A_1259 : i32 to vector<16xi32>
      %gather3A_1261 = tpu.vector_load_idx %arg15[%add3A_1202, %broadcast_in_dim3A_1260] : memref<3840x16xi32, #tpu.memory_space<vmem>>[vector<16xi32>, vector<16xi32>], vector<16xi32>,
      %jit3A_1262 = arith.constant 0 : i64
      %convert_element_type3A_1263 = arith.trunci %jit3A_1262 : i64 to i32
      %broadcast_in_dim3A_1264 = vector.broadcast %convert_element_type3A_1263 : i32 to vector<16xi32>
      %select_n3A_1265 = arith.select %gt3A_1196, %gather3A_1261, %broadcast_in_dim3A_1264 : vector<16xi1>, vector<16xi32>
      %xor3A_1266 = arith.xori %xor3A_1177, %select_n3A_1265 : vector<16xi32>
      %broadcast_in_dim3A_1267 = arith.constant 8 : i32
      %broadcast_in_dim3A_1268 = vector.broadcast %broadcast_in_dim3A_1267 : i32 to vector<16xi32>
      %gather3A_1269 = tpu.vector_load_idx %arg15[%add3A_1202, %broadcast_in_dim3A_1268] : memref<3840x16xi32, #tpu.memory_space<vmem>>[vector<16xi32>, vector<16xi32>], vector<16xi32>,
      %jit3A_1270 = arith.constant 0 : i64
      %convert_element_type3A_1271 = arith.trunci %jit3A_1270 : i64 to i32
      %broadcast_in_dim3A_1272 = vector.broadcast %convert_element_type3A_1271 : i32 to vector<16xi32>
      %select_n3A_1273 = arith.select %gt3A_1196, %gather3A_1269, %broadcast_in_dim3A_1272 : vector<16xi1>, vector<16xi32>
      %xor3A_1274 = arith.xori %xor3A_1185, %select_n3A_1273 : vector<16xi32>
      %broadcast_in_dim3A_1275 = arith.constant 9 : i32
      %broadcast_in_dim3A_1276 = vector.broadcast %broadcast_in_dim3A_1275 : i32 to vector<16xi32>
      %gather3A_1277 = tpu.vector_load_idx %arg15[%add3A_1202, %broadcast_in_dim3A_1276] : memref<3840x16xi32, #tpu.memory_space<vmem>>[vector<16xi32>, vector<16xi32>], vector<16xi32>,
      %jit3A_1278 = arith.constant 0 : i64
      %convert_element_type3A_1279 = arith.trunci %jit3A_1278 : i64 to i32
      %broadcast_in_dim3A_1280 = vector.broadcast %convert_element_type3A_1279 : i32 to vector<16xi32>
      %select_n3A_1281 = arith.select %gt3A_1196, %gather3A_1277, %broadcast_in_dim3A_1280 : vector<16xi1>, vector<16xi32>
      %xor3A_1282 = arith.xori %xor3A_1193, %select_n3A_1281 : vector<16xi32>
      %gt3A_1283 = arith.constant 7 : i32
      %gt3A_1284 = vector.broadcast %gt3A_1283 : i32 to vector<16xi32>
      %gt3A_1285 = arith.cmpi sgt, %get3A_646, %gt3A_1284 : vector<16xi32>
      %mul3A_1286 = arith.constant 240 : i32
      %mul3A_1287 = arith.muli %mul3A_1286, %while3A_643 : i32
      %add3A_1288 = arith.constant 112 : i32
      %add3A_1289 = arith.addi %mul3A_1287, %add3A_1288 : i32
      %add3A_1290 = vector.broadcast %add3A_1289 : i32 to vector<16xi32>
      %add3A_1291 = arith.addi %iota3A, %add3A_1290 : vector<16xi32>
      %broadcast_in_dim3A_1292 = arith.constant 0 : i32
      %broadcast_in_dim3A_1293 = vector.broadcast %broadcast_in_dim3A_1292 : i32 to vector<16xi32>
      %gather3A_1294 = tpu.vector_load_idx %arg15[%add3A_1291, %broadcast_in_dim3A_1293] : memref<3840x16xi32, #tpu.memory_space<vmem>>[vector<16xi32>, vector<16xi32>], vector<16xi32>,
      %jit3A_1295 = arith.constant 0 : i64
      %convert_element_type3A_1296 = arith.trunci %jit3A_1295 : i64 to i32
      %broadcast_in_dim3A_1297 = vector.broadcast %convert_element_type3A_1296 : i32 to vector<16xi32>
      %select_n3A_1298 = arith.select %gt3A_1285, %gather3A_1294, %broadcast_in_dim3A_1297 : vector<16xi1>, vector<16xi32>
      %xor3A_1299 = arith.xori %xor3A_1210, %select_n3A_1298 : vector<16xi32>
      %broadcast_in_dim3A_1300 = arith.constant 1 : i32
      %broadcast_in_dim3A_1301 = vector.broadcast %broadcast_in_dim3A_1300 : i32 to vector<16xi32>
      %gather3A_1302 = tpu.vector_load_idx %arg15[%add3A_1291, %broadcast_in_dim3A_1301] : memref<3840x16xi32, #tpu.memory_space<vmem>>[vector<16xi32>, vector<16xi32>], vector<16xi32>,
      %jit3A_1303 = arith.constant 0 : i64
      %convert_element_type3A_1304 = arith.trunci %jit3A_1303 : i64 to i32
      %broadcast_in_dim3A_1305 = vector.broadcast %convert_element_type3A_1304 : i32 to vector<16xi32>
      %select_n3A_1306 = arith.select %gt3A_1285, %gather3A_1302, %broadcast_in_dim3A_1305 : vector<16xi1>, vector<16xi32>
      %xor3A_1307 = arith.xori %xor3A_1218, %select_n3A_1306 : vector<16xi32>
      %broadcast_in_dim3A_1308 = arith.constant 2 : i32
      %broadcast_in_dim3A_1309 = vector.broadcast %broadcast_in_dim3A_1308 : i32 to vector<16xi32>
      %gather3A_1310 = tpu.vector_load_idx %arg15[%add3A_1291, %broadcast_in_dim3A_1309] : memref<3840x16xi32, #tpu.memory_space<vmem>>[vector<16xi32>, vector<16xi32>], vector<16xi32>,
      %jit3A_1311 = arith.constant 0 : i64
      %convert_element_type3A_1312 = arith.trunci %jit3A_1311 : i64 to i32
      %broadcast_in_dim3A_1313 = vector.broadcast %convert_element_type3A_1312 : i32 to vector<16xi32>
      %select_n3A_1314 = arith.select %gt3A_1285, %gather3A_1310, %broadcast_in_dim3A_1313 : vector<16xi1>, vector<16xi32>
      %xor3A_1315 = arith.xori %xor3A_1226, %select_n3A_1314 : vector<16xi32>
      %broadcast_in_dim3A_1316 = arith.constant 3 : i32
      %broadcast_in_dim3A_1317 = vector.broadcast %broadcast_in_dim3A_1316 : i32 to vector<16xi32>
      %gather3A_1318 = tpu.vector_load_idx %arg15[%add3A_1291, %broadcast_in_dim3A_1317] : memref<3840x16xi32, #tpu.memory_space<vmem>>[vector<16xi32>, vector<16xi32>], vector<16xi32>,
      %jit3A_1319 = arith.constant 0 : i64
      %convert_element_type3A_1320 = arith.trunci %jit3A_1319 : i64 to i32
      %broadcast_in_dim3A_1321 = vector.broadcast %convert_element_type3A_1320 : i32 to vector<16xi32>
      %select_n3A_1322 = arith.select %gt3A_1285, %gather3A_1318, %broadcast_in_dim3A_1321 : vector<16xi1>, vector<16xi32>
      %xor3A_1323 = arith.xori %xor3A_1234, %select_n3A_1322 : vector<16xi32>
      %broadcast_in_dim3A_1324 = arith.constant 4 : i32
      %broadcast_in_dim3A_1325 = vector.broadcast %broadcast_in_dim3A_1324 : i32 to vector<16xi32>
      %gather3A_1326 = tpu.vector_load_idx %arg15[%add3A_1291, %broadcast_in_dim3A_1325] : memref<3840x16xi32, #tpu.memory_space<vmem>>[vector<16xi32>, vector<16xi32>], vector<16xi32>,
      %jit3A_1327 = arith.constant 0 : i64
      %convert_element_type3A_1328 = arith.trunci %jit3A_1327 : i64 to i32
      %broadcast_in_dim3A_1329 = vector.broadcast %convert_element_type3A_1328 : i32 to vector<16xi32>
      %select_n3A_1330 = arith.select %gt3A_1285, %gather3A_1326, %broadcast_in_dim3A_1329 : vector<16xi1>, vector<16xi32>
      %xor3A_1331 = arith.xori %xor3A_1242, %select_n3A_1330 : vector<16xi32>
      %broadcast_in_dim3A_1332 = arith.constant 5 : i32
      %broadcast_in_dim3A_1333 = vector.broadcast %broadcast_in_dim3A_1332 : i32 to vector<16xi32>
      %gather3A_1334 = tpu.vector_load_idx %arg15[%add3A_1291, %broadcast_in_dim3A_1333] : memref<3840x16xi32, #tpu.memory_space<vmem>>[vector<16xi32>, vector<16xi32>], vector<16xi32>,
      %jit3A_1335 = arith.constant 0 : i64
      %convert_element_type3A_1336 = arith.trunci %jit3A_1335 : i64 to i32
      %broadcast_in_dim3A_1337 = vector.broadcast %convert_element_type3A_1336 : i32 to vector<16xi32>
      %select_n3A_1338 = arith.select %gt3A_1285, %gather3A_1334, %broadcast_in_dim3A_1337 : vector<16xi1>, vector<16xi32>
      %xor3A_1339 = arith.xori %xor3A_1250, %select_n3A_1338 : vector<16xi32>
      %broadcast_in_dim3A_1340 = arith.constant 6 : i32
      %broadcast_in_dim3A_1341 = vector.broadcast %broadcast_in_dim3A_1340 : i32 to vector<16xi32>
      %gather3A_1342 = tpu.vector_load_idx %arg15[%add3A_1291, %broadcast_in_dim3A_1341] : memref<3840x16xi32, #tpu.memory_space<vmem>>[vector<16xi32>, vector<16xi32>], vector<16xi32>,
      %jit3A_1343 = arith.constant 0 : i64
      %convert_element_type3A_1344 = arith.trunci %jit3A_1343 : i64 to i32
      %broadcast_in_dim3A_1345 = vector.broadcast %convert_element_type3A_1344 : i32 to vector<16xi32>
      %select_n3A_1346 = arith.select %gt3A_1285, %gather3A_1342, %broadcast_in_dim3A_1345 : vector<16xi1>, vector<16xi32>
      %xor3A_1347 = arith.xori %xor3A_1258, %select_n3A_1346 : vector<16xi32>
      %broadcast_in_dim3A_1348 = arith.constant 7 : i32
      %broadcast_in_dim3A_1349 = vector.broadcast %broadcast_in_dim3A_1348 : i32 to vector<16xi32>
      %gather3A_1350 = tpu.vector_load_idx %arg15[%add3A_1291, %broadcast_in_dim3A_1349] : memref<3840x16xi32, #tpu.memory_space<vmem>>[vector<16xi32>, vector<16xi32>], vector<16xi32>,
      %jit3A_1351 = arith.constant 0 : i64
      %convert_element_type3A_1352 = arith.trunci %jit3A_1351 : i64 to i32
      %broadcast_in_dim3A_1353 = vector.broadcast %convert_element_type3A_1352 : i32 to vector<16xi32>
      %select_n3A_1354 = arith.select %gt3A_1285, %gather3A_1350, %broadcast_in_dim3A_1353 : vector<16xi1>, vector<16xi32>
      %xor3A_1355 = arith.xori %xor3A_1266, %select_n3A_1354 : vector<16xi32>
      %broadcast_in_dim3A_1356 = arith.constant 8 : i32
      %broadcast_in_dim3A_1357 = vector.broadcast %broadcast_in_dim3A_1356 : i32 to vector<16xi32>
      %gather3A_1358 = tpu.vector_load_idx %arg15[%add3A_1291, %broadcast_in_dim3A_1357] : memref<3840x16xi32, #tpu.memory_space<vmem>>[vector<16xi32>, vector<16xi32>], vector<16xi32>,
      %jit3A_1359 = arith.constant 0 : i64
      %convert_element_type3A_1360 = arith.trunci %jit3A_1359 : i64 to i32
      %broadcast_in_dim3A_1361 = vector.broadcast %convert_element_type3A_1360 : i32 to vector<16xi32>
      %select_n3A_1362 = arith.select %gt3A_1285, %gather3A_1358, %broadcast_in_dim3A_1361 : vector<16xi1>, vector<16xi32>
      %xor3A_1363 = arith.xori %xor3A_1274, %select_n3A_1362 : vector<16xi32>
      %broadcast_in_dim3A_1364 = arith.constant 9 : i32
      %broadcast_in_dim3A_1365 = vector.broadcast %broadcast_in_dim3A_1364 : i32 to vector<16xi32>
      %gather3A_1366 = tpu.vector_load_idx %arg15[%add3A_1291, %broadcast_in_dim3A_1365] : memref<3840x16xi32, #tpu.memory_space<vmem>>[vector<16xi32>, vector<16xi32>], vector<16xi32>,
      %jit3A_1367 = arith.constant 0 : i64
      %convert_element_type3A_1368 = arith.trunci %jit3A_1367 : i64 to i32
      %broadcast_in_dim3A_1369 = vector.broadcast %convert_element_type3A_1368 : i32 to vector<16xi32>
      %select_n3A_1370 = arith.select %gt3A_1285, %gather3A_1366, %broadcast_in_dim3A_1369 : vector<16xi1>, vector<16xi32>
      %xor3A_1371 = arith.xori %xor3A_1282, %select_n3A_1370 : vector<16xi32>
      %gt3A_1372 = arith.constant 8 : i32
      %gt3A_1373 = vector.broadcast %gt3A_1372 : i32 to vector<16xi32>
      %gt3A_1374 = arith.cmpi sgt, %get3A_646, %gt3A_1373 : vector<16xi32>
      %mul3A_1375 = arith.constant 240 : i32
      %mul3A_1376 = arith.muli %mul3A_1375, %while3A_643 : i32
      %add3A_1377 = arith.constant 128 : i32
      %add3A_1378 = arith.addi %mul3A_1376, %add3A_1377 : i32
      %add3A_1379 = vector.broadcast %add3A_1378 : i32 to vector<16xi32>
      %add3A_1380 = arith.addi %iota3A, %add3A_1379 : vector<16xi32>
      %broadcast_in_dim3A_1381 = arith.constant 0 : i32
      %broadcast_in_dim3A_1382 = vector.broadcast %broadcast_in_dim3A_1381 : i32 to vector<16xi32>
      %gather3A_1383 = tpu.vector_load_idx %arg15[%add3A_1380, %broadcast_in_dim3A_1382] : memref<3840x16xi32, #tpu.memory_space<vmem>>[vector<16xi32>, vector<16xi32>], vector<16xi32>,
      %jit3A_1384 = arith.constant 0 : i64
      %convert_element_type3A_1385 = arith.trunci %jit3A_1384 : i64 to i32
      %broadcast_in_dim3A_1386 = vector.broadcast %convert_element_type3A_1385 : i32 to vector<16xi32>
      %select_n3A_1387 = arith.select %gt3A_1374, %gather3A_1383, %broadcast_in_dim3A_1386 : vector<16xi1>, vector<16xi32>
      %xor3A_1388 = arith.xori %xor3A_1299, %select_n3A_1387 : vector<16xi32>
      %broadcast_in_dim3A_1389 = arith.constant 1 : i32
      %broadcast_in_dim3A_1390 = vector.broadcast %broadcast_in_dim3A_1389 : i32 to vector<16xi32>
      %gather3A_1391 = tpu.vector_load_idx %arg15[%add3A_1380, %broadcast_in_dim3A_1390] : memref<3840x16xi32, #tpu.memory_space<vmem>>[vector<16xi32>, vector<16xi32>], vector<16xi32>,
      %jit3A_1392 = arith.constant 0 : i64
      %convert_element_type3A_1393 = arith.trunci %jit3A_1392 : i64 to i32
      %broadcast_in_dim3A_1394 = vector.broadcast %convert_element_type3A_1393 : i32 to vector<16xi32>
      %select_n3A_1395 = arith.select %gt3A_1374, %gather3A_1391, %broadcast_in_dim3A_1394 : vector<16xi1>, vector<16xi32>
      %xor3A_1396 = arith.xori %xor3A_1307, %select_n3A_1395 : vector<16xi32>
      %broadcast_in_dim3A_1397 = arith.constant 2 : i32
      %broadcast_in_dim3A_1398 = vector.broadcast %broadcast_in_dim3A_1397 : i32 to vector<16xi32>
      %gather3A_1399 = tpu.vector_load_idx %arg15[%add3A_1380, %broadcast_in_dim3A_1398] : memref<3840x16xi32, #tpu.memory_space<vmem>>[vector<16xi32>, vector<16xi32>], vector<16xi32>,
      %jit3A_1400 = arith.constant 0 : i64
      %convert_element_type3A_1401 = arith.trunci %jit3A_1400 : i64 to i32
      %broadcast_in_dim3A_1402 = vector.broadcast %convert_element_type3A_1401 : i32 to vector<16xi32>
      %select_n3A_1403 = arith.select %gt3A_1374, %gather3A_1399, %broadcast_in_dim3A_1402 : vector<16xi1>, vector<16xi32>
      %xor3A_1404 = arith.xori %xor3A_1315, %select_n3A_1403 : vector<16xi32>
      %broadcast_in_dim3A_1405 = arith.constant 3 : i32
      %broadcast_in_dim3A_1406 = vector.broadcast %broadcast_in_dim3A_1405 : i32 to vector<16xi32>
      %gather3A_1407 = tpu.vector_load_idx %arg15[%add3A_1380, %broadcast_in_dim3A_1406] : memref<3840x16xi32, #tpu.memory_space<vmem>>[vector<16xi32>, vector<16xi32>], vector<16xi32>,
      %jit3A_1408 = arith.constant 0 : i64
      %convert_element_type3A_1409 = arith.trunci %jit3A_1408 : i64 to i32
      %broadcast_in_dim3A_1410 = vector.broadcast %convert_element_type3A_1409 : i32 to vector<16xi32>
      %select_n3A_1411 = arith.select %gt3A_1374, %gather3A_1407, %broadcast_in_dim3A_1410 : vector<16xi1>, vector<16xi32>
      %xor3A_1412 = arith.xori %xor3A_1323, %select_n3A_1411 : vector<16xi32>
      %broadcast_in_dim3A_1413 = arith.constant 4 : i32
      %broadcast_in_dim3A_1414 = vector.broadcast %broadcast_in_dim3A_1413 : i32 to vector<16xi32>
      %gather3A_1415 = tpu.vector_load_idx %arg15[%add3A_1380, %broadcast_in_dim3A_1414] : memref<3840x16xi32, #tpu.memory_space<vmem>>[vector<16xi32>, vector<16xi32>], vector<16xi32>,
      %jit3A_1416 = arith.constant 0 : i64
      %convert_element_type3A_1417 = arith.trunci %jit3A_1416 : i64 to i32
      %broadcast_in_dim3A_1418 = vector.broadcast %convert_element_type3A_1417 : i32 to vector<16xi32>
      %select_n3A_1419 = arith.select %gt3A_1374, %gather3A_1415, %broadcast_in_dim3A_1418 : vector<16xi1>, vector<16xi32>
      %xor3A_1420 = arith.xori %xor3A_1331, %select_n3A_1419 : vector<16xi32>
      %broadcast_in_dim3A_1421 = arith.constant 5 : i32
      %broadcast_in_dim3A_1422 = vector.broadcast %broadcast_in_dim3A_1421 : i32 to vector<16xi32>
      %gather3A_1423 = tpu.vector_load_idx %arg15[%add3A_1380, %broadcast_in_dim3A_1422] : memref<3840x16xi32, #tpu.memory_space<vmem>>[vector<16xi32>, vector<16xi32>], vector<16xi32>,
      %jit3A_1424 = arith.constant 0 : i64
      %convert_element_type3A_1425 = arith.trunci %jit3A_1424 : i64 to i32
      %broadcast_in_dim3A_1426 = vector.broadcast %convert_element_type3A_1425 : i32 to vector<16xi32>
      %select_n3A_1427 = arith.select %gt3A_1374, %gather3A_1423, %broadcast_in_dim3A_1426 : vector<16xi1>, vector<16xi32>
      %xor3A_1428 = arith.xori %xor3A_1339, %select_n3A_1427 : vector<16xi32>
      %broadcast_in_dim3A_1429 = arith.constant 6 : i32
      %broadcast_in_dim3A_1430 = vector.broadcast %broadcast_in_dim3A_1429 : i32 to vector<16xi32>
      %gather3A_1431 = tpu.vector_load_idx %arg15[%add3A_1380, %broadcast_in_dim3A_1430] : memref<3840x16xi32, #tpu.memory_space<vmem>>[vector<16xi32>, vector<16xi32>], vector<16xi32>,
      %jit3A_1432 = arith.constant 0 : i64
      %convert_element_type3A_1433 = arith.trunci %jit3A_1432 : i64 to i32
      %broadcast_in_dim3A_1434 = vector.broadcast %convert_element_type3A_1433 : i32 to vector<16xi32>
      %select_n3A_1435 = arith.select %gt3A_1374, %gather3A_1431, %broadcast_in_dim3A_1434 : vector<16xi1>, vector<16xi32>
      %xor3A_1436 = arith.xori %xor3A_1347, %select_n3A_1435 : vector<16xi32>
      %broadcast_in_dim3A_1437 = arith.constant 7 : i32
      %broadcast_in_dim3A_1438 = vector.broadcast %broadcast_in_dim3A_1437 : i32 to vector<16xi32>
      %gather3A_1439 = tpu.vector_load_idx %arg15[%add3A_1380, %broadcast_in_dim3A_1438] : memref<3840x16xi32, #tpu.memory_space<vmem>>[vector<16xi32>, vector<16xi32>], vector<16xi32>,
      %jit3A_1440 = arith.constant 0 : i64
      %convert_element_type3A_1441 = arith.trunci %jit3A_1440 : i64 to i32
      %broadcast_in_dim3A_1442 = vector.broadcast %convert_element_type3A_1441 : i32 to vector<16xi32>
      %select_n3A_1443 = arith.select %gt3A_1374, %gather3A_1439, %broadcast_in_dim3A_1442 : vector<16xi1>, vector<16xi32>
      %xor3A_1444 = arith.xori %xor3A_1355, %select_n3A_1443 : vector<16xi32>
      %broadcast_in_dim3A_1445 = arith.constant 8 : i32
      %broadcast_in_dim3A_1446 = vector.broadcast %broadcast_in_dim3A_1445 : i32 to vector<16xi32>
      %gather3A_1447 = tpu.vector_load_idx %arg15[%add3A_1380, %broadcast_in_dim3A_1446] : memref<3840x16xi32, #tpu.memory_space<vmem>>[vector<16xi32>, vector<16xi32>], vector<16xi32>,
      %jit3A_1448 = arith.constant 0 : i64
      %convert_element_type3A_1449 = arith.trunci %jit3A_1448 : i64 to i32
      %broadcast_in_dim3A_1450 = vector.broadcast %convert_element_type3A_1449 : i32 to vector<16xi32>
      %select_n3A_1451 = arith.select %gt3A_1374, %gather3A_1447, %broadcast_in_dim3A_1450 : vector<16xi1>, vector<16xi32>
      %xor3A_1452 = arith.xori %xor3A_1363, %select_n3A_1451 : vector<16xi32>
      %broadcast_in_dim3A_1453 = arith.constant 9 : i32
      %broadcast_in_dim3A_1454 = vector.broadcast %broadcast_in_dim3A_1453 : i32 to vector<16xi32>
      %gather3A_1455 = tpu.vector_load_idx %arg15[%add3A_1380, %broadcast_in_dim3A_1454] : memref<3840x16xi32, #tpu.memory_space<vmem>>[vector<16xi32>, vector<16xi32>], vector<16xi32>,
      %jit3A_1456 = arith.constant 0 : i64
      %convert_element_type3A_1457 = arith.trunci %jit3A_1456 : i64 to i32
      %broadcast_in_dim3A_1458 = vector.broadcast %convert_element_type3A_1457 : i32 to vector<16xi32>
      %select_n3A_1459 = arith.select %gt3A_1374, %gather3A_1455, %broadcast_in_dim3A_1458 : vector<16xi1>, vector<16xi32>
      %xor3A_1460 = arith.xori %xor3A_1371, %select_n3A_1459 : vector<16xi32>
      %gt3A_1461 = arith.constant 9 : i32
      %gt3A_1462 = vector.broadcast %gt3A_1461 : i32 to vector<16xi32>
      %gt3A_1463 = arith.cmpi sgt, %get3A_646, %gt3A_1462 : vector<16xi32>
      %mul3A_1464 = arith.constant 240 : i32
      %mul3A_1465 = arith.muli %mul3A_1464, %while3A_643 : i32
      %add3A_1466 = arith.constant 144 : i32
      %add3A_1467 = arith.addi %mul3A_1465, %add3A_1466 : i32
      %add3A_1468 = vector.broadcast %add3A_1467 : i32 to vector<16xi32>
      %add3A_1469 = arith.addi %iota3A, %add3A_1468 : vector<16xi32>
      %broadcast_in_dim3A_1470 = arith.constant 0 : i32
      %broadcast_in_dim3A_1471 = vector.broadcast %broadcast_in_dim3A_1470 : i32 to vector<16xi32>
      %gather3A_1472 = tpu.vector_load_idx %arg15[%add3A_1469, %broadcast_in_dim3A_1471] : memref<3840x16xi32, #tpu.memory_space<vmem>>[vector<16xi32>, vector<16xi32>], vector<16xi32>,
      %jit3A_1473 = arith.constant 0 : i64
      %convert_element_type3A_1474 = arith.trunci %jit3A_1473 : i64 to i32
      %broadcast_in_dim3A_1475 = vector.broadcast %convert_element_type3A_1474 : i32 to vector<16xi32>
      %select_n3A_1476 = arith.select %gt3A_1463, %gather3A_1472, %broadcast_in_dim3A_1475 : vector<16xi1>, vector<16xi32>
      %xor3A_1477 = arith.xori %xor3A_1388, %select_n3A_1476 : vector<16xi32>
      %broadcast_in_dim3A_1478 = arith.constant 1 : i32
      %broadcast_in_dim3A_1479 = vector.broadcast %broadcast_in_dim3A_1478 : i32 to vector<16xi32>
      %gather3A_1480 = tpu.vector_load_idx %arg15[%add3A_1469, %broadcast_in_dim3A_1479] : memref<3840x16xi32, #tpu.memory_space<vmem>>[vector<16xi32>, vector<16xi32>], vector<16xi32>,
      %jit3A_1481 = arith.constant 0 : i64
      %convert_element_type3A_1482 = arith.trunci %jit3A_1481 : i64 to i32
      %broadcast_in_dim3A_1483 = vector.broadcast %convert_element_type3A_1482 : i32 to vector<16xi32>
      %select_n3A_1484 = arith.select %gt3A_1463, %gather3A_1480, %broadcast_in_dim3A_1483 : vector<16xi1>, vector<16xi32>
      %xor3A_1485 = arith.xori %xor3A_1396, %select_n3A_1484 : vector<16xi32>
      %broadcast_in_dim3A_1486 = arith.constant 2 : i32
      %broadcast_in_dim3A_1487 = vector.broadcast %broadcast_in_dim3A_1486 : i32 to vector<16xi32>
      %gather3A_1488 = tpu.vector_load_idx %arg15[%add3A_1469, %broadcast_in_dim3A_1487] : memref<3840x16xi32, #tpu.memory_space<vmem>>[vector<16xi32>, vector<16xi32>], vector<16xi32>,
      %jit3A_1489 = arith.constant 0 : i64
      %convert_element_type3A_1490 = arith.trunci %jit3A_1489 : i64 to i32
      %broadcast_in_dim3A_1491 = vector.broadcast %convert_element_type3A_1490 : i32 to vector<16xi32>
      %select_n3A_1492 = arith.select %gt3A_1463, %gather3A_1488, %broadcast_in_dim3A_1491 : vector<16xi1>, vector<16xi32>
      %xor3A_1493 = arith.xori %xor3A_1404, %select_n3A_1492 : vector<16xi32>
      %broadcast_in_dim3A_1494 = arith.constant 3 : i32
      %broadcast_in_dim3A_1495 = vector.broadcast %broadcast_in_dim3A_1494 : i32 to vector<16xi32>
      %gather3A_1496 = tpu.vector_load_idx %arg15[%add3A_1469, %broadcast_in_dim3A_1495] : memref<3840x16xi32, #tpu.memory_space<vmem>>[vector<16xi32>, vector<16xi32>], vector<16xi32>,
      %jit3A_1497 = arith.constant 0 : i64
      %convert_element_type3A_1498 = arith.trunci %jit3A_1497 : i64 to i32
      %broadcast_in_dim3A_1499 = vector.broadcast %convert_element_type3A_1498 : i32 to vector<16xi32>
      %select_n3A_1500 = arith.select %gt3A_1463, %gather3A_1496, %broadcast_in_dim3A_1499 : vector<16xi1>, vector<16xi32>
      %xor3A_1501 = arith.xori %xor3A_1412, %select_n3A_1500 : vector<16xi32>
      %broadcast_in_dim3A_1502 = arith.constant 4 : i32
      %broadcast_in_dim3A_1503 = vector.broadcast %broadcast_in_dim3A_1502 : i32 to vector<16xi32>
      %gather3A_1504 = tpu.vector_load_idx %arg15[%add3A_1469, %broadcast_in_dim3A_1503] : memref<3840x16xi32, #tpu.memory_space<vmem>>[vector<16xi32>, vector<16xi32>], vector<16xi32>,
      %jit3A_1505 = arith.constant 0 : i64
      %convert_element_type3A_1506 = arith.trunci %jit3A_1505 : i64 to i32
      %broadcast_in_dim3A_1507 = vector.broadcast %convert_element_type3A_1506 : i32 to vector<16xi32>
      %select_n3A_1508 = arith.select %gt3A_1463, %gather3A_1504, %broadcast_in_dim3A_1507 : vector<16xi1>, vector<16xi32>
      %xor3A_1509 = arith.xori %xor3A_1420, %select_n3A_1508 : vector<16xi32>
      %broadcast_in_dim3A_1510 = arith.constant 5 : i32
      %broadcast_in_dim3A_1511 = vector.broadcast %broadcast_in_dim3A_1510 : i32 to vector<16xi32>
      %gather3A_1512 = tpu.vector_load_idx %arg15[%add3A_1469, %broadcast_in_dim3A_1511] : memref<3840x16xi32, #tpu.memory_space<vmem>>[vector<16xi32>, vector<16xi32>], vector<16xi32>,
      %jit3A_1513 = arith.constant 0 : i64
      %convert_element_type3A_1514 = arith.trunci %jit3A_1513 : i64 to i32
      %broadcast_in_dim3A_1515 = vector.broadcast %convert_element_type3A_1514 : i32 to vector<16xi32>
      %select_n3A_1516 = arith.select %gt3A_1463, %gather3A_1512, %broadcast_in_dim3A_1515 : vector<16xi1>, vector<16xi32>
      %xor3A_1517 = arith.xori %xor3A_1428, %select_n3A_1516 : vector<16xi32>
      %broadcast_in_dim3A_1518 = arith.constant 6 : i32
      %broadcast_in_dim3A_1519 = vector.broadcast %broadcast_in_dim3A_1518 : i32 to vector<16xi32>
      %gather3A_1520 = tpu.vector_load_idx %arg15[%add3A_1469, %broadcast_in_dim3A_1519] : memref<3840x16xi32, #tpu.memory_space<vmem>>[vector<16xi32>, vector<16xi32>], vector<16xi32>,
      %jit3A_1521 = arith.constant 0 : i64
      %convert_element_type3A_1522 = arith.trunci %jit3A_1521 : i64 to i32
      %broadcast_in_dim3A_1523 = vector.broadcast %convert_element_type3A_1522 : i32 to vector<16xi32>
      %select_n3A_1524 = arith.select %gt3A_1463, %gather3A_1520, %broadcast_in_dim3A_1523 : vector<16xi1>, vector<16xi32>
      %xor3A_1525 = arith.xori %xor3A_1436, %select_n3A_1524 : vector<16xi32>
      %broadcast_in_dim3A_1526 = arith.constant 7 : i32
      %broadcast_in_dim3A_1527 = vector.broadcast %broadcast_in_dim3A_1526 : i32 to vector<16xi32>
      %gather3A_1528 = tpu.vector_load_idx %arg15[%add3A_1469, %broadcast_in_dim3A_1527] : memref<3840x16xi32, #tpu.memory_space<vmem>>[vector<16xi32>, vector<16xi32>], vector<16xi32>,
      %jit3A_1529 = arith.constant 0 : i64
      %convert_element_type3A_1530 = arith.trunci %jit3A_1529 : i64 to i32
      %broadcast_in_dim3A_1531 = vector.broadcast %convert_element_type3A_1530 : i32 to vector<16xi32>
      %select_n3A_1532 = arith.select %gt3A_1463, %gather3A_1528, %broadcast_in_dim3A_1531 : vector<16xi1>, vector<16xi32>
      %xor3A_1533 = arith.xori %xor3A_1444, %select_n3A_1532 : vector<16xi32>
      %broadcast_in_dim3A_1534 = arith.constant 8 : i32
      %broadcast_in_dim3A_1535 = vector.broadcast %broadcast_in_dim3A_1534 : i32 to vector<16xi32>
      %gather3A_1536 = tpu.vector_load_idx %arg15[%add3A_1469, %broadcast_in_dim3A_1535] : memref<3840x16xi32, #tpu.memory_space<vmem>>[vector<16xi32>, vector<16xi32>], vector<16xi32>,
      %jit3A_1537 = arith.constant 0 : i64
      %convert_element_type3A_1538 = arith.trunci %jit3A_1537 : i64 to i32
      %broadcast_in_dim3A_1539 = vector.broadcast %convert_element_type3A_1538 : i32 to vector<16xi32>
      %select_n3A_1540 = arith.select %gt3A_1463, %gather3A_1536, %broadcast_in_dim3A_1539 : vector<16xi1>, vector<16xi32>
      %xor3A_1541 = arith.xori %xor3A_1452, %select_n3A_1540 : vector<16xi32>
      %broadcast_in_dim3A_1542 = arith.constant 9 : i32
      %broadcast_in_dim3A_1543 = vector.broadcast %broadcast_in_dim3A_1542 : i32 to vector<16xi32>
      %gather3A_1544 = tpu.vector_load_idx %arg15[%add3A_1469, %broadcast_in_dim3A_1543] : memref<3840x16xi32, #tpu.memory_space<vmem>>[vector<16xi32>, vector<16xi32>], vector<16xi32>,
      %jit3A_1545 = arith.constant 0 : i64
      %convert_element_type3A_1546 = arith.trunci %jit3A_1545 : i64 to i32
      %broadcast_in_dim3A_1547 = vector.broadcast %convert_element_type3A_1546 : i32 to vector<16xi32>
      %select_n3A_1548 = arith.select %gt3A_1463, %gather3A_1544, %broadcast_in_dim3A_1547 : vector<16xi1>, vector<16xi32>
      %xor3A_1549 = arith.xori %xor3A_1460, %select_n3A_1548 : vector<16xi32>
      %gt3A_1550 = arith.constant 10 : i32
      %gt3A_1551 = vector.broadcast %gt3A_1550 : i32 to vector<16xi32>
      %gt3A_1552 = arith.cmpi sgt, %get3A_646, %gt3A_1551 : vector<16xi32>
      %mul3A_1553 = arith.constant 240 : i32
      %mul3A_1554 = arith.muli %mul3A_1553, %while3A_643 : i32
      %add3A_1555 = arith.constant 160 : i32
      %add3A_1556 = arith.addi %mul3A_1554, %add3A_1555 : i32
      %add3A_1557 = vector.broadcast %add3A_1556 : i32 to vector<16xi32>
      %add3A_1558 = arith.addi %iota3A, %add3A_1557 : vector<16xi32>
      %broadcast_in_dim3A_1559 = arith.constant 0 : i32
      %broadcast_in_dim3A_1560 = vector.broadcast %broadcast_in_dim3A_1559 : i32 to vector<16xi32>
      %gather3A_1561 = tpu.vector_load_idx %arg15[%add3A_1558, %broadcast_in_dim3A_1560] : memref<3840x16xi32, #tpu.memory_space<vmem>>[vector<16xi32>, vector<16xi32>], vector<16xi32>,
      %jit3A_1562 = arith.constant 0 : i64
      %convert_element_type3A_1563 = arith.trunci %jit3A_1562 : i64 to i32
      %broadcast_in_dim3A_1564 = vector.broadcast %convert_element_type3A_1563 : i32 to vector<16xi32>
      %select_n3A_1565 = arith.select %gt3A_1552, %gather3A_1561, %broadcast_in_dim3A_1564 : vector<16xi1>, vector<16xi32>
      %xor3A_1566 = arith.xori %xor3A_1477, %select_n3A_1565 : vector<16xi32>
      %broadcast_in_dim3A_1567 = arith.constant 1 : i32
      %broadcast_in_dim3A_1568 = vector.broadcast %broadcast_in_dim3A_1567 : i32 to vector<16xi32>
      %gather3A_1569 = tpu.vector_load_idx %arg15[%add3A_1558, %broadcast_in_dim3A_1568] : memref<3840x16xi32, #tpu.memory_space<vmem>>[vector<16xi32>, vector<16xi32>], vector<16xi32>,
      %jit3A_1570 = arith.constant 0 : i64
      %convert_element_type3A_1571 = arith.trunci %jit3A_1570 : i64 to i32
      %broadcast_in_dim3A_1572 = vector.broadcast %convert_element_type3A_1571 : i32 to vector<16xi32>
      %select_n3A_1573 = arith.select %gt3A_1552, %gather3A_1569, %broadcast_in_dim3A_1572 : vector<16xi1>, vector<16xi32>
      %xor3A_1574 = arith.xori %xor3A_1485, %select_n3A_1573 : vector<16xi32>
      %broadcast_in_dim3A_1575 = arith.constant 2 : i32
      %broadcast_in_dim3A_1576 = vector.broadcast %broadcast_in_dim3A_1575 : i32 to vector<16xi32>
      %gather3A_1577 = tpu.vector_load_idx %arg15[%add3A_1558, %broadcast_in_dim3A_1576] : memref<3840x16xi32, #tpu.memory_space<vmem>>[vector<16xi32>, vector<16xi32>], vector<16xi32>,
      %jit3A_1578 = arith.constant 0 : i64
      %convert_element_type3A_1579 = arith.trunci %jit3A_1578 : i64 to i32
      %broadcast_in_dim3A_1580 = vector.broadcast %convert_element_type3A_1579 : i32 to vector<16xi32>
      %select_n3A_1581 = arith.select %gt3A_1552, %gather3A_1577, %broadcast_in_dim3A_1580 : vector<16xi1>, vector<16xi32>
      %xor3A_1582 = arith.xori %xor3A_1493, %select_n3A_1581 : vector<16xi32>
      %broadcast_in_dim3A_1583 = arith.constant 3 : i32
      %broadcast_in_dim3A_1584 = vector.broadcast %broadcast_in_dim3A_1583 : i32 to vector<16xi32>
      %gather3A_1585 = tpu.vector_load_idx %arg15[%add3A_1558, %broadcast_in_dim3A_1584] : memref<3840x16xi32, #tpu.memory_space<vmem>>[vector<16xi32>, vector<16xi32>], vector<16xi32>,
      %jit3A_1586 = arith.constant 0 : i64
      %convert_element_type3A_1587 = arith.trunci %jit3A_1586 : i64 to i32
      %broadcast_in_dim3A_1588 = vector.broadcast %convert_element_type3A_1587 : i32 to vector<16xi32>
      %select_n3A_1589 = arith.select %gt3A_1552, %gather3A_1585, %broadcast_in_dim3A_1588 : vector<16xi1>, vector<16xi32>
      %xor3A_1590 = arith.xori %xor3A_1501, %select_n3A_1589 : vector<16xi32>
      %broadcast_in_dim3A_1591 = arith.constant 4 : i32
      %broadcast_in_dim3A_1592 = vector.broadcast %broadcast_in_dim3A_1591 : i32 to vector<16xi32>
      %gather3A_1593 = tpu.vector_load_idx %arg15[%add3A_1558, %broadcast_in_dim3A_1592] : memref<3840x16xi32, #tpu.memory_space<vmem>>[vector<16xi32>, vector<16xi32>], vector<16xi32>,
      %jit3A_1594 = arith.constant 0 : i64
      %convert_element_type3A_1595 = arith.trunci %jit3A_1594 : i64 to i32
      %broadcast_in_dim3A_1596 = vector.broadcast %convert_element_type3A_1595 : i32 to vector<16xi32>
      %select_n3A_1597 = arith.select %gt3A_1552, %gather3A_1593, %broadcast_in_dim3A_1596 : vector<16xi1>, vector<16xi32>
      %xor3A_1598 = arith.xori %xor3A_1509, %select_n3A_1597 : vector<16xi32>
      %broadcast_in_dim3A_1599 = arith.constant 5 : i32
      %broadcast_in_dim3A_1600 = vector.broadcast %broadcast_in_dim3A_1599 : i32 to vector<16xi32>
      %gather3A_1601 = tpu.vector_load_idx %arg15[%add3A_1558, %broadcast_in_dim3A_1600] : memref<3840x16xi32, #tpu.memory_space<vmem>>[vector<16xi32>, vector<16xi32>], vector<16xi32>,
      %jit3A_1602 = arith.constant 0 : i64
      %convert_element_type3A_1603 = arith.trunci %jit3A_1602 : i64 to i32
      %broadcast_in_dim3A_1604 = vector.broadcast %convert_element_type3A_1603 : i32 to vector<16xi32>
      %select_n3A_1605 = arith.select %gt3A_1552, %gather3A_1601, %broadcast_in_dim3A_1604 : vector<16xi1>, vector<16xi32>
      %xor3A_1606 = arith.xori %xor3A_1517, %select_n3A_1605 : vector<16xi32>
      %broadcast_in_dim3A_1607 = arith.constant 6 : i32
      %broadcast_in_dim3A_1608 = vector.broadcast %broadcast_in_dim3A_1607 : i32 to vector<16xi32>
      %gather3A_1609 = tpu.vector_load_idx %arg15[%add3A_1558, %broadcast_in_dim3A_1608] : memref<3840x16xi32, #tpu.memory_space<vmem>>[vector<16xi32>, vector<16xi32>], vector<16xi32>,
      %jit3A_1610 = arith.constant 0 : i64
      %convert_element_type3A_1611 = arith.trunci %jit3A_1610 : i64 to i32
      %broadcast_in_dim3A_1612 = vector.broadcast %convert_element_type3A_1611 : i32 to vector<16xi32>
      %select_n3A_1613 = arith.select %gt3A_1552, %gather3A_1609, %broadcast_in_dim3A_1612 : vector<16xi1>, vector<16xi32>
      %xor3A_1614 = arith.xori %xor3A_1525, %select_n3A_1613 : vector<16xi32>
      %broadcast_in_dim3A_1615 = arith.constant 7 : i32
      %broadcast_in_dim3A_1616 = vector.broadcast %broadcast_in_dim3A_1615 : i32 to vector<16xi32>
      %gather3A_1617 = tpu.vector_load_idx %arg15[%add3A_1558, %broadcast_in_dim3A_1616] : memref<3840x16xi32, #tpu.memory_space<vmem>>[vector<16xi32>, vector<16xi32>], vector<16xi32>,
      %jit3A_1618 = arith.constant 0 : i64
      %convert_element_type3A_1619 = arith.trunci %jit3A_1618 : i64 to i32
      %broadcast_in_dim3A_1620 = vector.broadcast %convert_element_type3A_1619 : i32 to vector<16xi32>
      %select_n3A_1621 = arith.select %gt3A_1552, %gather3A_1617, %broadcast_in_dim3A_1620 : vector<16xi1>, vector<16xi32>
      %xor3A_1622 = arith.xori %xor3A_1533, %select_n3A_1621 : vector<16xi32>
      %broadcast_in_dim3A_1623 = arith.constant 8 : i32
      %broadcast_in_dim3A_1624 = vector.broadcast %broadcast_in_dim3A_1623 : i32 to vector<16xi32>
      %gather3A_1625 = tpu.vector_load_idx %arg15[%add3A_1558, %broadcast_in_dim3A_1624] : memref<3840x16xi32, #tpu.memory_space<vmem>>[vector<16xi32>, vector<16xi32>], vector<16xi32>,
      %jit3A_1626 = arith.constant 0 : i64
      %convert_element_type3A_1627 = arith.trunci %jit3A_1626 : i64 to i32
      %broadcast_in_dim3A_1628 = vector.broadcast %convert_element_type3A_1627 : i32 to vector<16xi32>
      %select_n3A_1629 = arith.select %gt3A_1552, %gather3A_1625, %broadcast_in_dim3A_1628 : vector<16xi1>, vector<16xi32>
      %xor3A_1630 = arith.xori %xor3A_1541, %select_n3A_1629 : vector<16xi32>
      %broadcast_in_dim3A_1631 = arith.constant 9 : i32
      %broadcast_in_dim3A_1632 = vector.broadcast %broadcast_in_dim3A_1631 : i32 to vector<16xi32>
      %gather3A_1633 = tpu.vector_load_idx %arg15[%add3A_1558, %broadcast_in_dim3A_1632] : memref<3840x16xi32, #tpu.memory_space<vmem>>[vector<16xi32>, vector<16xi32>], vector<16xi32>,
      %jit3A_1634 = arith.constant 0 : i64
      %convert_element_type3A_1635 = arith.trunci %jit3A_1634 : i64 to i32
      %broadcast_in_dim3A_1636 = vector.broadcast %convert_element_type3A_1635 : i32 to vector<16xi32>
      %select_n3A_1637 = arith.select %gt3A_1552, %gather3A_1633, %broadcast_in_dim3A_1636 : vector<16xi1>, vector<16xi32>
      %xor3A_1638 = arith.xori %xor3A_1549, %select_n3A_1637 : vector<16xi32>
      %gt3A_1639 = arith.constant 11 : i32
      %gt3A_1640 = vector.broadcast %gt3A_1639 : i32 to vector<16xi32>
      %gt3A_1641 = arith.cmpi sgt, %get3A_646, %gt3A_1640 : vector<16xi32>
      %mul3A_1642 = arith.constant 240 : i32
      %mul3A_1643 = arith.muli %mul3A_1642, %while3A_643 : i32
      %add3A_1644 = arith.constant 176 : i32
      %add3A_1645 = arith.addi %mul3A_1643, %add3A_1644 : i32
      %add3A_1646 = vector.broadcast %add3A_1645 : i32 to vector<16xi32>
      %add3A_1647 = arith.addi %iota3A, %add3A_1646 : vector<16xi32>
      %broadcast_in_dim3A_1648 = arith.constant 0 : i32
      %broadcast_in_dim3A_1649 = vector.broadcast %broadcast_in_dim3A_1648 : i32 to vector<16xi32>
      %gather3A_1650 = tpu.vector_load_idx %arg15[%add3A_1647, %broadcast_in_dim3A_1649] : memref<3840x16xi32, #tpu.memory_space<vmem>>[vector<16xi32>, vector<16xi32>], vector<16xi32>,
      %jit3A_1651 = arith.constant 0 : i64
      %convert_element_type3A_1652 = arith.trunci %jit3A_1651 : i64 to i32
      %broadcast_in_dim3A_1653 = vector.broadcast %convert_element_type3A_1652 : i32 to vector<16xi32>
      %select_n3A_1654 = arith.select %gt3A_1641, %gather3A_1650, %broadcast_in_dim3A_1653 : vector<16xi1>, vector<16xi32>
      %xor3A_1655 = arith.xori %xor3A_1566, %select_n3A_1654 : vector<16xi32>
      %broadcast_in_dim3A_1656 = arith.constant 1 : i32
      %broadcast_in_dim3A_1657 = vector.broadcast %broadcast_in_dim3A_1656 : i32 to vector<16xi32>
      %gather3A_1658 = tpu.vector_load_idx %arg15[%add3A_1647, %broadcast_in_dim3A_1657] : memref<3840x16xi32, #tpu.memory_space<vmem>>[vector<16xi32>, vector<16xi32>], vector<16xi32>,
      %jit3A_1659 = arith.constant 0 : i64
      %convert_element_type3A_1660 = arith.trunci %jit3A_1659 : i64 to i32
      %broadcast_in_dim3A_1661 = vector.broadcast %convert_element_type3A_1660 : i32 to vector<16xi32>
      %select_n3A_1662 = arith.select %gt3A_1641, %gather3A_1658, %broadcast_in_dim3A_1661 : vector<16xi1>, vector<16xi32>
      %xor3A_1663 = arith.xori %xor3A_1574, %select_n3A_1662 : vector<16xi32>
      %broadcast_in_dim3A_1664 = arith.constant 2 : i32
      %broadcast_in_dim3A_1665 = vector.broadcast %broadcast_in_dim3A_1664 : i32 to vector<16xi32>
      %gather3A_1666 = tpu.vector_load_idx %arg15[%add3A_1647, %broadcast_in_dim3A_1665] : memref<3840x16xi32, #tpu.memory_space<vmem>>[vector<16xi32>, vector<16xi32>], vector<16xi32>,
      %jit3A_1667 = arith.constant 0 : i64
      %convert_element_type3A_1668 = arith.trunci %jit3A_1667 : i64 to i32
      %broadcast_in_dim3A_1669 = vector.broadcast %convert_element_type3A_1668 : i32 to vector<16xi32>
      %select_n3A_1670 = arith.select %gt3A_1641, %gather3A_1666, %broadcast_in_dim3A_1669 : vector<16xi1>, vector<16xi32>
      %xor3A_1671 = arith.xori %xor3A_1582, %select_n3A_1670 : vector<16xi32>
      %broadcast_in_dim3A_1672 = arith.constant 3 : i32
      %broadcast_in_dim3A_1673 = vector.broadcast %broadcast_in_dim3A_1672 : i32 to vector<16xi32>
      %gather3A_1674 = tpu.vector_load_idx %arg15[%add3A_1647, %broadcast_in_dim3A_1673] : memref<3840x16xi32, #tpu.memory_space<vmem>>[vector<16xi32>, vector<16xi32>], vector<16xi32>,
      %jit3A_1675 = arith.constant 0 : i64
      %convert_element_type3A_1676 = arith.trunci %jit3A_1675 : i64 to i32
      %broadcast_in_dim3A_1677 = vector.broadcast %convert_element_type3A_1676 : i32 to vector<16xi32>
      %select_n3A_1678 = arith.select %gt3A_1641, %gather3A_1674, %broadcast_in_dim3A_1677 : vector<16xi1>, vector<16xi32>
      %xor3A_1679 = arith.xori %xor3A_1590, %select_n3A_1678 : vector<16xi32>
      %broadcast_in_dim3A_1680 = arith.constant 4 : i32
      %broadcast_in_dim3A_1681 = vector.broadcast %broadcast_in_dim3A_1680 : i32 to vector<16xi32>
      %gather3A_1682 = tpu.vector_load_idx %arg15[%add3A_1647, %broadcast_in_dim3A_1681] : memref<3840x16xi32, #tpu.memory_space<vmem>>[vector<16xi32>, vector<16xi32>], vector<16xi32>,
      %jit3A_1683 = arith.constant 0 : i64
      %convert_element_type3A_1684 = arith.trunci %jit3A_1683 : i64 to i32
      %broadcast_in_dim3A_1685 = vector.broadcast %convert_element_type3A_1684 : i32 to vector<16xi32>
      %select_n3A_1686 = arith.select %gt3A_1641, %gather3A_1682, %broadcast_in_dim3A_1685 : vector<16xi1>, vector<16xi32>
      %xor3A_1687 = arith.xori %xor3A_1598, %select_n3A_1686 : vector<16xi32>
      %broadcast_in_dim3A_1688 = arith.constant 5 : i32
      %broadcast_in_dim3A_1689 = vector.broadcast %broadcast_in_dim3A_1688 : i32 to vector<16xi32>
      %gather3A_1690 = tpu.vector_load_idx %arg15[%add3A_1647, %broadcast_in_dim3A_1689] : memref<3840x16xi32, #tpu.memory_space<vmem>>[vector<16xi32>, vector<16xi32>], vector<16xi32>,
      %jit3A_1691 = arith.constant 0 : i64
      %convert_element_type3A_1692 = arith.trunci %jit3A_1691 : i64 to i32
      %broadcast_in_dim3A_1693 = vector.broadcast %convert_element_type3A_1692 : i32 to vector<16xi32>
      %select_n3A_1694 = arith.select %gt3A_1641, %gather3A_1690, %broadcast_in_dim3A_1693 : vector<16xi1>, vector<16xi32>
      %xor3A_1695 = arith.xori %xor3A_1606, %select_n3A_1694 : vector<16xi32>
      %broadcast_in_dim3A_1696 = arith.constant 6 : i32
      %broadcast_in_dim3A_1697 = vector.broadcast %broadcast_in_dim3A_1696 : i32 to vector<16xi32>
      %gather3A_1698 = tpu.vector_load_idx %arg15[%add3A_1647, %broadcast_in_dim3A_1697] : memref<3840x16xi32, #tpu.memory_space<vmem>>[vector<16xi32>, vector<16xi32>], vector<16xi32>,
      %jit3A_1699 = arith.constant 0 : i64
      %convert_element_type3A_1700 = arith.trunci %jit3A_1699 : i64 to i32
      %broadcast_in_dim3A_1701 = vector.broadcast %convert_element_type3A_1700 : i32 to vector<16xi32>
      %select_n3A_1702 = arith.select %gt3A_1641, %gather3A_1698, %broadcast_in_dim3A_1701 : vector<16xi1>, vector<16xi32>
      %xor3A_1703 = arith.xori %xor3A_1614, %select_n3A_1702 : vector<16xi32>
      %broadcast_in_dim3A_1704 = arith.constant 7 : i32
      %broadcast_in_dim3A_1705 = vector.broadcast %broadcast_in_dim3A_1704 : i32 to vector<16xi32>
      %gather3A_1706 = tpu.vector_load_idx %arg15[%add3A_1647, %broadcast_in_dim3A_1705] : memref<3840x16xi32, #tpu.memory_space<vmem>>[vector<16xi32>, vector<16xi32>], vector<16xi32>,
      %jit3A_1707 = arith.constant 0 : i64
      %convert_element_type3A_1708 = arith.trunci %jit3A_1707 : i64 to i32
      %broadcast_in_dim3A_1709 = vector.broadcast %convert_element_type3A_1708 : i32 to vector<16xi32>
      %select_n3A_1710 = arith.select %gt3A_1641, %gather3A_1706, %broadcast_in_dim3A_1709 : vector<16xi1>, vector<16xi32>
      %xor3A_1711 = arith.xori %xor3A_1622, %select_n3A_1710 : vector<16xi32>
      %broadcast_in_dim3A_1712 = arith.constant 8 : i32
      %broadcast_in_dim3A_1713 = vector.broadcast %broadcast_in_dim3A_1712 : i32 to vector<16xi32>
      %gather3A_1714 = tpu.vector_load_idx %arg15[%add3A_1647, %broadcast_in_dim3A_1713] : memref<3840x16xi32, #tpu.memory_space<vmem>>[vector<16xi32>, vector<16xi32>], vector<16xi32>,
      %jit3A_1715 = arith.constant 0 : i64
      %convert_element_type3A_1716 = arith.trunci %jit3A_1715 : i64 to i32
      %broadcast_in_dim3A_1717 = vector.broadcast %convert_element_type3A_1716 : i32 to vector<16xi32>
      %select_n3A_1718 = arith.select %gt3A_1641, %gather3A_1714, %broadcast_in_dim3A_1717 : vector<16xi1>, vector<16xi32>
      %xor3A_1719 = arith.xori %xor3A_1630, %select_n3A_1718 : vector<16xi32>
      %broadcast_in_dim3A_1720 = arith.constant 9 : i32
      %broadcast_in_dim3A_1721 = vector.broadcast %broadcast_in_dim3A_1720 : i32 to vector<16xi32>
      %gather3A_1722 = tpu.vector_load_idx %arg15[%add3A_1647, %broadcast_in_dim3A_1721] : memref<3840x16xi32, #tpu.memory_space<vmem>>[vector<16xi32>, vector<16xi32>], vector<16xi32>,
      %jit3A_1723 = arith.constant 0 : i64
      %convert_element_type3A_1724 = arith.trunci %jit3A_1723 : i64 to i32
      %broadcast_in_dim3A_1725 = vector.broadcast %convert_element_type3A_1724 : i32 to vector<16xi32>
      %select_n3A_1726 = arith.select %gt3A_1641, %gather3A_1722, %broadcast_in_dim3A_1725 : vector<16xi1>, vector<16xi32>
      %xor3A_1727 = arith.xori %xor3A_1638, %select_n3A_1726 : vector<16xi32>
      %gt3A_1728 = arith.constant 12 : i32
      %gt3A_1729 = vector.broadcast %gt3A_1728 : i32 to vector<16xi32>
      %gt3A_1730 = arith.cmpi sgt, %get3A_646, %gt3A_1729 : vector<16xi32>
      %mul3A_1731 = arith.constant 240 : i32
      %mul3A_1732 = arith.muli %mul3A_1731, %while3A_643 : i32
      %add3A_1733 = arith.constant 192 : i32
      %add3A_1734 = arith.addi %mul3A_1732, %add3A_1733 : i32
      %add3A_1735 = vector.broadcast %add3A_1734 : i32 to vector<16xi32>
      %add3A_1736 = arith.addi %iota3A, %add3A_1735 : vector<16xi32>
      %broadcast_in_dim3A_1737 = arith.constant 0 : i32
      %broadcast_in_dim3A_1738 = vector.broadcast %broadcast_in_dim3A_1737 : i32 to vector<16xi32>
      %gather3A_1739 = tpu.vector_load_idx %arg15[%add3A_1736, %broadcast_in_dim3A_1738] : memref<3840x16xi32, #tpu.memory_space<vmem>>[vector<16xi32>, vector<16xi32>], vector<16xi32>,
      %jit3A_1740 = arith.constant 0 : i64
      %convert_element_type3A_1741 = arith.trunci %jit3A_1740 : i64 to i32
      %broadcast_in_dim3A_1742 = vector.broadcast %convert_element_type3A_1741 : i32 to vector<16xi32>
      %select_n3A_1743 = arith.select %gt3A_1730, %gather3A_1739, %broadcast_in_dim3A_1742 : vector<16xi1>, vector<16xi32>
      %xor3A_1744 = arith.xori %xor3A_1655, %select_n3A_1743 : vector<16xi32>
      %broadcast_in_dim3A_1745 = arith.constant 1 : i32
      %broadcast_in_dim3A_1746 = vector.broadcast %broadcast_in_dim3A_1745 : i32 to vector<16xi32>
      %gather3A_1747 = tpu.vector_load_idx %arg15[%add3A_1736, %broadcast_in_dim3A_1746] : memref<3840x16xi32, #tpu.memory_space<vmem>>[vector<16xi32>, vector<16xi32>], vector<16xi32>,
      %jit3A_1748 = arith.constant 0 : i64
      %convert_element_type3A_1749 = arith.trunci %jit3A_1748 : i64 to i32
      %broadcast_in_dim3A_1750 = vector.broadcast %convert_element_type3A_1749 : i32 to vector<16xi32>
      %select_n3A_1751 = arith.select %gt3A_1730, %gather3A_1747, %broadcast_in_dim3A_1750 : vector<16xi1>, vector<16xi32>
      %xor3A_1752 = arith.xori %xor3A_1663, %select_n3A_1751 : vector<16xi32>
      %broadcast_in_dim3A_1753 = arith.constant 2 : i32
      %broadcast_in_dim3A_1754 = vector.broadcast %broadcast_in_dim3A_1753 : i32 to vector<16xi32>
      %gather3A_1755 = tpu.vector_load_idx %arg15[%add3A_1736, %broadcast_in_dim3A_1754] : memref<3840x16xi32, #tpu.memory_space<vmem>>[vector<16xi32>, vector<16xi32>], vector<16xi32>,
      %jit3A_1756 = arith.constant 0 : i64
      %convert_element_type3A_1757 = arith.trunci %jit3A_1756 : i64 to i32
      %broadcast_in_dim3A_1758 = vector.broadcast %convert_element_type3A_1757 : i32 to vector<16xi32>
      %select_n3A_1759 = arith.select %gt3A_1730, %gather3A_1755, %broadcast_in_dim3A_1758 : vector<16xi1>, vector<16xi32>
      %xor3A_1760 = arith.xori %xor3A_1671, %select_n3A_1759 : vector<16xi32>
      %broadcast_in_dim3A_1761 = arith.constant 3 : i32
      %broadcast_in_dim3A_1762 = vector.broadcast %broadcast_in_dim3A_1761 : i32 to vector<16xi32>
      %gather3A_1763 = tpu.vector_load_idx %arg15[%add3A_1736, %broadcast_in_dim3A_1762] : memref<3840x16xi32, #tpu.memory_space<vmem>>[vector<16xi32>, vector<16xi32>], vector<16xi32>,
      %jit3A_1764 = arith.constant 0 : i64
      %convert_element_type3A_1765 = arith.trunci %jit3A_1764 : i64 to i32
      %broadcast_in_dim3A_1766 = vector.broadcast %convert_element_type3A_1765 : i32 to vector<16xi32>
      %select_n3A_1767 = arith.select %gt3A_1730, %gather3A_1763, %broadcast_in_dim3A_1766 : vector<16xi1>, vector<16xi32>
      %xor3A_1768 = arith.xori %xor3A_1679, %select_n3A_1767 : vector<16xi32>
      %broadcast_in_dim3A_1769 = arith.constant 4 : i32
      %broadcast_in_dim3A_1770 = vector.broadcast %broadcast_in_dim3A_1769 : i32 to vector<16xi32>
      %gather3A_1771 = tpu.vector_load_idx %arg15[%add3A_1736, %broadcast_in_dim3A_1770] : memref<3840x16xi32, #tpu.memory_space<vmem>>[vector<16xi32>, vector<16xi32>], vector<16xi32>,
      %jit3A_1772 = arith.constant 0 : i64
      %convert_element_type3A_1773 = arith.trunci %jit3A_1772 : i64 to i32
      %broadcast_in_dim3A_1774 = vector.broadcast %convert_element_type3A_1773 : i32 to vector<16xi32>
      %select_n3A_1775 = arith.select %gt3A_1730, %gather3A_1771, %broadcast_in_dim3A_1774 : vector<16xi1>, vector<16xi32>
      %xor3A_1776 = arith.xori %xor3A_1687, %select_n3A_1775 : vector<16xi32>
      %broadcast_in_dim3A_1777 = arith.constant 5 : i32
      %broadcast_in_dim3A_1778 = vector.broadcast %broadcast_in_dim3A_1777 : i32 to vector<16xi32>
      %gather3A_1779 = tpu.vector_load_idx %arg15[%add3A_1736, %broadcast_in_dim3A_1778] : memref<3840x16xi32, #tpu.memory_space<vmem>>[vector<16xi32>, vector<16xi32>], vector<16xi32>,
      %jit3A_1780 = arith.constant 0 : i64
      %convert_element_type3A_1781 = arith.trunci %jit3A_1780 : i64 to i32
      %broadcast_in_dim3A_1782 = vector.broadcast %convert_element_type3A_1781 : i32 to vector<16xi32>
      %select_n3A_1783 = arith.select %gt3A_1730, %gather3A_1779, %broadcast_in_dim3A_1782 : vector<16xi1>, vector<16xi32>
      %xor3A_1784 = arith.xori %xor3A_1695, %select_n3A_1783 : vector<16xi32>
      %broadcast_in_dim3A_1785 = arith.constant 6 : i32
      %broadcast_in_dim3A_1786 = vector.broadcast %broadcast_in_dim3A_1785 : i32 to vector<16xi32>
      %gather3A_1787 = tpu.vector_load_idx %arg15[%add3A_1736, %broadcast_in_dim3A_1786] : memref<3840x16xi32, #tpu.memory_space<vmem>>[vector<16xi32>, vector<16xi32>], vector<16xi32>,
      %jit3A_1788 = arith.constant 0 : i64
      %convert_element_type3A_1789 = arith.trunci %jit3A_1788 : i64 to i32
      %broadcast_in_dim3A_1790 = vector.broadcast %convert_element_type3A_1789 : i32 to vector<16xi32>
      %select_n3A_1791 = arith.select %gt3A_1730, %gather3A_1787, %broadcast_in_dim3A_1790 : vector<16xi1>, vector<16xi32>
      %xor3A_1792 = arith.xori %xor3A_1703, %select_n3A_1791 : vector<16xi32>
      %broadcast_in_dim3A_1793 = arith.constant 7 : i32
      %broadcast_in_dim3A_1794 = vector.broadcast %broadcast_in_dim3A_1793 : i32 to vector<16xi32>
      %gather3A_1795 = tpu.vector_load_idx %arg15[%add3A_1736, %broadcast_in_dim3A_1794] : memref<3840x16xi32, #tpu.memory_space<vmem>>[vector<16xi32>, vector<16xi32>], vector<16xi32>,
      %jit3A_1796 = arith.constant 0 : i64
      %convert_element_type3A_1797 = arith.trunci %jit3A_1796 : i64 to i32
      %broadcast_in_dim3A_1798 = vector.broadcast %convert_element_type3A_1797 : i32 to vector<16xi32>
      %select_n3A_1799 = arith.select %gt3A_1730, %gather3A_1795, %broadcast_in_dim3A_1798 : vector<16xi1>, vector<16xi32>
      %xor3A_1800 = arith.xori %xor3A_1711, %select_n3A_1799 : vector<16xi32>
      %broadcast_in_dim3A_1801 = arith.constant 8 : i32
      %broadcast_in_dim3A_1802 = vector.broadcast %broadcast_in_dim3A_1801 : i32 to vector<16xi32>
      %gather3A_1803 = tpu.vector_load_idx %arg15[%add3A_1736, %broadcast_in_dim3A_1802] : memref<3840x16xi32, #tpu.memory_space<vmem>>[vector<16xi32>, vector<16xi32>], vector<16xi32>,
      %jit3A_1804 = arith.constant 0 : i64
      %convert_element_type3A_1805 = arith.trunci %jit3A_1804 : i64 to i32
      %broadcast_in_dim3A_1806 = vector.broadcast %convert_element_type3A_1805 : i32 to vector<16xi32>
      %select_n3A_1807 = arith.select %gt3A_1730, %gather3A_1803, %broadcast_in_dim3A_1806 : vector<16xi1>, vector<16xi32>
      %xor3A_1808 = arith.xori %xor3A_1719, %select_n3A_1807 : vector<16xi32>
      %broadcast_in_dim3A_1809 = arith.constant 9 : i32
      %broadcast_in_dim3A_1810 = vector.broadcast %broadcast_in_dim3A_1809 : i32 to vector<16xi32>
      %gather3A_1811 = tpu.vector_load_idx %arg15[%add3A_1736, %broadcast_in_dim3A_1810] : memref<3840x16xi32, #tpu.memory_space<vmem>>[vector<16xi32>, vector<16xi32>], vector<16xi32>,
      %jit3A_1812 = arith.constant 0 : i64
      %convert_element_type3A_1813 = arith.trunci %jit3A_1812 : i64 to i32
      %broadcast_in_dim3A_1814 = vector.broadcast %convert_element_type3A_1813 : i32 to vector<16xi32>
      %select_n3A_1815 = arith.select %gt3A_1730, %gather3A_1811, %broadcast_in_dim3A_1814 : vector<16xi1>, vector<16xi32>
      %xor3A_1816 = arith.xori %xor3A_1727, %select_n3A_1815 : vector<16xi32>
      %gt3A_1817 = arith.constant 13 : i32
      %gt3A_1818 = vector.broadcast %gt3A_1817 : i32 to vector<16xi32>
      %gt3A_1819 = arith.cmpi sgt, %get3A_646, %gt3A_1818 : vector<16xi32>
      %mul3A_1820 = arith.constant 240 : i32
      %mul3A_1821 = arith.muli %mul3A_1820, %while3A_643 : i32
      %add3A_1822 = arith.constant 208 : i32
      %add3A_1823 = arith.addi %mul3A_1821, %add3A_1822 : i32
      %add3A_1824 = vector.broadcast %add3A_1823 : i32 to vector<16xi32>
      %add3A_1825 = arith.addi %iota3A, %add3A_1824 : vector<16xi32>
      %broadcast_in_dim3A_1826 = arith.constant 0 : i32
      %broadcast_in_dim3A_1827 = vector.broadcast %broadcast_in_dim3A_1826 : i32 to vector<16xi32>
      %gather3A_1828 = tpu.vector_load_idx %arg15[%add3A_1825, %broadcast_in_dim3A_1827] : memref<3840x16xi32, #tpu.memory_space<vmem>>[vector<16xi32>, vector<16xi32>], vector<16xi32>,
      %jit3A_1829 = arith.constant 0 : i64
      %convert_element_type3A_1830 = arith.trunci %jit3A_1829 : i64 to i32
      %broadcast_in_dim3A_1831 = vector.broadcast %convert_element_type3A_1830 : i32 to vector<16xi32>
      %select_n3A_1832 = arith.select %gt3A_1819, %gather3A_1828, %broadcast_in_dim3A_1831 : vector<16xi1>, vector<16xi32>
      %xor3A_1833 = arith.xori %xor3A_1744, %select_n3A_1832 : vector<16xi32>
      %broadcast_in_dim3A_1834 = arith.constant 1 : i32
      %broadcast_in_dim3A_1835 = vector.broadcast %broadcast_in_dim3A_1834 : i32 to vector<16xi32>
      %gather3A_1836 = tpu.vector_load_idx %arg15[%add3A_1825, %broadcast_in_dim3A_1835] : memref<3840x16xi32, #tpu.memory_space<vmem>>[vector<16xi32>, vector<16xi32>], vector<16xi32>,
      %jit3A_1837 = arith.constant 0 : i64
      %convert_element_type3A_1838 = arith.trunci %jit3A_1837 : i64 to i32
      %broadcast_in_dim3A_1839 = vector.broadcast %convert_element_type3A_1838 : i32 to vector<16xi32>
      %select_n3A_1840 = arith.select %gt3A_1819, %gather3A_1836, %broadcast_in_dim3A_1839 : vector<16xi1>, vector<16xi32>
      %xor3A_1841 = arith.xori %xor3A_1752, %select_n3A_1840 : vector<16xi32>
      %broadcast_in_dim3A_1842 = arith.constant 2 : i32
      %broadcast_in_dim3A_1843 = vector.broadcast %broadcast_in_dim3A_1842 : i32 to vector<16xi32>
      %gather3A_1844 = tpu.vector_load_idx %arg15[%add3A_1825, %broadcast_in_dim3A_1843] : memref<3840x16xi32, #tpu.memory_space<vmem>>[vector<16xi32>, vector<16xi32>], vector<16xi32>,
      %jit3A_1845 = arith.constant 0 : i64
      %convert_element_type3A_1846 = arith.trunci %jit3A_1845 : i64 to i32
      %broadcast_in_dim3A_1847 = vector.broadcast %convert_element_type3A_1846 : i32 to vector<16xi32>
      %select_n3A_1848 = arith.select %gt3A_1819, %gather3A_1844, %broadcast_in_dim3A_1847 : vector<16xi1>, vector<16xi32>
      %xor3A_1849 = arith.xori %xor3A_1760, %select_n3A_1848 : vector<16xi32>
      %broadcast_in_dim3A_1850 = arith.constant 3 : i32
      %broadcast_in_dim3A_1851 = vector.broadcast %broadcast_in_dim3A_1850 : i32 to vector<16xi32>
      %gather3A_1852 = tpu.vector_load_idx %arg15[%add3A_1825, %broadcast_in_dim3A_1851] : memref<3840x16xi32, #tpu.memory_space<vmem>>[vector<16xi32>, vector<16xi32>], vector<16xi32>,
      %jit3A_1853 = arith.constant 0 : i64
      %convert_element_type3A_1854 = arith.trunci %jit3A_1853 : i64 to i32
      %broadcast_in_dim3A_1855 = vector.broadcast %convert_element_type3A_1854 : i32 to vector<16xi32>
      %select_n3A_1856 = arith.select %gt3A_1819, %gather3A_1852, %broadcast_in_dim3A_1855 : vector<16xi1>, vector<16xi32>
      %xor3A_1857 = arith.xori %xor3A_1768, %select_n3A_1856 : vector<16xi32>
      %broadcast_in_dim3A_1858 = arith.constant 4 : i32
      %broadcast_in_dim3A_1859 = vector.broadcast %broadcast_in_dim3A_1858 : i32 to vector<16xi32>
      %gather3A_1860 = tpu.vector_load_idx %arg15[%add3A_1825, %broadcast_in_dim3A_1859] : memref<3840x16xi32, #tpu.memory_space<vmem>>[vector<16xi32>, vector<16xi32>], vector<16xi32>,
      %jit3A_1861 = arith.constant 0 : i64
      %convert_element_type3A_1862 = arith.trunci %jit3A_1861 : i64 to i32
      %broadcast_in_dim3A_1863 = vector.broadcast %convert_element_type3A_1862 : i32 to vector<16xi32>
      %select_n3A_1864 = arith.select %gt3A_1819, %gather3A_1860, %broadcast_in_dim3A_1863 : vector<16xi1>, vector<16xi32>
      %xor3A_1865 = arith.xori %xor3A_1776, %select_n3A_1864 : vector<16xi32>
      %broadcast_in_dim3A_1866 = arith.constant 5 : i32
      %broadcast_in_dim3A_1867 = vector.broadcast %broadcast_in_dim3A_1866 : i32 to vector<16xi32>
      %gather3A_1868 = tpu.vector_load_idx %arg15[%add3A_1825, %broadcast_in_dim3A_1867] : memref<3840x16xi32, #tpu.memory_space<vmem>>[vector<16xi32>, vector<16xi32>], vector<16xi32>,
      %jit3A_1869 = arith.constant 0 : i64
      %convert_element_type3A_1870 = arith.trunci %jit3A_1869 : i64 to i32
      %broadcast_in_dim3A_1871 = vector.broadcast %convert_element_type3A_1870 : i32 to vector<16xi32>
      %select_n3A_1872 = arith.select %gt3A_1819, %gather3A_1868, %broadcast_in_dim3A_1871 : vector<16xi1>, vector<16xi32>
      %xor3A_1873 = arith.xori %xor3A_1784, %select_n3A_1872 : vector<16xi32>
      %broadcast_in_dim3A_1874 = arith.constant 6 : i32
      %broadcast_in_dim3A_1875 = vector.broadcast %broadcast_in_dim3A_1874 : i32 to vector<16xi32>
      %gather3A_1876 = tpu.vector_load_idx %arg15[%add3A_1825, %broadcast_in_dim3A_1875] : memref<3840x16xi32, #tpu.memory_space<vmem>>[vector<16xi32>, vector<16xi32>], vector<16xi32>,
      %jit3A_1877 = arith.constant 0 : i64
      %convert_element_type3A_1878 = arith.trunci %jit3A_1877 : i64 to i32
      %broadcast_in_dim3A_1879 = vector.broadcast %convert_element_type3A_1878 : i32 to vector<16xi32>
      %select_n3A_1880 = arith.select %gt3A_1819, %gather3A_1876, %broadcast_in_dim3A_1879 : vector<16xi1>, vector<16xi32>
      %xor3A_1881 = arith.xori %xor3A_1792, %select_n3A_1880 : vector<16xi32>
      %broadcast_in_dim3A_1882 = arith.constant 7 : i32
      %broadcast_in_dim3A_1883 = vector.broadcast %broadcast_in_dim3A_1882 : i32 to vector<16xi32>
      %gather3A_1884 = tpu.vector_load_idx %arg15[%add3A_1825, %broadcast_in_dim3A_1883] : memref<3840x16xi32, #tpu.memory_space<vmem>>[vector<16xi32>, vector<16xi32>], vector<16xi32>,
      %jit3A_1885 = arith.constant 0 : i64
      %convert_element_type3A_1886 = arith.trunci %jit3A_1885 : i64 to i32
      %broadcast_in_dim3A_1887 = vector.broadcast %convert_element_type3A_1886 : i32 to vector<16xi32>
      %select_n3A_1888 = arith.select %gt3A_1819, %gather3A_1884, %broadcast_in_dim3A_1887 : vector<16xi1>, vector<16xi32>
      %xor3A_1889 = arith.xori %xor3A_1800, %select_n3A_1888 : vector<16xi32>
      %broadcast_in_dim3A_1890 = arith.constant 8 : i32
      %broadcast_in_dim3A_1891 = vector.broadcast %broadcast_in_dim3A_1890 : i32 to vector<16xi32>
      %gather3A_1892 = tpu.vector_load_idx %arg15[%add3A_1825, %broadcast_in_dim3A_1891] : memref<3840x16xi32, #tpu.memory_space<vmem>>[vector<16xi32>, vector<16xi32>], vector<16xi32>,
      %jit3A_1893 = arith.constant 0 : i64
      %convert_element_type3A_1894 = arith.trunci %jit3A_1893 : i64 to i32
      %broadcast_in_dim3A_1895 = vector.broadcast %convert_element_type3A_1894 : i32 to vector<16xi32>
      %select_n3A_1896 = arith.select %gt3A_1819, %gather3A_1892, %broadcast_in_dim3A_1895 : vector<16xi1>, vector<16xi32>
      %xor3A_1897 = arith.xori %xor3A_1808, %select_n3A_1896 : vector<16xi32>
      %broadcast_in_dim3A_1898 = arith.constant 9 : i32
      %broadcast_in_dim3A_1899 = vector.broadcast %broadcast_in_dim3A_1898 : i32 to vector<16xi32>
      %gather3A_1900 = tpu.vector_load_idx %arg15[%add3A_1825, %broadcast_in_dim3A_1899] : memref<3840x16xi32, #tpu.memory_space<vmem>>[vector<16xi32>, vector<16xi32>], vector<16xi32>,
      %jit3A_1901 = arith.constant 0 : i64
      %convert_element_type3A_1902 = arith.trunci %jit3A_1901 : i64 to i32
      %broadcast_in_dim3A_1903 = vector.broadcast %convert_element_type3A_1902 : i32 to vector<16xi32>
      %select_n3A_1904 = arith.select %gt3A_1819, %gather3A_1900, %broadcast_in_dim3A_1903 : vector<16xi1>, vector<16xi32>
      %xor3A_1905 = arith.xori %xor3A_1816, %select_n3A_1904 : vector<16xi32>
      %gt3A_1906 = arith.constant 14 : i32
      %gt3A_1907 = vector.broadcast %gt3A_1906 : i32 to vector<16xi32>
      %gt3A_1908 = arith.cmpi sgt, %get3A_646, %gt3A_1907 : vector<16xi32>
      %mul3A_1909 = arith.constant 240 : i32
      %mul3A_1910 = arith.muli %mul3A_1909, %while3A_643 : i32
      %add3A_1911 = arith.constant 224 : i32
      %add3A_1912 = arith.addi %mul3A_1910, %add3A_1911 : i32
      %add3A_1913 = vector.broadcast %add3A_1912 : i32 to vector<16xi32>
      %add3A_1914 = arith.addi %iota3A, %add3A_1913 : vector<16xi32>
      %broadcast_in_dim3A_1915 = arith.constant 0 : i32
      %broadcast_in_dim3A_1916 = vector.broadcast %broadcast_in_dim3A_1915 : i32 to vector<16xi32>
      %gather3A_1917 = tpu.vector_load_idx %arg15[%add3A_1914, %broadcast_in_dim3A_1916] : memref<3840x16xi32, #tpu.memory_space<vmem>>[vector<16xi32>, vector<16xi32>], vector<16xi32>,
      %jit3A_1918 = arith.constant 0 : i64
      %convert_element_type3A_1919 = arith.trunci %jit3A_1918 : i64 to i32
      %broadcast_in_dim3A_1920 = vector.broadcast %convert_element_type3A_1919 : i32 to vector<16xi32>
      %select_n3A_1921 = arith.select %gt3A_1908, %gather3A_1917, %broadcast_in_dim3A_1920 : vector<16xi1>, vector<16xi32>
      %xor3A_1922 = arith.xori %xor3A_1833, %select_n3A_1921 : vector<16xi32>
      %broadcast_in_dim3A_1923 = arith.constant 1 : i32
      %broadcast_in_dim3A_1924 = vector.broadcast %broadcast_in_dim3A_1923 : i32 to vector<16xi32>
      %gather3A_1925 = tpu.vector_load_idx %arg15[%add3A_1914, %broadcast_in_dim3A_1924] : memref<3840x16xi32, #tpu.memory_space<vmem>>[vector<16xi32>, vector<16xi32>], vector<16xi32>,
      %jit3A_1926 = arith.constant 0 : i64
      %convert_element_type3A_1927 = arith.trunci %jit3A_1926 : i64 to i32
      %broadcast_in_dim3A_1928 = vector.broadcast %convert_element_type3A_1927 : i32 to vector<16xi32>
      %select_n3A_1929 = arith.select %gt3A_1908, %gather3A_1925, %broadcast_in_dim3A_1928 : vector<16xi1>, vector<16xi32>
      %xor3A_1930 = arith.xori %xor3A_1841, %select_n3A_1929 : vector<16xi32>
      %broadcast_in_dim3A_1931 = arith.constant 2 : i32
      %broadcast_in_dim3A_1932 = vector.broadcast %broadcast_in_dim3A_1931 : i32 to vector<16xi32>
      %gather3A_1933 = tpu.vector_load_idx %arg15[%add3A_1914, %broadcast_in_dim3A_1932] : memref<3840x16xi32, #tpu.memory_space<vmem>>[vector<16xi32>, vector<16xi32>], vector<16xi32>,
      %jit3A_1934 = arith.constant 0 : i64
      %convert_element_type3A_1935 = arith.trunci %jit3A_1934 : i64 to i32
      %broadcast_in_dim3A_1936 = vector.broadcast %convert_element_type3A_1935 : i32 to vector<16xi32>
      %select_n3A_1937 = arith.select %gt3A_1908, %gather3A_1933, %broadcast_in_dim3A_1936 : vector<16xi1>, vector<16xi32>
      %xor3A_1938 = arith.xori %xor3A_1849, %select_n3A_1937 : vector<16xi32>
      %broadcast_in_dim3A_1939 = arith.constant 3 : i32
      %broadcast_in_dim3A_1940 = vector.broadcast %broadcast_in_dim3A_1939 : i32 to vector<16xi32>
      %gather3A_1941 = tpu.vector_load_idx %arg15[%add3A_1914, %broadcast_in_dim3A_1940] : memref<3840x16xi32, #tpu.memory_space<vmem>>[vector<16xi32>, vector<16xi32>], vector<16xi32>,
      %jit3A_1942 = arith.constant 0 : i64
      %convert_element_type3A_1943 = arith.trunci %jit3A_1942 : i64 to i32
      %broadcast_in_dim3A_1944 = vector.broadcast %convert_element_type3A_1943 : i32 to vector<16xi32>
      %select_n3A_1945 = arith.select %gt3A_1908, %gather3A_1941, %broadcast_in_dim3A_1944 : vector<16xi1>, vector<16xi32>
      %xor3A_1946 = arith.xori %xor3A_1857, %select_n3A_1945 : vector<16xi32>
      %broadcast_in_dim3A_1947 = arith.constant 4 : i32
      %broadcast_in_dim3A_1948 = vector.broadcast %broadcast_in_dim3A_1947 : i32 to vector<16xi32>
      %gather3A_1949 = tpu.vector_load_idx %arg15[%add3A_1914, %broadcast_in_dim3A_1948] : memref<3840x16xi32, #tpu.memory_space<vmem>>[vector<16xi32>, vector<16xi32>], vector<16xi32>,
      %jit3A_1950 = arith.constant 0 : i64
      %convert_element_type3A_1951 = arith.trunci %jit3A_1950 : i64 to i32
      %broadcast_in_dim3A_1952 = vector.broadcast %convert_element_type3A_1951 : i32 to vector<16xi32>
      %select_n3A_1953 = arith.select %gt3A_1908, %gather3A_1949, %broadcast_in_dim3A_1952 : vector<16xi1>, vector<16xi32>
      %xor3A_1954 = arith.xori %xor3A_1865, %select_n3A_1953 : vector<16xi32>
      %broadcast_in_dim3A_1955 = arith.constant 5 : i32
      %broadcast_in_dim3A_1956 = vector.broadcast %broadcast_in_dim3A_1955 : i32 to vector<16xi32>
      %gather3A_1957 = tpu.vector_load_idx %arg15[%add3A_1914, %broadcast_in_dim3A_1956] : memref<3840x16xi32, #tpu.memory_space<vmem>>[vector<16xi32>, vector<16xi32>], vector<16xi32>,
      %jit3A_1958 = arith.constant 0 : i64
      %convert_element_type3A_1959 = arith.trunci %jit3A_1958 : i64 to i32
      %broadcast_in_dim3A_1960 = vector.broadcast %convert_element_type3A_1959 : i32 to vector<16xi32>
      %select_n3A_1961 = arith.select %gt3A_1908, %gather3A_1957, %broadcast_in_dim3A_1960 : vector<16xi1>, vector<16xi32>
      %xor3A_1962 = arith.xori %xor3A_1873, %select_n3A_1961 : vector<16xi32>
      %broadcast_in_dim3A_1963 = arith.constant 6 : i32
      %broadcast_in_dim3A_1964 = vector.broadcast %broadcast_in_dim3A_1963 : i32 to vector<16xi32>
      %gather3A_1965 = tpu.vector_load_idx %arg15[%add3A_1914, %broadcast_in_dim3A_1964] : memref<3840x16xi32, #tpu.memory_space<vmem>>[vector<16xi32>, vector<16xi32>], vector<16xi32>,
      %jit3A_1966 = arith.constant 0 : i64
      %convert_element_type3A_1967 = arith.trunci %jit3A_1966 : i64 to i32
      %broadcast_in_dim3A_1968 = vector.broadcast %convert_element_type3A_1967 : i32 to vector<16xi32>
      %select_n3A_1969 = arith.select %gt3A_1908, %gather3A_1965, %broadcast_in_dim3A_1968 : vector<16xi1>, vector<16xi32>
      %xor3A_1970 = arith.xori %xor3A_1881, %select_n3A_1969 : vector<16xi32>
      %broadcast_in_dim3A_1971 = arith.constant 7 : i32
      %broadcast_in_dim3A_1972 = vector.broadcast %broadcast_in_dim3A_1971 : i32 to vector<16xi32>
      %gather3A_1973 = tpu.vector_load_idx %arg15[%add3A_1914, %broadcast_in_dim3A_1972] : memref<3840x16xi32, #tpu.memory_space<vmem>>[vector<16xi32>, vector<16xi32>], vector<16xi32>,
      %jit3A_1974 = arith.constant 0 : i64
      %convert_element_type3A_1975 = arith.trunci %jit3A_1974 : i64 to i32
      %broadcast_in_dim3A_1976 = vector.broadcast %convert_element_type3A_1975 : i32 to vector<16xi32>
      %select_n3A_1977 = arith.select %gt3A_1908, %gather3A_1973, %broadcast_in_dim3A_1976 : vector<16xi1>, vector<16xi32>
      %xor3A_1978 = arith.xori %xor3A_1889, %select_n3A_1977 : vector<16xi32>
      %broadcast_in_dim3A_1979 = arith.constant 8 : i32
      %broadcast_in_dim3A_1980 = vector.broadcast %broadcast_in_dim3A_1979 : i32 to vector<16xi32>
      %gather3A_1981 = tpu.vector_load_idx %arg15[%add3A_1914, %broadcast_in_dim3A_1980] : memref<3840x16xi32, #tpu.memory_space<vmem>>[vector<16xi32>, vector<16xi32>], vector<16xi32>,
      %jit3A_1982 = arith.constant 0 : i64
      %convert_element_type3A_1983 = arith.trunci %jit3A_1982 : i64 to i32
      %broadcast_in_dim3A_1984 = vector.broadcast %convert_element_type3A_1983 : i32 to vector<16xi32>
      %select_n3A_1985 = arith.select %gt3A_1908, %gather3A_1981, %broadcast_in_dim3A_1984 : vector<16xi1>, vector<16xi32>
      %xor3A_1986 = arith.xori %xor3A_1897, %select_n3A_1985 : vector<16xi32>
      %broadcast_in_dim3A_1987 = arith.constant 9 : i32
      %broadcast_in_dim3A_1988 = vector.broadcast %broadcast_in_dim3A_1987 : i32 to vector<16xi32>
      %gather3A_1989 = tpu.vector_load_idx %arg15[%add3A_1914, %broadcast_in_dim3A_1988] : memref<3840x16xi32, #tpu.memory_space<vmem>>[vector<16xi32>, vector<16xi32>], vector<16xi32>,
      %jit3A_1990 = arith.constant 0 : i64
      %convert_element_type3A_1991 = arith.trunci %jit3A_1990 : i64 to i32
      %broadcast_in_dim3A_1992 = vector.broadcast %convert_element_type3A_1991 : i32 to vector<16xi32>
      %select_n3A_1993 = arith.select %gt3A_1908, %gather3A_1989, %broadcast_in_dim3A_1992 : vector<16xi1>, vector<16xi32>
      %xor3A_1994 = arith.xori %xor3A_1905, %select_n3A_1993 : vector<16xi32>
      %mul3A_1995 = arith.constant 16 : i32
      %mul3A_1996 = arith.muli %mul3A_1995, %while3A_643 : i32
      %add3A_1997 = vector.broadcast %mul3A_1996 : i32 to vector<16xi32>
      %add3A_1998 = arith.addi %iota3A, %add3A_1997 : vector<16xi32>
      %shift_left3A = arith.constant 4 : i32
      %shift_left3A_1999 = vector.broadcast %shift_left3A : i32 to vector<16xi32>
      %shift_left3A_2000 = arith.shli %add3A_1998, %shift_left3A_1999 : vector<16xi32>
      %add3A_2001 = arith.constant 0 : i32
      %add3A_2002 = vector.broadcast %add3A_2001 : i32 to vector<16xi32>
      %add3A_2003 = arith.addi %shift_left3A_2000, %add3A_2002 : vector<16xi32>
      tpu.vector_store_idx %arg16[%add3A_2003], %xor3A_1922 : memref<4096xi32, #tpu.memory_space<vmem>>[vector<16xi32>], vector<16xi32>,
      %add3A_2004 = arith.constant 1 : i32
      %add3A_2005 = vector.broadcast %add3A_2004 : i32 to vector<16xi32>
      %add3A_2006 = arith.addi %shift_left3A_2000, %add3A_2005 : vector<16xi32>
      tpu.vector_store_idx %arg16[%add3A_2006], %xor3A_1930 : memref<4096xi32, #tpu.memory_space<vmem>>[vector<16xi32>], vector<16xi32>,
      %add3A_2007 = arith.constant 2 : i32
      %add3A_2008 = vector.broadcast %add3A_2007 : i32 to vector<16xi32>
      %add3A_2009 = arith.addi %shift_left3A_2000, %add3A_2008 : vector<16xi32>
      tpu.vector_store_idx %arg16[%add3A_2009], %xor3A_1938 : memref<4096xi32, #tpu.memory_space<vmem>>[vector<16xi32>], vector<16xi32>,
      %add3A_2010 = arith.constant 3 : i32
      %add3A_2011 = vector.broadcast %add3A_2010 : i32 to vector<16xi32>
      %add3A_2012 = arith.addi %shift_left3A_2000, %add3A_2011 : vector<16xi32>
      tpu.vector_store_idx %arg16[%add3A_2012], %xor3A_1946 : memref<4096xi32, #tpu.memory_space<vmem>>[vector<16xi32>], vector<16xi32>,
      %add3A_2013 = arith.constant 4 : i32
      %add3A_2014 = vector.broadcast %add3A_2013 : i32 to vector<16xi32>
      %add3A_2015 = arith.addi %shift_left3A_2000, %add3A_2014 : vector<16xi32>
      tpu.vector_store_idx %arg16[%add3A_2015], %xor3A_1954 : memref<4096xi32, #tpu.memory_space<vmem>>[vector<16xi32>], vector<16xi32>,
      %add3A_2016 = arith.constant 5 : i32
      %add3A_2017 = vector.broadcast %add3A_2016 : i32 to vector<16xi32>
      %add3A_2018 = arith.addi %shift_left3A_2000, %add3A_2017 : vector<16xi32>
      tpu.vector_store_idx %arg16[%add3A_2018], %xor3A_1962 : memref<4096xi32, #tpu.memory_space<vmem>>[vector<16xi32>], vector<16xi32>,
      %add3A_2019 = arith.constant 6 : i32
      %add3A_2020 = vector.broadcast %add3A_2019 : i32 to vector<16xi32>
      %add3A_2021 = arith.addi %shift_left3A_2000, %add3A_2020 : vector<16xi32>
      tpu.vector_store_idx %arg16[%add3A_2021], %xor3A_1970 : memref<4096xi32, #tpu.memory_space<vmem>>[vector<16xi32>], vector<16xi32>,
      %add3A_2022 = arith.constant 7 : i32
      %add3A_2023 = vector.broadcast %add3A_2022 : i32 to vector<16xi32>
      %add3A_2024 = arith.addi %shift_left3A_2000, %add3A_2023 : vector<16xi32>
      tpu.vector_store_idx %arg16[%add3A_2024], %xor3A_1978 : memref<4096xi32, #tpu.memory_space<vmem>>[vector<16xi32>], vector<16xi32>,
      %add3A_2025 = arith.constant 8 : i32
      %add3A_2026 = vector.broadcast %add3A_2025 : i32 to vector<16xi32>
      %add3A_2027 = arith.addi %shift_left3A_2000, %add3A_2026 : vector<16xi32>
      tpu.vector_store_idx %arg16[%add3A_2027], %xor3A_1986 : memref<4096xi32, #tpu.memory_space<vmem>>[vector<16xi32>], vector<16xi32>,
      %add3A_2028 = arith.constant 9 : i32
      %add3A_2029 = vector.broadcast %add3A_2028 : i32 to vector<16xi32>
      %add3A_2030 = arith.addi %shift_left3A_2000, %add3A_2029 : vector<16xi32>
      tpu.vector_store_idx %arg16[%add3A_2030], %xor3A_1994 : memref<4096xi32, #tpu.memory_space<vmem>>[vector<16xi32>], vector<16xi32>,
    }
    %while3A_640 = arith.constant 1 : i32
    scf.for %while3A_643 = %while3A_638 to %while3A_634 step %while3A_640  : i32 {
      %mul3A_644 = arith.constant 16 : i32
      %mul3A_645 = arith.muli %mul3A_644, %while3A_643 : i32
      %get3A = arith.index_cast %mul3A_645 : i32 to index
      %get3A_646 = tpu.vector_load %arg10[%get3A] {strides = array<i32>} : memref<256xi32, #tpu.memory_space<vmem>>, vector<16xi32>,
      %broadcast_in_dim3A = arith.constant 0 : i32
      %broadcast_in_dim3A_647 = vector.broadcast %broadcast_in_dim3A : i32 to vector<16xi32>
      %broadcast_in_dim3A_648 = arith.constant 0 : i32
      %broadcast_in_dim3A_649 = vector.broadcast %broadcast_in_dim3A_648 : i32 to vector<16xi32>
      %broadcast_in_dim3A_650 = arith.constant 0 : i32
      %broadcast_in_dim3A_651 = vector.broadcast %broadcast_in_dim3A_650 : i32 to vector<16xi32>
      %broadcast_in_dim3A_652 = arith.constant 0 : i32
      %broadcast_in_dim3A_653 = vector.broadcast %broadcast_in_dim3A_652 : i32 to vector<16xi32>
      %broadcast_in_dim3A_654 = arith.constant 0 : i32
      %broadcast_in_dim3A_655 = vector.broadcast %broadcast_in_dim3A_654 : i32 to vector<16xi32>
      %broadcast_in_dim3A_656 = arith.constant 0 : i32
      %broadcast_in_dim3A_657 = vector.broadcast %broadcast_in_dim3A_656 : i32 to vector<16xi32>
      %broadcast_in_dim3A_658 = arith.constant 0 : i32
      %broadcast_in_dim3A_659 = vector.broadcast %broadcast_in_dim3A_658 : i32 to vector<16xi32>
      %broadcast_in_dim3A_660 = arith.constant 0 : i32
      %broadcast_in_dim3A_661 = vector.broadcast %broadcast_in_dim3A_660 : i32 to vector<16xi32>
      %broadcast_in_dim3A_662 = arith.constant 0 : i32
      %broadcast_in_dim3A_663 = vector.broadcast %broadcast_in_dim3A_662 : i32 to vector<16xi32>
      %broadcast_in_dim3A_664 = arith.constant 0 : i32
      %broadcast_in_dim3A_665 = vector.broadcast %broadcast_in_dim3A_664 : i32 to vector<16xi32>
      %gt3A = arith.constant 0 : i32
      %gt3A_666 = vector.broadcast %gt3A : i32 to vector<16xi32>
      %gt3A_667 = arith.cmpi sgt, %get3A_646, %gt3A_666 : vector<16xi32>
      %mul3A_668 = arith.constant 240 : i32
      %mul3A_669 = arith.muli %mul3A_668, %while3A_643 : i32
      %add3A_670 = arith.constant 0 : i32
      %add3A_671 = arith.addi %mul3A_669, %add3A_670 : i32
      %add3A_672 = vector.broadcast %add3A_671 : i32 to vector<16xi32>
      %add3A_673 = arith.addi %iota3A, %add3A_672 : vector<16xi32>
      %broadcast_in_dim3A_674 = arith.constant 0 : i32
      %broadcast_in_dim3A_675 = vector.broadcast %broadcast_in_dim3A_674 : i32 to vector<16xi32>
      %gather3A = tpu.vector_load_idx %arg15[%add3A_673, %broadcast_in_dim3A_675] : memref<3840x16xi32, #tpu.memory_space<vmem>>[vector<16xi32>, vector<16xi32>], vector<16xi32>,
      %jit3A = arith.constant 0 : i64
      %convert_element_type3A = arith.trunci %jit3A : i64 to i32
      %broadcast_in_dim3A_676 = vector.broadcast %convert_element_type3A : i32 to vector<16xi32>
      %select_n3A = arith.select %gt3A_667, %gather3A, %broadcast_in_dim3A_676 : vector<16xi1>, vector<16xi32>
      %xor3A = arith.xori %broadcast_in_dim3A_647, %select_n3A : vector<16xi32>
      %broadcast_in_dim3A_677 = arith.constant 1 : i32
      %broadcast_in_dim3A_678 = vector.broadcast %broadcast_in_dim3A_677 : i32 to vector<16xi32>
      %gather3A_679 = tpu.vector_load_idx %arg15[%add3A_673, %broadcast_in_dim3A_678] : memref<3840x16xi32, #tpu.memory_space<vmem>>[vector<16xi32>, vector<16xi32>], vector<16xi32>,
      %jit3A_680 = arith.constant 0 : i64
      %convert_element_type3A_681 = arith.trunci %jit3A_680 : i64 to i32
      %broadcast_in_dim3A_682 = vector.broadcast %convert_element_type3A_681 : i32 to vector<16xi32>
      %select_n3A_683 = arith.select %gt3A_667, %gather3A_679, %broadcast_in_dim3A_682 : vector<16xi1>, vector<16xi32>
      %xor3A_684 = arith.xori %broadcast_in_dim3A_649, %select_n3A_683 : vector<16xi32>
      %broadcast_in_dim3A_685 = arith.constant 2 : i32
      %broadcast_in_dim3A_686 = vector.broadcast %broadcast_in_dim3A_685 : i32 to vector<16xi32>
      %gather3A_687 = tpu.vector_load_idx %arg15[%add3A_673, %broadcast_in_dim3A_686] : memref<3840x16xi32, #tpu.memory_space<vmem>>[vector<16xi32>, vector<16xi32>], vector<16xi32>,
      %jit3A_688 = arith.constant 0 : i64
      %convert_element_type3A_689 = arith.trunci %jit3A_688 : i64 to i32
      %broadcast_in_dim3A_690 = vector.broadcast %convert_element_type3A_689 : i32 to vector<16xi32>
      %select_n3A_691 = arith.select %gt3A_667, %gather3A_687, %broadcast_in_dim3A_690 : vector<16xi1>, vector<16xi32>
      %xor3A_692 = arith.xori %broadcast_in_dim3A_651, %select_n3A_691 : vector<16xi32>
      %broadcast_in_dim3A_693 = arith.constant 3 : i32
      %broadcast_in_dim3A_694 = vector.broadcast %broadcast_in_dim3A_693 : i32 to vector<16xi32>
      %gather3A_695 = tpu.vector_load_idx %arg15[%add3A_673, %broadcast_in_dim3A_694] : memref<3840x16xi32, #tpu.memory_space<vmem>>[vector<16xi32>, vector<16xi32>], vector<16xi32>,
      %jit3A_696 = arith.constant 0 : i64
      %convert_element_type3A_697 = arith.trunci %jit3A_696 : i64 to i32
      %broadcast_in_dim3A_698 = vector.broadcast %convert_element_type3A_697 : i32 to vector<16xi32>
      %select_n3A_699 = arith.select %gt3A_667, %gather3A_695, %broadcast_in_dim3A_698 : vector<16xi1>, vector<16xi32>
      %xor3A_700 = arith.xori %broadcast_in_dim3A_653, %select_n3A_699 : vector<16xi32>
      %broadcast_in_dim3A_701 = arith.constant 4 : i32
      %broadcast_in_dim3A_702 = vector.broadcast %broadcast_in_dim3A_701 : i32 to vector<16xi32>
      %gather3A_703 = tpu.vector_load_idx %arg15[%add3A_673, %broadcast_in_dim3A_702] : memref<3840x16xi32, #tpu.memory_space<vmem>>[vector<16xi32>, vector<16xi32>], vector<16xi32>,
      %jit3A_704 = arith.constant 0 : i64
      %convert_element_type3A_705 = arith.trunci %jit3A_704 : i64 to i32
      %broadcast_in_dim3A_706 = vector.broadcast %convert_element_type3A_705 : i32 to vector<16xi32>
      %select_n3A_707 = arith.select %gt3A_667, %gather3A_703, %broadcast_in_dim3A_706 : vector<16xi1>, vector<16xi32>
      %xor3A_708 = arith.xori %broadcast_in_dim3A_655, %select_n3A_707 : vector<16xi32>
      %broadcast_in_dim3A_709 = arith.constant 5 : i32
      %broadcast_in_dim3A_710 = vector.broadcast %broadcast_in_dim3A_709 : i32 to vector<16xi32>
      %gather3A_711 = tpu.vector_load_idx %arg15[%add3A_673, %broadcast_in_dim3A_710] : memref<3840x16xi32, #tpu.memory_space<vmem>>[vector<16xi32>, vector<16xi32>], vector<16xi32>,
      %jit3A_712 = arith.constant 0 : i64
      %convert_element_type3A_713 = arith.trunci %jit3A_712 : i64 to i32
      %broadcast_in_dim3A_714 = vector.broadcast %convert_element_type3A_713 : i32 to vector<16xi32>
      %select_n3A_715 = arith.select %gt3A_667, %gather3A_711, %broadcast_in_dim3A_714 : vector<16xi1>, vector<16xi32>
      %xor3A_716 = arith.xori %broadcast_in_dim3A_657, %select_n3A_715 : vector<16xi32>
      %broadcast_in_dim3A_717 = arith.constant 6 : i32
      %broadcast_in_dim3A_718 = vector.broadcast %broadcast_in_dim3A_717 : i32 to vector<16xi32>
      %gather3A_719 = tpu.vector_load_idx %arg15[%add3A_673, %broadcast_in_dim3A_718] : memref<3840x16xi32, #tpu.memory_space<vmem>>[vector<16xi32>, vector<16xi32>], vector<16xi32>,
      %jit3A_720 = arith.constant 0 : i64
      %convert_element_type3A_721 = arith.trunci %jit3A_720 : i64 to i32
      %broadcast_in_dim3A_722 = vector.broadcast %convert_element_type3A_721 : i32 to vector<16xi32>
      %select_n3A_723 = arith.select %gt3A_667, %gather3A_719, %broadcast_in_dim3A_722 : vector<16xi1>, vector<16xi32>
      %xor3A_724 = arith.xori %broadcast_in_dim3A_659, %select_n3A_723 : vector<16xi32>
      %broadcast_in_dim3A_725 = arith.constant 7 : i32
      %broadcast_in_dim3A_726 = vector.broadcast %broadcast_in_dim3A_725 : i32 to vector<16xi32>
      %gather3A_727 = tpu.vector_load_idx %arg15[%add3A_673, %broadcast_in_dim3A_726] : memref<3840x16xi32, #tpu.memory_space<vmem>>[vector<16xi32>, vector<16xi32>], vector<16xi32>,
      %jit3A_728 = arith.constant 0 : i64
      %convert_element_type3A_729 = arith.trunci %jit3A_728 : i64 to i32
      %broadcast_in_dim3A_730 = vector.broadcast %convert_element_type3A_729 : i32 to vector<16xi32>
      %select_n3A_731 = arith.select %gt3A_667, %gather3A_727, %broadcast_in_dim3A_730 : vector<16xi1>, vector<16xi32>
      %xor3A_732 = arith.xori %broadcast_in_dim3A_661, %select_n3A_731 : vector<16xi32>
      %broadcast_in_dim3A_733 = arith.constant 8 : i32
      %broadcast_in_dim3A_734 = vector.broadcast %broadcast_in_dim3A_733 : i32 to vector<16xi32>
      %gather3A_735 = tpu.vector_load_idx %arg15[%add3A_673, %broadcast_in_dim3A_734] : memref<3840x16xi32, #tpu.memory_space<vmem>>[vector<16xi32>, vector<16xi32>], vector<16xi32>,
      %jit3A_736 = arith.constant 0 : i64
      %convert_element_type3A_737 = arith.trunci %jit3A_736 : i64 to i32
      %broadcast_in_dim3A_738 = vector.broadcast %convert_element_type3A_737 : i32 to vector<16xi32>
      %select_n3A_739 = arith.select %gt3A_667, %gather3A_735, %broadcast_in_dim3A_738 : vector<16xi1>, vector<16xi32>
      %xor3A_740 = arith.xori %broadcast_in_dim3A_663, %select_n3A_739 : vector<16xi32>
      %broadcast_in_dim3A_741 = arith.constant 9 : i32
      %broadcast_in_dim3A_742 = vector.broadcast %broadcast_in_dim3A_741 : i32 to vector<16xi32>
      %gather3A_743 = tpu.vector_load_idx %arg15[%add3A_673, %broadcast_in_dim3A_742] : memref<3840x16xi32, #tpu.memory_space<vmem>>[vector<16xi32>, vector<16xi32>], vector<16xi32>,
      %jit3A_744 = arith.constant 0 : i64
      %convert_element_type3A_745 = arith.trunci %jit3A_744 : i64 to i32
      %broadcast_in_dim3A_746 = vector.broadcast %convert_element_type3A_745 : i32 to vector<16xi32>
      %select_n3A_747 = arith.select %gt3A_667, %gather3A_743, %broadcast_in_dim3A_746 : vector<16xi1>, vector<16xi32>
      %xor3A_748 = arith.xori %broadcast_in_dim3A_665, %select_n3A_747 : vector<16xi32>
      %gt3A_749 = arith.constant 1 : i32
      %gt3A_750 = vector.broadcast %gt3A_749 : i32 to vector<16xi32>
      %gt3A_751 = arith.cmpi sgt, %get3A_646, %gt3A_750 : vector<16xi32>
      %mul3A_752 = arith.constant 240 : i32
      %mul3A_753 = arith.muli %mul3A_752, %while3A_643 : i32
      %add3A_754 = arith.constant 16 : i32
      %add3A_755 = arith.addi %mul3A_753, %add3A_754 : i32
      %add3A_756 = vector.broadcast %add3A_755 : i32 to vector<16xi32>
      %add3A_757 = arith.addi %iota3A, %add3A_756 : vector<16xi32>
      %broadcast_in_dim3A_758 = arith.constant 0 : i32
      %broadcast_in_dim3A_759 = vector.broadcast %broadcast_in_dim3A_758 : i32 to vector<16xi32>
      %gather3A_760 = tpu.vector_load_idx %arg15[%add3A_757, %broadcast_in_dim3A_759] : memref<3840x16xi32, #tpu.memory_space<vmem>>[vector<16xi32>, vector<16xi32>], vector<16xi32>,
      %jit3A_761 = arith.constant 0 : i64
      %convert_element_type3A_762 = arith.trunci %jit3A_761 : i64 to i32
      %broadcast_in_dim3A_763 = vector.broadcast %convert_element_type3A_762 : i32 to vector<16xi32>
      %select_n3A_764 = arith.select %gt3A_751, %gather3A_760, %broadcast_in_dim3A_763 : vector<16xi1>, vector<16xi32>
      %xor3A_765 = arith.xori %xor3A, %select_n3A_764 : vector<16xi32>
      %broadcast_in_dim3A_766 = arith.constant 1 : i32
      %broadcast_in_dim3A_767 = vector.broadcast %broadcast_in_dim3A_766 : i32 to vector<16xi32>
      %gather3A_768 = tpu.vector_load_idx %arg15[%add3A_757, %broadcast_in_dim3A_767] : memref<3840x16xi32, #tpu.memory_space<vmem>>[vector<16xi32>, vector<16xi32>], vector<16xi32>,
      %jit3A_769 = arith.constant 0 : i64
      %convert_element_type3A_770 = arith.trunci %jit3A_769 : i64 to i32
      %broadcast_in_dim3A_771 = vector.broadcast %convert_element_type3A_770 : i32 to vector<16xi32>
      %select_n3A_772 = arith.select %gt3A_751, %gather3A_768, %broadcast_in_dim3A_771 : vector<16xi1>, vector<16xi32>
      %xor3A_773 = arith.xori %xor3A_684, %select_n3A_772 : vector<16xi32>
      %broadcast_in_dim3A_774 = arith.constant 2 : i32
      %broadcast_in_dim3A_775 = vector.broadcast %broadcast_in_dim3A_774 : i32 to vector<16xi32>
      %gather3A_776 = tpu.vector_load_idx %arg15[%add3A_757, %broadcast_in_dim3A_775] : memref<3840x16xi32, #tpu.memory_space<vmem>>[vector<16xi32>, vector<16xi32>], vector<16xi32>,
      %jit3A_777 = arith.constant 0 : i64
      %convert_element_type3A_778 = arith.trunci %jit3A_777 : i64 to i32
      %broadcast_in_dim3A_779 = vector.broadcast %convert_element_type3A_778 : i32 to vector<16xi32>
      %select_n3A_780 = arith.select %gt3A_751, %gather3A_776, %broadcast_in_dim3A_779 : vector<16xi1>, vector<16xi32>
      %xor3A_781 = arith.xori %xor3A_692, %select_n3A_780 : vector<16xi32>
      %broadcast_in_dim3A_782 = arith.constant 3 : i32
      %broadcast_in_dim3A_783 = vector.broadcast %broadcast_in_dim3A_782 : i32 to vector<16xi32>
      %gather3A_784 = tpu.vector_load_idx %arg15[%add3A_757, %broadcast_in_dim3A_783] : memref<3840x16xi32, #tpu.memory_space<vmem>>[vector<16xi32>, vector<16xi32>], vector<16xi32>,
      %jit3A_785 = arith.constant 0 : i64
      %convert_element_type3A_786 = arith.trunci %jit3A_785 : i64 to i32
      %broadcast_in_dim3A_787 = vector.broadcast %convert_element_type3A_786 : i32 to vector<16xi32>
      %select_n3A_788 = arith.select %gt3A_751, %gather3A_784, %broadcast_in_dim3A_787 : vector<16xi1>, vector<16xi32>
      %xor3A_789 = arith.xori %xor3A_700, %select_n3A_788 : vector<16xi32>
      %broadcast_in_dim3A_790 = arith.constant 4 : i32
      %broadcast_in_dim3A_791 = vector.broadcast %broadcast_in_dim3A_790 : i32 to vector<16xi32>
      %gather3A_792 = tpu.vector_load_idx %arg15[%add3A_757, %broadcast_in_dim3A_791] : memref<3840x16xi32, #tpu.memory_space<vmem>>[vector<16xi32>, vector<16xi32>], vector<16xi32>,
      %jit3A_793 = arith.constant 0 : i64
      %convert_element_type3A_794 = arith.trunci %jit3A_793 : i64 to i32
      %broadcast_in_dim3A_795 = vector.broadcast %convert_element_type3A_794 : i32 to vector<16xi32>
      %select_n3A_796 = arith.select %gt3A_751, %gather3A_792, %broadcast_in_dim3A_795 : vector<16xi1>, vector<16xi32>
      %xor3A_797 = arith.xori %xor3A_708, %select_n3A_796 : vector<16xi32>
      %broadcast_in_dim3A_798 = arith.constant 5 : i32
      %broadcast_in_dim3A_799 = vector.broadcast %broadcast_in_dim3A_798 : i32 to vector<16xi32>
      %gather3A_800 = tpu.vector_load_idx %arg15[%add3A_757, %broadcast_in_dim3A_799] : memref<3840x16xi32, #tpu.memory_space<vmem>>[vector<16xi32>, vector<16xi32>], vector<16xi32>,
      %jit3A_801 = arith.constant 0 : i64
      %convert_element_type3A_802 = arith.trunci %jit3A_801 : i64 to i32
      %broadcast_in_dim3A_803 = vector.broadcast %convert_element_type3A_802 : i32 to vector<16xi32>
      %select_n3A_804 = arith.select %gt3A_751, %gather3A_800, %broadcast_in_dim3A_803 : vector<16xi1>, vector<16xi32>
      %xor3A_805 = arith.xori %xor3A_716, %select_n3A_804 : vector<16xi32>
      %broadcast_in_dim3A_806 = arith.constant 6 : i32
      %broadcast_in_dim3A_807 = vector.broadcast %broadcast_in_dim3A_806 : i32 to vector<16xi32>
      %gather3A_808 = tpu.vector_load_idx %arg15[%add3A_757, %broadcast_in_dim3A_807] : memref<3840x16xi32, #tpu.memory_space<vmem>>[vector<16xi32>, vector<16xi32>], vector<16xi32>,
      %jit3A_809 = arith.constant 0 : i64
      %convert_element_type3A_810 = arith.trunci %jit3A_809 : i64 to i32
      %broadcast_in_dim3A_811 = vector.broadcast %convert_element_type3A_810 : i32 to vector<16xi32>
      %select_n3A_812 = arith.select %gt3A_751, %gather3A_808, %broadcast_in_dim3A_811 : vector<16xi1>, vector<16xi32>
      %xor3A_813 = arith.xori %xor3A_724, %select_n3A_812 : vector<16xi32>
      %broadcast_in_dim3A_814 = arith.constant 7 : i32
      %broadcast_in_dim3A_815 = vector.broadcast %broadcast_in_dim3A_814 : i32 to vector<16xi32>
      %gather3A_816 = tpu.vector_load_idx %arg15[%add3A_757, %broadcast_in_dim3A_815] : memref<3840x16xi32, #tpu.memory_space<vmem>>[vector<16xi32>, vector<16xi32>], vector<16xi32>,
      %jit3A_817 = arith.constant 0 : i64
      %convert_element_type3A_818 = arith.trunci %jit3A_817 : i64 to i32
      %broadcast_in_dim3A_819 = vector.broadcast %convert_element_type3A_818 : i32 to vector<16xi32>
      %select_n3A_820 = arith.select %gt3A_751, %gather3A_816, %broadcast_in_dim3A_819 : vector<16xi1>, vector<16xi32>
      %xor3A_821 = arith.xori %xor3A_732, %select_n3A_820 : vector<16xi32>
      %broadcast_in_dim3A_822 = arith.constant 8 : i32
      %broadcast_in_dim3A_823 = vector.broadcast %broadcast_in_dim3A_822 : i32 to vector<16xi32>
      %gather3A_824 = tpu.vector_load_idx %arg15[%add3A_757, %broadcast_in_dim3A_823] : memref<3840x16xi32, #tpu.memory_space<vmem>>[vector<16xi32>, vector<16xi32>], vector<16xi32>,
      %jit3A_825 = arith.constant 0 : i64
      %convert_element_type3A_826 = arith.trunci %jit3A_825 : i64 to i32
      %broadcast_in_dim3A_827 = vector.broadcast %convert_element_type3A_826 : i32 to vector<16xi32>
      %select_n3A_828 = arith.select %gt3A_751, %gather3A_824, %broadcast_in_dim3A_827 : vector<16xi1>, vector<16xi32>
      %xor3A_829 = arith.xori %xor3A_740, %select_n3A_828 : vector<16xi32>
      %broadcast_in_dim3A_830 = arith.constant 9 : i32
      %broadcast_in_dim3A_831 = vector.broadcast %broadcast_in_dim3A_830 : i32 to vector<16xi32>
      %gather3A_832 = tpu.vector_load_idx %arg15[%add3A_757, %broadcast_in_dim3A_831] : memref<3840x16xi32, #tpu.memory_space<vmem>>[vector<16xi32>, vector<16xi32>], vector<16xi32>,
      %jit3A_833 = arith.constant 0 : i64
      %convert_element_type3A_834 = arith.trunci %jit3A_833 : i64 to i32
      %broadcast_in_dim3A_835 = vector.broadcast %convert_element_type3A_834 : i32 to vector<16xi32>
      %select_n3A_836 = arith.select %gt3A_751, %gather3A_832, %broadcast_in_dim3A_835 : vector<16xi1>, vector<16xi32>
      %xor3A_837 = arith.xori %xor3A_748, %select_n3A_836 : vector<16xi32>
      %gt3A_838 = arith.constant 2 : i32
      %gt3A_839 = vector.broadcast %gt3A_838 : i32 to vector<16xi32>
      %gt3A_840 = arith.cmpi sgt, %get3A_646, %gt3A_839 : vector<16xi32>
      %mul3A_841 = arith.constant 240 : i32
      %mul3A_842 = arith.muli %mul3A_841, %while3A_643 : i32
      %add3A_843 = arith.constant 32 : i32
      %add3A_844 = arith.addi %mul3A_842, %add3A_843 : i32
      %add3A_845 = vector.broadcast %add3A_844 : i32 to vector<16xi32>
      %add3A_846 = arith.addi %iota3A, %add3A_845 : vector<16xi32>
      %broadcast_in_dim3A_847 = arith.constant 0 : i32
      %broadcast_in_dim3A_848 = vector.broadcast %broadcast_in_dim3A_847 : i32 to vector<16xi32>
      %gather3A_849 = tpu.vector_load_idx %arg15[%add3A_846, %broadcast_in_dim3A_848] : memref<3840x16xi32, #tpu.memory_space<vmem>>[vector<16xi32>, vector<16xi32>], vector<16xi32>,
      %jit3A_850 = arith.constant 0 : i64
      %convert_element_type3A_851 = arith.trunci %jit3A_850 : i64 to i32
      %broadcast_in_dim3A_852 = vector.broadcast %convert_element_type3A_851 : i32 to vector<16xi32>
      %select_n3A_853 = arith.select %gt3A_840, %gather3A_849, %broadcast_in_dim3A_852 : vector<16xi1>, vector<16xi32>
      %xor3A_854 = arith.xori %xor3A_765, %select_n3A_853 : vector<16xi32>
      %broadcast_in_dim3A_855 = arith.constant 1 : i32
      %broadcast_in_dim3A_856 = vector.broadcast %broadcast_in_dim3A_855 : i32 to vector<16xi32>
      %gather3A_857 = tpu.vector_load_idx %arg15[%add3A_846, %broadcast_in_dim3A_856] : memref<3840x16xi32, #tpu.memory_space<vmem>>[vector<16xi32>, vector<16xi32>], vector<16xi32>,
      %jit3A_858 = arith.constant 0 : i64
      %convert_element_type3A_859 = arith.trunci %jit3A_858 : i64 to i32
      %broadcast_in_dim3A_860 = vector.broadcast %convert_element_type3A_859 : i32 to vector<16xi32>
      %select_n3A_861 = arith.select %gt3A_840, %gather3A_857, %broadcast_in_dim3A_860 : vector<16xi1>, vector<16xi32>
      %xor3A_862 = arith.xori %xor3A_773, %select_n3A_861 : vector<16xi32>
      %broadcast_in_dim3A_863 = arith.constant 2 : i32
      %broadcast_in_dim3A_864 = vector.broadcast %broadcast_in_dim3A_863 : i32 to vector<16xi32>
      %gather3A_865 = tpu.vector_load_idx %arg15[%add3A_846, %broadcast_in_dim3A_864] : memref<3840x16xi32, #tpu.memory_space<vmem>>[vector<16xi32>, vector<16xi32>], vector<16xi32>,
      %jit3A_866 = arith.constant 0 : i64
      %convert_element_type3A_867 = arith.trunci %jit3A_866 : i64 to i32
      %broadcast_in_dim3A_868 = vector.broadcast %convert_element_type3A_867 : i32 to vector<16xi32>
      %select_n3A_869 = arith.select %gt3A_840, %gather3A_865, %broadcast_in_dim3A_868 : vector<16xi1>, vector<16xi32>
      %xor3A_870 = arith.xori %xor3A_781, %select_n3A_869 : vector<16xi32>
      %broadcast_in_dim3A_871 = arith.constant 3 : i32
      %broadcast_in_dim3A_872 = vector.broadcast %broadcast_in_dim3A_871 : i32 to vector<16xi32>
      %gather3A_873 = tpu.vector_load_idx %arg15[%add3A_846, %broadcast_in_dim3A_872] : memref<3840x16xi32, #tpu.memory_space<vmem>>[vector<16xi32>, vector<16xi32>], vector<16xi32>,
      %jit3A_874 = arith.constant 0 : i64
      %convert_element_type3A_875 = arith.trunci %jit3A_874 : i64 to i32
      %broadcast_in_dim3A_876 = vector.broadcast %convert_element_type3A_875 : i32 to vector<16xi32>
      %select_n3A_877 = arith.select %gt3A_840, %gather3A_873, %broadcast_in_dim3A_876 : vector<16xi1>, vector<16xi32>
      %xor3A_878 = arith.xori %xor3A_789, %select_n3A_877 : vector<16xi32>
      %broadcast_in_dim3A_879 = arith.constant 4 : i32
      %broadcast_in_dim3A_880 = vector.broadcast %broadcast_in_dim3A_879 : i32 to vector<16xi32>
      %gather3A_881 = tpu.vector_load_idx %arg15[%add3A_846, %broadcast_in_dim3A_880] : memref<3840x16xi32, #tpu.memory_space<vmem>>[vector<16xi32>, vector<16xi32>], vector<16xi32>,
      %jit3A_882 = arith.constant 0 : i64
      %convert_element_type3A_883 = arith.trunci %jit3A_882 : i64 to i32
      %broadcast_in_dim3A_884 = vector.broadcast %convert_element_type3A_883 : i32 to vector<16xi32>
      %select_n3A_885 = arith.select %gt3A_840, %gather3A_881, %broadcast_in_dim3A_884 : vector<16xi1>, vector<16xi32>
      %xor3A_886 = arith.xori %xor3A_797, %select_n3A_885 : vector<16xi32>
      %broadcast_in_dim3A_887 = arith.constant 5 : i32
      %broadcast_in_dim3A_888 = vector.broadcast %broadcast_in_dim3A_887 : i32 to vector<16xi32>
      %gather3A_889 = tpu.vector_load_idx %arg15[%add3A_846, %broadcast_in_dim3A_888] : memref<3840x16xi32, #tpu.memory_space<vmem>>[vector<16xi32>, vector<16xi32>], vector<16xi32>,
      %jit3A_890 = arith.constant 0 : i64
      %convert_element_type3A_891 = arith.trunci %jit3A_890 : i64 to i32
      %broadcast_in_dim3A_892 = vector.broadcast %convert_element_type3A_891 : i32 to vector<16xi32>
      %select_n3A_893 = arith.select %gt3A_840, %gather3A_889, %broadcast_in_dim3A_892 : vector<16xi1>, vector<16xi32>
      %xor3A_894 = arith.xori %xor3A_805, %select_n3A_893 : vector<16xi32>
      %broadcast_in_dim3A_895 = arith.constant 6 : i32
      %broadcast_in_dim3A_896 = vector.broadcast %broadcast_in_dim3A_895 : i32 to vector<16xi32>
      %gather3A_897 = tpu.vector_load_idx %arg15[%add3A_846, %broadcast_in_dim3A_896] : memref<3840x16xi32, #tpu.memory_space<vmem>>[vector<16xi32>, vector<16xi32>], vector<16xi32>,
      %jit3A_898 = arith.constant 0 : i64
      %convert_element_type3A_899 = arith.trunci %jit3A_898 : i64 to i32
      %broadcast_in_dim3A_900 = vector.broadcast %convert_element_type3A_899 : i32 to vector<16xi32>
      %select_n3A_901 = arith.select %gt3A_840, %gather3A_897, %broadcast_in_dim3A_900 : vector<16xi1>, vector<16xi32>
      %xor3A_902 = arith.xori %xor3A_813, %select_n3A_901 : vector<16xi32>
      %broadcast_in_dim3A_903 = arith.constant 7 : i32
      %broadcast_in_dim3A_904 = vector.broadcast %broadcast_in_dim3A_903 : i32 to vector<16xi32>
      %gather3A_905 = tpu.vector_load_idx %arg15[%add3A_846, %broadcast_in_dim3A_904] : memref<3840x16xi32, #tpu.memory_space<vmem>>[vector<16xi32>, vector<16xi32>], vector<16xi32>,
      %jit3A_906 = arith.constant 0 : i64
      %convert_element_type3A_907 = arith.trunci %jit3A_906 : i64 to i32
      %broadcast_in_dim3A_908 = vector.broadcast %convert_element_type3A_907 : i32 to vector<16xi32>
      %select_n3A_909 = arith.select %gt3A_840, %gather3A_905, %broadcast_in_dim3A_908 : vector<16xi1>, vector<16xi32>
      %xor3A_910 = arith.xori %xor3A_821, %select_n3A_909 : vector<16xi32>
      %broadcast_in_dim3A_911 = arith.constant 8 : i32
      %broadcast_in_dim3A_912 = vector.broadcast %broadcast_in_dim3A_911 : i32 to vector<16xi32>
      %gather3A_913 = tpu.vector_load_idx %arg15[%add3A_846, %broadcast_in_dim3A_912] : memref<3840x16xi32, #tpu.memory_space<vmem>>[vector<16xi32>, vector<16xi32>], vector<16xi32>,
      %jit3A_914 = arith.constant 0 : i64
      %convert_element_type3A_915 = arith.trunci %jit3A_914 : i64 to i32
      %broadcast_in_dim3A_916 = vector.broadcast %convert_element_type3A_915 : i32 to vector<16xi32>
      %select_n3A_917 = arith.select %gt3A_840, %gather3A_913, %broadcast_in_dim3A_916 : vector<16xi1>, vector<16xi32>
      %xor3A_918 = arith.xori %xor3A_829, %select_n3A_917 : vector<16xi32>
      %broadcast_in_dim3A_919 = arith.constant 9 : i32
      %broadcast_in_dim3A_920 = vector.broadcast %broadcast_in_dim3A_919 : i32 to vector<16xi32>
      %gather3A_921 = tpu.vector_load_idx %arg15[%add3A_846, %broadcast_in_dim3A_920] : memref<3840x16xi32, #tpu.memory_space<vmem>>[vector<16xi32>, vector<16xi32>], vector<16xi32>,
      %jit3A_922 = arith.constant 0 : i64
      %convert_element_type3A_923 = arith.trunci %jit3A_922 : i64 to i32
      %broadcast_in_dim3A_924 = vector.broadcast %convert_element_type3A_923 : i32 to vector<16xi32>
      %select_n3A_925 = arith.select %gt3A_840, %gather3A_921, %broadcast_in_dim3A_924 : vector<16xi1>, vector<16xi32>
      %xor3A_926 = arith.xori %xor3A_837, %select_n3A_925 : vector<16xi32>
      %gt3A_927 = arith.constant 3 : i32
      %gt3A_928 = vector.broadcast %gt3A_927 : i32 to vector<16xi32>
      %gt3A_929 = arith.cmpi sgt, %get3A_646, %gt3A_928 : vector<16xi32>
      %mul3A_930 = arith.constant 240 : i32
      %mul3A_931 = arith.muli %mul3A_930, %while3A_643 : i32
      %add3A_932 = arith.constant 48 : i32
      %add3A_933 = arith.addi %mul3A_931, %add3A_932 : i32
      %add3A_934 = vector.broadcast %add3A_933 : i32 to vector<16xi32>
      %add3A_935 = arith.addi %iota3A, %add3A_934 : vector<16xi32>
      %broadcast_in_dim3A_936 = arith.constant 0 : i32
      %broadcast_in_dim3A_937 = vector.broadcast %broadcast_in_dim3A_936 : i32 to vector<16xi32>
      %gather3A_938 = tpu.vector_load_idx %arg15[%add3A_935, %broadcast_in_dim3A_937] : memref<3840x16xi32, #tpu.memory_space<vmem>>[vector<16xi32>, vector<16xi32>], vector<16xi32>,
      %jit3A_939 = arith.constant 0 : i64
      %convert_element_type3A_940 = arith.trunci %jit3A_939 : i64 to i32
      %broadcast_in_dim3A_941 = vector.broadcast %convert_element_type3A_940 : i32 to vector<16xi32>
      %select_n3A_942 = arith.select %gt3A_929, %gather3A_938, %broadcast_in_dim3A_941 : vector<16xi1>, vector<16xi32>
      %xor3A_943 = arith.xori %xor3A_854, %select_n3A_942 : vector<16xi32>
      %broadcast_in_dim3A_944 = arith.constant 1 : i32
      %broadcast_in_dim3A_945 = vector.broadcast %broadcast_in_dim3A_944 : i32 to vector<16xi32>
      %gather3A_946 = tpu.vector_load_idx %arg15[%add3A_935, %broadcast_in_dim3A_945] : memref<3840x16xi32, #tpu.memory_space<vmem>>[vector<16xi32>, vector<16xi32>], vector<16xi32>,
      %jit3A_947 = arith.constant 0 : i64
      %convert_element_type3A_948 = arith.trunci %jit3A_947 : i64 to i32
      %broadcast_in_dim3A_949 = vector.broadcast %convert_element_type3A_948 : i32 to vector<16xi32>
      %select_n3A_950 = arith.select %gt3A_929, %gather3A_946, %broadcast_in_dim3A_949 : vector<16xi1>, vector<16xi32>
      %xor3A_951 = arith.xori %xor3A_862, %select_n3A_950 : vector<16xi32>
      %broadcast_in_dim3A_952 = arith.constant 2 : i32
      %broadcast_in_dim3A_953 = vector.broadcast %broadcast_in_dim3A_952 : i32 to vector<16xi32>
      %gather3A_954 = tpu.vector_load_idx %arg15[%add3A_935, %broadcast_in_dim3A_953] : memref<3840x16xi32, #tpu.memory_space<vmem>>[vector<16xi32>, vector<16xi32>], vector<16xi32>,
      %jit3A_955 = arith.constant 0 : i64
      %convert_element_type3A_956 = arith.trunci %jit3A_955 : i64 to i32
      %broadcast_in_dim3A_957 = vector.broadcast %convert_element_type3A_956 : i32 to vector<16xi32>
      %select_n3A_958 = arith.select %gt3A_929, %gather3A_954, %broadcast_in_dim3A_957 : vector<16xi1>, vector<16xi32>
      %xor3A_959 = arith.xori %xor3A_870, %select_n3A_958 : vector<16xi32>
      %broadcast_in_dim3A_960 = arith.constant 3 : i32
      %broadcast_in_dim3A_961 = vector.broadcast %broadcast_in_dim3A_960 : i32 to vector<16xi32>
      %gather3A_962 = tpu.vector_load_idx %arg15[%add3A_935, %broadcast_in_dim3A_961] : memref<3840x16xi32, #tpu.memory_space<vmem>>[vector<16xi32>, vector<16xi32>], vector<16xi32>,
      %jit3A_963 = arith.constant 0 : i64
      %convert_element_type3A_964 = arith.trunci %jit3A_963 : i64 to i32
      %broadcast_in_dim3A_965 = vector.broadcast %convert_element_type3A_964 : i32 to vector<16xi32>
      %select_n3A_966 = arith.select %gt3A_929, %gather3A_962, %broadcast_in_dim3A_965 : vector<16xi1>, vector<16xi32>
      %xor3A_967 = arith.xori %xor3A_878, %select_n3A_966 : vector<16xi32>
      %broadcast_in_dim3A_968 = arith.constant 4 : i32
      %broadcast_in_dim3A_969 = vector.broadcast %broadcast_in_dim3A_968 : i32 to vector<16xi32>
      %gather3A_970 = tpu.vector_load_idx %arg15[%add3A_935, %broadcast_in_dim3A_969] : memref<3840x16xi32, #tpu.memory_space<vmem>>[vector<16xi32>, vector<16xi32>], vector<16xi32>,
      %jit3A_971 = arith.constant 0 : i64
      %convert_element_type3A_972 = arith.trunci %jit3A_971 : i64 to i32
      %broadcast_in_dim3A_973 = vector.broadcast %convert_element_type3A_972 : i32 to vector<16xi32>
      %select_n3A_974 = arith.select %gt3A_929, %gather3A_970, %broadcast_in_dim3A_973 : vector<16xi1>, vector<16xi32>
      %xor3A_975 = arith.xori %xor3A_886, %select_n3A_974 : vector<16xi32>
      %broadcast_in_dim3A_976 = arith.constant 5 : i32
      %broadcast_in_dim3A_977 = vector.broadcast %broadcast_in_dim3A_976 : i32 to vector<16xi32>
      %gather3A_978 = tpu.vector_load_idx %arg15[%add3A_935, %broadcast_in_dim3A_977] : memref<3840x16xi32, #tpu.memory_space<vmem>>[vector<16xi32>, vector<16xi32>], vector<16xi32>,
      %jit3A_979 = arith.constant 0 : i64
      %convert_element_type3A_980 = arith.trunci %jit3A_979 : i64 to i32
      %broadcast_in_dim3A_981 = vector.broadcast %convert_element_type3A_980 : i32 to vector<16xi32>
      %select_n3A_982 = arith.select %gt3A_929, %gather3A_978, %broadcast_in_dim3A_981 : vector<16xi1>, vector<16xi32>
      %xor3A_983 = arith.xori %xor3A_894, %select_n3A_982 : vector<16xi32>
      %broadcast_in_dim3A_984 = arith.constant 6 : i32
      %broadcast_in_dim3A_985 = vector.broadcast %broadcast_in_dim3A_984 : i32 to vector<16xi32>
      %gather3A_986 = tpu.vector_load_idx %arg15[%add3A_935, %broadcast_in_dim3A_985] : memref<3840x16xi32, #tpu.memory_space<vmem>>[vector<16xi32>, vector<16xi32>], vector<16xi32>,
      %jit3A_987 = arith.constant 0 : i64
      %convert_element_type3A_988 = arith.trunci %jit3A_987 : i64 to i32
      %broadcast_in_dim3A_989 = vector.broadcast %convert_element_type3A_988 : i32 to vector<16xi32>
      %select_n3A_990 = arith.select %gt3A_929, %gather3A_986, %broadcast_in_dim3A_989 : vector<16xi1>, vector<16xi32>
      %xor3A_991 = arith.xori %xor3A_902, %select_n3A_990 : vector<16xi32>
      %broadcast_in_dim3A_992 = arith.constant 7 : i32
      %broadcast_in_dim3A_993 = vector.broadcast %broadcast_in_dim3A_992 : i32 to vector<16xi32>
      %gather3A_994 = tpu.vector_load_idx %arg15[%add3A_935, %broadcast_in_dim3A_993] : memref<3840x16xi32, #tpu.memory_space<vmem>>[vector<16xi32>, vector<16xi32>], vector<16xi32>,
      %jit3A_995 = arith.constant 0 : i64
      %convert_element_type3A_996 = arith.trunci %jit3A_995 : i64 to i32
      %broadcast_in_dim3A_997 = vector.broadcast %convert_element_type3A_996 : i32 to vector<16xi32>
      %select_n3A_998 = arith.select %gt3A_929, %gather3A_994, %broadcast_in_dim3A_997 : vector<16xi1>, vector<16xi32>
      %xor3A_999 = arith.xori %xor3A_910, %select_n3A_998 : vector<16xi32>
      %broadcast_in_dim3A_1000 = arith.constant 8 : i32
      %broadcast_in_dim3A_1001 = vector.broadcast %broadcast_in_dim3A_1000 : i32 to vector<16xi32>
      %gather3A_1002 = tpu.vector_load_idx %arg15[%add3A_935, %broadcast_in_dim3A_1001] : memref<3840x16xi32, #tpu.memory_space<vmem>>[vector<16xi32>, vector<16xi32>], vector<16xi32>,
      %jit3A_1003 = arith.constant 0 : i64
      %convert_element_type3A_1004 = arith.trunci %jit3A_1003 : i64 to i32
      %broadcast_in_dim3A_1005 = vector.broadcast %convert_element_type3A_1004 : i32 to vector<16xi32>
      %select_n3A_1006 = arith.select %gt3A_929, %gather3A_1002, %broadcast_in_dim3A_1005 : vector<16xi1>, vector<16xi32>
      %xor3A_1007 = arith.xori %xor3A_918, %select_n3A_1006 : vector<16xi32>
      %broadcast_in_dim3A_1008 = arith.constant 9 : i32
      %broadcast_in_dim3A_1009 = vector.broadcast %broadcast_in_dim3A_1008 : i32 to vector<16xi32>
      %gather3A_1010 = tpu.vector_load_idx %arg15[%add3A_935, %broadcast_in_dim3A_1009] : memref<3840x16xi32, #tpu.memory_space<vmem>>[vector<16xi32>, vector<16xi32>], vector<16xi32>,
      %jit3A_1011 = arith.constant 0 : i64
      %convert_element_type3A_1012 = arith.trunci %jit3A_1011 : i64 to i32
      %broadcast_in_dim3A_1013 = vector.broadcast %convert_element_type3A_1012 : i32 to vector<16xi32>
      %select_n3A_1014 = arith.select %gt3A_929, %gather3A_1010, %broadcast_in_dim3A_1013 : vector<16xi1>, vector<16xi32>
      %xor3A_1015 = arith.xori %xor3A_926, %select_n3A_1014 : vector<16xi32>
      %gt3A_1016 = arith.constant 4 : i32
      %gt3A_1017 = vector.broadcast %gt3A_1016 : i32 to vector<16xi32>
      %gt3A_1018 = arith.cmpi sgt, %get3A_646, %gt3A_1017 : vector<16xi32>
      %mul3A_1019 = arith.constant 240 : i32
      %mul3A_1020 = arith.muli %mul3A_1019, %while3A_643 : i32
      %add3A_1021 = arith.constant 64 : i32
      %add3A_1022 = arith.addi %mul3A_1020, %add3A_1021 : i32
      %add3A_1023 = vector.broadcast %add3A_1022 : i32 to vector<16xi32>
      %add3A_1024 = arith.addi %iota3A, %add3A_1023 : vector<16xi32>
      %broadcast_in_dim3A_1025 = arith.constant 0 : i32
      %broadcast_in_dim3A_1026 = vector.broadcast %broadcast_in_dim3A_1025 : i32 to vector<16xi32>
      %gather3A_1027 = tpu.vector_load_idx %arg15[%add3A_1024, %broadcast_in_dim3A_1026] : memref<3840x16xi32, #tpu.memory_space<vmem>>[vector<16xi32>, vector<16xi32>], vector<16xi32>,
      %jit3A_1028 = arith.constant 0 : i64
      %convert_element_type3A_1029 = arith.trunci %jit3A_1028 : i64 to i32
      %broadcast_in_dim3A_1030 = vector.broadcast %convert_element_type3A_1029 : i32 to vector<16xi32>
      %select_n3A_1031 = arith.select %gt3A_1018, %gather3A_1027, %broadcast_in_dim3A_1030 : vector<16xi1>, vector<16xi32>
      %xor3A_1032 = arith.xori %xor3A_943, %select_n3A_1031 : vector<16xi32>
      %broadcast_in_dim3A_1033 = arith.constant 1 : i32
      %broadcast_in_dim3A_1034 = vector.broadcast %broadcast_in_dim3A_1033 : i32 to vector<16xi32>
      %gather3A_1035 = tpu.vector_load_idx %arg15[%add3A_1024, %broadcast_in_dim3A_1034] : memref<3840x16xi32, #tpu.memory_space<vmem>>[vector<16xi32>, vector<16xi32>], vector<16xi32>,
      %jit3A_1036 = arith.constant 0 : i64
      %convert_element_type3A_1037 = arith.trunci %jit3A_1036 : i64 to i32
      %broadcast_in_dim3A_1038 = vector.broadcast %convert_element_type3A_1037 : i32 to vector<16xi32>
      %select_n3A_1039 = arith.select %gt3A_1018, %gather3A_1035, %broadcast_in_dim3A_1038 : vector<16xi1>, vector<16xi32>
      %xor3A_1040 = arith.xori %xor3A_951, %select_n3A_1039 : vector<16xi32>
      %broadcast_in_dim3A_1041 = arith.constant 2 : i32
      %broadcast_in_dim3A_1042 = vector.broadcast %broadcast_in_dim3A_1041 : i32 to vector<16xi32>
      %gather3A_1043 = tpu.vector_load_idx %arg15[%add3A_1024, %broadcast_in_dim3A_1042] : memref<3840x16xi32, #tpu.memory_space<vmem>>[vector<16xi32>, vector<16xi32>], vector<16xi32>,
      %jit3A_1044 = arith.constant 0 : i64
      %convert_element_type3A_1045 = arith.trunci %jit3A_1044 : i64 to i32
      %broadcast_in_dim3A_1046 = vector.broadcast %convert_element_type3A_1045 : i32 to vector<16xi32>
      %select_n3A_1047 = arith.select %gt3A_1018, %gather3A_1043, %broadcast_in_dim3A_1046 : vector<16xi1>, vector<16xi32>
      %xor3A_1048 = arith.xori %xor3A_959, %select_n3A_1047 : vector<16xi32>
      %broadcast_in_dim3A_1049 = arith.constant 3 : i32
      %broadcast_in_dim3A_1050 = vector.broadcast %broadcast_in_dim3A_1049 : i32 to vector<16xi32>
      %gather3A_1051 = tpu.vector_load_idx %arg15[%add3A_1024, %broadcast_in_dim3A_1050] : memref<3840x16xi32, #tpu.memory_space<vmem>>[vector<16xi32>, vector<16xi32>], vector<16xi32>,
      %jit3A_1052 = arith.constant 0 : i64
      %convert_element_type3A_1053 = arith.trunci %jit3A_1052 : i64 to i32
      %broadcast_in_dim3A_1054 = vector.broadcast %convert_element_type3A_1053 : i32 to vector<16xi32>
      %select_n3A_1055 = arith.select %gt3A_1018, %gather3A_1051, %broadcast_in_dim3A_1054 : vector<16xi1>, vector<16xi32>
      %xor3A_1056 = arith.xori %xor3A_967, %select_n3A_1055 : vector<16xi32>
      %broadcast_in_dim3A_1057 = arith.constant 4 : i32
      %broadcast_in_dim3A_1058 = vector.broadcast %broadcast_in_dim3A_1057 : i32 to vector<16xi32>
      %gather3A_1059 = tpu.vector_load_idx %arg15[%add3A_1024, %broadcast_in_dim3A_1058] : memref<3840x16xi32, #tpu.memory_space<vmem>>[vector<16xi32>, vector<16xi32>], vector<16xi32>,
      %jit3A_1060 = arith.constant 0 : i64
      %convert_element_type3A_1061 = arith.trunci %jit3A_1060 : i64 to i32
      %broadcast_in_dim3A_1062 = vector.broadcast %convert_element_type3A_1061 : i32 to vector<16xi32>
      %select_n3A_1063 = arith.select %gt3A_1018, %gather3A_1059, %broadcast_in_dim3A_1062 : vector<16xi1>, vector<16xi32>
      %xor3A_1064 = arith.xori %xor3A_975, %select_n3A_1063 : vector<16xi32>
      %broadcast_in_dim3A_1065 = arith.constant 5 : i32
      %broadcast_in_dim3A_1066 = vector.broadcast %broadcast_in_dim3A_1065 : i32 to vector<16xi32>
      %gather3A_1067 = tpu.vector_load_idx %arg15[%add3A_1024, %broadcast_in_dim3A_1066] : memref<3840x16xi32, #tpu.memory_space<vmem>>[vector<16xi32>, vector<16xi32>], vector<16xi32>,
      %jit3A_1068 = arith.constant 0 : i64
      %convert_element_type3A_1069 = arith.trunci %jit3A_1068 : i64 to i32
      %broadcast_in_dim3A_1070 = vector.broadcast %convert_element_type3A_1069 : i32 to vector<16xi32>
      %select_n3A_1071 = arith.select %gt3A_1018, %gather3A_1067, %broadcast_in_dim3A_1070 : vector<16xi1>, vector<16xi32>
      %xor3A_1072 = arith.xori %xor3A_983, %select_n3A_1071 : vector<16xi32>
      %broadcast_in_dim3A_1073 = arith.constant 6 : i32
      %broadcast_in_dim3A_1074 = vector.broadcast %broadcast_in_dim3A_1073 : i32 to vector<16xi32>
      %gather3A_1075 = tpu.vector_load_idx %arg15[%add3A_1024, %broadcast_in_dim3A_1074] : memref<3840x16xi32, #tpu.memory_space<vmem>>[vector<16xi32>, vector<16xi32>], vector<16xi32>,
      %jit3A_1076 = arith.constant 0 : i64
      %convert_element_type3A_1077 = arith.trunci %jit3A_1076 : i64 to i32
      %broadcast_in_dim3A_1078 = vector.broadcast %convert_element_type3A_1077 : i32 to vector<16xi32>
      %select_n3A_1079 = arith.select %gt3A_1018, %gather3A_1075, %broadcast_in_dim3A_1078 : vector<16xi1>, vector<16xi32>
      %xor3A_1080 = arith.xori %xor3A_991, %select_n3A_1079 : vector<16xi32>
      %broadcast_in_dim3A_1081 = arith.constant 7 : i32
      %broadcast_in_dim3A_1082 = vector.broadcast %broadcast_in_dim3A_1081 : i32 to vector<16xi32>
      %gather3A_1083 = tpu.vector_load_idx %arg15[%add3A_1024, %broadcast_in_dim3A_1082] : memref<3840x16xi32, #tpu.memory_space<vmem>>[vector<16xi32>, vector<16xi32>], vector<16xi32>,
      %jit3A_1084 = arith.constant 0 : i64
      %convert_element_type3A_1085 = arith.trunci %jit3A_1084 : i64 to i32
      %broadcast_in_dim3A_1086 = vector.broadcast %convert_element_type3A_1085 : i32 to vector<16xi32>
      %select_n3A_1087 = arith.select %gt3A_1018, %gather3A_1083, %broadcast_in_dim3A_1086 : vector<16xi1>, vector<16xi32>
      %xor3A_1088 = arith.xori %xor3A_999, %select_n3A_1087 : vector<16xi32>
      %broadcast_in_dim3A_1089 = arith.constant 8 : i32
      %broadcast_in_dim3A_1090 = vector.broadcast %broadcast_in_dim3A_1089 : i32 to vector<16xi32>
      %gather3A_1091 = tpu.vector_load_idx %arg15[%add3A_1024, %broadcast_in_dim3A_1090] : memref<3840x16xi32, #tpu.memory_space<vmem>>[vector<16xi32>, vector<16xi32>], vector<16xi32>,
      %jit3A_1092 = arith.constant 0 : i64
      %convert_element_type3A_1093 = arith.trunci %jit3A_1092 : i64 to i32
      %broadcast_in_dim3A_1094 = vector.broadcast %convert_element_type3A_1093 : i32 to vector<16xi32>
      %select_n3A_1095 = arith.select %gt3A_1018, %gather3A_1091, %broadcast_in_dim3A_1094 : vector<16xi1>, vector<16xi32>
      %xor3A_1096 = arith.xori %xor3A_1007, %select_n3A_1095 : vector<16xi32>
      %broadcast_in_dim3A_1097 = arith.constant 9 : i32
      %broadcast_in_dim3A_1098 = vector.broadcast %broadcast_in_dim3A_1097 : i32 to vector<16xi32>
      %gather3A_1099 = tpu.vector_load_idx %arg15[%add3A_1024, %broadcast_in_dim3A_1098] : memref<3840x16xi32, #tpu.memory_space<vmem>>[vector<16xi32>, vector<16xi32>], vector<16xi32>,
      %jit3A_1100 = arith.constant 0 : i64
      %convert_element_type3A_1101 = arith.trunci %jit3A_1100 : i64 to i32
      %broadcast_in_dim3A_1102 = vector.broadcast %convert_element_type3A_1101 : i32 to vector<16xi32>
      %select_n3A_1103 = arith.select %gt3A_1018, %gather3A_1099, %broadcast_in_dim3A_1102 : vector<16xi1>, vector<16xi32>
      %xor3A_1104 = arith.xori %xor3A_1015, %select_n3A_1103 : vector<16xi32>
      %gt3A_1105 = arith.constant 5 : i32
      %gt3A_1106 = vector.broadcast %gt3A_1105 : i32 to vector<16xi32>
      %gt3A_1107 = arith.cmpi sgt, %get3A_646, %gt3A_1106 : vector<16xi32>
      %mul3A_1108 = arith.constant 240 : i32
      %mul3A_1109 = arith.muli %mul3A_1108, %while3A_643 : i32
      %add3A_1110 = arith.constant 80 : i32
      %add3A_1111 = arith.addi %mul3A_1109, %add3A_1110 : i32
      %add3A_1112 = vector.broadcast %add3A_1111 : i32 to vector<16xi32>
      %add3A_1113 = arith.addi %iota3A, %add3A_1112 : vector<16xi32>
      %broadcast_in_dim3A_1114 = arith.constant 0 : i32
      %broadcast_in_dim3A_1115 = vector.broadcast %broadcast_in_dim3A_1114 : i32 to vector<16xi32>
      %gather3A_1116 = tpu.vector_load_idx %arg15[%add3A_1113, %broadcast_in_dim3A_1115] : memref<3840x16xi32, #tpu.memory_space<vmem>>[vector<16xi32>, vector<16xi32>], vector<16xi32>,
      %jit3A_1117 = arith.constant 0 : i64
      %convert_element_type3A_1118 = arith.trunci %jit3A_1117 : i64 to i32
      %broadcast_in_dim3A_1119 = vector.broadcast %convert_element_type3A_1118 : i32 to vector<16xi32>
      %select_n3A_1120 = arith.select %gt3A_1107, %gather3A_1116, %broadcast_in_dim3A_1119 : vector<16xi1>, vector<16xi32>
      %xor3A_1121 = arith.xori %xor3A_1032, %select_n3A_1120 : vector<16xi32>
      %broadcast_in_dim3A_1122 = arith.constant 1 : i32
      %broadcast_in_dim3A_1123 = vector.broadcast %broadcast_in_dim3A_1122 : i32 to vector<16xi32>
      %gather3A_1124 = tpu.vector_load_idx %arg15[%add3A_1113, %broadcast_in_dim3A_1123] : memref<3840x16xi32, #tpu.memory_space<vmem>>[vector<16xi32>, vector<16xi32>], vector<16xi32>,
      %jit3A_1125 = arith.constant 0 : i64
      %convert_element_type3A_1126 = arith.trunci %jit3A_1125 : i64 to i32
      %broadcast_in_dim3A_1127 = vector.broadcast %convert_element_type3A_1126 : i32 to vector<16xi32>
      %select_n3A_1128 = arith.select %gt3A_1107, %gather3A_1124, %broadcast_in_dim3A_1127 : vector<16xi1>, vector<16xi32>
      %xor3A_1129 = arith.xori %xor3A_1040, %select_n3A_1128 : vector<16xi32>
      %broadcast_in_dim3A_1130 = arith.constant 2 : i32
      %broadcast_in_dim3A_1131 = vector.broadcast %broadcast_in_dim3A_1130 : i32 to vector<16xi32>
      %gather3A_1132 = tpu.vector_load_idx %arg15[%add3A_1113, %broadcast_in_dim3A_1131] : memref<3840x16xi32, #tpu.memory_space<vmem>>[vector<16xi32>, vector<16xi32>], vector<16xi32>,
      %jit3A_1133 = arith.constant 0 : i64
      %convert_element_type3A_1134 = arith.trunci %jit3A_1133 : i64 to i32
      %broadcast_in_dim3A_1135 = vector.broadcast %convert_element_type3A_1134 : i32 to vector<16xi32>
      %select_n3A_1136 = arith.select %gt3A_1107, %gather3A_1132, %broadcast_in_dim3A_1135 : vector<16xi1>, vector<16xi32>
      %xor3A_1137 = arith.xori %xor3A_1048, %select_n3A_1136 : vector<16xi32>
      %broadcast_in_dim3A_1138 = arith.constant 3 : i32
      %broadcast_in_dim3A_1139 = vector.broadcast %broadcast_in_dim3A_1138 : i32 to vector<16xi32>
      %gather3A_1140 = tpu.vector_load_idx %arg15[%add3A_1113, %broadcast_in_dim3A_1139] : memref<3840x16xi32, #tpu.memory_space<vmem>>[vector<16xi32>, vector<16xi32>], vector<16xi32>,
      %jit3A_1141 = arith.constant 0 : i64
      %convert_element_type3A_1142 = arith.trunci %jit3A_1141 : i64 to i32
      %broadcast_in_dim3A_1143 = vector.broadcast %convert_element_type3A_1142 : i32 to vector<16xi32>
      %select_n3A_1144 = arith.select %gt3A_1107, %gather3A_1140, %broadcast_in_dim3A_1143 : vector<16xi1>, vector<16xi32>
      %xor3A_1145 = arith.xori %xor3A_1056, %select_n3A_1144 : vector<16xi32>
      %broadcast_in_dim3A_1146 = arith.constant 4 : i32
      %broadcast_in_dim3A_1147 = vector.broadcast %broadcast_in_dim3A_1146 : i32 to vector<16xi32>
      %gather3A_1148 = tpu.vector_load_idx %arg15[%add3A_1113, %broadcast_in_dim3A_1147] : memref<3840x16xi32, #tpu.memory_space<vmem>>[vector<16xi32>, vector<16xi32>], vector<16xi32>,
      %jit3A_1149 = arith.constant 0 : i64
      %convert_element_type3A_1150 = arith.trunci %jit3A_1149 : i64 to i32
      %broadcast_in_dim3A_1151 = vector.broadcast %convert_element_type3A_1150 : i32 to vector<16xi32>
      %select_n3A_1152 = arith.select %gt3A_1107, %gather3A_1148, %broadcast_in_dim3A_1151 : vector<16xi1>, vector<16xi32>
      %xor3A_1153 = arith.xori %xor3A_1064, %select_n3A_1152 : vector<16xi32>
      %broadcast_in_dim3A_1154 = arith.constant 5 : i32
      %broadcast_in_dim3A_1155 = vector.broadcast %broadcast_in_dim3A_1154 : i32 to vector<16xi32>
      %gather3A_1156 = tpu.vector_load_idx %arg15[%add3A_1113, %broadcast_in_dim3A_1155] : memref<3840x16xi32, #tpu.memory_space<vmem>>[vector<16xi32>, vector<16xi32>], vector<16xi32>,
      %jit3A_1157 = arith.constant 0 : i64
      %convert_element_type3A_1158 = arith.trunci %jit3A_1157 : i64 to i32
      %broadcast_in_dim3A_1159 = vector.broadcast %convert_element_type3A_1158 : i32 to vector<16xi32>
      %select_n3A_1160 = arith.select %gt3A_1107, %gather3A_1156, %broadcast_in_dim3A_1159 : vector<16xi1>, vector<16xi32>
      %xor3A_1161 = arith.xori %xor3A_1072, %select_n3A_1160 : vector<16xi32>
      %broadcast_in_dim3A_1162 = arith.constant 6 : i32
      %broadcast_in_dim3A_1163 = vector.broadcast %broadcast_in_dim3A_1162 : i32 to vector<16xi32>
      %gather3A_1164 = tpu.vector_load_idx %arg15[%add3A_1113, %broadcast_in_dim3A_1163] : memref<3840x16xi32, #tpu.memory_space<vmem>>[vector<16xi32>, vector<16xi32>], vector<16xi32>,
      %jit3A_1165 = arith.constant 0 : i64
      %convert_element_type3A_1166 = arith.trunci %jit3A_1165 : i64 to i32
      %broadcast_in_dim3A_1167 = vector.broadcast %convert_element_type3A_1166 : i32 to vector<16xi32>
      %select_n3A_1168 = arith.select %gt3A_1107, %gather3A_1164, %broadcast_in_dim3A_1167 : vector<16xi1>, vector<16xi32>
      %xor3A_1169 = arith.xori %xor3A_1080, %select_n3A_1168 : vector<16xi32>
      %broadcast_in_dim3A_1170 = arith.constant 7 : i32
      %broadcast_in_dim3A_1171 = vector.broadcast %broadcast_in_dim3A_1170 : i32 to vector<16xi32>
      %gather3A_1172 = tpu.vector_load_idx %arg15[%add3A_1113, %broadcast_in_dim3A_1171] : memref<3840x16xi32, #tpu.memory_space<vmem>>[vector<16xi32>, vector<16xi32>], vector<16xi32>,
      %jit3A_1173 = arith.constant 0 : i64
      %convert_element_type3A_1174 = arith.trunci %jit3A_1173 : i64 to i32
      %broadcast_in_dim3A_1175 = vector.broadcast %convert_element_type3A_1174 : i32 to vector<16xi32>
      %select_n3A_1176 = arith.select %gt3A_1107, %gather3A_1172, %broadcast_in_dim3A_1175 : vector<16xi1>, vector<16xi32>
      %xor3A_1177 = arith.xori %xor3A_1088, %select_n3A_1176 : vector<16xi32>
      %broadcast_in_dim3A_1178 = arith.constant 8 : i32
      %broadcast_in_dim3A_1179 = vector.broadcast %broadcast_in_dim3A_1178 : i32 to vector<16xi32>
      %gather3A_1180 = tpu.vector_load_idx %arg15[%add3A_1113, %broadcast_in_dim3A_1179] : memref<3840x16xi32, #tpu.memory_space<vmem>>[vector<16xi32>, vector<16xi32>], vector<16xi32>,
      %jit3A_1181 = arith.constant 0 : i64
      %convert_element_type3A_1182 = arith.trunci %jit3A_1181 : i64 to i32
      %broadcast_in_dim3A_1183 = vector.broadcast %convert_element_type3A_1182 : i32 to vector<16xi32>
      %select_n3A_1184 = arith.select %gt3A_1107, %gather3A_1180, %broadcast_in_dim3A_1183 : vector<16xi1>, vector<16xi32>
      %xor3A_1185 = arith.xori %xor3A_1096, %select_n3A_1184 : vector<16xi32>
      %broadcast_in_dim3A_1186 = arith.constant 9 : i32
      %broadcast_in_dim3A_1187 = vector.broadcast %broadcast_in_dim3A_1186 : i32 to vector<16xi32>
      %gather3A_1188 = tpu.vector_load_idx %arg15[%add3A_1113, %broadcast_in_dim3A_1187] : memref<3840x16xi32, #tpu.memory_space<vmem>>[vector<16xi32>, vector<16xi32>], vector<16xi32>,
      %jit3A_1189 = arith.constant 0 : i64
      %convert_element_type3A_1190 = arith.trunci %jit3A_1189 : i64 to i32
      %broadcast_in_dim3A_1191 = vector.broadcast %convert_element_type3A_1190 : i32 to vector<16xi32>
      %select_n3A_1192 = arith.select %gt3A_1107, %gather3A_1188, %broadcast_in_dim3A_1191 : vector<16xi1>, vector<16xi32>
      %xor3A_1193 = arith.xori %xor3A_1104, %select_n3A_1192 : vector<16xi32>
      %gt3A_1194 = arith.constant 6 : i32
      %gt3A_1195 = vector.broadcast %gt3A_1194 : i32 to vector<16xi32>
      %gt3A_1196 = arith.cmpi sgt, %get3A_646, %gt3A_1195 : vector<16xi32>
      %mul3A_1197 = arith.constant 240 : i32
      %mul3A_1198 = arith.muli %mul3A_1197, %while3A_643 : i32
      %add3A_1199 = arith.constant 96 : i32
      %add3A_1200 = arith.addi %mul3A_1198, %add3A_1199 : i32
      %add3A_1201 = vector.broadcast %add3A_1200 : i32 to vector<16xi32>
      %add3A_1202 = arith.addi %iota3A, %add3A_1201 : vector<16xi32>
      %broadcast_in_dim3A_1203 = arith.constant 0 : i32
      %broadcast_in_dim3A_1204 = vector.broadcast %broadcast_in_dim3A_1203 : i32 to vector<16xi32>
      %gather3A_1205 = tpu.vector_load_idx %arg15[%add3A_1202, %broadcast_in_dim3A_1204] : memref<3840x16xi32, #tpu.memory_space<vmem>>[vector<16xi32>, vector<16xi32>], vector<16xi32>,
      %jit3A_1206 = arith.constant 0 : i64
      %convert_element_type3A_1207 = arith.trunci %jit3A_1206 : i64 to i32
      %broadcast_in_dim3A_1208 = vector.broadcast %convert_element_type3A_1207 : i32 to vector<16xi32>
      %select_n3A_1209 = arith.select %gt3A_1196, %gather3A_1205, %broadcast_in_dim3A_1208 : vector<16xi1>, vector<16xi32>
      %xor3A_1210 = arith.xori %xor3A_1121, %select_n3A_1209 : vector<16xi32>
      %broadcast_in_dim3A_1211 = arith.constant 1 : i32
      %broadcast_in_dim3A_1212 = vector.broadcast %broadcast_in_dim3A_1211 : i32 to vector<16xi32>
      %gather3A_1213 = tpu.vector_load_idx %arg15[%add3A_1202, %broadcast_in_dim3A_1212] : memref<3840x16xi32, #tpu.memory_space<vmem>>[vector<16xi32>, vector<16xi32>], vector<16xi32>,
      %jit3A_1214 = arith.constant 0 : i64
      %convert_element_type3A_1215 = arith.trunci %jit3A_1214 : i64 to i32
      %broadcast_in_dim3A_1216 = vector.broadcast %convert_element_type3A_1215 : i32 to vector<16xi32>
      %select_n3A_1217 = arith.select %gt3A_1196, %gather3A_1213, %broadcast_in_dim3A_1216 : vector<16xi1>, vector<16xi32>
      %xor3A_1218 = arith.xori %xor3A_1129, %select_n3A_1217 : vector<16xi32>
      %broadcast_in_dim3A_1219 = arith.constant 2 : i32
      %broadcast_in_dim3A_1220 = vector.broadcast %broadcast_in_dim3A_1219 : i32 to vector<16xi32>
      %gather3A_1221 = tpu.vector_load_idx %arg15[%add3A_1202, %broadcast_in_dim3A_1220] : memref<3840x16xi32, #tpu.memory_space<vmem>>[vector<16xi32>, vector<16xi32>], vector<16xi32>,
      %jit3A_1222 = arith.constant 0 : i64
      %convert_element_type3A_1223 = arith.trunci %jit3A_1222 : i64 to i32
      %broadcast_in_dim3A_1224 = vector.broadcast %convert_element_type3A_1223 : i32 to vector<16xi32>
      %select_n3A_1225 = arith.select %gt3A_1196, %gather3A_1221, %broadcast_in_dim3A_1224 : vector<16xi1>, vector<16xi32>
      %xor3A_1226 = arith.xori %xor3A_1137, %select_n3A_1225 : vector<16xi32>
      %broadcast_in_dim3A_1227 = arith.constant 3 : i32
      %broadcast_in_dim3A_1228 = vector.broadcast %broadcast_in_dim3A_1227 : i32 to vector<16xi32>
      %gather3A_1229 = tpu.vector_load_idx %arg15[%add3A_1202, %broadcast_in_dim3A_1228] : memref<3840x16xi32, #tpu.memory_space<vmem>>[vector<16xi32>, vector<16xi32>], vector<16xi32>,
      %jit3A_1230 = arith.constant 0 : i64
      %convert_element_type3A_1231 = arith.trunci %jit3A_1230 : i64 to i32
      %broadcast_in_dim3A_1232 = vector.broadcast %convert_element_type3A_1231 : i32 to vector<16xi32>
      %select_n3A_1233 = arith.select %gt3A_1196, %gather3A_1229, %broadcast_in_dim3A_1232 : vector<16xi1>, vector<16xi32>
      %xor3A_1234 = arith.xori %xor3A_1145, %select_n3A_1233 : vector<16xi32>
      %broadcast_in_dim3A_1235 = arith.constant 4 : i32
      %broadcast_in_dim3A_1236 = vector.broadcast %broadcast_in_dim3A_1235 : i32 to vector<16xi32>
      %gather3A_1237 = tpu.vector_load_idx %arg15[%add3A_1202, %broadcast_in_dim3A_1236] : memref<3840x16xi32, #tpu.memory_space<vmem>>[vector<16xi32>, vector<16xi32>], vector<16xi32>,
      %jit3A_1238 = arith.constant 0 : i64
      %convert_element_type3A_1239 = arith.trunci %jit3A_1238 : i64 to i32
      %broadcast_in_dim3A_1240 = vector.broadcast %convert_element_type3A_1239 : i32 to vector<16xi32>
      %select_n3A_1241 = arith.select %gt3A_1196, %gather3A_1237, %broadcast_in_dim3A_1240 : vector<16xi1>, vector<16xi32>
      %xor3A_1242 = arith.xori %xor3A_1153, %select_n3A_1241 : vector<16xi32>
      %broadcast_in_dim3A_1243 = arith.constant 5 : i32
      %broadcast_in_dim3A_1244 = vector.broadcast %broadcast_in_dim3A_1243 : i32 to vector<16xi32>
      %gather3A_1245 = tpu.vector_load_idx %arg15[%add3A_1202, %broadcast_in_dim3A_1244] : memref<3840x16xi32, #tpu.memory_space<vmem>>[vector<16xi32>, vector<16xi32>], vector<16xi32>,
      %jit3A_1246 = arith.constant 0 : i64
      %convert_element_type3A_1247 = arith.trunci %jit3A_1246 : i64 to i32
      %broadcast_in_dim3A_1248 = vector.broadcast %convert_element_type3A_1247 : i32 to vector<16xi32>
      %select_n3A_1249 = arith.select %gt3A_1196, %gather3A_1245, %broadcast_in_dim3A_1248 : vector<16xi1>, vector<16xi32>
      %xor3A_1250 = arith.xori %xor3A_1161, %select_n3A_1249 : vector<16xi32>
      %broadcast_in_dim3A_1251 = arith.constant 6 : i32
      %broadcast_in_dim3A_1252 = vector.broadcast %broadcast_in_dim3A_1251 : i32 to vector<16xi32>
      %gather3A_1253 = tpu.vector_load_idx %arg15[%add3A_1202, %broadcast_in_dim3A_1252] : memref<3840x16xi32, #tpu.memory_space<vmem>>[vector<16xi32>, vector<16xi32>], vector<16xi32>,
      %jit3A_1254 = arith.constant 0 : i64
      %convert_element_type3A_1255 = arith.trunci %jit3A_1254 : i64 to i32
      %broadcast_in_dim3A_1256 = vector.broadcast %convert_element_type3A_1255 : i32 to vector<16xi32>
      %select_n3A_1257 = arith.select %gt3A_1196, %gather3A_1253, %broadcast_in_dim3A_1256 : vector<16xi1>, vector<16xi32>
      %xor3A_1258 = arith.xori %xor3A_1169, %select_n3A_1257 : vector<16xi32>
      %broadcast_in_dim3A_1259 = arith.constant 7 : i32
      %broadcast_in_dim3A_1260 = vector.broadcast %broadcast_in_dim3A_1259 : i32 to vector<16xi32>
      %gather3A_1261 = tpu.vector_load_idx %arg15[%add3A_1202, %broadcast_in_dim3A_1260] : memref<3840x16xi32, #tpu.memory_space<vmem>>[vector<16xi32>, vector<16xi32>], vector<16xi32>,
      %jit3A_1262 = arith.constant 0 : i64
      %convert_element_type3A_1263 = arith.trunci %jit3A_1262 : i64 to i32
      %broadcast_in_dim3A_1264 = vector.broadcast %convert_element_type3A_1263 : i32 to vector<16xi32>
      %select_n3A_1265 = arith.select %gt3A_1196, %gather3A_1261, %broadcast_in_dim3A_1264 : vector<16xi1>, vector<16xi32>
      %xor3A_1266 = arith.xori %xor3A_1177, %select_n3A_1265 : vector<16xi32>
      %broadcast_in_dim3A_1267 = arith.constant 8 : i32
      %broadcast_in_dim3A_1268 = vector.broadcast %broadcast_in_dim3A_1267 : i32 to vector<16xi32>
      %gather3A_1269 = tpu.vector_load_idx %arg15[%add3A_1202, %broadcast_in_dim3A_1268] : memref<3840x16xi32, #tpu.memory_space<vmem>>[vector<16xi32>, vector<16xi32>], vector<16xi32>,
      %jit3A_1270 = arith.constant 0 : i64
      %convert_element_type3A_1271 = arith.trunci %jit3A_1270 : i64 to i32
      %broadcast_in_dim3A_1272 = vector.broadcast %convert_element_type3A_1271 : i32 to vector<16xi32>
      %select_n3A_1273 = arith.select %gt3A_1196, %gather3A_1269, %broadcast_in_dim3A_1272 : vector<16xi1>, vector<16xi32>
      %xor3A_1274 = arith.xori %xor3A_1185, %select_n3A_1273 : vector<16xi32>
      %broadcast_in_dim3A_1275 = arith.constant 9 : i32
      %broadcast_in_dim3A_1276 = vector.broadcast %broadcast_in_dim3A_1275 : i32 to vector<16xi32>
      %gather3A_1277 = tpu.vector_load_idx %arg15[%add3A_1202, %broadcast_in_dim3A_1276] : memref<3840x16xi32, #tpu.memory_space<vmem>>[vector<16xi32>, vector<16xi32>], vector<16xi32>,
      %jit3A_1278 = arith.constant 0 : i64
      %convert_element_type3A_1279 = arith.trunci %jit3A_1278 : i64 to i32
      %broadcast_in_dim3A_1280 = vector.broadcast %convert_element_type3A_1279 : i32 to vector<16xi32>
      %select_n3A_1281 = arith.select %gt3A_1196, %gather3A_1277, %broadcast_in_dim3A_1280 : vector<16xi1>, vector<16xi32>
      %xor3A_1282 = arith.xori %xor3A_1193, %select_n3A_1281 : vector<16xi32>
      %gt3A_1283 = arith.constant 7 : i32
      %gt3A_1284 = vector.broadcast %gt3A_1283 : i32 to vector<16xi32>
      %gt3A_1285 = arith.cmpi sgt, %get3A_646, %gt3A_1284 : vector<16xi32>
      %mul3A_1286 = arith.constant 240 : i32
      %mul3A_1287 = arith.muli %mul3A_1286, %while3A_643 : i32
      %add3A_1288 = arith.constant 112 : i32
      %add3A_1289 = arith.addi %mul3A_1287, %add3A_1288 : i32
      %add3A_1290 = vector.broadcast %add3A_1289 : i32 to vector<16xi32>
      %add3A_1291 = arith.addi %iota3A, %add3A_1290 : vector<16xi32>
      %broadcast_in_dim3A_1292 = arith.constant 0 : i32
      %broadcast_in_dim3A_1293 = vector.broadcast %broadcast_in_dim3A_1292 : i32 to vector<16xi32>
      %gather3A_1294 = tpu.vector_load_idx %arg15[%add3A_1291, %broadcast_in_dim3A_1293] : memref<3840x16xi32, #tpu.memory_space<vmem>>[vector<16xi32>, vector<16xi32>], vector<16xi32>,
      %jit3A_1295 = arith.constant 0 : i64
      %convert_element_type3A_1296 = arith.trunci %jit3A_1295 : i64 to i32
      %broadcast_in_dim3A_1297 = vector.broadcast %convert_element_type3A_1296 : i32 to vector<16xi32>
      %select_n3A_1298 = arith.select %gt3A_1285, %gather3A_1294, %broadcast_in_dim3A_1297 : vector<16xi1>, vector<16xi32>
      %xor3A_1299 = arith.xori %xor3A_1210, %select_n3A_1298 : vector<16xi32>
      %broadcast_in_dim3A_1300 = arith.constant 1 : i32
      %broadcast_in_dim3A_1301 = vector.broadcast %broadcast_in_dim3A_1300 : i32 to vector<16xi32>
      %gather3A_1302 = tpu.vector_load_idx %arg15[%add3A_1291, %broadcast_in_dim3A_1301] : memref<3840x16xi32, #tpu.memory_space<vmem>>[vector<16xi32>, vector<16xi32>], vector<16xi32>,
      %jit3A_1303 = arith.constant 0 : i64
      %convert_element_type3A_1304 = arith.trunci %jit3A_1303 : i64 to i32
      %broadcast_in_dim3A_1305 = vector.broadcast %convert_element_type3A_1304 : i32 to vector<16xi32>
      %select_n3A_1306 = arith.select %gt3A_1285, %gather3A_1302, %broadcast_in_dim3A_1305 : vector<16xi1>, vector<16xi32>
      %xor3A_1307 = arith.xori %xor3A_1218, %select_n3A_1306 : vector<16xi32>
      %broadcast_in_dim3A_1308 = arith.constant 2 : i32
      %broadcast_in_dim3A_1309 = vector.broadcast %broadcast_in_dim3A_1308 : i32 to vector<16xi32>
      %gather3A_1310 = tpu.vector_load_idx %arg15[%add3A_1291, %broadcast_in_dim3A_1309] : memref<3840x16xi32, #tpu.memory_space<vmem>>[vector<16xi32>, vector<16xi32>], vector<16xi32>,
      %jit3A_1311 = arith.constant 0 : i64
      %convert_element_type3A_1312 = arith.trunci %jit3A_1311 : i64 to i32
      %broadcast_in_dim3A_1313 = vector.broadcast %convert_element_type3A_1312 : i32 to vector<16xi32>
      %select_n3A_1314 = arith.select %gt3A_1285, %gather3A_1310, %broadcast_in_dim3A_1313 : vector<16xi1>, vector<16xi32>
      %xor3A_1315 = arith.xori %xor3A_1226, %select_n3A_1314 : vector<16xi32>
      %broadcast_in_dim3A_1316 = arith.constant 3 : i32
      %broadcast_in_dim3A_1317 = vector.broadcast %broadcast_in_dim3A_1316 : i32 to vector<16xi32>
      %gather3A_1318 = tpu.vector_load_idx %arg15[%add3A_1291, %broadcast_in_dim3A_1317] : memref<3840x16xi32, #tpu.memory_space<vmem>>[vector<16xi32>, vector<16xi32>], vector<16xi32>,
      %jit3A_1319 = arith.constant 0 : i64
      %convert_element_type3A_1320 = arith.trunci %jit3A_1319 : i64 to i32
      %broadcast_in_dim3A_1321 = vector.broadcast %convert_element_type3A_1320 : i32 to vector<16xi32>
      %select_n3A_1322 = arith.select %gt3A_1285, %gather3A_1318, %broadcast_in_dim3A_1321 : vector<16xi1>, vector<16xi32>
      %xor3A_1323 = arith.xori %xor3A_1234, %select_n3A_1322 : vector<16xi32>
      %broadcast_in_dim3A_1324 = arith.constant 4 : i32
      %broadcast_in_dim3A_1325 = vector.broadcast %broadcast_in_dim3A_1324 : i32 to vector<16xi32>
      %gather3A_1326 = tpu.vector_load_idx %arg15[%add3A_1291, %broadcast_in_dim3A_1325] : memref<3840x16xi32, #tpu.memory_space<vmem>>[vector<16xi32>, vector<16xi32>], vector<16xi32>,
      %jit3A_1327 = arith.constant 0 : i64
      %convert_element_type3A_1328 = arith.trunci %jit3A_1327 : i64 to i32
      %broadcast_in_dim3A_1329 = vector.broadcast %convert_element_type3A_1328 : i32 to vector<16xi32>
      %select_n3A_1330 = arith.select %gt3A_1285, %gather3A_1326, %broadcast_in_dim3A_1329 : vector<16xi1>, vector<16xi32>
      %xor3A_1331 = arith.xori %xor3A_1242, %select_n3A_1330 : vector<16xi32>
      %broadcast_in_dim3A_1332 = arith.constant 5 : i32
      %broadcast_in_dim3A_1333 = vector.broadcast %broadcast_in_dim3A_1332 : i32 to vector<16xi32>
      %gather3A_1334 = tpu.vector_load_idx %arg15[%add3A_1291, %broadcast_in_dim3A_1333] : memref<3840x16xi32, #tpu.memory_space<vmem>>[vector<16xi32>, vector<16xi32>], vector<16xi32>,
      %jit3A_1335 = arith.constant 0 : i64
      %convert_element_type3A_1336 = arith.trunci %jit3A_1335 : i64 to i32
      %broadcast_in_dim3A_1337 = vector.broadcast %convert_element_type3A_1336 : i32 to vector<16xi32>
      %select_n3A_1338 = arith.select %gt3A_1285, %gather3A_1334, %broadcast_in_dim3A_1337 : vector<16xi1>, vector<16xi32>
      %xor3A_1339 = arith.xori %xor3A_1250, %select_n3A_1338 : vector<16xi32>
      %broadcast_in_dim3A_1340 = arith.constant 6 : i32
      %broadcast_in_dim3A_1341 = vector.broadcast %broadcast_in_dim3A_1340 : i32 to vector<16xi32>
      %gather3A_1342 = tpu.vector_load_idx %arg15[%add3A_1291, %broadcast_in_dim3A_1341] : memref<3840x16xi32, #tpu.memory_space<vmem>>[vector<16xi32>, vector<16xi32>], vector<16xi32>,
      %jit3A_1343 = arith.constant 0 : i64
      %convert_element_type3A_1344 = arith.trunci %jit3A_1343 : i64 to i32
      %broadcast_in_dim3A_1345 = vector.broadcast %convert_element_type3A_1344 : i32 to vector<16xi32>
      %select_n3A_1346 = arith.select %gt3A_1285, %gather3A_1342, %broadcast_in_dim3A_1345 : vector<16xi1>, vector<16xi32>
      %xor3A_1347 = arith.xori %xor3A_1258, %select_n3A_1346 : vector<16xi32>
      %broadcast_in_dim3A_1348 = arith.constant 7 : i32
      %broadcast_in_dim3A_1349 = vector.broadcast %broadcast_in_dim3A_1348 : i32 to vector<16xi32>
      %gather3A_1350 = tpu.vector_load_idx %arg15[%add3A_1291, %broadcast_in_dim3A_1349] : memref<3840x16xi32, #tpu.memory_space<vmem>>[vector<16xi32>, vector<16xi32>], vector<16xi32>,
      %jit3A_1351 = arith.constant 0 : i64
      %convert_element_type3A_1352 = arith.trunci %jit3A_1351 : i64 to i32
      %broadcast_in_dim3A_1353 = vector.broadcast %convert_element_type3A_1352 : i32 to vector<16xi32>
      %select_n3A_1354 = arith.select %gt3A_1285, %gather3A_1350, %broadcast_in_dim3A_1353 : vector<16xi1>, vector<16xi32>
      %xor3A_1355 = arith.xori %xor3A_1266, %select_n3A_1354 : vector<16xi32>
      %broadcast_in_dim3A_1356 = arith.constant 8 : i32
      %broadcast_in_dim3A_1357 = vector.broadcast %broadcast_in_dim3A_1356 : i32 to vector<16xi32>
      %gather3A_1358 = tpu.vector_load_idx %arg15[%add3A_1291, %broadcast_in_dim3A_1357] : memref<3840x16xi32, #tpu.memory_space<vmem>>[vector<16xi32>, vector<16xi32>], vector<16xi32>,
      %jit3A_1359 = arith.constant 0 : i64
      %convert_element_type3A_1360 = arith.trunci %jit3A_1359 : i64 to i32
      %broadcast_in_dim3A_1361 = vector.broadcast %convert_element_type3A_1360 : i32 to vector<16xi32>
      %select_n3A_1362 = arith.select %gt3A_1285, %gather3A_1358, %broadcast_in_dim3A_1361 : vector<16xi1>, vector<16xi32>
      %xor3A_1363 = arith.xori %xor3A_1274, %select_n3A_1362 : vector<16xi32>
      %broadcast_in_dim3A_1364 = arith.constant 9 : i32
      %broadcast_in_dim3A_1365 = vector.broadcast %broadcast_in_dim3A_1364 : i32 to vector<16xi32>
      %gather3A_1366 = tpu.vector_load_idx %arg15[%add3A_1291, %broadcast_in_dim3A_1365] : memref<3840x16xi32, #tpu.memory_space<vmem>>[vector<16xi32>, vector<16xi32>], vector<16xi32>,
      %jit3A_1367 = arith.constant 0 : i64
      %convert_element_type3A_1368 = arith.trunci %jit3A_1367 : i64 to i32
      %broadcast_in_dim3A_1369 = vector.broadcast %convert_element_type3A_1368 : i32 to vector<16xi32>
      %select_n3A_1370 = arith.select %gt3A_1285, %gather3A_1366, %broadcast_in_dim3A_1369 : vector<16xi1>, vector<16xi32>
      %xor3A_1371 = arith.xori %xor3A_1282, %select_n3A_1370 : vector<16xi32>
      %gt3A_1372 = arith.constant 8 : i32
      %gt3A_1373 = vector.broadcast %gt3A_1372 : i32 to vector<16xi32>
      %gt3A_1374 = arith.cmpi sgt, %get3A_646, %gt3A_1373 : vector<16xi32>
      %mul3A_1375 = arith.constant 240 : i32
      %mul3A_1376 = arith.muli %mul3A_1375, %while3A_643 : i32
      %add3A_1377 = arith.constant 128 : i32
      %add3A_1378 = arith.addi %mul3A_1376, %add3A_1377 : i32
      %add3A_1379 = vector.broadcast %add3A_1378 : i32 to vector<16xi32>
      %add3A_1380 = arith.addi %iota3A, %add3A_1379 : vector<16xi32>
      %broadcast_in_dim3A_1381 = arith.constant 0 : i32
      %broadcast_in_dim3A_1382 = vector.broadcast %broadcast_in_dim3A_1381 : i32 to vector<16xi32>
      %gather3A_1383 = tpu.vector_load_idx %arg15[%add3A_1380, %broadcast_in_dim3A_1382] : memref<3840x16xi32, #tpu.memory_space<vmem>>[vector<16xi32>, vector<16xi32>], vector<16xi32>,
      %jit3A_1384 = arith.constant 0 : i64
      %convert_element_type3A_1385 = arith.trunci %jit3A_1384 : i64 to i32
      %broadcast_in_dim3A_1386 = vector.broadcast %convert_element_type3A_1385 : i32 to vector<16xi32>
      %select_n3A_1387 = arith.select %gt3A_1374, %gather3A_1383, %broadcast_in_dim3A_1386 : vector<16xi1>, vector<16xi32>
      %xor3A_1388 = arith.xori %xor3A_1299, %select_n3A_1387 : vector<16xi32>
      %broadcast_in_dim3A_1389 = arith.constant 1 : i32
      %broadcast_in_dim3A_1390 = vector.broadcast %broadcast_in_dim3A_1389 : i32 to vector<16xi32>
      %gather3A_1391 = tpu.vector_load_idx %arg15[%add3A_1380, %broadcast_in_dim3A_1390] : memref<3840x16xi32, #tpu.memory_space<vmem>>[vector<16xi32>, vector<16xi32>], vector<16xi32>,
      %jit3A_1392 = arith.constant 0 : i64
      %convert_element_type3A_1393 = arith.trunci %jit3A_1392 : i64 to i32
      %broadcast_in_dim3A_1394 = vector.broadcast %convert_element_type3A_1393 : i32 to vector<16xi32>
      %select_n3A_1395 = arith.select %gt3A_1374, %gather3A_1391, %broadcast_in_dim3A_1394 : vector<16xi1>, vector<16xi32>
      %xor3A_1396 = arith.xori %xor3A_1307, %select_n3A_1395 : vector<16xi32>
      %broadcast_in_dim3A_1397 = arith.constant 2 : i32
      %broadcast_in_dim3A_1398 = vector.broadcast %broadcast_in_dim3A_1397 : i32 to vector<16xi32>
      %gather3A_1399 = tpu.vector_load_idx %arg15[%add3A_1380, %broadcast_in_dim3A_1398] : memref<3840x16xi32, #tpu.memory_space<vmem>>[vector<16xi32>, vector<16xi32>], vector<16xi32>,
      %jit3A_1400 = arith.constant 0 : i64
      %convert_element_type3A_1401 = arith.trunci %jit3A_1400 : i64 to i32
      %broadcast_in_dim3A_1402 = vector.broadcast %convert_element_type3A_1401 : i32 to vector<16xi32>
      %select_n3A_1403 = arith.select %gt3A_1374, %gather3A_1399, %broadcast_in_dim3A_1402 : vector<16xi1>, vector<16xi32>
      %xor3A_1404 = arith.xori %xor3A_1315, %select_n3A_1403 : vector<16xi32>
      %broadcast_in_dim3A_1405 = arith.constant 3 : i32
      %broadcast_in_dim3A_1406 = vector.broadcast %broadcast_in_dim3A_1405 : i32 to vector<16xi32>
      %gather3A_1407 = tpu.vector_load_idx %arg15[%add3A_1380, %broadcast_in_dim3A_1406] : memref<3840x16xi32, #tpu.memory_space<vmem>>[vector<16xi32>, vector<16xi32>], vector<16xi32>,
      %jit3A_1408 = arith.constant 0 : i64
      %convert_element_type3A_1409 = arith.trunci %jit3A_1408 : i64 to i32
      %broadcast_in_dim3A_1410 = vector.broadcast %convert_element_type3A_1409 : i32 to vector<16xi32>
      %select_n3A_1411 = arith.select %gt3A_1374, %gather3A_1407, %broadcast_in_dim3A_1410 : vector<16xi1>, vector<16xi32>
      %xor3A_1412 = arith.xori %xor3A_1323, %select_n3A_1411 : vector<16xi32>
      %broadcast_in_dim3A_1413 = arith.constant 4 : i32
      %broadcast_in_dim3A_1414 = vector.broadcast %broadcast_in_dim3A_1413 : i32 to vector<16xi32>
      %gather3A_1415 = tpu.vector_load_idx %arg15[%add3A_1380, %broadcast_in_dim3A_1414] : memref<3840x16xi32, #tpu.memory_space<vmem>>[vector<16xi32>, vector<16xi32>], vector<16xi32>,
      %jit3A_1416 = arith.constant 0 : i64
      %convert_element_type3A_1417 = arith.trunci %jit3A_1416 : i64 to i32
      %broadcast_in_dim3A_1418 = vector.broadcast %convert_element_type3A_1417 : i32 to vector<16xi32>
      %select_n3A_1419 = arith.select %gt3A_1374, %gather3A_1415, %broadcast_in_dim3A_1418 : vector<16xi1>, vector<16xi32>
      %xor3A_1420 = arith.xori %xor3A_1331, %select_n3A_1419 : vector<16xi32>
      %broadcast_in_dim3A_1421 = arith.constant 5 : i32
      %broadcast_in_dim3A_1422 = vector.broadcast %broadcast_in_dim3A_1421 : i32 to vector<16xi32>
      %gather3A_1423 = tpu.vector_load_idx %arg15[%add3A_1380, %broadcast_in_dim3A_1422] : memref<3840x16xi32, #tpu.memory_space<vmem>>[vector<16xi32>, vector<16xi32>], vector<16xi32>,
      %jit3A_1424 = arith.constant 0 : i64
      %convert_element_type3A_1425 = arith.trunci %jit3A_1424 : i64 to i32
      %broadcast_in_dim3A_1426 = vector.broadcast %convert_element_type3A_1425 : i32 to vector<16xi32>
      %select_n3A_1427 = arith.select %gt3A_1374, %gather3A_1423, %broadcast_in_dim3A_1426 : vector<16xi1>, vector<16xi32>
      %xor3A_1428 = arith.xori %xor3A_1339, %select_n3A_1427 : vector<16xi32>
      %broadcast_in_dim3A_1429 = arith.constant 6 : i32
      %broadcast_in_dim3A_1430 = vector.broadcast %broadcast_in_dim3A_1429 : i32 to vector<16xi32>
      %gather3A_1431 = tpu.vector_load_idx %arg15[%add3A_1380, %broadcast_in_dim3A_1430] : memref<3840x16xi32, #tpu.memory_space<vmem>>[vector<16xi32>, vector<16xi32>], vector<16xi32>,
      %jit3A_1432 = arith.constant 0 : i64
      %convert_element_type3A_1433 = arith.trunci %jit3A_1432 : i64 to i32
      %broadcast_in_dim3A_1434 = vector.broadcast %convert_element_type3A_1433 : i32 to vector<16xi32>
      %select_n3A_1435 = arith.select %gt3A_1374, %gather3A_1431, %broadcast_in_dim3A_1434 : vector<16xi1>, vector<16xi32>
      %xor3A_1436 = arith.xori %xor3A_1347, %select_n3A_1435 : vector<16xi32>
      %broadcast_in_dim3A_1437 = arith.constant 7 : i32
      %broadcast_in_dim3A_1438 = vector.broadcast %broadcast_in_dim3A_1437 : i32 to vector<16xi32>
      %gather3A_1439 = tpu.vector_load_idx %arg15[%add3A_1380, %broadcast_in_dim3A_1438] : memref<3840x16xi32, #tpu.memory_space<vmem>>[vector<16xi32>, vector<16xi32>], vector<16xi32>,
      %jit3A_1440 = arith.constant 0 : i64
      %convert_element_type3A_1441 = arith.trunci %jit3A_1440 : i64 to i32
      %broadcast_in_dim3A_1442 = vector.broadcast %convert_element_type3A_1441 : i32 to vector<16xi32>
      %select_n3A_1443 = arith.select %gt3A_1374, %gather3A_1439, %broadcast_in_dim3A_1442 : vector<16xi1>, vector<16xi32>
      %xor3A_1444 = arith.xori %xor3A_1355, %select_n3A_1443 : vector<16xi32>
      %broadcast_in_dim3A_1445 = arith.constant 8 : i32
      %broadcast_in_dim3A_1446 = vector.broadcast %broadcast_in_dim3A_1445 : i32 to vector<16xi32>
      %gather3A_1447 = tpu.vector_load_idx %arg15[%add3A_1380, %broadcast_in_dim3A_1446] : memref<3840x16xi32, #tpu.memory_space<vmem>>[vector<16xi32>, vector<16xi32>], vector<16xi32>,
      %jit3A_1448 = arith.constant 0 : i64
      %convert_element_type3A_1449 = arith.trunci %jit3A_1448 : i64 to i32
      %broadcast_in_dim3A_1450 = vector.broadcast %convert_element_type3A_1449 : i32 to vector<16xi32>
      %select_n3A_1451 = arith.select %gt3A_1374, %gather3A_1447, %broadcast_in_dim3A_1450 : vector<16xi1>, vector<16xi32>
      %xor3A_1452 = arith.xori %xor3A_1363, %select_n3A_1451 : vector<16xi32>
      %broadcast_in_dim3A_1453 = arith.constant 9 : i32
      %broadcast_in_dim3A_1454 = vector.broadcast %broadcast_in_dim3A_1453 : i32 to vector<16xi32>
      %gather3A_1455 = tpu.vector_load_idx %arg15[%add3A_1380, %broadcast_in_dim3A_1454] : memref<3840x16xi32, #tpu.memory_space<vmem>>[vector<16xi32>, vector<16xi32>], vector<16xi32>,
      %jit3A_1456 = arith.constant 0 : i64
      %convert_element_type3A_1457 = arith.trunci %jit3A_1456 : i64 to i32
      %broadcast_in_dim3A_1458 = vector.broadcast %convert_element_type3A_1457 : i32 to vector<16xi32>
      %select_n3A_1459 = arith.select %gt3A_1374, %gather3A_1455, %broadcast_in_dim3A_1458 : vector<16xi1>, vector<16xi32>
      %xor3A_1460 = arith.xori %xor3A_1371, %select_n3A_1459 : vector<16xi32>
      %gt3A_1461 = arith.constant 9 : i32
      %gt3A_1462 = vector.broadcast %gt3A_1461 : i32 to vector<16xi32>
      %gt3A_1463 = arith.cmpi sgt, %get3A_646, %gt3A_1462 : vector<16xi32>
      %mul3A_1464 = arith.constant 240 : i32
      %mul3A_1465 = arith.muli %mul3A_1464, %while3A_643 : i32
      %add3A_1466 = arith.constant 144 : i32
      %add3A_1467 = arith.addi %mul3A_1465, %add3A_1466 : i32
      %add3A_1468 = vector.broadcast %add3A_1467 : i32 to vector<16xi32>
      %add3A_1469 = arith.addi %iota3A, %add3A_1468 : vector<16xi32>
      %broadcast_in_dim3A_1470 = arith.constant 0 : i32
      %broadcast_in_dim3A_1471 = vector.broadcast %broadcast_in_dim3A_1470 : i32 to vector<16xi32>
      %gather3A_1472 = tpu.vector_load_idx %arg15[%add3A_1469, %broadcast_in_dim3A_1471] : memref<3840x16xi32, #tpu.memory_space<vmem>>[vector<16xi32>, vector<16xi32>], vector<16xi32>,
      %jit3A_1473 = arith.constant 0 : i64
      %convert_element_type3A_1474 = arith.trunci %jit3A_1473 : i64 to i32
      %broadcast_in_dim3A_1475 = vector.broadcast %convert_element_type3A_1474 : i32 to vector<16xi32>
      %select_n3A_1476 = arith.select %gt3A_1463, %gather3A_1472, %broadcast_in_dim3A_1475 : vector<16xi1>, vector<16xi32>
      %xor3A_1477 = arith.xori %xor3A_1388, %select_n3A_1476 : vector<16xi32>
      %broadcast_in_dim3A_1478 = arith.constant 1 : i32
      %broadcast_in_dim3A_1479 = vector.broadcast %broadcast_in_dim3A_1478 : i32 to vector<16xi32>
      %gather3A_1480 = tpu.vector_load_idx %arg15[%add3A_1469, %broadcast_in_dim3A_1479] : memref<3840x16xi32, #tpu.memory_space<vmem>>[vector<16xi32>, vector<16xi32>], vector<16xi32>,
      %jit3A_1481 = arith.constant 0 : i64
      %convert_element_type3A_1482 = arith.trunci %jit3A_1481 : i64 to i32
      %broadcast_in_dim3A_1483 = vector.broadcast %convert_element_type3A_1482 : i32 to vector<16xi32>
      %select_n3A_1484 = arith.select %gt3A_1463, %gather3A_1480, %broadcast_in_dim3A_1483 : vector<16xi1>, vector<16xi32>
      %xor3A_1485 = arith.xori %xor3A_1396, %select_n3A_1484 : vector<16xi32>
      %broadcast_in_dim3A_1486 = arith.constant 2 : i32
      %broadcast_in_dim3A_1487 = vector.broadcast %broadcast_in_dim3A_1486 : i32 to vector<16xi32>
      %gather3A_1488 = tpu.vector_load_idx %arg15[%add3A_1469, %broadcast_in_dim3A_1487] : memref<3840x16xi32, #tpu.memory_space<vmem>>[vector<16xi32>, vector<16xi32>], vector<16xi32>,
      %jit3A_1489 = arith.constant 0 : i64
      %convert_element_type3A_1490 = arith.trunci %jit3A_1489 : i64 to i32
      %broadcast_in_dim3A_1491 = vector.broadcast %convert_element_type3A_1490 : i32 to vector<16xi32>
      %select_n3A_1492 = arith.select %gt3A_1463, %gather3A_1488, %broadcast_in_dim3A_1491 : vector<16xi1>, vector<16xi32>
      %xor3A_1493 = arith.xori %xor3A_1404, %select_n3A_1492 : vector<16xi32>
      %broadcast_in_dim3A_1494 = arith.constant 3 : i32
      %broadcast_in_dim3A_1495 = vector.broadcast %broadcast_in_dim3A_1494 : i32 to vector<16xi32>
      %gather3A_1496 = tpu.vector_load_idx %arg15[%add3A_1469, %broadcast_in_dim3A_1495] : memref<3840x16xi32, #tpu.memory_space<vmem>>[vector<16xi32>, vector<16xi32>], vector<16xi32>,
      %jit3A_1497 = arith.constant 0 : i64
      %convert_element_type3A_1498 = arith.trunci %jit3A_1497 : i64 to i32
      %broadcast_in_dim3A_1499 = vector.broadcast %convert_element_type3A_1498 : i32 to vector<16xi32>
      %select_n3A_1500 = arith.select %gt3A_1463, %gather3A_1496, %broadcast_in_dim3A_1499 : vector<16xi1>, vector<16xi32>
      %xor3A_1501 = arith.xori %xor3A_1412, %select_n3A_1500 : vector<16xi32>
      %broadcast_in_dim3A_1502 = arith.constant 4 : i32
      %broadcast_in_dim3A_1503 = vector.broadcast %broadcast_in_dim3A_1502 : i32 to vector<16xi32>
      %gather3A_1504 = tpu.vector_load_idx %arg15[%add3A_1469, %broadcast_in_dim3A_1503] : memref<3840x16xi32, #tpu.memory_space<vmem>>[vector<16xi32>, vector<16xi32>], vector<16xi32>,
      %jit3A_1505 = arith.constant 0 : i64
      %convert_element_type3A_1506 = arith.trunci %jit3A_1505 : i64 to i32
      %broadcast_in_dim3A_1507 = vector.broadcast %convert_element_type3A_1506 : i32 to vector<16xi32>
      %select_n3A_1508 = arith.select %gt3A_1463, %gather3A_1504, %broadcast_in_dim3A_1507 : vector<16xi1>, vector<16xi32>
      %xor3A_1509 = arith.xori %xor3A_1420, %select_n3A_1508 : vector<16xi32>
      %broadcast_in_dim3A_1510 = arith.constant 5 : i32
      %broadcast_in_dim3A_1511 = vector.broadcast %broadcast_in_dim3A_1510 : i32 to vector<16xi32>
      %gather3A_1512 = tpu.vector_load_idx %arg15[%add3A_1469, %broadcast_in_dim3A_1511] : memref<3840x16xi32, #tpu.memory_space<vmem>>[vector<16xi32>, vector<16xi32>], vector<16xi32>,
      %jit3A_1513 = arith.constant 0 : i64
      %convert_element_type3A_1514 = arith.trunci %jit3A_1513 : i64 to i32
      %broadcast_in_dim3A_1515 = vector.broadcast %convert_element_type3A_1514 : i32 to vector<16xi32>
      %select_n3A_1516 = arith.select %gt3A_1463, %gather3A_1512, %broadcast_in_dim3A_1515 : vector<16xi1>, vector<16xi32>
      %xor3A_1517 = arith.xori %xor3A_1428, %select_n3A_1516 : vector<16xi32>
      %broadcast_in_dim3A_1518 = arith.constant 6 : i32
      %broadcast_in_dim3A_1519 = vector.broadcast %broadcast_in_dim3A_1518 : i32 to vector<16xi32>
      %gather3A_1520 = tpu.vector_load_idx %arg15[%add3A_1469, %broadcast_in_dim3A_1519] : memref<3840x16xi32, #tpu.memory_space<vmem>>[vector<16xi32>, vector<16xi32>], vector<16xi32>,
      %jit3A_1521 = arith.constant 0 : i64
      %convert_element_type3A_1522 = arith.trunci %jit3A_1521 : i64 to i32
      %broadcast_in_dim3A_1523 = vector.broadcast %convert_element_type3A_1522 : i32 to vector<16xi32>
      %select_n3A_1524 = arith.select %gt3A_1463, %gather3A_1520, %broadcast_in_dim3A_1523 : vector<16xi1>, vector<16xi32>
      %xor3A_1525 = arith.xori %xor3A_1436, %select_n3A_1524 : vector<16xi32>
      %broadcast_in_dim3A_1526 = arith.constant 7 : i32
      %broadcast_in_dim3A_1527 = vector.broadcast %broadcast_in_dim3A_1526 : i32 to vector<16xi32>
      %gather3A_1528 = tpu.vector_load_idx %arg15[%add3A_1469, %broadcast_in_dim3A_1527] : memref<3840x16xi32, #tpu.memory_space<vmem>>[vector<16xi32>, vector<16xi32>], vector<16xi32>,
      %jit3A_1529 = arith.constant 0 : i64
      %convert_element_type3A_1530 = arith.trunci %jit3A_1529 : i64 to i32
      %broadcast_in_dim3A_1531 = vector.broadcast %convert_element_type3A_1530 : i32 to vector<16xi32>
      %select_n3A_1532 = arith.select %gt3A_1463, %gather3A_1528, %broadcast_in_dim3A_1531 : vector<16xi1>, vector<16xi32>
      %xor3A_1533 = arith.xori %xor3A_1444, %select_n3A_1532 : vector<16xi32>
      %broadcast_in_dim3A_1534 = arith.constant 8 : i32
      %broadcast_in_dim3A_1535 = vector.broadcast %broadcast_in_dim3A_1534 : i32 to vector<16xi32>
      %gather3A_1536 = tpu.vector_load_idx %arg15[%add3A_1469, %broadcast_in_dim3A_1535] : memref<3840x16xi32, #tpu.memory_space<vmem>>[vector<16xi32>, vector<16xi32>], vector<16xi32>,
      %jit3A_1537 = arith.constant 0 : i64
      %convert_element_type3A_1538 = arith.trunci %jit3A_1537 : i64 to i32
      %broadcast_in_dim3A_1539 = vector.broadcast %convert_element_type3A_1538 : i32 to vector<16xi32>
      %select_n3A_1540 = arith.select %gt3A_1463, %gather3A_1536, %broadcast_in_dim3A_1539 : vector<16xi1>, vector<16xi32>
      %xor3A_1541 = arith.xori %xor3A_1452, %select_n3A_1540 : vector<16xi32>
      %broadcast_in_dim3A_1542 = arith.constant 9 : i32
      %broadcast_in_dim3A_1543 = vector.broadcast %broadcast_in_dim3A_1542 : i32 to vector<16xi32>
      %gather3A_1544 = tpu.vector_load_idx %arg15[%add3A_1469, %broadcast_in_dim3A_1543] : memref<3840x16xi32, #tpu.memory_space<vmem>>[vector<16xi32>, vector<16xi32>], vector<16xi32>,
      %jit3A_1545 = arith.constant 0 : i64
      %convert_element_type3A_1546 = arith.trunci %jit3A_1545 : i64 to i32
      %broadcast_in_dim3A_1547 = vector.broadcast %convert_element_type3A_1546 : i32 to vector<16xi32>
      %select_n3A_1548 = arith.select %gt3A_1463, %gather3A_1544, %broadcast_in_dim3A_1547 : vector<16xi1>, vector<16xi32>
      %xor3A_1549 = arith.xori %xor3A_1460, %select_n3A_1548 : vector<16xi32>
      %gt3A_1550 = arith.constant 10 : i32
      %gt3A_1551 = vector.broadcast %gt3A_1550 : i32 to vector<16xi32>
      %gt3A_1552 = arith.cmpi sgt, %get3A_646, %gt3A_1551 : vector<16xi32>
      %mul3A_1553 = arith.constant 240 : i32
      %mul3A_1554 = arith.muli %mul3A_1553, %while3A_643 : i32
      %add3A_1555 = arith.constant 160 : i32
      %add3A_1556 = arith.addi %mul3A_1554, %add3A_1555 : i32
      %add3A_1557 = vector.broadcast %add3A_1556 : i32 to vector<16xi32>
      %add3A_1558 = arith.addi %iota3A, %add3A_1557 : vector<16xi32>
      %broadcast_in_dim3A_1559 = arith.constant 0 : i32
      %broadcast_in_dim3A_1560 = vector.broadcast %broadcast_in_dim3A_1559 : i32 to vector<16xi32>
      %gather3A_1561 = tpu.vector_load_idx %arg15[%add3A_1558, %broadcast_in_dim3A_1560] : memref<3840x16xi32, #tpu.memory_space<vmem>>[vector<16xi32>, vector<16xi32>], vector<16xi32>,
      %jit3A_1562 = arith.constant 0 : i64
      %convert_element_type3A_1563 = arith.trunci %jit3A_1562 : i64 to i32
      %broadcast_in_dim3A_1564 = vector.broadcast %convert_element_type3A_1563 : i32 to vector<16xi32>
      %select_n3A_1565 = arith.select %gt3A_1552, %gather3A_1561, %broadcast_in_dim3A_1564 : vector<16xi1>, vector<16xi32>
      %xor3A_1566 = arith.xori %xor3A_1477, %select_n3A_1565 : vector<16xi32>
      %broadcast_in_dim3A_1567 = arith.constant 1 : i32
      %broadcast_in_dim3A_1568 = vector.broadcast %broadcast_in_dim3A_1567 : i32 to vector<16xi32>
      %gather3A_1569 = tpu.vector_load_idx %arg15[%add3A_1558, %broadcast_in_dim3A_1568] : memref<3840x16xi32, #tpu.memory_space<vmem>>[vector<16xi32>, vector<16xi32>], vector<16xi32>,
      %jit3A_1570 = arith.constant 0 : i64
      %convert_element_type3A_1571 = arith.trunci %jit3A_1570 : i64 to i32
      %broadcast_in_dim3A_1572 = vector.broadcast %convert_element_type3A_1571 : i32 to vector<16xi32>
      %select_n3A_1573 = arith.select %gt3A_1552, %gather3A_1569, %broadcast_in_dim3A_1572 : vector<16xi1>, vector<16xi32>
      %xor3A_1574 = arith.xori %xor3A_1485, %select_n3A_1573 : vector<16xi32>
      %broadcast_in_dim3A_1575 = arith.constant 2 : i32
      %broadcast_in_dim3A_1576 = vector.broadcast %broadcast_in_dim3A_1575 : i32 to vector<16xi32>
      %gather3A_1577 = tpu.vector_load_idx %arg15[%add3A_1558, %broadcast_in_dim3A_1576] : memref<3840x16xi32, #tpu.memory_space<vmem>>[vector<16xi32>, vector<16xi32>], vector<16xi32>,
      %jit3A_1578 = arith.constant 0 : i64
      %convert_element_type3A_1579 = arith.trunci %jit3A_1578 : i64 to i32
      %broadcast_in_dim3A_1580 = vector.broadcast %convert_element_type3A_1579 : i32 to vector<16xi32>
      %select_n3A_1581 = arith.select %gt3A_1552, %gather3A_1577, %broadcast_in_dim3A_1580 : vector<16xi1>, vector<16xi32>
      %xor3A_1582 = arith.xori %xor3A_1493, %select_n3A_1581 : vector<16xi32>
      %broadcast_in_dim3A_1583 = arith.constant 3 : i32
      %broadcast_in_dim3A_1584 = vector.broadcast %broadcast_in_dim3A_1583 : i32 to vector<16xi32>
      %gather3A_1585 = tpu.vector_load_idx %arg15[%add3A_1558, %broadcast_in_dim3A_1584] : memref<3840x16xi32, #tpu.memory_space<vmem>>[vector<16xi32>, vector<16xi32>], vector<16xi32>,
      %jit3A_1586 = arith.constant 0 : i64
      %convert_element_type3A_1587 = arith.trunci %jit3A_1586 : i64 to i32
      %broadcast_in_dim3A_1588 = vector.broadcast %convert_element_type3A_1587 : i32 to vector<16xi32>
      %select_n3A_1589 = arith.select %gt3A_1552, %gather3A_1585, %broadcast_in_dim3A_1588 : vector<16xi1>, vector<16xi32>
      %xor3A_1590 = arith.xori %xor3A_1501, %select_n3A_1589 : vector<16xi32>
      %broadcast_in_dim3A_1591 = arith.constant 4 : i32
      %broadcast_in_dim3A_1592 = vector.broadcast %broadcast_in_dim3A_1591 : i32 to vector<16xi32>
      %gather3A_1593 = tpu.vector_load_idx %arg15[%add3A_1558, %broadcast_in_dim3A_1592] : memref<3840x16xi32, #tpu.memory_space<vmem>>[vector<16xi32>, vector<16xi32>], vector<16xi32>,
      %jit3A_1594 = arith.constant 0 : i64
      %convert_element_type3A_1595 = arith.trunci %jit3A_1594 : i64 to i32
      %broadcast_in_dim3A_1596 = vector.broadcast %convert_element_type3A_1595 : i32 to vector<16xi32>
      %select_n3A_1597 = arith.select %gt3A_1552, %gather3A_1593, %broadcast_in_dim3A_1596 : vector<16xi1>, vector<16xi32>
      %xor3A_1598 = arith.xori %xor3A_1509, %select_n3A_1597 : vector<16xi32>
      %broadcast_in_dim3A_1599 = arith.constant 5 : i32
      %broadcast_in_dim3A_1600 = vector.broadcast %broadcast_in_dim3A_1599 : i32 to vector<16xi32>
      %gather3A_1601 = tpu.vector_load_idx %arg15[%add3A_1558, %broadcast_in_dim3A_1600] : memref<3840x16xi32, #tpu.memory_space<vmem>>[vector<16xi32>, vector<16xi32>], vector<16xi32>,
      %jit3A_1602 = arith.constant 0 : i64
      %convert_element_type3A_1603 = arith.trunci %jit3A_1602 : i64 to i32
      %broadcast_in_dim3A_1604 = vector.broadcast %convert_element_type3A_1603 : i32 to vector<16xi32>
      %select_n3A_1605 = arith.select %gt3A_1552, %gather3A_1601, %broadcast_in_dim3A_1604 : vector<16xi1>, vector<16xi32>
      %xor3A_1606 = arith.xori %xor3A_1517, %select_n3A_1605 : vector<16xi32>
      %broadcast_in_dim3A_1607 = arith.constant 6 : i32
      %broadcast_in_dim3A_1608 = vector.broadcast %broadcast_in_dim3A_1607 : i32 to vector<16xi32>
      %gather3A_1609 = tpu.vector_load_idx %arg15[%add3A_1558, %broadcast_in_dim3A_1608] : memref<3840x16xi32, #tpu.memory_space<vmem>>[vector<16xi32>, vector<16xi32>], vector<16xi32>,
      %jit3A_1610 = arith.constant 0 : i64
      %convert_element_type3A_1611 = arith.trunci %jit3A_1610 : i64 to i32
      %broadcast_in_dim3A_1612 = vector.broadcast %convert_element_type3A_1611 : i32 to vector<16xi32>
      %select_n3A_1613 = arith.select %gt3A_1552, %gather3A_1609, %broadcast_in_dim3A_1612 : vector<16xi1>, vector<16xi32>
      %xor3A_1614 = arith.xori %xor3A_1525, %select_n3A_1613 : vector<16xi32>
      %broadcast_in_dim3A_1615 = arith.constant 7 : i32
      %broadcast_in_dim3A_1616 = vector.broadcast %broadcast_in_dim3A_1615 : i32 to vector<16xi32>
      %gather3A_1617 = tpu.vector_load_idx %arg15[%add3A_1558, %broadcast_in_dim3A_1616] : memref<3840x16xi32, #tpu.memory_space<vmem>>[vector<16xi32>, vector<16xi32>], vector<16xi32>,
      %jit3A_1618 = arith.constant 0 : i64
      %convert_element_type3A_1619 = arith.trunci %jit3A_1618 : i64 to i32
      %broadcast_in_dim3A_1620 = vector.broadcast %convert_element_type3A_1619 : i32 to vector<16xi32>
      %select_n3A_1621 = arith.select %gt3A_1552, %gather3A_1617, %broadcast_in_dim3A_1620 : vector<16xi1>, vector<16xi32>
      %xor3A_1622 = arith.xori %xor3A_1533, %select_n3A_1621 : vector<16xi32>
      %broadcast_in_dim3A_1623 = arith.constant 8 : i32
      %broadcast_in_dim3A_1624 = vector.broadcast %broadcast_in_dim3A_1623 : i32 to vector<16xi32>
      %gather3A_1625 = tpu.vector_load_idx %arg15[%add3A_1558, %broadcast_in_dim3A_1624] : memref<3840x16xi32, #tpu.memory_space<vmem>>[vector<16xi32>, vector<16xi32>], vector<16xi32>,
      %jit3A_1626 = arith.constant 0 : i64
      %convert_element_type3A_1627 = arith.trunci %jit3A_1626 : i64 to i32
      %broadcast_in_dim3A_1628 = vector.broadcast %convert_element_type3A_1627 : i32 to vector<16xi32>
      %select_n3A_1629 = arith.select %gt3A_1552, %gather3A_1625, %broadcast_in_dim3A_1628 : vector<16xi1>, vector<16xi32>
      %xor3A_1630 = arith.xori %xor3A_1541, %select_n3A_1629 : vector<16xi32>
      %broadcast_in_dim3A_1631 = arith.constant 9 : i32
      %broadcast_in_dim3A_1632 = vector.broadcast %broadcast_in_dim3A_1631 : i32 to vector<16xi32>
      %gather3A_1633 = tpu.vector_load_idx %arg15[%add3A_1558, %broadcast_in_dim3A_1632] : memref<3840x16xi32, #tpu.memory_space<vmem>>[vector<16xi32>, vector<16xi32>], vector<16xi32>,
      %jit3A_1634 = arith.constant 0 : i64
      %convert_element_type3A_1635 = arith.trunci %jit3A_1634 : i64 to i32
      %broadcast_in_dim3A_1636 = vector.broadcast %convert_element_type3A_1635 : i32 to vector<16xi32>
      %select_n3A_1637 = arith.select %gt3A_1552, %gather3A_1633, %broadcast_in_dim3A_1636 : vector<16xi1>, vector<16xi32>
      %xor3A_1638 = arith.xori %xor3A_1549, %select_n3A_1637 : vector<16xi32>
      %gt3A_1639 = arith.constant 11 : i32
      %gt3A_1640 = vector.broadcast %gt3A_1639 : i32 to vector<16xi32>
      %gt3A_1641 = arith.cmpi sgt, %get3A_646, %gt3A_1640 : vector<16xi32>
      %mul3A_1642 = arith.constant 240 : i32
      %mul3A_1643 = arith.muli %mul3A_1642, %while3A_643 : i32
      %add3A_1644 = arith.constant 176 : i32
      %add3A_1645 = arith.addi %mul3A_1643, %add3A_1644 : i32
      %add3A_1646 = vector.broadcast %add3A_1645 : i32 to vector<16xi32>
      %add3A_1647 = arith.addi %iota3A, %add3A_1646 : vector<16xi32>
      %broadcast_in_dim3A_1648 = arith.constant 0 : i32
      %broadcast_in_dim3A_1649 = vector.broadcast %broadcast_in_dim3A_1648 : i32 to vector<16xi32>
      %gather3A_1650 = tpu.vector_load_idx %arg15[%add3A_1647, %broadcast_in_dim3A_1649] : memref<3840x16xi32, #tpu.memory_space<vmem>>[vector<16xi32>, vector<16xi32>], vector<16xi32>,
      %jit3A_1651 = arith.constant 0 : i64
      %convert_element_type3A_1652 = arith.trunci %jit3A_1651 : i64 to i32
      %broadcast_in_dim3A_1653 = vector.broadcast %convert_element_type3A_1652 : i32 to vector<16xi32>
      %select_n3A_1654 = arith.select %gt3A_1641, %gather3A_1650, %broadcast_in_dim3A_1653 : vector<16xi1>, vector<16xi32>
      %xor3A_1655 = arith.xori %xor3A_1566, %select_n3A_1654 : vector<16xi32>
      %broadcast_in_dim3A_1656 = arith.constant 1 : i32
      %broadcast_in_dim3A_1657 = vector.broadcast %broadcast_in_dim3A_1656 : i32 to vector<16xi32>
      %gather3A_1658 = tpu.vector_load_idx %arg15[%add3A_1647, %broadcast_in_dim3A_1657] : memref<3840x16xi32, #tpu.memory_space<vmem>>[vector<16xi32>, vector<16xi32>], vector<16xi32>,
      %jit3A_1659 = arith.constant 0 : i64
      %convert_element_type3A_1660 = arith.trunci %jit3A_1659 : i64 to i32
      %broadcast_in_dim3A_1661 = vector.broadcast %convert_element_type3A_1660 : i32 to vector<16xi32>
      %select_n3A_1662 = arith.select %gt3A_1641, %gather3A_1658, %broadcast_in_dim3A_1661 : vector<16xi1>, vector<16xi32>
      %xor3A_1663 = arith.xori %xor3A_1574, %select_n3A_1662 : vector<16xi32>
      %broadcast_in_dim3A_1664 = arith.constant 2 : i32
      %broadcast_in_dim3A_1665 = vector.broadcast %broadcast_in_dim3A_1664 : i32 to vector<16xi32>
      %gather3A_1666 = tpu.vector_load_idx %arg15[%add3A_1647, %broadcast_in_dim3A_1665] : memref<3840x16xi32, #tpu.memory_space<vmem>>[vector<16xi32>, vector<16xi32>], vector<16xi32>,
      %jit3A_1667 = arith.constant 0 : i64
      %convert_element_type3A_1668 = arith.trunci %jit3A_1667 : i64 to i32
      %broadcast_in_dim3A_1669 = vector.broadcast %convert_element_type3A_1668 : i32 to vector<16xi32>
      %select_n3A_1670 = arith.select %gt3A_1641, %gather3A_1666, %broadcast_in_dim3A_1669 : vector<16xi1>, vector<16xi32>
      %xor3A_1671 = arith.xori %xor3A_1582, %select_n3A_1670 : vector<16xi32>
      %broadcast_in_dim3A_1672 = arith.constant 3 : i32
      %broadcast_in_dim3A_1673 = vector.broadcast %broadcast_in_dim3A_1672 : i32 to vector<16xi32>
      %gather3A_1674 = tpu.vector_load_idx %arg15[%add3A_1647, %broadcast_in_dim3A_1673] : memref<3840x16xi32, #tpu.memory_space<vmem>>[vector<16xi32>, vector<16xi32>], vector<16xi32>,
      %jit3A_1675 = arith.constant 0 : i64
      %convert_element_type3A_1676 = arith.trunci %jit3A_1675 : i64 to i32
      %broadcast_in_dim3A_1677 = vector.broadcast %convert_element_type3A_1676 : i32 to vector<16xi32>
      %select_n3A_1678 = arith.select %gt3A_1641, %gather3A_1674, %broadcast_in_dim3A_1677 : vector<16xi1>, vector<16xi32>
      %xor3A_1679 = arith.xori %xor3A_1590, %select_n3A_1678 : vector<16xi32>
      %broadcast_in_dim3A_1680 = arith.constant 4 : i32
      %broadcast_in_dim3A_1681 = vector.broadcast %broadcast_in_dim3A_1680 : i32 to vector<16xi32>
      %gather3A_1682 = tpu.vector_load_idx %arg15[%add3A_1647, %broadcast_in_dim3A_1681] : memref<3840x16xi32, #tpu.memory_space<vmem>>[vector<16xi32>, vector<16xi32>], vector<16xi32>,
      %jit3A_1683 = arith.constant 0 : i64
      %convert_element_type3A_1684 = arith.trunci %jit3A_1683 : i64 to i32
      %broadcast_in_dim3A_1685 = vector.broadcast %convert_element_type3A_1684 : i32 to vector<16xi32>
      %select_n3A_1686 = arith.select %gt3A_1641, %gather3A_1682, %broadcast_in_dim3A_1685 : vector<16xi1>, vector<16xi32>
      %xor3A_1687 = arith.xori %xor3A_1598, %select_n3A_1686 : vector<16xi32>
      %broadcast_in_dim3A_1688 = arith.constant 5 : i32
      %broadcast_in_dim3A_1689 = vector.broadcast %broadcast_in_dim3A_1688 : i32 to vector<16xi32>
      %gather3A_1690 = tpu.vector_load_idx %arg15[%add3A_1647, %broadcast_in_dim3A_1689] : memref<3840x16xi32, #tpu.memory_space<vmem>>[vector<16xi32>, vector<16xi32>], vector<16xi32>,
      %jit3A_1691 = arith.constant 0 : i64
      %convert_element_type3A_1692 = arith.trunci %jit3A_1691 : i64 to i32
      %broadcast_in_dim3A_1693 = vector.broadcast %convert_element_type3A_1692 : i32 to vector<16xi32>
      %select_n3A_1694 = arith.select %gt3A_1641, %gather3A_1690, %broadcast_in_dim3A_1693 : vector<16xi1>, vector<16xi32>
      %xor3A_1695 = arith.xori %xor3A_1606, %select_n3A_1694 : vector<16xi32>
      %broadcast_in_dim3A_1696 = arith.constant 6 : i32
      %broadcast_in_dim3A_1697 = vector.broadcast %broadcast_in_dim3A_1696 : i32 to vector<16xi32>
      %gather3A_1698 = tpu.vector_load_idx %arg15[%add3A_1647, %broadcast_in_dim3A_1697] : memref<3840x16xi32, #tpu.memory_space<vmem>>[vector<16xi32>, vector<16xi32>], vector<16xi32>,
      %jit3A_1699 = arith.constant 0 : i64
      %convert_element_type3A_1700 = arith.trunci %jit3A_1699 : i64 to i32
      %broadcast_in_dim3A_1701 = vector.broadcast %convert_element_type3A_1700 : i32 to vector<16xi32>
      %select_n3A_1702 = arith.select %gt3A_1641, %gather3A_1698, %broadcast_in_dim3A_1701 : vector<16xi1>, vector<16xi32>
      %xor3A_1703 = arith.xori %xor3A_1614, %select_n3A_1702 : vector<16xi32>
      %broadcast_in_dim3A_1704 = arith.constant 7 : i32
      %broadcast_in_dim3A_1705 = vector.broadcast %broadcast_in_dim3A_1704 : i32 to vector<16xi32>
      %gather3A_1706 = tpu.vector_load_idx %arg15[%add3A_1647, %broadcast_in_dim3A_1705] : memref<3840x16xi32, #tpu.memory_space<vmem>>[vector<16xi32>, vector<16xi32>], vector<16xi32>,
      %jit3A_1707 = arith.constant 0 : i64
      %convert_element_type3A_1708 = arith.trunci %jit3A_1707 : i64 to i32
      %broadcast_in_dim3A_1709 = vector.broadcast %convert_element_type3A_1708 : i32 to vector<16xi32>
      %select_n3A_1710 = arith.select %gt3A_1641, %gather3A_1706, %broadcast_in_dim3A_1709 : vector<16xi1>, vector<16xi32>
      %xor3A_1711 = arith.xori %xor3A_1622, %select_n3A_1710 : vector<16xi32>
      %broadcast_in_dim3A_1712 = arith.constant 8 : i32
      %broadcast_in_dim3A_1713 = vector.broadcast %broadcast_in_dim3A_1712 : i32 to vector<16xi32>
      %gather3A_1714 = tpu.vector_load_idx %arg15[%add3A_1647, %broadcast_in_dim3A_1713] : memref<3840x16xi32, #tpu.memory_space<vmem>>[vector<16xi32>, vector<16xi32>], vector<16xi32>,
      %jit3A_1715 = arith.constant 0 : i64
      %convert_element_type3A_1716 = arith.trunci %jit3A_1715 : i64 to i32
      %broadcast_in_dim3A_1717 = vector.broadcast %convert_element_type3A_1716 : i32 to vector<16xi32>
      %select_n3A_1718 = arith.select %gt3A_1641, %gather3A_1714, %broadcast_in_dim3A_1717 : vector<16xi1>, vector<16xi32>
      %xor3A_1719 = arith.xori %xor3A_1630, %select_n3A_1718 : vector<16xi32>
      %broadcast_in_dim3A_1720 = arith.constant 9 : i32
      %broadcast_in_dim3A_1721 = vector.broadcast %broadcast_in_dim3A_1720 : i32 to vector<16xi32>
      %gather3A_1722 = tpu.vector_load_idx %arg15[%add3A_1647, %broadcast_in_dim3A_1721] : memref<3840x16xi32, #tpu.memory_space<vmem>>[vector<16xi32>, vector<16xi32>], vector<16xi32>,
      %jit3A_1723 = arith.constant 0 : i64
      %convert_element_type3A_1724 = arith.trunci %jit3A_1723 : i64 to i32
      %broadcast_in_dim3A_1725 = vector.broadcast %convert_element_type3A_1724 : i32 to vector<16xi32>
      %select_n3A_1726 = arith.select %gt3A_1641, %gather3A_1722, %broadcast_in_dim3A_1725 : vector<16xi1>, vector<16xi32>
      %xor3A_1727 = arith.xori %xor3A_1638, %select_n3A_1726 : vector<16xi32>
      %gt3A_1728 = arith.constant 12 : i32
      %gt3A_1729 = vector.broadcast %gt3A_1728 : i32 to vector<16xi32>
      %gt3A_1730 = arith.cmpi sgt, %get3A_646, %gt3A_1729 : vector<16xi32>
      %mul3A_1731 = arith.constant 240 : i32
      %mul3A_1732 = arith.muli %mul3A_1731, %while3A_643 : i32
      %add3A_1733 = arith.constant 192 : i32
      %add3A_1734 = arith.addi %mul3A_1732, %add3A_1733 : i32
      %add3A_1735 = vector.broadcast %add3A_1734 : i32 to vector<16xi32>
      %add3A_1736 = arith.addi %iota3A, %add3A_1735 : vector<16xi32>
      %broadcast_in_dim3A_1737 = arith.constant 0 : i32
      %broadcast_in_dim3A_1738 = vector.broadcast %broadcast_in_dim3A_1737 : i32 to vector<16xi32>
      %gather3A_1739 = tpu.vector_load_idx %arg15[%add3A_1736, %broadcast_in_dim3A_1738] : memref<3840x16xi32, #tpu.memory_space<vmem>>[vector<16xi32>, vector<16xi32>], vector<16xi32>,
      %jit3A_1740 = arith.constant 0 : i64
      %convert_element_type3A_1741 = arith.trunci %jit3A_1740 : i64 to i32
      %broadcast_in_dim3A_1742 = vector.broadcast %convert_element_type3A_1741 : i32 to vector<16xi32>
      %select_n3A_1743 = arith.select %gt3A_1730, %gather3A_1739, %broadcast_in_dim3A_1742 : vector<16xi1>, vector<16xi32>
      %xor3A_1744 = arith.xori %xor3A_1655, %select_n3A_1743 : vector<16xi32>
      %broadcast_in_dim3A_1745 = arith.constant 1 : i32
      %broadcast_in_dim3A_1746 = vector.broadcast %broadcast_in_dim3A_1745 : i32 to vector<16xi32>
      %gather3A_1747 = tpu.vector_load_idx %arg15[%add3A_1736, %broadcast_in_dim3A_1746] : memref<3840x16xi32, #tpu.memory_space<vmem>>[vector<16xi32>, vector<16xi32>], vector<16xi32>,
      %jit3A_1748 = arith.constant 0 : i64
      %convert_element_type3A_1749 = arith.trunci %jit3A_1748 : i64 to i32
      %broadcast_in_dim3A_1750 = vector.broadcast %convert_element_type3A_1749 : i32 to vector<16xi32>
      %select_n3A_1751 = arith.select %gt3A_1730, %gather3A_1747, %broadcast_in_dim3A_1750 : vector<16xi1>, vector<16xi32>
      %xor3A_1752 = arith.xori %xor3A_1663, %select_n3A_1751 : vector<16xi32>
      %broadcast_in_dim3A_1753 = arith.constant 2 : i32
      %broadcast_in_dim3A_1754 = vector.broadcast %broadcast_in_dim3A_1753 : i32 to vector<16xi32>
      %gather3A_1755 = tpu.vector_load_idx %arg15[%add3A_1736, %broadcast_in_dim3A_1754] : memref<3840x16xi32, #tpu.memory_space<vmem>>[vector<16xi32>, vector<16xi32>], vector<16xi32>,
      %jit3A_1756 = arith.constant 0 : i64
      %convert_element_type3A_1757 = arith.trunci %jit3A_1756 : i64 to i32
      %broadcast_in_dim3A_1758 = vector.broadcast %convert_element_type3A_1757 : i32 to vector<16xi32>
      %select_n3A_1759 = arith.select %gt3A_1730, %gather3A_1755, %broadcast_in_dim3A_1758 : vector<16xi1>, vector<16xi32>
      %xor3A_1760 = arith.xori %xor3A_1671, %select_n3A_1759 : vector<16xi32>
      %broadcast_in_dim3A_1761 = arith.constant 3 : i32
      %broadcast_in_dim3A_1762 = vector.broadcast %broadcast_in_dim3A_1761 : i32 to vector<16xi32>
      %gather3A_1763 = tpu.vector_load_idx %arg15[%add3A_1736, %broadcast_in_dim3A_1762] : memref<3840x16xi32, #tpu.memory_space<vmem>>[vector<16xi32>, vector<16xi32>], vector<16xi32>,
      %jit3A_1764 = arith.constant 0 : i64
      %convert_element_type3A_1765 = arith.trunci %jit3A_1764 : i64 to i32
      %broadcast_in_dim3A_1766 = vector.broadcast %convert_element_type3A_1765 : i32 to vector<16xi32>
      %select_n3A_1767 = arith.select %gt3A_1730, %gather3A_1763, %broadcast_in_dim3A_1766 : vector<16xi1>, vector<16xi32>
      %xor3A_1768 = arith.xori %xor3A_1679, %select_n3A_1767 : vector<16xi32>
      %broadcast_in_dim3A_1769 = arith.constant 4 : i32
      %broadcast_in_dim3A_1770 = vector.broadcast %broadcast_in_dim3A_1769 : i32 to vector<16xi32>
      %gather3A_1771 = tpu.vector_load_idx %arg15[%add3A_1736, %broadcast_in_dim3A_1770] : memref<3840x16xi32, #tpu.memory_space<vmem>>[vector<16xi32>, vector<16xi32>], vector<16xi32>,
      %jit3A_1772 = arith.constant 0 : i64
      %convert_element_type3A_1773 = arith.trunci %jit3A_1772 : i64 to i32
      %broadcast_in_dim3A_1774 = vector.broadcast %convert_element_type3A_1773 : i32 to vector<16xi32>
      %select_n3A_1775 = arith.select %gt3A_1730, %gather3A_1771, %broadcast_in_dim3A_1774 : vector<16xi1>, vector<16xi32>
      %xor3A_1776 = arith.xori %xor3A_1687, %select_n3A_1775 : vector<16xi32>
      %broadcast_in_dim3A_1777 = arith.constant 5 : i32
      %broadcast_in_dim3A_1778 = vector.broadcast %broadcast_in_dim3A_1777 : i32 to vector<16xi32>
      %gather3A_1779 = tpu.vector_load_idx %arg15[%add3A_1736, %broadcast_in_dim3A_1778] : memref<3840x16xi32, #tpu.memory_space<vmem>>[vector<16xi32>, vector<16xi32>], vector<16xi32>,
      %jit3A_1780 = arith.constant 0 : i64
      %convert_element_type3A_1781 = arith.trunci %jit3A_1780 : i64 to i32
      %broadcast_in_dim3A_1782 = vector.broadcast %convert_element_type3A_1781 : i32 to vector<16xi32>
      %select_n3A_1783 = arith.select %gt3A_1730, %gather3A_1779, %broadcast_in_dim3A_1782 : vector<16xi1>, vector<16xi32>
      %xor3A_1784 = arith.xori %xor3A_1695, %select_n3A_1783 : vector<16xi32>
      %broadcast_in_dim3A_1785 = arith.constant 6 : i32
      %broadcast_in_dim3A_1786 = vector.broadcast %broadcast_in_dim3A_1785 : i32 to vector<16xi32>
      %gather3A_1787 = tpu.vector_load_idx %arg15[%add3A_1736, %broadcast_in_dim3A_1786] : memref<3840x16xi32, #tpu.memory_space<vmem>>[vector<16xi32>, vector<16xi32>], vector<16xi32>,
      %jit3A_1788 = arith.constant 0 : i64
      %convert_element_type3A_1789 = arith.trunci %jit3A_1788 : i64 to i32
      %broadcast_in_dim3A_1790 = vector.broadcast %convert_element_type3A_1789 : i32 to vector<16xi32>
      %select_n3A_1791 = arith.select %gt3A_1730, %gather3A_1787, %broadcast_in_dim3A_1790 : vector<16xi1>, vector<16xi32>
      %xor3A_1792 = arith.xori %xor3A_1703, %select_n3A_1791 : vector<16xi32>
      %broadcast_in_dim3A_1793 = arith.constant 7 : i32
      %broadcast_in_dim3A_1794 = vector.broadcast %broadcast_in_dim3A_1793 : i32 to vector<16xi32>
      %gather3A_1795 = tpu.vector_load_idx %arg15[%add3A_1736, %broadcast_in_dim3A_1794] : memref<3840x16xi32, #tpu.memory_space<vmem>>[vector<16xi32>, vector<16xi32>], vector<16xi32>,
      %jit3A_1796 = arith.constant 0 : i64
      %convert_element_type3A_1797 = arith.trunci %jit3A_1796 : i64 to i32
      %broadcast_in_dim3A_1798 = vector.broadcast %convert_element_type3A_1797 : i32 to vector<16xi32>
      %select_n3A_1799 = arith.select %gt3A_1730, %gather3A_1795, %broadcast_in_dim3A_1798 : vector<16xi1>, vector<16xi32>
      %xor3A_1800 = arith.xori %xor3A_1711, %select_n3A_1799 : vector<16xi32>
      %broadcast_in_dim3A_1801 = arith.constant 8 : i32
      %broadcast_in_dim3A_1802 = vector.broadcast %broadcast_in_dim3A_1801 : i32 to vector<16xi32>
      %gather3A_1803 = tpu.vector_load_idx %arg15[%add3A_1736, %broadcast_in_dim3A_1802] : memref<3840x16xi32, #tpu.memory_space<vmem>>[vector<16xi32>, vector<16xi32>], vector<16xi32>,
      %jit3A_1804 = arith.constant 0 : i64
      %convert_element_type3A_1805 = arith.trunci %jit3A_1804 : i64 to i32
      %broadcast_in_dim3A_1806 = vector.broadcast %convert_element_type3A_1805 : i32 to vector<16xi32>
      %select_n3A_1807 = arith.select %gt3A_1730, %gather3A_1803, %broadcast_in_dim3A_1806 : vector<16xi1>, vector<16xi32>
      %xor3A_1808 = arith.xori %xor3A_1719, %select_n3A_1807 : vector<16xi32>
      %broadcast_in_dim3A_1809 = arith.constant 9 : i32
      %broadcast_in_dim3A_1810 = vector.broadcast %broadcast_in_dim3A_1809 : i32 to vector<16xi32>
      %gather3A_1811 = tpu.vector_load_idx %arg15[%add3A_1736, %broadcast_in_dim3A_1810] : memref<3840x16xi32, #tpu.memory_space<vmem>>[vector<16xi32>, vector<16xi32>], vector<16xi32>,
      %jit3A_1812 = arith.constant 0 : i64
      %convert_element_type3A_1813 = arith.trunci %jit3A_1812 : i64 to i32
      %broadcast_in_dim3A_1814 = vector.broadcast %convert_element_type3A_1813 : i32 to vector<16xi32>
      %select_n3A_1815 = arith.select %gt3A_1730, %gather3A_1811, %broadcast_in_dim3A_1814 : vector<16xi1>, vector<16xi32>
      %xor3A_1816 = arith.xori %xor3A_1727, %select_n3A_1815 : vector<16xi32>
      %gt3A_1817 = arith.constant 13 : i32
      %gt3A_1818 = vector.broadcast %gt3A_1817 : i32 to vector<16xi32>
      %gt3A_1819 = arith.cmpi sgt, %get3A_646, %gt3A_1818 : vector<16xi32>
      %mul3A_1820 = arith.constant 240 : i32
      %mul3A_1821 = arith.muli %mul3A_1820, %while3A_643 : i32
      %add3A_1822 = arith.constant 208 : i32
      %add3A_1823 = arith.addi %mul3A_1821, %add3A_1822 : i32
      %add3A_1824 = vector.broadcast %add3A_1823 : i32 to vector<16xi32>
      %add3A_1825 = arith.addi %iota3A, %add3A_1824 : vector<16xi32>
      %broadcast_in_dim3A_1826 = arith.constant 0 : i32
      %broadcast_in_dim3A_1827 = vector.broadcast %broadcast_in_dim3A_1826 : i32 to vector<16xi32>
      %gather3A_1828 = tpu.vector_load_idx %arg15[%add3A_1825, %broadcast_in_dim3A_1827] : memref<3840x16xi32, #tpu.memory_space<vmem>>[vector<16xi32>, vector<16xi32>], vector<16xi32>,
      %jit3A_1829 = arith.constant 0 : i64
      %convert_element_type3A_1830 = arith.trunci %jit3A_1829 : i64 to i32
      %broadcast_in_dim3A_1831 = vector.broadcast %convert_element_type3A_1830 : i32 to vector<16xi32>
      %select_n3A_1832 = arith.select %gt3A_1819, %gather3A_1828, %broadcast_in_dim3A_1831 : vector<16xi1>, vector<16xi32>
      %xor3A_1833 = arith.xori %xor3A_1744, %select_n3A_1832 : vector<16xi32>
      %broadcast_in_dim3A_1834 = arith.constant 1 : i32
      %broadcast_in_dim3A_1835 = vector.broadcast %broadcast_in_dim3A_1834 : i32 to vector<16xi32>
      %gather3A_1836 = tpu.vector_load_idx %arg15[%add3A_1825, %broadcast_in_dim3A_1835] : memref<3840x16xi32, #tpu.memory_space<vmem>>[vector<16xi32>, vector<16xi32>], vector<16xi32>,
      %jit3A_1837 = arith.constant 0 : i64
      %convert_element_type3A_1838 = arith.trunci %jit3A_1837 : i64 to i32
      %broadcast_in_dim3A_1839 = vector.broadcast %convert_element_type3A_1838 : i32 to vector<16xi32>
      %select_n3A_1840 = arith.select %gt3A_1819, %gather3A_1836, %broadcast_in_dim3A_1839 : vector<16xi1>, vector<16xi32>
      %xor3A_1841 = arith.xori %xor3A_1752, %select_n3A_1840 : vector<16xi32>
      %broadcast_in_dim3A_1842 = arith.constant 2 : i32
      %broadcast_in_dim3A_1843 = vector.broadcast %broadcast_in_dim3A_1842 : i32 to vector<16xi32>
      %gather3A_1844 = tpu.vector_load_idx %arg15[%add3A_1825, %broadcast_in_dim3A_1843] : memref<3840x16xi32, #tpu.memory_space<vmem>>[vector<16xi32>, vector<16xi32>], vector<16xi32>,
      %jit3A_1845 = arith.constant 0 : i64
      %convert_element_type3A_1846 = arith.trunci %jit3A_1845 : i64 to i32
      %broadcast_in_dim3A_1847 = vector.broadcast %convert_element_type3A_1846 : i32 to vector<16xi32>
      %select_n3A_1848 = arith.select %gt3A_1819, %gather3A_1844, %broadcast_in_dim3A_1847 : vector<16xi1>, vector<16xi32>
      %xor3A_1849 = arith.xori %xor3A_1760, %select_n3A_1848 : vector<16xi32>
      %broadcast_in_dim3A_1850 = arith.constant 3 : i32
      %broadcast_in_dim3A_1851 = vector.broadcast %broadcast_in_dim3A_1850 : i32 to vector<16xi32>
      %gather3A_1852 = tpu.vector_load_idx %arg15[%add3A_1825, %broadcast_in_dim3A_1851] : memref<3840x16xi32, #tpu.memory_space<vmem>>[vector<16xi32>, vector<16xi32>], vector<16xi32>,
      %jit3A_1853 = arith.constant 0 : i64
      %convert_element_type3A_1854 = arith.trunci %jit3A_1853 : i64 to i32
      %broadcast_in_dim3A_1855 = vector.broadcast %convert_element_type3A_1854 : i32 to vector<16xi32>
      %select_n3A_1856 = arith.select %gt3A_1819, %gather3A_1852, %broadcast_in_dim3A_1855 : vector<16xi1>, vector<16xi32>
      %xor3A_1857 = arith.xori %xor3A_1768, %select_n3A_1856 : vector<16xi32>
      %broadcast_in_dim3A_1858 = arith.constant 4 : i32
      %broadcast_in_dim3A_1859 = vector.broadcast %broadcast_in_dim3A_1858 : i32 to vector<16xi32>
      %gather3A_1860 = tpu.vector_load_idx %arg15[%add3A_1825, %broadcast_in_dim3A_1859] : memref<3840x16xi32, #tpu.memory_space<vmem>>[vector<16xi32>, vector<16xi32>], vector<16xi32>,
      %jit3A_1861 = arith.constant 0 : i64
      %convert_element_type3A_1862 = arith.trunci %jit3A_1861 : i64 to i32
      %broadcast_in_dim3A_1863 = vector.broadcast %convert_element_type3A_1862 : i32 to vector<16xi32>
      %select_n3A_1864 = arith.select %gt3A_1819, %gather3A_1860, %broadcast_in_dim3A_1863 : vector<16xi1>, vector<16xi32>
      %xor3A_1865 = arith.xori %xor3A_1776, %select_n3A_1864 : vector<16xi32>
      %broadcast_in_dim3A_1866 = arith.constant 5 : i32
      %broadcast_in_dim3A_1867 = vector.broadcast %broadcast_in_dim3A_1866 : i32 to vector<16xi32>
      %gather3A_1868 = tpu.vector_load_idx %arg15[%add3A_1825, %broadcast_in_dim3A_1867] : memref<3840x16xi32, #tpu.memory_space<vmem>>[vector<16xi32>, vector<16xi32>], vector<16xi32>,
      %jit3A_1869 = arith.constant 0 : i64
      %convert_element_type3A_1870 = arith.trunci %jit3A_1869 : i64 to i32
      %broadcast_in_dim3A_1871 = vector.broadcast %convert_element_type3A_1870 : i32 to vector<16xi32>
      %select_n3A_1872 = arith.select %gt3A_1819, %gather3A_1868, %broadcast_in_dim3A_1871 : vector<16xi1>, vector<16xi32>
      %xor3A_1873 = arith.xori %xor3A_1784, %select_n3A_1872 : vector<16xi32>
      %broadcast_in_dim3A_1874 = arith.constant 6 : i32
      %broadcast_in_dim3A_1875 = vector.broadcast %broadcast_in_dim3A_1874 : i32 to vector<16xi32>
      %gather3A_1876 = tpu.vector_load_idx %arg15[%add3A_1825, %broadcast_in_dim3A_1875] : memref<3840x16xi32, #tpu.memory_space<vmem>>[vector<16xi32>, vector<16xi32>], vector<16xi32>,
      %jit3A_1877 = arith.constant 0 : i64
      %convert_element_type3A_1878 = arith.trunci %jit3A_1877 : i64 to i32
      %broadcast_in_dim3A_1879 = vector.broadcast %convert_element_type3A_1878 : i32 to vector<16xi32>
      %select_n3A_1880 = arith.select %gt3A_1819, %gather3A_1876, %broadcast_in_dim3A_1879 : vector<16xi1>, vector<16xi32>
      %xor3A_1881 = arith.xori %xor3A_1792, %select_n3A_1880 : vector<16xi32>
      %broadcast_in_dim3A_1882 = arith.constant 7 : i32
      %broadcast_in_dim3A_1883 = vector.broadcast %broadcast_in_dim3A_1882 : i32 to vector<16xi32>
      %gather3A_1884 = tpu.vector_load_idx %arg15[%add3A_1825, %broadcast_in_dim3A_1883] : memref<3840x16xi32, #tpu.memory_space<vmem>>[vector<16xi32>, vector<16xi32>], vector<16xi32>,
      %jit3A_1885 = arith.constant 0 : i64
      %convert_element_type3A_1886 = arith.trunci %jit3A_1885 : i64 to i32
      %broadcast_in_dim3A_1887 = vector.broadcast %convert_element_type3A_1886 : i32 to vector<16xi32>
      %select_n3A_1888 = arith.select %gt3A_1819, %gather3A_1884, %broadcast_in_dim3A_1887 : vector<16xi1>, vector<16xi32>
      %xor3A_1889 = arith.xori %xor3A_1800, %select_n3A_1888 : vector<16xi32>
      %broadcast_in_dim3A_1890 = arith.constant 8 : i32
      %broadcast_in_dim3A_1891 = vector.broadcast %broadcast_in_dim3A_1890 : i32 to vector<16xi32>
      %gather3A_1892 = tpu.vector_load_idx %arg15[%add3A_1825, %broadcast_in_dim3A_1891] : memref<3840x16xi32, #tpu.memory_space<vmem>>[vector<16xi32>, vector<16xi32>], vector<16xi32>,
      %jit3A_1893 = arith.constant 0 : i64
      %convert_element_type3A_1894 = arith.trunci %jit3A_1893 : i64 to i32
      %broadcast_in_dim3A_1895 = vector.broadcast %convert_element_type3A_1894 : i32 to vector<16xi32>
      %select_n3A_1896 = arith.select %gt3A_1819, %gather3A_1892, %broadcast_in_dim3A_1895 : vector<16xi1>, vector<16xi32>
      %xor3A_1897 = arith.xori %xor3A_1808, %select_n3A_1896 : vector<16xi32>
      %broadcast_in_dim3A_1898 = arith.constant 9 : i32
      %broadcast_in_dim3A_1899 = vector.broadcast %broadcast_in_dim3A_1898 : i32 to vector<16xi32>
      %gather3A_1900 = tpu.vector_load_idx %arg15[%add3A_1825, %broadcast_in_dim3A_1899] : memref<3840x16xi32, #tpu.memory_space<vmem>>[vector<16xi32>, vector<16xi32>], vector<16xi32>,
      %jit3A_1901 = arith.constant 0 : i64
      %convert_element_type3A_1902 = arith.trunci %jit3A_1901 : i64 to i32
      %broadcast_in_dim3A_1903 = vector.broadcast %convert_element_type3A_1902 : i32 to vector<16xi32>
      %select_n3A_1904 = arith.select %gt3A_1819, %gather3A_1900, %broadcast_in_dim3A_1903 : vector<16xi1>, vector<16xi32>
      %xor3A_1905 = arith.xori %xor3A_1816, %select_n3A_1904 : vector<16xi32>
      %gt3A_1906 = arith.constant 14 : i32
      %gt3A_1907 = vector.broadcast %gt3A_1906 : i32 to vector<16xi32>
      %gt3A_1908 = arith.cmpi sgt, %get3A_646, %gt3A_1907 : vector<16xi32>
      %mul3A_1909 = arith.constant 240 : i32
      %mul3A_1910 = arith.muli %mul3A_1909, %while3A_643 : i32
      %add3A_1911 = arith.constant 224 : i32
      %add3A_1912 = arith.addi %mul3A_1910, %add3A_1911 : i32
      %add3A_1913 = vector.broadcast %add3A_1912 : i32 to vector<16xi32>
      %add3A_1914 = arith.addi %iota3A, %add3A_1913 : vector<16xi32>
      %broadcast_in_dim3A_1915 = arith.constant 0 : i32
      %broadcast_in_dim3A_1916 = vector.broadcast %broadcast_in_dim3A_1915 : i32 to vector<16xi32>
      %gather3A_1917 = tpu.vector_load_idx %arg15[%add3A_1914, %broadcast_in_dim3A_1916] : memref<3840x16xi32, #tpu.memory_space<vmem>>[vector<16xi32>, vector<16xi32>], vector<16xi32>,
      %jit3A_1918 = arith.constant 0 : i64
      %convert_element_type3A_1919 = arith.trunci %jit3A_1918 : i64 to i32
      %broadcast_in_dim3A_1920 = vector.broadcast %convert_element_type3A_1919 : i32 to vector<16xi32>
      %select_n3A_1921 = arith.select %gt3A_1908, %gather3A_1917, %broadcast_in_dim3A_1920 : vector<16xi1>, vector<16xi32>
      %xor3A_1922 = arith.xori %xor3A_1833, %select_n3A_1921 : vector<16xi32>
      %broadcast_in_dim3A_1923 = arith.constant 1 : i32
      %broadcast_in_dim3A_1924 = vector.broadcast %broadcast_in_dim3A_1923 : i32 to vector<16xi32>
      %gather3A_1925 = tpu.vector_load_idx %arg15[%add3A_1914, %broadcast_in_dim3A_1924] : memref<3840x16xi32, #tpu.memory_space<vmem>>[vector<16xi32>, vector<16xi32>], vector<16xi32>,
      %jit3A_1926 = arith.constant 0 : i64
      %convert_element_type3A_1927 = arith.trunci %jit3A_1926 : i64 to i32
      %broadcast_in_dim3A_1928 = vector.broadcast %convert_element_type3A_1927 : i32 to vector<16xi32>
      %select_n3A_1929 = arith.select %gt3A_1908, %gather3A_1925, %broadcast_in_dim3A_1928 : vector<16xi1>, vector<16xi32>
      %xor3A_1930 = arith.xori %xor3A_1841, %select_n3A_1929 : vector<16xi32>
      %broadcast_in_dim3A_1931 = arith.constant 2 : i32
      %broadcast_in_dim3A_1932 = vector.broadcast %broadcast_in_dim3A_1931 : i32 to vector<16xi32>
      %gather3A_1933 = tpu.vector_load_idx %arg15[%add3A_1914, %broadcast_in_dim3A_1932] : memref<3840x16xi32, #tpu.memory_space<vmem>>[vector<16xi32>, vector<16xi32>], vector<16xi32>,
      %jit3A_1934 = arith.constant 0 : i64
      %convert_element_type3A_1935 = arith.trunci %jit3A_1934 : i64 to i32
      %broadcast_in_dim3A_1936 = vector.broadcast %convert_element_type3A_1935 : i32 to vector<16xi32>
      %select_n3A_1937 = arith.select %gt3A_1908, %gather3A_1933, %broadcast_in_dim3A_1936 : vector<16xi1>, vector<16xi32>
      %xor3A_1938 = arith.xori %xor3A_1849, %select_n3A_1937 : vector<16xi32>
      %broadcast_in_dim3A_1939 = arith.constant 3 : i32
      %broadcast_in_dim3A_1940 = vector.broadcast %broadcast_in_dim3A_1939 : i32 to vector<16xi32>
      %gather3A_1941 = tpu.vector_load_idx %arg15[%add3A_1914, %broadcast_in_dim3A_1940] : memref<3840x16xi32, #tpu.memory_space<vmem>>[vector<16xi32>, vector<16xi32>], vector<16xi32>,
      %jit3A_1942 = arith.constant 0 : i64
      %convert_element_type3A_1943 = arith.trunci %jit3A_1942 : i64 to i32
      %broadcast_in_dim3A_1944 = vector.broadcast %convert_element_type3A_1943 : i32 to vector<16xi32>
      %select_n3A_1945 = arith.select %gt3A_1908, %gather3A_1941, %broadcast_in_dim3A_1944 : vector<16xi1>, vector<16xi32>
      %xor3A_1946 = arith.xori %xor3A_1857, %select_n3A_1945 : vector<16xi32>
      %broadcast_in_dim3A_1947 = arith.constant 4 : i32
      %broadcast_in_dim3A_1948 = vector.broadcast %broadcast_in_dim3A_1947 : i32 to vector<16xi32>
      %gather3A_1949 = tpu.vector_load_idx %arg15[%add3A_1914, %broadcast_in_dim3A_1948] : memref<3840x16xi32, #tpu.memory_space<vmem>>[vector<16xi32>, vector<16xi32>], vector<16xi32>,
      %jit3A_1950 = arith.constant 0 : i64
      %convert_element_type3A_1951 = arith.trunci %jit3A_1950 : i64 to i32
      %broadcast_in_dim3A_1952 = vector.broadcast %convert_element_type3A_1951 : i32 to vector<16xi32>
      %select_n3A_1953 = arith.select %gt3A_1908, %gather3A_1949, %broadcast_in_dim3A_1952 : vector<16xi1>, vector<16xi32>
      %xor3A_1954 = arith.xori %xor3A_1865, %select_n3A_1953 : vector<16xi32>
      %broadcast_in_dim3A_1955 = arith.constant 5 : i32
      %broadcast_in_dim3A_1956 = vector.broadcast %broadcast_in_dim3A_1955 : i32 to vector<16xi32>
      %gather3A_1957 = tpu.vector_load_idx %arg15[%add3A_1914, %broadcast_in_dim3A_1956] : memref<3840x16xi32, #tpu.memory_space<vmem>>[vector<16xi32>, vector<16xi32>], vector<16xi32>,
      %jit3A_1958 = arith.constant 0 : i64
      %convert_element_type3A_1959 = arith.trunci %jit3A_1958 : i64 to i32
      %broadcast_in_dim3A_1960 = vector.broadcast %convert_element_type3A_1959 : i32 to vector<16xi32>
      %select_n3A_1961 = arith.select %gt3A_1908, %gather3A_1957, %broadcast_in_dim3A_1960 : vector<16xi1>, vector<16xi32>
      %xor3A_1962 = arith.xori %xor3A_1873, %select_n3A_1961 : vector<16xi32>
      %broadcast_in_dim3A_1963 = arith.constant 6 : i32
      %broadcast_in_dim3A_1964 = vector.broadcast %broadcast_in_dim3A_1963 : i32 to vector<16xi32>
      %gather3A_1965 = tpu.vector_load_idx %arg15[%add3A_1914, %broadcast_in_dim3A_1964] : memref<3840x16xi32, #tpu.memory_space<vmem>>[vector<16xi32>, vector<16xi32>], vector<16xi32>,
      %jit3A_1966 = arith.constant 0 : i64
      %convert_element_type3A_1967 = arith.trunci %jit3A_1966 : i64 to i32
      %broadcast_in_dim3A_1968 = vector.broadcast %convert_element_type3A_1967 : i32 to vector<16xi32>
      %select_n3A_1969 = arith.select %gt3A_1908, %gather3A_1965, %broadcast_in_dim3A_1968 : vector<16xi1>, vector<16xi32>
      %xor3A_1970 = arith.xori %xor3A_1881, %select_n3A_1969 : vector<16xi32>
      %broadcast_in_dim3A_1971 = arith.constant 7 : i32
      %broadcast_in_dim3A_1972 = vector.broadcast %broadcast_in_dim3A_1971 : i32 to vector<16xi32>
      %gather3A_1973 = tpu.vector_load_idx %arg15[%add3A_1914, %broadcast_in_dim3A_1972] : memref<3840x16xi32, #tpu.memory_space<vmem>>[vector<16xi32>, vector<16xi32>], vector<16xi32>,
      %jit3A_1974 = arith.constant 0 : i64
      %convert_element_type3A_1975 = arith.trunci %jit3A_1974 : i64 to i32
      %broadcast_in_dim3A_1976 = vector.broadcast %convert_element_type3A_1975 : i32 to vector<16xi32>
      %select_n3A_1977 = arith.select %gt3A_1908, %gather3A_1973, %broadcast_in_dim3A_1976 : vector<16xi1>, vector<16xi32>
      %xor3A_1978 = arith.xori %xor3A_1889, %select_n3A_1977 : vector<16xi32>
      %broadcast_in_dim3A_1979 = arith.constant 8 : i32
      %broadcast_in_dim3A_1980 = vector.broadcast %broadcast_in_dim3A_1979 : i32 to vector<16xi32>
      %gather3A_1981 = tpu.vector_load_idx %arg15[%add3A_1914, %broadcast_in_dim3A_1980] : memref<3840x16xi32, #tpu.memory_space<vmem>>[vector<16xi32>, vector<16xi32>], vector<16xi32>,
      %jit3A_1982 = arith.constant 0 : i64
      %convert_element_type3A_1983 = arith.trunci %jit3A_1982 : i64 to i32
      %broadcast_in_dim3A_1984 = vector.broadcast %convert_element_type3A_1983 : i32 to vector<16xi32>
      %select_n3A_1985 = arith.select %gt3A_1908, %gather3A_1981, %broadcast_in_dim3A_1984 : vector<16xi1>, vector<16xi32>
      %xor3A_1986 = arith.xori %xor3A_1897, %select_n3A_1985 : vector<16xi32>
      %broadcast_in_dim3A_1987 = arith.constant 9 : i32
      %broadcast_in_dim3A_1988 = vector.broadcast %broadcast_in_dim3A_1987 : i32 to vector<16xi32>
      %gather3A_1989 = tpu.vector_load_idx %arg15[%add3A_1914, %broadcast_in_dim3A_1988] : memref<3840x16xi32, #tpu.memory_space<vmem>>[vector<16xi32>, vector<16xi32>], vector<16xi32>,
      %jit3A_1990 = arith.constant 0 : i64
      %convert_element_type3A_1991 = arith.trunci %jit3A_1990 : i64 to i32
      %broadcast_in_dim3A_1992 = vector.broadcast %convert_element_type3A_1991 : i32 to vector<16xi32>
      %select_n3A_1993 = arith.select %gt3A_1908, %gather3A_1989, %broadcast_in_dim3A_1992 : vector<16xi1>, vector<16xi32>
      %xor3A_1994 = arith.xori %xor3A_1905, %select_n3A_1993 : vector<16xi32>
      %mul3A_1995 = arith.constant 16 : i32
      %mul3A_1996 = arith.muli %mul3A_1995, %while3A_643 : i32
      %add3A_1997 = vector.broadcast %mul3A_1996 : i32 to vector<16xi32>
      %add3A_1998 = arith.addi %iota3A, %add3A_1997 : vector<16xi32>
      %shift_left3A = arith.constant 4 : i32
      %shift_left3A_1999 = vector.broadcast %shift_left3A : i32 to vector<16xi32>
      %shift_left3A_2000 = arith.shli %add3A_1998, %shift_left3A_1999 : vector<16xi32>
      %add3A_2001 = arith.constant 0 : i32
      %add3A_2002 = vector.broadcast %add3A_2001 : i32 to vector<16xi32>
      %add3A_2003 = arith.addi %shift_left3A_2000, %add3A_2002 : vector<16xi32>
      tpu.vector_store_idx %arg16[%add3A_2003], %xor3A_1922 : memref<4096xi32, #tpu.memory_space<vmem>>[vector<16xi32>], vector<16xi32>,
      %add3A_2004 = arith.constant 1 : i32
      %add3A_2005 = vector.broadcast %add3A_2004 : i32 to vector<16xi32>
      %add3A_2006 = arith.addi %shift_left3A_2000, %add3A_2005 : vector<16xi32>
      tpu.vector_store_idx %arg16[%add3A_2006], %xor3A_1930 : memref<4096xi32, #tpu.memory_space<vmem>>[vector<16xi32>], vector<16xi32>,
      %add3A_2007 = arith.constant 2 : i32
      %add3A_2008 = vector.broadcast %add3A_2007 : i32 to vector<16xi32>
      %add3A_2009 = arith.addi %shift_left3A_2000, %add3A_2008 : vector<16xi32>
      tpu.vector_store_idx %arg16[%add3A_2009], %xor3A_1938 : memref<4096xi32, #tpu.memory_space<vmem>>[vector<16xi32>], vector<16xi32>,
      %add3A_2010 = arith.constant 3 : i32
      %add3A_2011 = vector.broadcast %add3A_2010 : i32 to vector<16xi32>
      %add3A_2012 = arith.addi %shift_left3A_2000, %add3A_2011 : vector<16xi32>
      tpu.vector_store_idx %arg16[%add3A_2012], %xor3A_1946 : memref<4096xi32, #tpu.memory_space<vmem>>[vector<16xi32>], vector<16xi32>,
      %add3A_2013 = arith.constant 4 : i32
      %add3A_2014 = vector.broadcast %add3A_2013 : i32 to vector<16xi32>
      %add3A_2015 = arith.addi %shift_left3A_2000, %add3A_2014 : vector<16xi32>
      tpu.vector_store_idx %arg16[%add3A_2015], %xor3A_1954 : memref<4096xi32, #tpu.memory_space<vmem>>[vector<16xi32>], vector<16xi32>,
      %add3A_2016 = arith.constant 5 : i32
      %add3A_2017 = vector.broadcast %add3A_2016 : i32 to vector<16xi32>
      %add3A_2018 = arith.addi %shift_left3A_2000, %add3A_2017 : vector<16xi32>
      tpu.vector_store_idx %arg16[%add3A_2018], %xor3A_1962 : memref<4096xi32, #tpu.memory_space<vmem>>[vector<16xi32>], vector<16xi32>,
      %add3A_2019 = arith.constant 6 : i32
      %add3A_2020 = vector.broadcast %add3A_2019 : i32 to vector<16xi32>
      %add3A_2021 = arith.addi %shift_left3A_2000, %add3A_2020 : vector<16xi32>
      tpu.vector_store_idx %arg16[%add3A_2021], %xor3A_1970 : memref<4096xi32, #tpu.memory_space<vmem>>[vector<16xi32>], vector<16xi32>,
      %add3A_2022 = arith.constant 7 : i32
      %add3A_2023 = vector.broadcast %add3A_2022 : i32 to vector<16xi32>
      %add3A_2024 = arith.addi %shift_left3A_2000, %add3A_2023 : vector<16xi32>
      tpu.vector_store_idx %arg16[%add3A_2024], %xor3A_1978 : memref<4096xi32, #tpu.memory_space<vmem>>[vector<16xi32>], vector<16xi32>,
      %add3A_2025 = arith.constant 8 : i32
      %add3A_2026 = vector.broadcast %add3A_2025 : i32 to vector<16xi32>
      %add3A_2027 = arith.addi %shift_left3A_2000, %add3A_2026 : vector<16xi32>
      tpu.vector_store_idx %arg16[%add3A_2027], %xor3A_1986 : memref<4096xi32, #tpu.memory_space<vmem>>[vector<16xi32>], vector<16xi32>,
      %add3A_2028 = arith.constant 9 : i32
      %add3A_2029 = vector.broadcast %add3A_2028 : i32 to vector<16xi32>
      %add3A_2030 = arith.addi %shift_left3A_2000, %add3A_2029 : vector<16xi32>
      tpu.vector_store_idx %arg16[%add3A_2030], %xor3A_1994 : memref<4096xi32, #tpu.memory_space<vmem>>[vector<16xi32>], vector<16xi32>,
    }
    %mul3A_641 = arith.constant 16 : i32
    %mul3A_642 = arith.muli %mul3A_2, %mul3A_641 : i32
    "tpu.region"() ({
      %run_scoped3A = tpu.sem_alloc : memref<!tpu.dma_semaphore, #tpu.memory_space<semaphore_mem>>
      %dma_start3A_643 = tpu.memref_slice %arg8[%mul3A_642] : memref<131072xi32, #tpu.memory_space<hbm>> -> memref<4096xi32, #tpu.memory_space<hbm>>
      %dma_start3A_644 = tpu.memref_slice %arg8[%mul3A_642] : memref<131072xi32, #tpu.memory_space<hbm>> -> memref<4096xi32, #tpu.memory_space<hbm>>
      tpu.enqueue_dma source(%arg16 : memref<4096xi32, #tpu.memory_space<vmem>>) target(%dma_start3A_644 : memref<4096xi32, #tpu.memory_space<hbm>>) target_semaphore(%run_scoped3A : memref<!tpu.dma_semaphore, #tpu.memory_space<semaphore_mem>>)
      %dma_wait3A_645 = tpu.memref_slice %arg8[%mul3A_642] : memref<131072xi32, #tpu.memory_space<hbm>> -> memref<4096xi32, #tpu.memory_space<hbm>>
      %dma_wait3A_646 = tpu.memref_slice %arg8[%mul3A_642] : memref<131072xi32, #tpu.memory_space<hbm>> -> memref<4096xi32, #tpu.memory_space<hbm>>
      tpu.wait_dma2 semaphore(%run_scoped3A : memref<!tpu.dma_semaphore, #tpu.memory_space<semaphore_mem>>) src(%arg16 : memref<4096xi32, #tpu.memory_space<vmem>>) dst(%dma_wait3A_646 : memref<4096xi32, #tpu.memory_space<hbm>>)
      tpu.yield
    }) : () -> ()
    return
  }
}

</mosaic_0001>

<sc_bundles>
// kernel: kernel.3.cloned.1.call-start
scs
__scs_entry_jumppad:
0x0: {  	(pc) =	sbr.rel $0x88, $3  }
0x1: {  	(tag) =	ssettag $0x0;
	lr =	simm.s32 $0x1  }
0x2: {  	[smem:$0x3F9B] =	sst lr;
	_ =	strace $0xD0000000  }
0x3: {  	_ = 	snop  }
0x4: {  	_ = 	snop  }
0x5: {  	_ = 	snop  }
0x6: {  	_ = 	snop  }
0x7: {  	_ = 	snop  }
__scs_overlays_trampoline_lowered:
0x8: {  	[smem:$0x3FAA] =	sst s0  }
0x9: {  	[smem:$0x3FAB] =	sst s1  }
0xa: {  	[smem:$0x3FAC] =	sst s2  }
0xb: {  	[smem:$0x3FAD] =	sst s3  }
0xc: {  	[smem:$0x3FAE] =	sst s4  }
0xd: {  	[smem:$0x3FAF] =	sst s5  }
0xe: {  	[smem:$0x3FB0] =	sst s6  }
0xf: {  	[smem:$0x3FB1] =	sst s7  }
0x10: {  	[smem:$0x3FB2] =	sst s8  }
0x11: {  	[smem:$0x3FB3] =	sst s9;
	s0 =	simm.s32 @!p0 $0x0  }
0x12: {  	s1 =	sld [smem:$0x3F99];
	s0 =	simm.s32 @p0 $0x1  }
0x13: {  	[smem:$0x3FB4] =	sst s0;
	s0 =	simm.s32 @!p1 $0x0  }
0x14: {  	s2 =	sld [smem:$0x3F98];
	s0 =	simm.s32 @p1 $0x1  }
0x15: {  	[smem:$0x3FB5] =	sst s0;
	s0 =	simm.s32 @!p2 $0x0  }
0x16: {  	s3 =	sld [smem:$0x3FDB];
	s0 =	simm.s32 @p2 $0x1  }
0x17: {  	s4 =	simm.s32 $0x1BF5;
	[smem:$0x3FB7] =	sst s0  }
0x18: {  	s0 =	sld [smem:$0x3F9A];
	_ =	swait.ge [sflag:s4], $0x0  }
0x19: {  	s7 =	sld [smem:$0x3F9B]  }
0x1a: {  	s8 =	sadd.s32 $0xFFFFE003, lr  }
0x1b: {  	s9 =	sadd.s32 $0xFFFFFEF7, lr;
	s5 =	simm.s32 $0xFFFFFFFF;
	p2 =	slt.u32 s8, $0xFFFFF086  }
0x1c: {  	p1 =	slt.u32 s9, $0xF7A;
	s5 =	simm.s32 @!p2 $0x0  }
0x1d: {  	s5 =	simm.s32 @p1 $0x1;
	p0 =	seq.s32 s7, s2  }
0x1e: {  	s7 =	smul.u32 @!p0 $0xF7A, s2;
	p2 =	seq.s32 @!p0 s5, $0x0  }
0x1f: {  	s9 =	smul.u32 $0xF7A, s1;
	s8 =	simm.s32 @!p0 $0x1BF5;
	p2 =	por !p2, p0  }
0x20: {  	[sflag:s8] =	ssyncset.s32 @!p0 $0xFFFFF086;
	s6 =	sadd.s32 @!p0 s3, s7;
	s7 =	simm.s32 @!p0 $0x108  }
0x21: {  	s3 =	sadd.s32 s3, s9;
	s6 =	sadd.s32 @!p0 $0x88, s6;
	s7 =	simm.s32 @p2 $0x1082  }
0x22: {  	[simem:s7], [sflag:s8] =	dma.local @!p0 [hbm:s6], $0xF7A  }
0x23: {  	s9 =	sor.u32 $0xD0000000, s2;
	s6 =	simm.s32 $0x108;
	_ =	swait.ge @!p0 [sflag:s8], $0x0  }
0x24: {  	s3 =	sadd.s32 $0x88, s3;
	s6 =	simm.s32 @!p1 $0x1082;
	[sflag:s4] =	ssyncset.s32 $0xFFFFF086  }
0x25: {  	[simem:s6], [sflag:s4] =	dma.local [hbm:s3], $0xF7A  }
0x26: {  	[smem:$0x3F9B] =	sst s1;
	(tag) =	ssettag s2;
	_ =	strace s9  }
0x27: {  	s1 =	sld [smem:$0x3FAB]  }
0x28: {  	s2 =	sld [smem:$0x3FAC]  }
0x29: {  	s4 =	sld [smem:$0x3FAE]  }
0x2a: {  	p0 =	seq.s32 s5, $0x0;
	s5 =	sld [smem:$0x3FAF]  }
0x2b: {  	s6 =	sld [smem:$0x3FB0]  }
0x2c: {  	s7 =	sld [smem:$0x3FB1]  }
0x2d: {  	s3 =	simm.s32 $0x108;
	s8 =	sld [smem:$0x3FB2]  }
0x2e: {  	s3 =	simm.s32 @!p0 $0x1082;
	s9 =	sld [smem:$0x3FB3]  }
0x2f: {  	lr =	sadd.s32 s0, s3;
	s0 =	sld [smem:$0x3FAA]  }
0x30: {  	s3 =	sld [smem:$0x3FAD]  }
0x31: {  	[smem:$0x3FB6] =	sst s10  }
0x32: {  	s10 =	sld [smem:$0x3FB4];
	_ =	sdelay $0x3  }
0x33: {  	p0 =	seq.s32 s10, $0x1;
	s10 =	sld [smem:$0x3FB6];
	_ =	sdelay $0x3  }
0x34: {  	[smem:$0x3FB6] =	sst s10  }
0x35: {  	s10 =	sld [smem:$0x3FB5];
	_ =	sdelay $0x3  }
0x36: {  	p1 =	seq.s32 s10, $0x1;
	s10 =	sld [smem:$0x3FB6];
	_ =	sdelay $0x3  }
0x37: {  	[smem:$0x3FB6] =	sst s10  }
0x38: {  	s10 =	sld [smem:$0x3FB7]  }
0x39: {  	_ = 	snop;
	(pc) =	sbr.ind lr, $3  }
0x3a: {  	_ = 	snop  }
0x3b: {  	_ = 	snop  }
0x3c: {  	p2 =	seq.s32 s10, $0x1;
	s10 =	sld [smem:$0x3FB6]  }
0x3d: {  	_ =	shalt  }
0x3e: {  	_ =	shalt  }
0x3f: {  	_ =	shalt  }
0x40: {  	_ =	shalt  }
0x41: {  	_ =	shalt  }
0x42: {  	_ =	shalt  }
0x43: {  	_ =	shalt  }
0x44: {  	_ =	shalt  }
0x45: {  	_ =	shalt  }
0x46: {  	_ =	shalt  }
0x47: {  	_ =	shalt  }
0x48: {  	_ =	shalt  }
0x49: {  	_ =	shalt  }
0x4a: {  	_ =	shalt  }
0x4b: {  	_ =	shalt  }
0x4c: {  	_ =	shalt  }
0x4d: {  	_ =	shalt  }
0x4e: {  	_ =	shalt  }
0x4f: {  	_ =	shalt  }
0x50: {  	_ =	shalt  }
0x51: {  	_ =	shalt  }
0x52: {  	_ =	shalt  }
0x53: {  	_ =	shalt  }
0x54: {  	_ =	shalt  }
0x55: {  	_ =	shalt  }
0x56: {  	_ =	shalt  }
0x57: {  	_ =	shalt  }
0x58: {  	_ =	shalt  }
0x59: {  	_ =	shalt  }
0x5a: {  	_ =	shalt  }
0x5b: {  	_ =	shalt  }
0x5c: {  	_ =	shalt  }
0x5d: {  	_ =	shalt  }
0x5e: {  	_ =	shalt  }
0x5f: {  	_ =	shalt  }
0x60: {  	_ =	shalt  }
0x61: {  	_ =	shalt  }
0x62: {  	_ =	shalt  }
0x63: {  	_ =	shalt  }
0x64: {  	_ =	shalt  }
0x65: {  	_ =	shalt  }
0x66: {  	_ =	shalt  }
0x67: {  	_ =	shalt  }
0x68: {  	_ =	shalt  }
0x69: {  	_ =	shalt  }
0x6a: {  	_ =	shalt  }
0x6b: {  	_ =	shalt  }
0x6c: {  	_ =	shalt  }
0x6d: {  	_ =	shalt  }
0x6e: {  	_ =	shalt  }
0x6f: {  	_ =	shalt  }
0x70: {  	_ =	shalt  }
0x71: {  	_ =	shalt  }
0x72: {  	_ =	shalt  }
0x73: {  	_ =	shalt  }
0x74: {  	_ =	shalt  }
0x75: {  	_ =	shalt  }
0x76: {  	_ =	shalt  }
0x77: {  	_ =	shalt  }
0x78: {  	_ =	shalt  }
0x79: {  	_ =	shalt  }
0x7a: {  	_ =	shalt  }
0x7b: {  	_ =	shalt  }
0x7c: {  	_ =	shalt  }
0x7d: {  	_ =	shalt  }
0x7e: {  	_ =	shalt  }
0x7f: {  	_ =	shalt  }
0x80: {  	_ =	shalt  }
0x81: {  	_ =	shalt  }
0x82: {  	_ =	shalt  }
0x83: {  	_ =	shalt  }
0x84: {  	_ =	shalt  }
0x85: {  	_ =	shalt  }
0x86: {  	_ =	shalt  }
0x87: {  	_ =	shalt  }
.Lfunc_end0:
.L_simem_size_0:
called_computation_lowered:
.L_overlay_start_0:
0x88: {  	s2 =	sld [smem:$0x3FD9]  }
0x89: {  	s3 =	sld [smem:$0x3FFE];
	_ =	sdelay $0x1  }
0x8a: {  	s1 =	srdreg.scid  }
0x8b: {  	s0 =	sand.u32 $0x1, s1  }
0x8c: {  	s17 =	sshll.u32 s0, $0xA;
	s2 =	sadd.s32 s3, s2  }
0x8d: {  	s2 =	sadd.s32 s2, s17  }
0x8e: {  	[smem:$0x3FC2] =	sst s2  }
0x8f: {  	_ = 	snop  }
0x90: {  	s2 =	sld [smem:$0x3FD0];
	(tm) =	ssettm $0x1  }
0x91: {  	s18 =	sld [smem:$0x3FFB];
	_ =	sdelay $0x3  }
0x92: {  	_ =	strace s18  }
0x93: {  	s3 =	sld [smem:$0x3FFC];
	_ =	sdelay $0x3  }
0x94: {  	_ =	strace s3  }
0x95: {  	s3 =	sld [smem:$0x3FFD];
	_ =	sdelay $0x3  }
0x96: {  	_ =	strace s3  }
0x97: {  	_ =	strace $0x8FFFFFFF  }
0x98: {  	s19 =	sld [smem:$0x3FDB];
	_ =	sdelay $0x1  }
0x99: {  	s4 =	simm.s32 $_scs_section_size  }
0x9a: {  	s5 =	simm.s32 $_size__tile_overlayer_lowered;
	s6 =	simm.s32 $_tile_overlayer_lowered  }
0x9b: {  	s22 =	simm.s32 $0x1BFF;
	s21 =	sshll.u32 s6, $0x1;
	s3 =	sadd.s32 s4, s19  }
0x9c: {  	s7 =	simm.s32 $0x0;
	s20 =	sshll.u32 s5, $0x1;
	s5 =	sadd.s32 s21, s3  }
0x9d: {  	[timem:s7], [sflag:s22] =	dma.local [hbm:s5], s20  }
0x9e: {  	_ =	swait.ge [sflag:s22], s20  }
0x9f: {  	s4 =	ssub.s32 $0x0, s20;
	[sflag:s22] =	ssyncset.done $0x0  }
0xa0: {  	[sflag:s22] =	ssyncadd.s32 s4;
	_ =	sdelay $0x1  }
0xa1: {  	s23 =	simm.s32 $0x1B8B  }
0xa2: {  	_ =	swait.ge [sflag:s23], $0x1  }
0xa3: {  	[sflag:s23] =	ssyncset.done $0x0  }
0xa4: {  	s25 =	simm.s32 $0x1B8E;
	s24 =	sld [smem:$0x3FFE];
	[sflag:s23] =	ssyncadd.s32 $0xFFFFFFFF  }
0xa5: {  	s26 =	simm.s32 $execute0_lowered;
	[smem:$0x3FD2] =	sst s25  }
0xa6: {  	s5 =	sshll.u32 s26, $0x1;
	_ =	strace $0x80000046;
	[dreg:$0x1] =	wrdreg $0xFFFFFFFF  }
0xa7: {  	s28 =	simm.s32 $_size_execute0_lowered;
	s3 =	sadd.s32 s3, s5;
	[dreg:$0x0] =	wrdreg $0x0  }
0xa8: {  	s5 =	sshll.u32 s28, $0x1;
	[dreg:$0x2] =	wrdreg s3  }
0xa9: {  	[dreg:$0x3] =	wrdreg s5  }
0xaa: {  	[dreg:$0x4] =	wrdreg $0xC0  }
0xab: {  	_ =	task [dreg:s7], $0x5FFFF  }
0xac: {  	[dreg:$0x1] =	wrdreg $0xFFFFFFFF  }
0xad: {  	[dreg:$0x0] =	wrdreg $0x60  }
0xae: {  	[dreg:$0x2] =	wrdreg s24  }
0xaf: {  	[dreg:$0x3] =	wrdreg s2  }
0xb0: {  	[dreg:$0x4] =	wrdreg $0x9  }
0xb1: {  	_ =	task.clear_ibuf [dreg:s7], $0x5FFFF;
	_ =	strace $0x90000046  }
0xb2: {  	s29 =	simm.s32 $0x9;
	_ =	strace $0x80000048  }
0xb3: {  	_ =	swait.ge [sflag:s29], $0x1  }
0xb4: {  	[sflag:s29] =	ssyncadd.s32 $0xFFFFFFFF  }
0xb5: {  	_ =	strace $0x90000048  }
0xb6: {  	_ =	sfence  }
0xb7: {  	s30 =	sld [smem:$0x0];
	_ =	sdelay $0x2  }
0xb8: {  	s31 =	sshll.u32 s1, $0xD;
	s1 =	sshrl.u32 s1, $0x2  }
0xb9: {  	s3 =	sand.u32 $0x4000, s31;
	s1 =	sadd.s32 s1, s30  }
0xba: {  	s0 =	sor.u32 s3, s0;
	s1 =	sshll.u32 s1, $0x11  }
0xbb: {  	s0 =	sor.u32 s1, s0  }
0xbc: {  	s0 =	sadd.s32 $0x8F2B, s0  }
0xbd: {  	[sflag:s0] =	ssyncadd.remote.s32 $0x1  }
0xbe: {  	_ =	sfence.sel $0xFFFF  }
0xbf: {  	[dreg:$0x0] =	wrdreg $0xFFFFFFFF;
	(pc) =	sbr.abs _section_cstart, $3  }
0xc0: {  	[dreg:$0x1] =	wrdreg $0xFFFFFFFF  }
0xc1: {  	_ =	task.clear_ibuf [dreg:s7], $0x2FFFF;
	_ =	strace $0x9FFFFFFF  }
0xc2: {  	(tm) =	ssettm $0x7FFFFFFF  }
0xc3: {  	_ =	shalt  }
tec
execute0_lowered:
.L_overlay_start_1:
0x0: {  	(tag) =	ssettag $0x1  }
0x1: {  	s1 =	rddreg [dreg:$0x0]  }
0x2: {  	s3 =	rddreg [dreg:$0x1]  }
0x3: {  	s4 =	simm.s32 $0x0;
	s0 =	srdreg.scid;
	s2 =	stileid.u32  }
0x4: {  	s11 =	simm.s32 $0x3;
	s14 =	simm.s32 $0x80;
	s15 =	simm.s32 $0x200  }
0x5: {  	s16 =	simm.s32 $0x400;
	s17 =	simm.s32 $0x2400;
	s18 =	simm.s32 $0x280  }
0x6: {  	s21 =	simm.s32 $0x300;
	s24 =	simm.s32 $0x380;
	s28 =	simm.s32 $0x1  }
0x7: {  	s30 =	simm.s32 $0x5300;
	s19 =	simm.s32 $0x12B00;
	s20 =	simm.s32 $0x5200  }
0x8: {  	s22 =	simm.s32 $0x13300;
	s23 =	simm.s32 $0x5280;
	s25 =	simm.s32 $0x13B00  }
0x9: {  	s26 =	simm.s32 $0x2;
	s29 =	simm.s32 $0x14300;
	s31 =	simm.s32 $0x0  }
0xa: {  	[smem:$0x7FF] =	sst s4;
	s0 =	sand.u32 $0x1, s0;
	s2 =	sshll.u32 s2, $0x1  }
0xb: {  	s5 =	sadd.s32 $0x400000, s1;
	_ =	strace $0x80000047;
	s2 =	sor.u32 s0, s2  }
0xc: {  	s0 =	ssub.s32 $0x2, s0;
	s6 =	sshll.u32 s2, $0x5;
	s2 =	sshll.u32 s2, $0x9  }
0xd: {  	s7 =	sshrl.u32 s0, $0x1;
	s8 =	sadd.s32 s6, s1;
	s6 =	sadd.s32 $0x4800, s1  }
0xe: {  	v0 =	vlaneseq.u32;
	s2 =	sadd.s32 s2, s1;
	s0 =	ssub.s32 s0, s7;
	s7 =	sadd.s32 $0x4400, s8  }
0xf: {  	v1 =	vmul.u32 $0x10, v0;
	s8 =	sadd.s32 $0x4000, s8;
	s9 =	sadd.s32 $0x4A00, s2;
	s10 =	smax.u32 s0, $0x1  }
.LBB2_1:
0x10: {  	[tilespmem:s4], [sflag:$0x3] =	stream.linear.gather [hbm4b:s7+s4], $0x100, $0x38;
	[tilespmem:$0x15310] =	vst v63  }
0x11: {  	_ =	swait.ge [sflag:s11], $0x100  }
0x12: {  	[sflag:s11] =	ssyncset.done $0x0  }
0x13: {  	s0 =	simm.s32 $0x100;
	[sflag:s11] =	ssyncadd.s32 $0xFFFFFF00  }
0x14: {  	[tilespmem:s0], [sflag:$0x3] =	stream.linear.gather [hbm4b:s8+s4], $0x100, $0x38;
	[tilespmem:$0x15310] =	vst v63  }
0x15: {  	_ =	swait.ge [sflag:s11], $0x100  }
0x16: {  	[sflag:s11] =	ssyncset.done $0x0  }
0x17: {  	s13 =	simm.s32 $0x15300;
	[sflag:s11] =	ssyncadd.s32 $0xFFFFFF00  }
0x18: {  	[tilespmem:s13], [sflag:$0x3] =	stream.linear.gather [hbm4b:s6+s4], $0x10, $0x38;
	[tilespmem:$0x15310] =	vst v63  }
0x19: {  	_ =	swait.ge [sflag:s11], $0x10  }
0x1a: {  	[sflag:s11] =	ssyncset.done $0x0  }
0x1b: {  	[sflag:s11] =	ssyncadd.s32 $0xFFFFFFF0  }
0x1c: {  	v2 =	vld [tilespmem:$0x0];
	_ =	sdelay $0x1  }
0x1d: {  	v3 =	vld [tilespmem:$0x10];
	_ =	sdelay $0x1  }
0x1e: {  	v4 =	vld [tilespmem:$0x20]  }
0x1f: {  	v2 =	vshra.s32 v2, $0x4  }
0x20: {  	v5 =	vld [tilespmem:$0x30];
	[tilespmem:$0x200] =	vst v2;
	v2 =	vadd.s32 $0x1, v2  }
0x21: {  	[tilespmem:$0x300] =	vst v2;
	v2 =	vshra.s32 v3, $0x4  }
0x22: {  	v3 =	vld [tilespmem:$0x40];
	[tilespmem:$0x210] =	vst v2;
	v2 =	vadd.s32 $0x1, v2  }
0x23: {  	[tilespmem:$0x310] =	vst v2;
	v2 =	vshra.s32 v4, $0x4  }
0x24: {  	v54 =	vld [tilespmem:$0x50];
	[tilespmem:$0x220] =	vst v2;
	v2 =	vadd.s32 $0x1, v2  }
0x25: {  	[tilespmem:$0x320] =	vst v2;
	v2 =	vshra.s32 v5, $0x4  }
0x26: {  	v55 =	vld [tilespmem:$0x60];
	[tilespmem:$0x230] =	vst v2;
	v2 =	vadd.s32 $0x1, v2  }
0x27: {  	[tilespmem:$0x330] =	vst v2;
	v2 =	vshra.s32 v3, $0x4  }
0x28: {  	v3 =	vld [tilespmem:$0x70];
	[tilespmem:$0x240] =	vst v2;
	v2 =	vadd.s32 $0x1, v2  }
0x29: {  	[tilespmem:$0x340] =	vst v2;
	v2 =	vshra.s32 v54, $0x4  }
0x2a: {  	v56 =	vld [tilespmem:$0x80];
	[tilespmem:$0x250] =	vst v2;
	v2 =	vadd.s32 $0x1, v2  }
0x2b: {  	[tilespmem:$0x350] =	vst v2;
	v2 =	vshra.s32 v55, $0x4  }
0x2c: {  	v57 =	vld [tilespmem:$0x90];
	[tilespmem:$0x260] =	vst v2;
	v2 =	vadd.s32 $0x1, v2  }
0x2d: {  	[tilespmem:$0x360] =	vst v2;
	v2 =	vshra.s32 v3, $0x4  }
0x2e: {  	v3 =	vld [tilespmem:$0xA0];
	[tilespmem:$0x270] =	vst v2;
	v2 =	vadd.s32 $0x1, v2  }
0x2f: {  	[tilespmem:$0x370] =	vst v2;
	v2 =	vshra.s32 v56, $0x4  }
0x30: {  	v58 =	vld [tilespmem:$0xB0];
	[tilespmem:$0x280] =	vst v2;
	v2 =	vadd.s32 $0x1, v2  }
0x31: {  	[tilespmem:$0x380] =	vst v2;
	v2 =	vshra.s32 v57, $0x4  }
0x32: {  	v59 =	vld [tilespmem:$0xC0];
	[tilespmem:$0x290] =	vst v2;
	v2 =	vadd.s32 $0x1, v2  }
0x33: {  	[tilespmem:$0x390] =	vst v2;
	v2 =	vshra.s32 v3, $0x4  }
0x34: {  	v3 =	vld [tilespmem:$0xD0];
	[tilespmem:$0x2A0] =	vst v2;
	v2 =	vadd.s32 $0x1, v2  }
0x35: {  	[tilespmem:$0x3A0] =	vst v2;
	v2 =	vshra.s32 v58, $0x4  }
0x36: {  	v60 =	vld [tilespmem:$0xE0];
	[tilespmem:$0x2B0] =	vst v2;
	v2 =	vadd.s32 $0x1, v2  }
0x37: {  	[tilespmem:$0x3B0] =	vst v2;
	v2 =	vshra.s32 v59, $0x4  }
0x38: {  	v61 =	vld [tilespmem:$0xF0];
	[tilespmem:$0x2C0] =	vst v2;
	v2 =	vadd.s32 $0x1, v2  }
0x39: {  	[tilespmem:$0x3C0] =	vst v2;
	v2 =	vshra.s32 v3, $0x4  }
0x3a: {  	[tilespmem:$0x2D0] =	vst v2;
	v2 =	vadd.s32 $0x1, v2  }
0x3b: {  	[tilespmem:$0x3D0] =	vst v2;
	v2 =	vshra.s32 v60, $0x4  }
0x3c: {  	[tilespmem:$0x2E0] =	vst v2;
	v2 =	vadd.s32 $0x1, v2  }
0x3d: {  	[tilespmem:$0x3E0] =	vst v2;
	v2 =	vshra.s32 v61, $0x4  }
0x3e: {  	[tilespmem:$0x2F0] =	vst v2;
	v2 =	vadd.s32 $0x1, v2  }
0x3f: {  	[tilespmem:$0x3F0] =	vst v2  }
0x40: {  	[tilespmem:s16], [sflag:$0x1] =	stream.indirect.gather [hbm4b:s3+s14], $0x10, s15, s14, $0xb8;
	[tilespmem:$0x15310] =	vst v63  }
0x41: {  	_ = 	snop  }
0x42: {  	[tilespmem:s17], [sflag:$0x1] =	stream.indirect.gather [hbm4b:s1+s14], $0x10, s15, s14, $0xb8;
	[tilespmem:$0x15310] =	vst v63  }
0x43: {  	s2 =	simm.s32 $0xC00  }
0x44: {  	[tilespmem:s2], [sflag:$0x1] =	stream.indirect.gather [hbm4b:s3+s14], $0x10, s18, s14, $0xb8;
	[tilespmem:$0x15310] =	vst v63  }
0x45: {  	s12 =	simm.s32 $0x2C00  }
0x46: {  	[tilespmem:s12], [sflag:$0x1] =	stream.indirect.gather [hbm4b:s1+s14], $0x10, s18, s14, $0xb8;
	[tilespmem:$0x15310] =	vst v63  }
0x47: {  	s13 =	simm.s32 $0x1400  }
0x48: {  	[tilespmem:s13], [sflag:$0x1] =	stream.indirect.gather [hbm4b:s3+s14], $0x10, s21, s14, $0xb8;
	[tilespmem:$0x15310] =	vst v63  }
0x49: {  	s2 =	simm.s32 $0x3400  }
0x4a: {  	[tilespmem:s2], [sflag:$0x1] =	stream.indirect.gather [hbm4b:s1+s14], $0x10, s21, s14, $0xb8;
	[tilespmem:$0x15310] =	vst v63  }
0x4b: {  	s12 =	simm.s32 $0x1C00  }
0x4c: {  	[tilespmem:s12], [sflag:$0x1] =	stream.indirect.gather [hbm4b:s3+s14], $0x10, s24, s14, $0xb8;
	[tilespmem:$0x15310] =	vst v63  }
0x4d: {  	s13 =	simm.s32 $0x3C00  }
0x4e: {  	[tilespmem:s13], [sflag:$0x1] =	stream.indirect.gather [hbm4b:s1+s14], $0x10, s24, s14, $0xb8;
	[tilespmem:$0x15310] =	vst v63  }
0x4f: {  	_ =	swait.ge [sflag:s28], $0x800  }
0x50: {  	[sflag:s28] =	ssyncset.done $0x0  }
0x51: {  	[sflag:s28] =	ssyncadd.s32 $0xFFFFF800  }
0x52: {  	_ =	swait.ge [sflag:s28], $0x800  }
0x53: {  	[sflag:s28] =	ssyncset.done $0x0  }
0x54: {  	[sflag:s28] =	ssyncadd.s32 $0xFFFFF800  }
0x55: {  	_ =	swait.ge [sflag:s28], $0x800  }
0x56: {  	[sflag:s28] =	ssyncset.done $0x0  }
0x57: {  	[sflag:s28] =	ssyncadd.s32 $0xFFFFF800  }
0x58: {  	_ =	swait.ge [sflag:s28], $0x800  }
0x59: {  	[sflag:s28] =	ssyncset.done $0x0  }
0x5a: {  	[sflag:s28] =	ssyncadd.s32 $0xFFFFF800  }
0x5b: {  	_ =	swait.ge [sflag:s28], $0x800  }
0x5c: {  	[sflag:s28] =	ssyncset.done $0x0  }
0x5d: {  	[sflag:s28] =	ssyncadd.s32 $0xFFFFF800  }
0x5e: {  	_ =	swait.ge [sflag:s28], $0x800  }
0x5f: {  	[sflag:s28] =	ssyncset.done $0x0  }
0x60: {  	[sflag:s28] =	ssyncadd.s32 $0xFFFFF800  }
0x61: {  	_ =	swait.ge [sflag:s28], $0x800  }
0x62: {  	[sflag:s28] =	ssyncset.done $0x0  }
0x63: {  	[sflag:s28] =	ssyncadd.s32 $0xFFFFF800  }
0x64: {  	_ =	swait.ge [sflag:s28], $0x800  }
0x65: {  	[sflag:s28] =	ssyncset.done $0x0  }
0x66: {  	[sflag:s28] =	ssyncadd.s32 $0xFFFFF800  }
0x67: {  	v62 =	vld [tilespmem:s4+$0x0];
	_ =	sdelay $0x3  }
0x68: {  	v3 =	vor.u32 s4, v0  }
0x69: {  	v2 =	vshll.u32 v3, $0x4;
	v63 =	vand.u32 $0xF, v62  }
0x6a: {  	v6 =	vor.u32 v2, v63;
	_ =	sdelay $0x3  }
0x6b: {  	v7 =	vadd.s32 $0x1, v63;
	v2 =	vld [tilespmem:$0x15300]  }
0x6c: {  	v9 =	vshll.u32 v7, $0x4;
	v8 =	vld.idx.msk [tilespmem:v6+s16+$0x0], $0xffff  }
0x6d: {  	v9 =	vand.u32 $0x100, v9  }
0x6e: {  	v9 =	vadd.s32 v3, v9;
	v6 =	vld.idx.msk [tilespmem:v6+s17+$0x0], $0xffff  }
0x6f: {  	v7 =	vand.u32 $0xF, v7;
	v9 =	vshll.u32 v9, $0x4  }
0x70: {  	v7 =	vor.u32 v7, v9  }
0x71: {  	v8 =	vmul.u32 v2, v8;
	_ =	sdelay $0x1  }
0x72: {  	s0 =	simm.s32 $0x4470;
	v6 =	vadd.s32 v6, v8  }
0x73: {  	v12 =	vadd.s32 $0x2, v63;
	[tilespmem:s0+$0xFFFFFF90] =	vst v6  }
0x74: {  	v13 =	vshll.u32 v12, $0x4;
	v9 =	vld.idx.msk [tilespmem:v7+s16+$0x0], $0xffff  }
0x75: {  	v6 =	vand.u32 $0x100, v13  }
0x76: {  	v6 =	vadd.s32 v3, v6;
	v7 =	vld.idx.msk [tilespmem:v7+s17+$0x0], $0xffff  }
0x77: {  	v8 =	vand.u32 $0xF, v12;
	v6 =	vshll.u32 v6, $0x4  }
0x78: {  	v6 =	vor.u32 v8, v6  }
0x79: {  	v14 =	vmul.u32 v2, v9;
	_ =	sdelay $0x1  }
0x7a: {  	v7 =	vadd.s32 v7, v14  }
0x7b: {  	v15 =	vadd.s32 $0x3, v63;
	[tilespmem:s0+$0xFFFFFFA0] =	vst v7  }
0x7c: {  	v16 =	vshll.u32 v15, $0x4;
	v17 =	vld.idx.msk [tilespmem:v6+s16+$0x0], $0xffff  }
0x7d: {  	v7 =	vand.u32 $0x100, v16  }
0x7e: {  	v7 =	vadd.s32 v3, v7;
	v6 =	vld.idx.msk [tilespmem:v6+s17+$0x0], $0xffff  }
0x7f: {  	v8 =	vand.u32 $0xF, v15;
	v7 =	vshll.u32 v7, $0x4  }
0x80: {  	v7 =	vor.u32 v8, v7  }
0x81: {  	v18 =	vmul.u32 v2, v17;
	_ =	sdelay $0x1  }
0x82: {  	v6 =	vadd.s32 v6, v18  }
0x83: {  	v19 =	vadd.s32 $0x4, v63;
	[tilespmem:s0+$0xFFFFFFB0] =	vst v6  }
0x84: {  	v20 =	vshll.u32 v19, $0x4;
	v21 =	vld.idx.msk [tilespmem:v7+s16+$0x0], $0xffff  }
0x85: {  	v6 =	vand.u32 $0x100, v20  }
0x86: {  	v6 =	vadd.s32 v3, v6;
	v7 =	vld.idx.msk [tilespmem:v7+s17+$0x0], $0xffff  }
0x87: {  	v8 =	vand.u32 $0xF, v19;
	v6 =	vshll.u32 v6, $0x4  }
0x88: {  	v6 =	vor.u32 v8, v6  }
0x89: {  	v22 =	vmul.u32 v2, v21;
	_ =	sdelay $0x1  }
0x8a: {  	v7 =	vadd.s32 v7, v22  }
0x8b: {  	v23 =	vadd.s32 $0x5, v63;
	[tilespmem:s0+$0xFFFFFFC0] =	vst v7  }
0x8c: {  	v24 =	vshll.u32 v23, $0x4;
	v25 =	vld.idx.msk [tilespmem:v6+s16+$0x0], $0xffff  }
0x8d: {  	v7 =	vand.u32 $0x100, v24  }
0x8e: {  	v7 =	vadd.s32 v3, v7;
	v6 =	vld.idx.msk [tilespmem:v6+s17+$0x0], $0xffff  }
0x8f: {  	v8 =	vand.u32 $0xF, v23;
	v7 =	vshll.u32 v7, $0x4  }
0x90: {  	v7 =	vor.u32 v8, v7  }
0x91: {  	v26 =	vmul.u32 v2, v25;
	_ =	sdelay $0x1  }
0x92: {  	v6 =	vadd.s32 v6, v26  }
0x93: {  	v27 =	vadd.s32 $0x6, v63;
	[tilespmem:s0+$0xFFFFFFD0] =	vst v6  }
0x94: {  	v28 =	vshll.u32 v27, $0x4;
	v29 =	vld.idx.msk [tilespmem:v7+s16+$0x0], $0xffff  }
0x95: {  	v6 =	vand.u32 $0x100, v28  }
0x96: {  	v6 =	vadd.s32 v3, v6;
	v7 =	vld.idx.msk [tilespmem:v7+s17+$0x0], $0xffff  }
0x97: {  	v8 =	vand.u32 $0xF, v27;
	v6 =	vshll.u32 v6, $0x4  }
0x98: {  	v6 =	vor.u32 v8, v6  }
0x99: {  	v30 =	vmul.u32 v2, v29;
	_ =	sdelay $0x1  }
0x9a: {  	v7 =	vadd.s32 v7, v30  }
0x9b: {  	v31 =	vadd.s32 $0x7, v63;
	[tilespmem:s0+$0xFFFFFFE0] =	vst v7  }
0x9c: {  	v32 =	vshll.u32 v31, $0x4;
	v33 =	vld.idx.msk [tilespmem:v6+s16+$0x0], $0xffff  }
0x9d: {  	v7 =	vand.u32 $0x100, v32  }
0x9e: {  	v7 =	vadd.s32 v3, v7;
	v6 =	vld.idx.msk [tilespmem:v6+s17+$0x0], $0xffff  }
0x9f: {  	v8 =	vand.u32 $0xF, v31;
	v7 =	vshll.u32 v7, $0x4  }
0xa0: {  	v7 =	vor.u32 v8, v7  }
0xa1: {  	v34 =	vmul.u32 v2, v33;
	_ =	sdelay $0x1  }
0xa2: {  	v35 =	vadd.s32 $0x8, v63;
	v6 =	vadd.s32 v6, v34  }
0xa3: {  	v36 =	vshll.u32 v35, $0x4;
	[tilespmem:s0+$0xFFFFFFF0] =	vst v6  }
0xa4: {  	v37 =	vand.u32 $0x100, v36;
	v38 =	vld.idx.msk [tilespmem:v7+s16+$0x0], $0xffff  }
0xa5: {  	v6 =	vadd.s32 v3, v37  }
0xa6: {  	v9 =	vand.u32 $0x8, v35;
	v6 =	vshll.u32 v6, $0x4;
	v7 =	vld.idx.msk [tilespmem:v7+s17+$0x0], $0xffff  }
0xa7: {  	v5 =	vand.u32 $0x7, v62;
	v6 =	vor.u32 v9, v6  }
0xa8: {  	v5 =	vor.u32 v5, v6  }
0xa9: {  	v39 =	vmul.u32 v2, v38;
	_ =	sdelay $0x1  }
0xaa: {  	v6 =	vadd.s32 v7, v39  }
0xab: {  	v40 =	vadd.s32 $0x9, v63;
	[tilespmem:s0+$0x0] =	vst v6  }
0xac: {  	v41 =	vshll.u32 v40, $0x4;
	v42 =	vld.idx.msk [tilespmem:v5+s16+$0x0], $0xffff  }
0xad: {  	v6 =	vand.u32 $0x100, v41  }
0xae: {  	v6 =	vadd.s32 v3, v6;
	v5 =	vld.idx.msk [tilespmem:v5+s17+$0x0], $0xffff  }
0xaf: {  	v7 =	vand.u32 $0xF, v40;
	v6 =	vshll.u32 v6, $0x4  }
0xb0: {  	v6 =	vor.u32 v7, v6  }
0xb1: {  	v43 =	vmul.u32 v2, v42;
	_ =	sdelay $0x1  }
0xb2: {  	v5 =	vadd.s32 v5, v43  }
0xb3: {  	v44 =	vadd.s32 $0xA, v63;
	[tilespmem:s0+$0x10] =	vst v5  }
0xb4: {  	v45 =	vshll.u32 v44, $0x4;
	v46 =	vld.idx.msk [tilespmem:v6+s16+$0x0], $0xffff  }
0xb5: {  	v5 =	vand.u32 $0x100, v45  }
0xb6: {  	v5 =	vadd.s32 v3, v5;
	v6 =	vld.idx.msk [tilespmem:v6+s17+$0x0], $0xffff  }
0xb7: {  	v7 =	vand.u32 $0xF, v44;
	v5 =	vshll.u32 v5, $0x4  }
0xb8: {  	v5 =	vor.u32 v7, v5  }
0xb9: {  	v47 =	vmul.u32 v2, v46;
	_ =	sdelay $0x1  }
0xba: {  	v6 =	vadd.s32 v6, v47  }
0xbb: {  	v48 =	vadd.s32 $0xB, v63;
	[tilespmem:s0+$0x20] =	vst v6  }
0xbc: {  	v49 =	vshll.u32 v48, $0x4;
	v50 =	vld.idx.msk [tilespmem:v5+s16+$0x0], $0xffff  }
0xbd: {  	v6 =	vand.u32 $0x100, v49  }
0xbe: {  	v6 =	vadd.s32 v3, v6;
	v5 =	vld.idx.msk [tilespmem:v5+s17+$0x0], $0xffff  }
0xbf: {  	v7 =	vand.u32 $0xF, v48;
	v6 =	vshll.u32 v6, $0x4  }
0xc0: {  	v6 =	vor.u32 v7, v6  }
0xc1: {  	v51 =	vmul.u32 v2, v50;
	_ =	sdelay $0x1  }
0xc2: {  	v5 =	vadd.s32 v5, v51  }
0xc3: {  	v52 =	vadd.s32 $0xC, v63;
	[tilespmem:s0+$0x30] =	vst v5  }
0xc4: {  	v53 =	vshll.u32 v52, $0x4;
	v54 =	vld.idx.msk [tilespmem:v6+s16+$0x0], $0xffff  }
0xc5: {  	v5 =	vand.u32 $0x100, v53  }
0xc6: {  	v5 =	vadd.s32 v3, v5;
	v6 =	vld.idx.msk [tilespmem:v6+s17+$0x0], $0xffff  }
0xc7: {  	v7 =	vand.u32 $0xF, v52;
	v5 =	vshll.u32 v5, $0x4  }
0xc8: {  	v5 =	vor.u32 v7, v5  }
0xc9: {  	v55 =	vmul.u32 v2, v54;
	_ =	sdelay $0x1  }
0xca: {  	v6 =	vadd.s32 v6, v55  }
0xcb: {  	v56 =	vadd.s32 $0xD, v63;
	[tilespmem:s0+$0x40] =	vst v6  }
0xcc: {  	v57 =	vshll.u32 v56, $0x4;
	v58 =	vld.idx.msk [tilespmem:v5+s16+$0x0], $0xffff  }
0xcd: {  	v6 =	vand.u32 $0x100, v57  }
0xce: {  	v6 =	vadd.s32 v3, v6;
	v5 =	vld.idx.msk [tilespmem:v5+s17+$0x0], $0xffff  }
0xcf: {  	v7 =	vand.u32 $0xF, v56;
	v6 =	vshll.u32 v6, $0x4  }
0xd0: {  	v6 =	vor.u32 v7, v6  }
0xd1: {  	v59 =	vmul.u32 v2, v58;
	_ =	sdelay $0x1  }
0xd2: {  	v5 =	vadd.s32 v5, v59  }
0xd3: {  	v4 =	vadd.s32 $0xE, v63;
	[tilespmem:s0+$0x50] =	vst v5  }
0xd4: {  	v60 =	vshll.u32 v4, $0x4;
	v61 =	vld.idx.msk [tilespmem:v6+s16+$0x0], $0xffff  }
0xd5: {  	v5 =	vand.u32 $0x100, v60  }
0xd6: {  	v3 =	vadd.s32 v3, v5;
	v62 =	vld.idx.msk [tilespmem:v6+s17+$0x0], $0xffff  }
0xd7: {  	v4 =	vand.u32 $0xF, v4;
	v3 =	vshll.u32 v3, $0x4  }
0xd8: {  	v3 =	vor.u32 v4, v3  }
0xd9: {  	v63 =	vmul.u32 v2, v61;
	_ =	sdelay $0x1  }
0xda: {  	v4 =	vadd.s32 v62, v63  }
0xdb: {  	[tilespmem:s0+$0x60] =	vst v4  }
0xdc: {  	v4 =	vld.idx.msk [tilespmem:v3+s16+$0x0], $0xffff;
	_ =	sdelay $0x1  }
0xdd: {  	v3 =	vld.idx.msk [tilespmem:v3+s17+$0x0], $0xffff;
	_ =	sdelay $0x2  }
0xde: {  	v2 =	vmul.u32 v2, v4;
	_ =	sdelay $0x1  }
0xdf: {  	s2 =	simm.s32 $0x10;
	s12 =	simm.s32 $0x0;
	v2 =	vadd.s32 v3, v2  }
.LBB2_2:
0xe0: {  	p0 =	sne.s32 s2, $0xF0;
	[tilespmem:s0+$0x70] =	vst v2;
	s12 =	sadd.s32 $0x10, s12;
	s0 =	sadd.s32 $0xF0, s0  }
0xe1: {  	s13 =	smov.u32 s2;
	s2 =	sadd.s32 $0x10, s2;
	v3 =	vld [tilespmem:s12+$0x0];
	_ =	sdelay $0x3  }
0xe2: {  	v7 =	vor.u32 s13, v0  }
0xe3: {  	v2 =	vshll.u32 v7, $0x4;
	v4 =	vand.u32 $0xF, v3  }
0xe4: {  	v5 =	vor.u32 v2, v4;
	v6 =	vadd.s32 $0x1, v4;
	v8 =	vadd.s32 $0x2, v4  }
0xe5: {  	v21 =	vadd.s32 $0x3, v4;
	v2 =	vshll.u32 v6, $0x4;
	v9 =	vshll.u32 v8, $0x4  }
0xe6: {  	v10 =	vshll.u32 v21, $0x4;
	v2 =	vand.u32 $0x100, v2;
	v9 =	vand.u32 $0x100, v9  }
0xe7: {  	v10 =	vand.u32 $0x100, v10;
	v2 =	vadd.s32 v7, v2;
	v9 =	vadd.s32 v7, v9  }
0xe8: {  	v11 =	vshll.u32 v2, $0x4;
	v13 =	vshll.u32 v9, $0x4;
	v2 =	vadd.s32 v7, v10  }
0xe9: {  	v23 =	vadd.s32 $0x4, v4;
	v19 =	vadd.s32 $0x5, v4;
	v9 =	vld.idx.msk [tilespmem:v5+s16+$0x0], $0xffff;
	v22 =	vshll.u32 v2, $0x4  }
0xea: {  	v16 =	vadd.s32 $0x6, v4;
	v12 =	vshll.u32 v19, $0x4;
	v10 =	vshll.u32 v23, $0x4;
	v2 =	vld [tilespmem:$0x15300]  }
0xeb: {  	v14 =	vshll.u32 v16, $0x4;
	v12 =	vand.u32 $0x100, v12;
	v10 =	vand.u32 $0x100, v10;
	v5 =	vld.idx.msk [tilespmem:v5+s17+$0x0], $0xffff  }
0xec: {  	v14 =	vand.u32 $0x100, v14;
	v12 =	vadd.s32 v7, v12;
	v10 =	vadd.s32 v7, v10  }
0xed: {  	v6 =	vand.u32 $0xF, v6;
	v25 =	vshll.u32 v12, $0x4;
	v24 =	vshll.u32 v10, $0x4  }
0xee: {  	v17 =	vadd.s32 $0x7, v4;
	v6 =	vor.u32 v6, v11;
	v10 =	vadd.s32 v7, v14  }
0xef: {  	v26 =	vshll.u32 v10, $0x4;
	v10 =	vshll.u32 v17, $0x4;
	v9 =	vmul.u32 v2, v9  }
0xf0: {  	v12 =	vadd.s32 $0x9, v4;
	v11 =	vadd.s32 $0x8, v4;
	v10 =	vand.u32 $0x100, v10  }
0xf1: {  	v5 =	vadd.s32 v5, v9;
	v9 =	vadd.s32 v7, v10;
	v10 =	vshll.u32 v11, $0x4  }
0xf2: {  	[tilespmem:s0+$0xFFFFFF90] =	vst v5;
	v20 =	vshll.u32 v9, $0x4;
	v5 =	vand.u32 $0x100, v10;
	v9 =	vshll.u32 v12, $0x4  }
0xf3: {  	v10 =	vadd.s32 $0xA, v4;
	v27 =	vld.idx.msk [tilespmem:v6+s16+$0x0], $0xffff;
	v5 =	vadd.s32 v7, v5;
	v9 =	vand.u32 $0x100, v9  }
0xf4: {  	v11 =	vand.u32 $0x8, v11;
	v5 =	vshll.u32 v5, $0x4;
	v9 =	vadd.s32 v7, v9  }
0xf5: {  	v28 =	vld.idx.msk [tilespmem:v6+s17+$0x0], $0xffff;
	v18 =	vor.u32 v11, v5;
	v15 =	vshll.u32 v9, $0x4;
	v5 =	vshll.u32 v10, $0x4  }
0xf6: {  	v9 =	vadd.s32 $0xB, v4;
	v6 =	vadd.s32 $0xC, v4;
	v5 =	vand.u32 $0x100, v5  }
0xf7: {  	v8 =	vand.u32 $0xF, v8;
	v11 =	vshll.u32 v9, $0x4;
	v5 =	vadd.s32 v7, v5  }
0xf8: {  	v29 =	vor.u32 v8, v13;
	v14 =	vshll.u32 v5, $0x4;
	v5 =	vand.u32 $0x100, v11  }
0xf9: {  	v8 =	vmul.u32 v2, v27;
	v11 =	vshll.u32 v6, $0x4;
	v5 =	vadd.s32 v7, v5  }
0xfa: {  	v11 =	vand.u32 $0x100, v11;
	v13 =	vshll.u32 v5, $0x4;
	v5 =	vadd.s32 $0xD, v4  }
0xfb: {  	v8 =	vadd.s32 v28, v8;
	v11 =	vadd.s32 v7, v11;
	v27 =	vshll.u32 v5, $0x4  }
0xfc: {  	v4 =	vadd.s32 $0xE, v4;
	v11 =	vshll.u32 v11, $0x4;
	[tilespmem:s0+$0xFFFFFFA0] =	vst v8;
	v8 =	vand.u32 $0x100, v27  }
0xfd: {  	v28 =	vshll.u32 v4, $0x4;
	v27 =	vld.idx.msk [tilespmem:v29+s16+$0x0], $0xffff;
	v8 =	vadd.s32 v7, v8  }
0xfe: {  	v28 =	vand.u32 $0x100, v28;
	v8 =	vshll.u32 v8, $0x4  }
0xff: {  	v7 =	vadd.s32 v7, v28;
	v29 =	vld.idx.msk [tilespmem:v29+s17+$0x0], $0xffff  }
0x100: {  	v7 =	vshll.u32 v7, $0x4  }
0x101: {  	v21 =	vand.u32 $0xF, v21  }
0x102: {  	v21 =	vor.u32 v21, v22  }
0x103: {  	v22 =	vmul.u32 v2, v27;
	_ =	sdelay $0x1  }
0x104: {  	v22 =	vadd.s32 v29, v22  }
0x105: {  	[tilespmem:s0+$0xFFFFFFB0] =	vst v22  }
0x106: {  	v22 =	vld.idx.msk [tilespmem:v21+s16+$0x0], $0xffff;
	_ =	sdelay $0x1  }
0x107: {  	v21 =	vld.idx.msk [tilespmem:v21+s17+$0x0], $0xffff;
	_ =	sdelay $0x1  }
0x108: {  	v23 =	vand.u32 $0xF, v23  }
0x109: {  	v23 =	vor.u32 v23, v24  }
0x10a: {  	v22 =	vmul.u32 v2, v22;
	_ =	sdelay $0x1  }
0x10b: {  	v21 =	vadd.s32 v21, v22  }
0x10c: {  	[tilespmem:s0+$0xFFFFFFC0] =	vst v21  }
0x10d: {  	v21 =	vld.idx.msk [tilespmem:v23+s16+$0x0], $0xffff;
	_ =	sdelay $0x1  }
0x10e: {  	v22 =	vld.idx.msk [tilespmem:v23+s17+$0x0], $0xffff;
	_ =	sdelay $0x1  }
0x10f: {  	v19 =	vand.u32 $0xF, v19  }
0x110: {  	v19 =	vor.u32 v19, v25  }
0x111: {  	v21 =	vmul.u32 v2, v21;
	_ =	sdelay $0x1  }
0x112: {  	v21 =	vadd.s32 v22, v21  }
0x113: {  	[tilespmem:s0+$0xFFFFFFD0] =	vst v21  }
0x114: {  	v21 =	vld.idx.msk [tilespmem:v19+s16+$0x0], $0xffff;
	_ =	sdelay $0x1  }
0x115: {  	v19 =	vld.idx.msk [tilespmem:v19+s17+$0x0], $0xffff;
	_ =	sdelay $0x1  }
0x116: {  	v16 =	vand.u32 $0xF, v16  }
0x117: {  	v16 =	vor.u32 v16, v26  }
0x118: {  	v21 =	vmul.u32 v2, v21;
	_ =	sdelay $0x1  }
0x119: {  	v19 =	vadd.s32 v19, v21  }
0x11a: {  	[tilespmem:s0+$0xFFFFFFE0] =	vst v19  }
0x11b: {  	v19 =	vld.idx.msk [tilespmem:v16+s16+$0x0], $0xffff;
	_ =	sdelay $0x1  }
0x11c: {  	v16 =	vld.idx.msk [tilespmem:v16+s17+$0x0], $0xffff;
	_ =	sdelay $0x1  }
0x11d: {  	v17 =	vand.u32 $0xF, v17  }
0x11e: {  	v17 =	vor.u32 v17, v20  }
0x11f: {  	v19 =	vmul.u32 v2, v19;
	_ =	sdelay $0x1  }
0x120: {  	v16 =	vadd.s32 v16, v19  }
0x121: {  	[tilespmem:s0+$0xFFFFFFF0] =	vst v16  }
0x122: {  	v16 =	vld.idx.msk [tilespmem:v17+s16+$0x0], $0xffff;
	_ =	sdelay $0x1  }
0x123: {  	v17 =	vld.idx.msk [tilespmem:v17+s17+$0x0], $0xffff;
	_ =	sdelay $0x1  }
0x124: {  	v3 =	vand.u32 $0x7, v3  }
0x125: {  	v3 =	vor.u32 v3, v18  }
0x126: {  	v16 =	vmul.u32 v2, v16;
	_ =	sdelay $0x1  }
0x127: {  	v16 =	vadd.s32 v17, v16  }
0x128: {  	[tilespmem:s0+$0x0] =	vst v16  }
0x129: {  	v16 =	vld.idx.msk [tilespmem:v3+s16+$0x0], $0xffff;
	_ =	sdelay $0x1  }
0x12a: {  	v3 =	vld.idx.msk [tilespmem:v3+s17+$0x0], $0xffff;
	_ =	sdelay $0x1  }
0x12b: {  	v12 =	vand.u32 $0xF, v12  }
0x12c: {  	v12 =	vor.u32 v12, v15  }
0x12d: {  	v15 =	vmul.u32 v2, v16;
	_ =	sdelay $0x1  }
0x12e: {  	v3 =	vadd.s32 v3, v15  }
0x12f: {  	[tilespmem:s0+$0x10] =	vst v3  }
0x130: {  	v3 =	vld.idx.msk [tilespmem:v12+s16+$0x0], $0xffff  }
0x131: {  	v12 =	vld.idx.msk [tilespmem:v12+s17+$0x0], $0xffff;
	_ =	sdelay $0x2  }
0x132: {  	v10 =	vand.u32 $0xF, v10  }
0x133: {  	v10 =	vor.u32 v10, v14  }
0x134: {  	v3 =	vmul.u32 v2, v3;
	_ =	sdelay $0x1  }
0x135: {  	v3 =	vadd.s32 v12, v3  }
0x136: {  	[tilespmem:s0+$0x20] =	vst v3  }
0x137: {  	v3 =	vld.idx.msk [tilespmem:v10+s16+$0x0], $0xffff  }
0x138: {  	v10 =	vld.idx.msk [tilespmem:v10+s17+$0x0], $0xffff;
	_ =	sdelay $0x2  }
0x139: {  	v9 =	vand.u32 $0xF, v9  }
0x13a: {  	v9 =	vor.u32 v9, v13  }
0x13b: {  	v3 =	vmul.u32 v2, v3;
	_ =	sdelay $0x1  }
0x13c: {  	v3 =	vadd.s32 v10, v3  }
0x13d: {  	[tilespmem:s0+$0x30] =	vst v3  }
0x13e: {  	v3 =	vld.idx.msk [tilespmem:v9+s16+$0x0], $0xffff  }
0x13f: {  	v9 =	vld.idx.msk [tilespmem:v9+s17+$0x0], $0xffff;
	_ =	sdelay $0x2  }
0x140: {  	v6 =	vand.u32 $0xF, v6  }
0x141: {  	v6 =	vor.u32 v6, v11  }
0x142: {  	v3 =	vmul.u32 v2, v3;
	_ =	sdelay $0x1  }
0x143: {  	v3 =	vadd.s32 v9, v3  }
0x144: {  	[tilespmem:s0+$0x40] =	vst v3  }
0x145: {  	v3 =	vld.idx.msk [tilespmem:v6+s16+$0x0], $0xffff  }
0x146: {  	v6 =	vld.idx.msk [tilespmem:v6+s17+$0x0], $0xffff;
	_ =	sdelay $0x2  }
0x147: {  	v5 =	vand.u32 $0xF, v5  }
0x148: {  	v5 =	vor.u32 v5, v8  }
0x149: {  	v3 =	vmul.u32 v2, v3;
	_ =	sdelay $0x1  }
0x14a: {  	v3 =	vadd.s32 v6, v3  }
0x14b: {  	[tilespmem:s0+$0x50] =	vst v3  }
0x14c: {  	v3 =	vld.idx.msk [tilespmem:v5+s16+$0x0], $0xffff  }
0x14d: {  	v5 =	vld.idx.msk [tilespmem:v5+s17+$0x0], $0xffff;
	_ =	sdelay $0x2  }
0x14e: {  	v4 =	vand.u32 $0xF, v4  }
0x14f: {  	v4 =	vor.u32 v4, v7  }
0x150: {  	v3 =	vmul.u32 v2, v3;
	_ =	sdelay $0x1  }
0x151: {  	v3 =	vadd.s32 v5, v3  }
0x152: {  	[tilespmem:s0+$0x60] =	vst v3  }
0x153: {  	v3 =	vld.idx.msk [tilespmem:v4+s16+$0x0], $0xffff  }
0x154: {  	v4 =	vld.idx.msk [tilespmem:v4+s17+$0x0], $0xffff;
	_ =	sdelay $0x2  }
.Ltmp0:
0x155: {  	(pc) =	sbr.rel @p0 .LBB2_2-.Ltmp0, $3  }
0x156: {  	_ = 	snop  }
0x157: {  	v2 =	vmul.u32 v2, v3;
	_ =	sdelay $0x1  }
0x158: {  	v2 =	vadd.s32 v4, v2  }
0x159: {  	[tilespmem:s0+$0x70] =	vst v2;
	s12 =	simm.s32 $0x4400  }
0x15a: {  	[tilespmem:s30], [sflag:$0x2] =	stream.indirect.gather [hbm4b:s5+s14], $0x10, s12, s14, $0xb8;
	[tilespmem:$0x15310] =	vst v63  }
0x15b: {  	s13 =	simm.s32 $0x4480;
	s2 =	simm.s32 $0x5B00  }
0x15c: {  	[tilespmem:s2], [sflag:$0x2] =	stream.indirect.gather [hbm4b:s5+s14], $0x10, s13, s14, $0xb8;
	[tilespmem:$0x15310] =	vst v63  }
0x15d: {  	s12 =	simm.s32 $0x4500;
	s13 =	simm.s32 $0x6300  }
0x15e: {  	[tilespmem:s13], [sflag:$0x2] =	stream.indirect.gather [hbm4b:s5+s14], $0x10, s12, s14, $0xb8;
	[tilespmem:$0x15310] =	vst v63  }
0x15f: {  	s12 =	simm.s32 $0x4580;
	s13 =	simm.s32 $0x6B00  }
0x160: {  	[tilespmem:s13], [sflag:$0x2] =	stream.indirect.gather [hbm4b:s5+s14], $0x10, s12, s14, $0xb8;
	[tilespmem:$0x15310] =	vst v63  }
0x161: {  	s12 =	simm.s32 $0x4600;
	s13 =	simm.s32 $0x7300  }
0x162: {  	[tilespmem:s13], [sflag:$0x2] =	stream.indirect.gather [hbm4b:s5+s14], $0x10, s12, s14, $0xb8;
	[tilespmem:$0x15310] =	vst v63  }
0x163: {  	s12 =	simm.s32 $0x4680;
	s13 =	simm.s32 $0x7B00  }
0x164: {  	[tilespmem:s13], [sflag:$0x2] =	stream.indirect.gather [hbm4b:s5+s14], $0x10, s12, s14, $0xb8;
	[tilespmem:$0x15310] =	vst v63  }
0x165: {  	s12 =	simm.s32 $0x4700;
	s13 =	simm.s32 $0x8300  }
0x166: {  	[tilespmem:s13], [sflag:$0x2] =	stream.indirect.gather [hbm4b:s5+s14], $0x10, s12, s14, $0xb8;
	[tilespmem:$0x15310] =	vst v63  }
0x167: {  	s12 =	simm.s32 $0x4780;
	s13 =	simm.s32 $0x8B00  }
0x168: {  	[tilespmem:s13], [sflag:$0x2] =	stream.indirect.gather [hbm4b:s5+s14], $0x10, s12, s14, $0xb8;
	[tilespmem:$0x15310] =	vst v63  }
0x169: {  	s12 =	simm.s32 $0x4800;
	s13 =	simm.s32 $0x9300  }
0x16a: {  	[tilespmem:s13], [sflag:$0x2] =	stream.indirect.gather [hbm4b:s5+s14], $0x10, s12, s14, $0xb8;
	[tilespmem:$0x15310] =	vst v63  }
0x16b: {  	s12 =	simm.s32 $0x4880;
	s13 =	simm.s32 $0x9B00  }
0x16c: {  	[tilespmem:s13], [sflag:$0x2] =	stream.indirect.gather [hbm4b:s5+s14], $0x10, s12, s14, $0xb8;
	[tilespmem:$0x15310] =	vst v63  }
0x16d: {  	s12 =	simm.s32 $0x4900;
	s13 =	simm.s32 $0xA300  }
0x16e: {  	[tilespmem:s13], [sflag:$0x2] =	stream.indirect.gather [hbm4b:s5+s14], $0x10, s12, s14, $0xb8;
	[tilespmem:$0x15310] =	vst v63  }
0x16f: {  	s12 =	simm.s32 $0x4980;
	s13 =	simm.s32 $0xAB00  }
0x170: {  	[tilespmem:s13], [sflag:$0x2] =	stream.indirect.gather [hbm4b:s5+s14], $0x10, s12, s14, $0xb8;
	[tilespmem:$0x15310] =	vst v63  }
0x171: {  	s12 =	simm.s32 $0x4A00;
	s13 =	simm.s32 $0xB300  }
0x172: {  	[tilespmem:s13], [sflag:$0x2] =	stream.indirect.gather [hbm4b:s5+s14], $0x10, s12, s14, $0xb8;
	[tilespmem:$0x15310] =	vst v63  }
0x173: {  	s12 =	simm.s32 $0x4A80;
	s13 =	simm.s32 $0xBB00  }
0x174: {  	[tilespmem:s13], [sflag:$0x2] =	stream.indirect.gather [hbm4b:s5+s14], $0x10, s12, s14, $0xb8;
	[tilespmem:$0x15310] =	vst v63  }
0x175: {  	s12 =	simm.s32 $0x4B00;
	s13 =	simm.s32 $0xC300  }
0x176: {  	[tilespmem:s13], [sflag:$0x2] =	stream.indirect.gather [hbm4b:s5+s14], $0x10, s12, s14, $0xb8;
	[tilespmem:$0x15310] =	vst v63  }
0x177: {  	s12 =	simm.s32 $0x4B80;
	s13 =	simm.s32 $0xCB00  }
0x178: {  	[tilespmem:s13], [sflag:$0x2] =	stream.indirect.gather [hbm4b:s5+s14], $0x10, s12, s14, $0xb8;
	[tilespmem:$0x15310] =	vst v63  }
0x179: {  	s12 =	simm.s32 $0x4C00;
	s13 =	simm.s32 $0xD300  }
0x17a: {  	[tilespmem:s13], [sflag:$0x2] =	stream.indirect.gather [hbm4b:s5+s14], $0x10, s12, s14, $0xb8;
	[tilespmem:$0x15310] =	vst v63  }
0x17b: {  	s12 =	simm.s32 $0x4C80;
	s13 =	simm.s32 $0xDB00  }
0x17c: {  	[tilespmem:s13], [sflag:$0x2] =	stream.indirect.gather [hbm4b:s5+s14], $0x10, s12, s14, $0xb8;
	[tilespmem:$0x15310] =	vst v63  }
0x17d: {  	s12 =	simm.s32 $0x4D00;
	s13 =	simm.s32 $0xE300  }
0x17e: {  	[tilespmem:s13], [sflag:$0x2] =	stream.indirect.gather [hbm4b:s5+s14], $0x10, s12, s14, $0xb8;
	[tilespmem:$0x15310] =	vst v63  }
0x17f: {  	s12 =	simm.s32 $0x4D80;
	s13 =	simm.s32 $0xEB00  }
0x180: {  	[tilespmem:s13], [sflag:$0x2] =	stream.indirect.gather [hbm4b:s5+s14], $0x10, s12, s14, $0xb8;
	[tilespmem:$0x15310] =	vst v63  }
0x181: {  	s12 =	simm.s32 $0x4E00;
	s13 =	simm.s32 $0xF300  }
0x182: {  	[tilespmem:s13], [sflag:$0x2] =	stream.indirect.gather [hbm4b:s5+s14], $0x10, s12, s14, $0xb8;
	[tilespmem:$0x15310] =	vst v63  }
0x183: {  	s12 =	simm.s32 $0x4E80;
	s13 =	simm.s32 $0xFB00  }
0x184: {  	[tilespmem:s13], [sflag:$0x2] =	stream.indirect.gather [hbm4b:s5+s14], $0x10, s12, s14, $0xb8;
	[tilespmem:$0x15310] =	vst v63  }
0x185: {  	s12 =	simm.s32 $0x4F00;
	s13 =	simm.s32 $0x10300  }
0x186: {  	[tilespmem:s13], [sflag:$0x2] =	stream.indirect.gather [hbm4b:s5+s14], $0x10, s12, s14, $0xb8;
	[tilespmem:$0x15310] =	vst v63  }
0x187: {  	s12 =	simm.s32 $0x4F80;
	s13 =	simm.s32 $0x10B00  }
0x188: {  	[tilespmem:s13], [sflag:$0x2] =	stream.indirect.gather [hbm4b:s5+s14], $0x10, s12, s14, $0xb8;
	[tilespmem:$0x15310] =	vst v63  }
0x189: {  	s12 =	simm.s32 $0x5000;
	s13 =	simm.s32 $0x11300  }
0x18a: {  	[tilespmem:s13], [sflag:$0x2] =	stream.indirect.gather [hbm4b:s5+s14], $0x10, s12, s14, $0xb8;
	[tilespmem:$0x15310] =	vst v63  }
0x18b: {  	s12 =	simm.s32 $0x5080;
	s13 =	simm.s32 $0x11B00  }
0x18c: {  	[tilespmem:s13], [sflag:$0x2] =	stream.indirect.gather [hbm4b:s5+s14], $0x10, s12, s14, $0xb8;
	[tilespmem:$0x15310] =	vst v63  }
0x18d: {  	s2 =	simm.s32 $0x5100;
	s12 =	simm.s32 $0x12300  }
0x18e: {  	[tilespmem:s12], [sflag:$0x2] =	stream.indirect.gather [hbm4b:s5+s14], $0x10, s2, s14, $0xb8;
	[tilespmem:$0x15310] =	vst v63  }
0x18f: {  	s13 =	simm.s32 $0x5180  }
0x190: {  	[tilespmem:s19], [sflag:$0x2] =	stream.indirect.gather [hbm4b:s5+s14], $0x10, s13, s14, $0xb8;
	[tilespmem:$0x15310] =	vst v63  }
0x191: {  	_ = 	snop  }
0x192: {  	[tilespmem:s22], [sflag:$0x2] =	stream.indirect.gather [hbm4b:s5+s14], $0x10, s20, s14, $0xb8;
	[tilespmem:$0x15310] =	vst v63  }
0x193: {  	_ = 	snop  }
0x194: {  	[tilespmem:s25], [sflag:$0x2] =	stream.indirect.gather [hbm4b:s5+s14], $0x10, s23, s14, $0xb8;
	[tilespmem:$0x15310] =	vst v63  }
0x195: {  	_ =	swait.ge [sflag:s26], $0x800  }
0x196: {  	[sflag:s26] =	ssyncset.done $0x0  }
0x197: {  	[sflag:s26] =	ssyncadd.s32 $0xFFFFF800  }
0x198: {  	_ =	swait.ge [sflag:s26], $0x800  }
0x199: {  	[sflag:s26] =	ssyncset.done $0x0  }
0x19a: {  	[sflag:s26] =	ssyncadd.s32 $0xFFFFF800  }
0x19b: {  	_ =	swait.ge [sflag:s26], $0x800  }
0x19c: {  	[sflag:s26] =	ssyncset.done $0x0  }
0x19d: {  	[sflag:s26] =	ssyncadd.s32 $0xFFFFF800  }
0x19e: {  	_ =	swait.ge [sflag:s26], $0x800  }
0x19f: {  	[sflag:s26] =	ssyncset.done $0x0  }
0x1a0: {  	[sflag:s26] =	ssyncadd.s32 $0xFFFFF800  }
0x1a1: {  	_ =	swait.ge [sflag:s26], $0x800  }
0x1a2: {  	[sflag:s26] =	ssyncset.done $0x0  }
0x1a3: {  	[sflag:s26] =	ssyncadd.s32 $0xFFFFF800  }
0x1a4: {  	_ =	swait.ge [sflag:s26], $0x800  }
0x1a5: {  	[sflag:s26] =	ssyncset.done $0x0  }
0x1a6: {  	[sflag:s26] =	ssyncadd.s32 $0xFFFFF800  }
0x1a7: {  	_ =	swait.ge [sflag:s26], $0x800  }
0x1a8: {  	[sflag:s26] =	ssyncset.done $0x0  }
0x1a9: {  	[sflag:s26] =	ssyncadd.s32 $0xFFFFF800  }
0x1aa: {  	_ =	swait.ge [sflag:s26], $0x800  }
0x1ab: {  	[sflag:s26] =	ssyncset.done $0x0  }
0x1ac: {  	[sflag:s26] =	ssyncadd.s32 $0xFFFFF800  }
0x1ad: {  	_ =	swait.ge [sflag:s26], $0x800  }
0x1ae: {  	[sflag:s26] =	ssyncset.done $0x0  }
0x1af: {  	[sflag:s26] =	ssyncadd.s32 $0xFFFFF800  }
0x1b0: {  	_ =	swait.ge [sflag:s26], $0x800  }
0x1b1: {  	[sflag:s26] =	ssyncset.done $0x0  }
0x1b2: {  	[sflag:s26] =	ssyncadd.s32 $0xFFFFF800  }
0x1b3: {  	_ =	swait.ge [sflag:s26], $0x800  }
0x1b4: {  	[sflag:s26] =	ssyncset.done $0x0  }
0x1b5: {  	[sflag:s26] =	ssyncadd.s32 $0xFFFFF800  }
0x1b6: {  	_ =	swait.ge [sflag:s26], $0x800  }
0x1b7: {  	[sflag:s26] =	ssyncset.done $0x0  }
0x1b8: {  	[sflag:s26] =	ssyncadd.s32 $0xFFFFF800  }
0x1b9: {  	_ =	swait.ge [sflag:s26], $0x800  }
0x1ba: {  	[sflag:s26] =	ssyncset.done $0x0  }
0x1bb: {  	[sflag:s26] =	ssyncadd.s32 $0xFFFFF800  }
0x1bc: {  	_ =	swait.ge [sflag:s26], $0x800  }
0x1bd: {  	[sflag:s26] =	ssyncset.done $0x0  }
0x1be: {  	[sflag:s26] =	ssyncadd.s32 $0xFFFFF800  }
0x1bf: {  	_ =	swait.ge [sflag:s26], $0x800  }
0x1c0: {  	[sflag:s26] =	ssyncset.done $0x0  }
0x1c1: {  	[sflag:s26] =	ssyncadd.s32 $0xFFFFF800  }
0x1c2: {  	_ =	swait.ge [sflag:s26], $0x800  }
0x1c3: {  	[sflag:s26] =	ssyncset.done $0x0  }
0x1c4: {  	[sflag:s26] =	ssyncadd.s32 $0xFFFFF800  }
0x1c5: {  	_ =	swait.ge [sflag:s26], $0x800  }
0x1c6: {  	[sflag:s26] =	ssyncset.done $0x0  }
0x1c7: {  	[sflag:s26] =	ssyncadd.s32 $0xFFFFF800  }
0x1c8: {  	_ =	swait.ge [sflag:s26], $0x800  }
0x1c9: {  	[sflag:s26] =	ssyncset.done $0x0  }
0x1ca: {  	[sflag:s26] =	ssyncadd.s32 $0xFFFFF800  }
0x1cb: {  	_ =	swait.ge [sflag:s26], $0x800  }
0x1cc: {  	[sflag:s26] =	ssyncset.done $0x0  }
0x1cd: {  	[sflag:s26] =	ssyncadd.s32 $0xFFFFF800  }
0x1ce: {  	_ =	swait.ge [sflag:s26], $0x800  }
0x1cf: {  	[sflag:s26] =	ssyncset.done $0x0  }
0x1d0: {  	[sflag:s26] =	ssyncadd.s32 $0xFFFFF800  }
0x1d1: {  	_ =	swait.ge [sflag:s26], $0x800  }
0x1d2: {  	[sflag:s26] =	ssyncset.done $0x0  }
0x1d3: {  	[sflag:s26] =	ssyncadd.s32 $0xFFFFF800  }
0x1d4: {  	_ =	swait.ge [sflag:s26], $0x800  }
0x1d5: {  	[sflag:s26] =	ssyncset.done $0x0  }
0x1d6: {  	[sflag:s26] =	ssyncadd.s32 $0xFFFFF800  }
0x1d7: {  	_ =	swait.ge [sflag:s26], $0x800  }
0x1d8: {  	[sflag:s26] =	ssyncset.done $0x0  }
0x1d9: {  	[sflag:s26] =	ssyncadd.s32 $0xFFFFF800  }
0x1da: {  	_ =	swait.ge [sflag:s26], $0x800  }
0x1db: {  	[sflag:s26] =	ssyncset.done $0x0  }
0x1dc: {  	[sflag:s26] =	ssyncadd.s32 $0xFFFFF800  }
0x1dd: {  	_ =	swait.ge [sflag:s26], $0x800  }
0x1de: {  	[sflag:s26] =	ssyncset.done $0x0  }
0x1df: {  	[sflag:s26] =	ssyncadd.s32 $0xFFFFF800  }
0x1e0: {  	_ =	swait.ge [sflag:s26], $0x800  }
0x1e1: {  	[sflag:s26] =	ssyncset.done $0x0  }
0x1e2: {  	[sflag:s26] =	ssyncadd.s32 $0xFFFFF800  }
0x1e3: {  	_ =	swait.ge [sflag:s26], $0x800  }
0x1e4: {  	[sflag:s26] =	ssyncset.done $0x0  }
0x1e5: {  	[sflag:s26] =	ssyncadd.s32 $0xFFFFF800  }
0x1e6: {  	_ =	swait.ge [sflag:s26], $0x800  }
0x1e7: {  	[sflag:s26] =	ssyncset.done $0x0  }
0x1e8: {  	[sflag:s26] =	ssyncadd.s32 $0xFFFFF800  }
0x1e9: {  	_ =	swait.ge [sflag:s26], $0x800  }
0x1ea: {  	[sflag:s26] =	ssyncset.done $0x0  }
0x1eb: {  	[sflag:s26] =	ssyncadd.s32 $0xFFFFF800  }
0x1ec: {  	_ =	swait.ge [sflag:s26], $0x800  }
0x1ed: {  	s0 =	simm.s32 $0xE0;
	[sflag:s26] =	ssyncset.done $0x0  }
0x1ee: {  	s2 =	simm.s32 $0x100;
	s12 =	simm.s32 $0x0;
	[sflag:s26] =	ssyncadd.s32 $0xFFFFF800  }
.LBB2_4:
0x1ef: {  	s13 =	sadd.s32 $0xFFFFFF20, s0  }
0x1f0: {  	v2 =	vmov s13  }
0x1f1: {  	v2 =	vshll.u32 v2, $0x4  }
0x1f2: {  	v3 =	vor.u32 v1, v2  }
0x1f3: {  	v4 =	vor.u32 $0x1, v3  }
0x1f4: {  	v5 =	vor.u32 $0x2, v3  }
0x1f5: {  	v6 =	vor.u32 $0x3, v3  }
0x1f6: {  	v2 =	vld [tilespmem:s2+$0x0];
	v7 =	vor.u32 $0x4, v3  }
0x1f7: {  	v9 =	vor.u32 $0x5, v3;
	v8 =	vld.idx.msk [tilespmem:v3+s30+$0x0], $0xffff  }
0x1f8: {  	s13 =	sadd.s32 $0xFFFFFF30, s0;
	v10 =	vor.u32 $0x6, v3;
	v4 =	vld.idx.msk [tilespmem:v4+s30+$0x0], $0xffff  }
0x1f9: {  	v13 =	vmov s13;
	s13 =	sadd.s32 $0xFFFFFF40, s0;
	v11 =	vor.u32 $0x7, v3;
	v5 =	vld.idx.msk [tilespmem:v5+s30+$0x0], $0xffff  }
0x1fa: {  	v13 =	vshll.u32 v13, $0x4;
	v23 =	vmov s13;
	v12 =	vor.u32 $0x8, v3;
	v6 =	vld.idx.msk [tilespmem:v6+s30+$0x0], $0xffff  }
0x1fb: {  	s13 =	sadd.s32 $0xFFFFFF50, s0;
	v13 =	vor.u32 v1, v13;
	v23 =	vshll.u32 v23, $0x4;
	v7 =	vld.idx.msk [tilespmem:v7+s30+$0x0], $0xffff  }
0x1fc: {  	v43 =	vmov s13;
	v14 =	vor.u32 $0x1, v13;
	v15 =	vor.u32 $0x2, v13;
	v9 =	vld.idx.msk [tilespmem:v9+s30+$0x0], $0xffff  }
0x1fd: {  	v16 =	vor.u32 $0x3, v13;
	v17 =	vor.u32 $0x4, v13;
	v19 =	vor.u32 $0x5, v13;
	v10 =	vld.idx.msk [tilespmem:v10+s30+$0x0], $0xffff  }
0x1fe: {  	v20 =	vor.u32 $0x6, v13;
	v21 =	vor.u32 $0x7, v13;
	v23 =	vor.u32 v1, v23;
	v11 =	vld.idx.msk [tilespmem:v11+s30+$0x0], $0xffff  }
0x1ff: {  	v22 =	vor.u32 $0x8, v13;
	v45 =	vshll.u32 v43, $0x4;
	v57 =	vor.u32 $0x1, v23;
	v12 =	vld.idx.msk [tilespmem:v12+s30+$0x0], $0xffff  }
0x200: {  	v60 =	vor.u32 $0x2, v23;
	v63 =	vor.u32 $0x3, v23;
	v28 =	vor.u32 $0x4, v23;
	v18 =	vld.idx.msk [tilespmem:v13+s30+$0x0], $0xffff  }
0x201: {  	v24 =	vor.u32 $0x5, v23;
	v33 =	vor.u32 $0x6, v23;
	v36 =	vor.u32 $0x7, v23;
	v14 =	vld.idx.msk [tilespmem:v14+s30+$0x0], $0xffff  }
0x202: {  	v39 =	vor.u32 $0x8, v23;
	v3 =	vor.u32 $0x9, v3;
	vm1 =	vgt.s32 v2, $0x0;
	v15 =	vld.idx.msk [tilespmem:v15+s30+$0x0], $0xffff  }
0x203: {  	vm0 =	vgt.s32 v2, $0x1;
	vm15 =	vgt.s32 v2, $0x2;
	vm4 =	vgt.s32 v2, $0x3;
	v16 =	vld.idx.msk [tilespmem:v16+s30+$0x0], $0xffff  }
0x204: {  	vm5 =	vgt.s32 v2, $0x4;
	vm6 =	vgt.s32 v2, $0x5;
	vm7 =	vgt.s32 v2, $0x6;
	v17 =	vld.idx.msk [tilespmem:v17+s30+$0x0], $0xffff  }
0x205: {  	vm8 =	vgt.s32 v2, $0x7;
	vm9 =	vgt.s32 v2, $0x8;
	vm10 =	vgt.s32 v2, $0x9;
	v19 =	vld.idx.msk [tilespmem:v19+s30+$0x0], $0xffff  }
0x206: {  	vm11 =	vgt.s32 v2, $0xA;
	vm12 =	vgt.s32 v2, $0xB;
	vm13 =	vgt.s32 v2, $0xC;
	v56 =	vld.idx.msk [tilespmem:v20+s30+$0x0], $0xffff  }
0x207: {  	vm14 =	vgt.s32 v2, $0xD;
	v13 =	vor.u32 $0x9, v13;
	v30 =	vld.idx.msk [tilespmem:v23+s30+$0x0], $0xffff;
	v23 =	vor.u32 $0x9, v23  }
0x208: {  	v59 =	vld.idx.msk [tilespmem:v21+s30+$0x0], $0xffff;
	v8 =	vnsel vm1, $0x0, v8;
	v4 =	vnsel vm1, $0x0, v4;
	v5 =	vnsel vm1, $0x0, v5  }
0x209: {  	v62 =	vld.idx.msk [tilespmem:v22+s30+$0x0], $0xffff;
	v6 =	vnsel vm1, $0x0, v6;
	v7 =	vnsel vm1, $0x0, v7;
	v9 =	vnsel vm1, $0x0, v9  }
0x20a: {  	v32 =	vld.idx.msk [tilespmem:v57+s30+$0x0], $0xffff;
	v10 =	vnsel vm1, $0x0, v10;
	v11 =	vnsel vm1, $0x0, v11;
	v18 =	vnsel vm0, $0x0, v18  }
0x20b: {  	v35 =	vld.idx.msk [tilespmem:v60+s30+$0x0], $0xffff;
	v12 =	vnsel vm1, $0x0, v12;
	v8 =	vxor.u32 v8, v18;
	v14 =	vnsel vm0, $0x0, v14  }
0x20c: {  	v38 =	vld.idx.msk [tilespmem:v63+s30+$0x0], $0xffff;
	v58 =	vnsel vm0, $0x0, v15;
	v61 =	vnsel vm0, $0x0, v16;
	v27 =	vnsel vm0, $0x0, v17  }
0x20d: {  	v40 =	vld.idx.msk [tilespmem:v28+s30+$0x0], $0xffff;
	v29 =	vnsel vm0, $0x0, v19;
	v31 =	vnsel vm0, $0x0, v56;
	v34 =	vnsel vm0, $0x0, v59  }
0x20e: {  	s13 =	sadd.s32 $0xFFFFFF60, s0;
	v42 =	vld.idx.msk [tilespmem:v24+s30+$0x0], $0xffff;
	v37 =	vnsel vm0, $0x0, v62;
	v41 =	vnsel vm15, $0x0, v30;
	v17 =	vor.u32 v1, v45  }
0x20f: {  	v44 =	vld.idx.msk [tilespmem:v33+s30+$0x0], $0xffff;
	v59 =	vmov s13;
	v4 =	vxor.u32 v4, v14;
	v5 =	vxor.u32 v5, v58  }
0x210: {  	v46 =	vld.idx.msk [tilespmem:v36+s30+$0x0], $0xffff;
	v6 =	vxor.u32 v6, v61;
	v7 =	vxor.u32 v7, v27;
	v9 =	vxor.u32 v9, v29  }
0x211: {  	v47 =	vld.idx.msk [tilespmem:v39+s30+$0x0], $0xffff;
	v10 =	vxor.u32 v10, v31;
	v11 =	vxor.u32 v11, v34;
	v48 =	vor.u32 $0x1, v17  }
0x212: {  	v3 =	vld.idx.msk [tilespmem:v3+s30+$0x0], $0xffff;
	v12 =	vxor.u32 v12, v37;
	v8 =	vxor.u32 v41, v8;
	v49 =	vor.u32 $0x2, v17  }
0x213: {  	v13 =	vld.idx.msk [tilespmem:v13+s30+$0x0], $0xffff;
	v18 =	vnsel vm15, $0x0, v32;
	v15 =	vnsel vm15, $0x0, v35;
	v51 =	vor.u32 $0x3, v17  }
0x214: {  	v50 =	vld.idx.msk [tilespmem:v23+s30+$0x0], $0xffff;
	v16 =	vnsel vm15, $0x0, v38;
	v14 =	vnsel vm15, $0x0, v40;
	v52 =	vor.u32 $0x4, v17  }
0x215: {  	v19 =	vnsel vm15, $0x0, v42;
	v54 =	vor.u32 $0x5, v17;
	v20 =	vnsel vm15, $0x0, v46;
	v53 =	vld.idx.msk [tilespmem:v17+s30+$0x0], $0xffff  }
0x216: {  	v55 =	vor.u32 $0x6, v17;
	v57 =	vor.u32 $0x7, v17;
	v4 =	vxor.u32 v18, v4;
	v18 =	vld.idx.msk [tilespmem:v48+s30+$0x0], $0xffff  }
0x217: {  	v58 =	vor.u32 $0x8, v17;
	v24 =	vshll.u32 v59, $0x4;
	v5 =	vxor.u32 v15, v5;
	v56 =	vld.idx.msk [tilespmem:v49+s30+$0x0], $0xffff  }
0x218: {  	v6 =	vxor.u32 v16, v6;
	v7 =	vxor.u32 v14, v7;
	v9 =	vxor.u32 v19, v9;
	v16 =	vld.idx.msk [tilespmem:v51+s30+$0x0], $0xffff  }
0x219: {  	v15 =	vnsel vm15, $0x0, v47;
	v11 =	vxor.u32 v20, v11;
	v61 =	vor.u32 v1, v24;
	v22 =	vld.idx.msk [tilespmem:v52+s30+$0x0], $0xffff  }
0x21a: {  	v3 =	vnsel vm1, $0x0, v3;
	v12 =	vxor.u32 v15, v12;
	v28 =	vor.u32 $0x1, v61;
	v60 =	vld.idx.msk [tilespmem:v54+s30+$0x0], $0xffff  }
0x21b: {  	v31 =	vor.u32 $0x2, v61;
	v34 =	vor.u32 $0x3, v61;
	v36 =	vor.u32 $0x4, v61;
	v63 =	vld.idx.msk [tilespmem:v55+s30+$0x0], $0xffff  }
0x21c: {  	v24 =	vor.u32 $0x5, v61;
	v41 =	vor.u32 $0x6, v61;
	v13 =	vnsel vm0, $0x0, v13;
	v30 =	vld.idx.msk [tilespmem:v57+s30+$0x0], $0xffff  }
0x21d: {  	v47 =	vor.u32 $0x8, v61;
	v19 =	vor.u32 $0x9, v61;
	v3 =	vxor.u32 v3, v13;
	v33 =	vld.idx.msk [tilespmem:v58+s30+$0x0], $0xffff  }
0x21e: {  	s13 =	sadd.s32 $0xFFFFFF70, s0;
	v13 =	vnsel vm15, $0x0, v44;
	v14 =	vnsel vm15, $0x0, v50;
	v17 =	vor.u32 $0x9, v17;
	v38 =	vld.idx.msk [tilespmem:v61+s30+$0x0], $0xffff  }
0x21f: {  	v44 =	vor.u32 $0x7, v61;
	vm15 =	vgt.s32 v2, $0xE;
	v51 =	vmov s13;
	s13 =	sadd.s32 $0xFFFFFF80, s0;
	v40 =	vld.idx.msk [tilespmem:v28+s30+$0x0], $0xffff  }
0x220: {  	v10 =	vxor.u32 v13, v10;
	v3 =	vxor.u32 v14, v3;
	v43 =	vld.idx.msk [tilespmem:v31+s30+$0x0], $0xffff;
	v31 =	vmov s13  }
0x221: {  	v50 =	vld.idx.msk [tilespmem:v24+s30+$0x0], $0xffff;
	v24 =	vshll.u32 v31, $0x4;
	v13 =	vnsel vm4, $0x0, v53;
	v53 =	vshll.u32 v51, $0x4  }
0x222: {  	v46 =	vld.idx.msk [tilespmem:v34+s30+$0x0], $0xffff;
	v8 =	vxor.u32 v13, v8;
	v62 =	vnsel vm4, $0x0, v18;
	v29 =	vnsel vm4, $0x0, v56  }
0x223: {  	v52 =	vld.idx.msk [tilespmem:v41+s30+$0x0], $0xffff;
	v32 =	vnsel vm4, $0x0, v16;
	v35 =	vnsel vm4, $0x0, v22;
	v37 =	vnsel vm4, $0x0, v60  }
0x224: {  	v17 =	vld.idx.msk [tilespmem:v17+s30+$0x0], $0xffff;
	v39 =	vnsel vm4, $0x0, v63;
	v45 =	vnsel vm4, $0x0, v33;
	v33 =	vor.u32 v1, v24  }
0x225: {  	v49 =	vld.idx.msk [tilespmem:v36+s30+$0x0], $0xffff;
	v42 =	vnsel vm4, $0x0, v30;
	v4 =	vxor.u32 v62, v4;
	v36 =	vor.u32 $0x1, v33  }
0x226: {  	v54 =	vld.idx.msk [tilespmem:v47+s30+$0x0], $0xffff;
	v10 =	vxor.u32 v39, v10;
	v14 =	vnsel vm5, $0x0, v38;
	v39 =	vor.u32 $0x2, v33  }
0x227: {  	v20 =	vld.idx.msk [tilespmem:v44+s30+$0x0], $0xffff;
	v5 =	vxor.u32 v29, v5;
	v8 =	vxor.u32 v14, v8;
	v14 =	vor.u32 v1, v53  }
0x228: {  	v57 =	vld.idx.msk [tilespmem:v19+s30+$0x0], $0xffff;
	v6 =	vxor.u32 v32, v6;
	v13 =	vnsel vm5, $0x0, v52;
	v52 =	vor.u32 $0x7, v33  }
0x229: {  	v16 =	vnsel vm5, $0x0, v46;
	v55 =	vor.u32 $0x1, v14;
	v48 =	vnsel vm4, $0x0, v17;
	v46 =	vld.idx.msk [tilespmem:v33+s30+$0x0], $0xffff  }
0x22a: {  	v7 =	vxor.u32 v35, v7;
	v56 =	vor.u32 $0x2, v14;
	v3 =	vxor.u32 v48, v3;
	v48 =	vld.idx.msk [tilespmem:v36+s30+$0x0], $0xffff  }
0x22b: {  	v9 =	vxor.u32 v37, v9;
	v11 =	vxor.u32 v42, v11;
	v58 =	vor.u32 $0x3, v14;
	v51 =	vld.idx.msk [tilespmem:v39+s30+$0x0], $0xffff  }
0x22c: {  	v12 =	vxor.u32 v45, v12;
	v60 =	vor.u32 $0x4, v14;
	v20 =	vnsel vm5, $0x0, v20;
	v61 =	vld.idx.msk [tilespmem:v14+s30+$0x0], $0xffff  }
0x22d: {  	v18 =	vnsel vm5, $0x0, v40;
	v62 =	vor.u32 $0x5, v14;
	v11 =	vxor.u32 v20, v11;
	v20 =	vld.idx.msk [tilespmem:v52+s30+$0x0], $0xffff  }
0x22e: {  	v42 =	vor.u32 $0x3, v33;
	v4 =	vxor.u32 v18, v4;
	v63 =	vor.u32 $0x6, v14;
	v18 =	vld.idx.msk [tilespmem:v55+s30+$0x0], $0xffff  }
0x22f: {  	v44 =	vor.u32 $0x4, v33;
	v29 =	vor.u32 $0x7, v14;
	v17 =	vnsel vm5, $0x0, v49;
	v28 =	vld.idx.msk [tilespmem:v56+s30+$0x0], $0xffff  }
0x230: {  	v24 =	vor.u32 $0x5, v33;
	v30 =	vor.u32 $0x8, v14;
	v7 =	vxor.u32 v17, v7;
	v17 =	vld.idx.msk [tilespmem:v58+s30+$0x0], $0xffff  }
0x231: {  	v19 =	vor.u32 $0x9, v33;
	v15 =	vnsel vm5, $0x0, v43;
	v59 =	vnsel vm5, $0x0, v50;
	v22 =	vld.idx.msk [tilespmem:v60+s30+$0x0], $0xffff  }
0x232: {  	v5 =	vxor.u32 v15, v5;
	v6 =	vxor.u32 v16, v6;
	v9 =	vxor.u32 v59, v9;
	v32 =	vld.idx.msk [tilespmem:v62+s30+$0x0], $0xffff  }
0x233: {  	s13 =	sadd.s32 $0xFFFFFF90, s0;
	v10 =	vxor.u32 v13, v10;
	v15 =	vnsel vm5, $0x0, v54;
	v16 =	vnsel vm5, $0x0, v57;
	v35 =	vld.idx.msk [tilespmem:v63+s30+$0x0], $0xffff  }
0x234: {  	v59 =	vmov s13;
	v12 =	vxor.u32 v15, v12;
	v49 =	vor.u32 $0x6, v33;
	v38 =	vld.idx.msk [tilespmem:v29+s30+$0x0], $0xffff  }
0x235: {  	v3 =	vxor.u32 v16, v3;
	v14 =	vor.u32 $0x9, v14;
	v41 =	vld.idx.msk [tilespmem:v30+s30+$0x0], $0xffff;
	v55 =	vor.u32 $0x8, v33  }
0x236: {  	v54 =	vld.idx.msk [tilespmem:v42+s30+$0x0], $0xffff;
	v16 =	vnsel vm7, $0x0, v46;
	v15 =	vnsel vm7, $0x0, v51;
	v13 =	vnsel vm6, $0x0, v61  }
0x237: {  	v58 =	vld.idx.msk [tilespmem:v24+s30+$0x0], $0xffff;
	v61 =	vshll.u32 v59, $0x4;
	v20 =	vnsel vm7, $0x0, v20;
	v8 =	vxor.u32 v13, v8  }
0x238: {  	v34 =	vnsel vm6, $0x0, v18;
	v37 =	vnsel vm6, $0x0, v28;
	v40 =	vnsel vm6, $0x0, v17  }
0x239: {  	v43 =	vnsel vm6, $0x0, v22;
	v45 =	vnsel vm6, $0x0, v32;
	v47 =	vnsel vm6, $0x0, v35  }
0x23a: {  	v50 =	vnsel vm6, $0x0, v38;
	v53 =	vnsel vm6, $0x0, v41;
	v18 =	vnsel vm7, $0x0, v48  }
0x23b: {  	s13 =	sadd.s32 $0xFFFFFFA0, s0;
	v57 =	vld.idx.msk [tilespmem:v44+s30+$0x0], $0xffff;
	v17 =	vnsel vm7, $0x0, v54;
	v8 =	vxor.u32 v16, v8;
	v16 =	vor.u32 v1, v61  }
0x23c: {  	v60 =	vld.idx.msk [tilespmem:v49+s30+$0x0], $0xffff;
	v27 =	vnsel vm7, $0x0, v58;
	v35 =	vmov s13;
	v63 =	vor.u32 $0x1, v16  }
0x23d: {  	v25 =	vld.idx.msk [tilespmem:v19+s30+$0x0], $0xffff;
	v4 =	vxor.u32 v34, v4;
	v5 =	vxor.u32 v37, v5;
	v24 =	vor.u32 $0x2, v16  }
0x23e: {  	v14 =	vld.idx.msk [tilespmem:v14+s30+$0x0], $0xffff;
	v6 =	vxor.u32 v40, v6;
	v7 =	vxor.u32 v43, v7;
	v26 =	vor.u32 $0x3, v16  }
0x23f: {  	v62 =	vld.idx.msk [tilespmem:v55+s30+$0x0], $0xffff;
	v9 =	vxor.u32 v45, v9;
	v10 =	vxor.u32 v47, v10;
	v28 =	vor.u32 $0x4, v16  }
0x240: {  	v11 =	vxor.u32 v50, v11;
	v12 =	vxor.u32 v53, v12;
	v30 =	vor.u32 $0x5, v16;
	v29 =	vld.idx.msk [tilespmem:v16+s30+$0x0], $0xffff  }
0x241: {  	v13 =	vnsel vm7, $0x0, v60;
	v4 =	vxor.u32 v18, v4;
	v31 =	vor.u32 $0x6, v16;
	v18 =	vld.idx.msk [tilespmem:v63+s30+$0x0], $0xffff  }
0x242: {  	v5 =	vxor.u32 v15, v5;
	v6 =	vxor.u32 v17, v6;
	v33 =	vor.u32 $0x7, v16;
	v32 =	vld.idx.msk [tilespmem:v24+s30+$0x0], $0xffff  }
0x243: {  	v9 =	vxor.u32 v27, v9;
	v10 =	vxor.u32 v13, v10;
	v34 =	vor.u32 $0x8, v16;
	v17 =	vld.idx.msk [tilespmem:v26+s30+$0x0], $0xffff  }
0x244: {  	v11 =	vxor.u32 v20, v11;
	v16 =	vor.u32 $0x9, v16;
	v22 =	vld.idx.msk [tilespmem:v28+s30+$0x0], $0xffff;
	v24 =	vshll.u32 v35, $0x4  }
0x245: {  	v56 =	vnsel vm6, $0x0, v14;
	v14 =	vnsel vm7, $0x0, v57;
	v36 =	vld.idx.msk [tilespmem:v30+s30+$0x0], $0xffff;
	v37 =	vor.u32 v1, v24  }
0x246: {  	v3 =	vxor.u32 v56, v3;
	v7 =	vxor.u32 v14, v7;
	v39 =	vld.idx.msk [tilespmem:v31+s30+$0x0], $0xffff;
	v40 =	vor.u32 $0x1, v37  }
0x247: {  	s13 =	sadd.s32 $0xFFFFFFB0, s0;
	v15 =	vnsel vm7, $0x0, v62;
	v14 =	vnsel vm7, $0x0, v25;
	v42 =	vld.idx.msk [tilespmem:v33+s30+$0x0], $0xffff;
	v43 =	vor.u32 $0x2, v37  }
0x248: {  	v12 =	vxor.u32 v15, v12;
	v45 =	vld.idx.msk [tilespmem:v34+s30+$0x0], $0xffff;
	v63 =	vmov s13;
	v46 =	vor.u32 $0x3, v37  }
0x249: {  	v3 =	vxor.u32 v14, v3;
	v26 =	vshll.u32 v63, $0x4;
	v24 =	vor.u32 $0x5, v37;
	v16 =	vld.idx.msk [tilespmem:v16+s30+$0x0], $0xffff  }
0x24a: {  	v48 =	vor.u32 $0x4, v37;
	v53 =	vor.u32 $0x6, v37;
	v56 =	vor.u32 $0x7, v37;
	v50 =	vld.idx.msk [tilespmem:v37+s30+$0x0], $0xffff  }
0x24b: {  	v59 =	vor.u32 $0x8, v37;
	v19 =	vor.u32 $0x9, v37;
	v13 =	vnsel vm8, $0x0, v29;
	v52 =	vld.idx.msk [tilespmem:v40+s30+$0x0], $0xffff  }
0x24c: {  	s13 =	sadd.s32 $0xFFFFFFC0, s0;
	v8 =	vxor.u32 v13, v8;
	v38 =	vnsel vm8, $0x0, v18;
	v41 =	vnsel vm8, $0x0, v32;
	v55 =	vld.idx.msk [tilespmem:v43+s30+$0x0], $0xffff  }
0x24d: {  	v44 =	vnsel vm8, $0x0, v17;
	v47 =	vnsel vm8, $0x0, v22;
	v58 =	vld.idx.msk [tilespmem:v46+s30+$0x0], $0xffff;
	v40 =	vmov s13  }
0x24e: {  	v49 =	vnsel vm8, $0x0, v36;
	v51 =	vnsel vm8, $0x0, v39;
	v62 =	vld.idx.msk [tilespmem:v24+s30+$0x0], $0xffff;
	v24 =	vshll.u32 v40, $0x4  }
0x24f: {  	v54 =	vnsel vm8, $0x0, v42;
	v57 =	vnsel vm8, $0x0, v45;
	v61 =	vld.idx.msk [tilespmem:v48+s30+$0x0], $0xffff;
	v42 =	vor.u32 v1, v24  }
0x250: {  	v4 =	vxor.u32 v38, v4;
	v5 =	vxor.u32 v41, v5;
	v25 =	vld.idx.msk [tilespmem:v53+s30+$0x0], $0xffff;
	v45 =	vor.u32 $0x1, v42  }
0x251: {  	v6 =	vxor.u32 v44, v6;
	v7 =	vxor.u32 v47, v7;
	v20 =	vld.idx.msk [tilespmem:v56+s30+$0x0], $0xffff;
	v48 =	vor.u32 $0x2, v42  }
0x252: {  	v10 =	vxor.u32 v51, v10;
	v27 =	vld.idx.msk [tilespmem:v59+s30+$0x0], $0xffff;
	v51 =	vor.u32 $0x3, v42;
	v14 =	vnsel vm9, $0x0, v50  }
0x253: {  	v30 =	vld.idx.msk [tilespmem:v19+s30+$0x0], $0xffff;
	v60 =	vnsel vm8, $0x0, v16;
	v8 =	vxor.u32 v14, v8;
	v14 =	vor.u32 v1, v26  }
0x254: {  	v15 =	vnsel vm9, $0x0, v55;
	v16 =	vnsel vm9, $0x0, v61;
	v61 =	vor.u32 $0x7, v42;
	v55 =	vld.idx.msk [tilespmem:v42+s30+$0x0], $0xffff  }
0x255: {  	v9 =	vxor.u32 v49, v9;
	v12 =	vxor.u32 v57, v12;
	v28 =	vor.u32 $0x1, v14;
	v57 =	vld.idx.msk [tilespmem:v45+s30+$0x0], $0xffff  }
0x256: {  	v11 =	vxor.u32 v54, v11;
	v3 =	vxor.u32 v60, v3;
	v29 =	vor.u32 $0x2, v14;
	v60 =	vld.idx.msk [tilespmem:v48+s30+$0x0], $0xffff  }
0x257: {  	v53 =	vor.u32 $0x4, v42;
	v24 =	vor.u32 $0x5, v42;
	v31 =	vor.u32 $0x3, v14;
	v63 =	vld.idx.msk [tilespmem:v51+s30+$0x0], $0xffff  }
0x258: {  	v19 =	vor.u32 $0x9, v42;
	v20 =	vnsel vm9, $0x0, v20;
	v33 =	vor.u32 $0x4, v14;
	v34 =	vld.idx.msk [tilespmem:v14+s30+$0x0], $0xffff  }
0x259: {  	v18 =	vnsel vm9, $0x0, v52;
	v35 =	vor.u32 $0x5, v14;
	v11 =	vxor.u32 v20, v11;
	v20 =	vld.idx.msk [tilespmem:v61+s30+$0x0], $0xffff  }
0x25a: {  	v17 =	vnsel vm9, $0x0, v58;
	v4 =	vxor.u32 v18, v4;
	v36 =	vor.u32 $0x6, v14;
	v18 =	vld.idx.msk [tilespmem:v28+s30+$0x0], $0xffff  }
0x25b: {  	v32 =	vnsel vm9, $0x0, v62;
	v13 =	vnsel vm9, $0x0, v25;
	v38 =	vor.u32 $0x7, v14;
	v37 =	vld.idx.msk [tilespmem:v29+s30+$0x0], $0xffff  }
0x25c: {  	v58 =	vor.u32 $0x6, v42;
	v6 =	vxor.u32 v17, v6;
	v39 =	vor.u32 $0x8, v14;
	v17 =	vld.idx.msk [tilespmem:v31+s30+$0x0], $0xffff  }
0x25d: {  	s13 =	sadd.s32 $0xFFFFFFD0, s0;
	v5 =	vxor.u32 v15, v5;
	v7 =	vxor.u32 v16, v7;
	v9 =	vxor.u32 v32, v9;
	v22 =	vld.idx.msk [tilespmem:v33+s30+$0x0], $0xffff  }
0x25e: {  	v10 =	vxor.u32 v13, v10;
	v15 =	vnsel vm9, $0x0, v27;
	v32 =	vmov s13;
	s13 =	sadd.s32 $0xFFFFFFE0, s0;
	v41 =	vld.idx.msk [tilespmem:v35+s30+$0x0], $0xffff  }
0x25f: {  	v16 =	vnsel vm9, $0x0, v30;
	v27 =	vmov s0;
	v48 =	vmov s13;
	s13 =	sadd.s32 $0xFFFFFFF0, s0;
	v44 =	vld.idx.msk [tilespmem:v36+s30+$0x0], $0xffff  }
0x260: {  	v12 =	vxor.u32 v15, v12;
	v3 =	vxor.u32 v16, v3;
	v25 =	vmov s13;
	v47 =	vld.idx.msk [tilespmem:v38+s30+$0x0], $0xffff  }
0x261: {  	v14 =	vor.u32 $0x9, v14;
	v25 =	vshll.u32 v25, $0x4;
	v50 =	vld.idx.msk [tilespmem:v39+s30+$0x0], $0xffff;
	v28 =	vor.u32 $0x8, v42  }
0x262: {  	v31 =	vld.idx.msk [tilespmem:v24+s30+$0x0], $0xffff;
	v24 =	vshll.u32 v48, $0x4;
	v16 =	vnsel vm11, $0x0, v55;
	v15 =	vnsel vm11, $0x0, v60  }
0x263: {  	v13 =	vnsel vm10, $0x0, v34;
	v34 =	vshll.u32 v32, $0x4;
	v20 =	vnsel vm11, $0x0, v20  }
0x264: {  	v33 =	vld.idx.msk [tilespmem:v58+s30+$0x0], $0xffff;
	v8 =	vxor.u32 v13, v8;
	v43 =	vnsel vm10, $0x0, v18;
	v46 =	vnsel vm10, $0x0, v37  }
0x265: {  	v49 =	vnsel vm10, $0x0, v17;
	v52 =	vnsel vm10, $0x0, v22;
	v54 =	vnsel vm10, $0x0, v41  }
0x266: {  	v56 =	vnsel vm10, $0x0, v44;
	v59 =	vnsel vm10, $0x0, v47;
	v62 =	vnsel vm10, $0x0, v50  }
0x267: {  	v18 =	vnsel vm11, $0x0, v57;
	v17 =	vnsel vm11, $0x0, v63;
	v50 =	vor.u32 v1, v24  }
0x268: {  	v30 =	vld.idx.msk [tilespmem:v53+s30+$0x0], $0xffff;
	v40 =	vnsel vm11, $0x0, v31;
	v8 =	vxor.u32 v16, v8;
	v16 =	vor.u32 v1, v34  }
0x269: {  	v38 =	vld.idx.msk [tilespmem:v19+s30+$0x0], $0xffff;
	v13 =	vnsel vm11, $0x0, v33;
	v10 =	vxor.u32 v56, v10;
	v56 =	vor.u32 $0x2, v50  }
0x26a: {  	v14 =	vld.idx.msk [tilespmem:v14+s30+$0x0], $0xffff;
	v4 =	vxor.u32 v43, v4;
	v5 =	vxor.u32 v46, v5;
	v33 =	vor.u32 $0x7, v50  }
0x26b: {  	v35 =	vld.idx.msk [tilespmem:v28+s30+$0x0], $0xffff;
	v6 =	vxor.u32 v49, v6;
	v7 =	vxor.u32 v52, v7;
	v19 =	vor.u32 $0x9, v50  }
0x26c: {  	v9 =	vxor.u32 v54, v9;
	v11 =	vxor.u32 v59, v11;
	v36 =	vor.u32 $0x1, v16;
	v63 =	vld.idx.msk [tilespmem:v50+s30+$0x0], $0xffff  }
0x26d: {  	v12 =	vxor.u32 v62, v12;
	v53 =	vor.u32 $0x1, v50;
	v37 =	vor.u32 $0x2, v16;
	v42 =	vld.idx.msk [tilespmem:v16+s30+$0x0], $0xffff  }
0x26e: {  	v59 =	vor.u32 $0x3, v50;
	v61 =	vor.u32 $0x4, v50;
	v39 =	vor.u32 $0x3, v16;
	v32 =	vld.idx.msk [tilespmem:v56+s30+$0x0], $0xffff  }
0x26f: {  	v24 =	vor.u32 $0x5, v50;
	v41 =	vor.u32 $0x4, v16;
	v11 =	vxor.u32 v20, v11;
	v20 =	vld.idx.msk [tilespmem:v33+s30+$0x0], $0xffff  }
0x270: {  	v4 =	vxor.u32 v18, v4;
	v5 =	vxor.u32 v15, v5;
	v43 =	vor.u32 $0x5, v16;
	v19 =	vld.idx.msk [tilespmem:v19+s30+$0x0], $0xffff  }
0x271: {  	v6 =	vxor.u32 v17, v6;
	v9 =	vxor.u32 v40, v9;
	v44 =	vor.u32 $0x6, v16;
	v18 =	vld.idx.msk [tilespmem:v36+s30+$0x0], $0xffff  }
0x272: {  	v10 =	vxor.u32 v13, v10;
	v46 =	vor.u32 $0x7, v16;
	v47 =	vor.u32 $0x8, v16;
	v45 =	vld.idx.msk [tilespmem:v37+s30+$0x0], $0xffff  }
0x273: {  	v29 =	vnsel vm10, $0x0, v14;
	v14 =	vnsel vm11, $0x0, v30;
	v30 =	vor.u32 $0x6, v50;
	v17 =	vld.idx.msk [tilespmem:v39+s30+$0x0], $0xffff  }
0x274: {  	v3 =	vxor.u32 v29, v3;
	v7 =	vxor.u32 v14, v7;
	v15 =	vnsel vm11, $0x0, v35;
	v22 =	vld.idx.msk [tilespmem:v41+s30+$0x0], $0xffff  }
0x275: {  	v14 =	vnsel vm11, $0x0, v38;
	v35 =	vor.u32 $0x8, v50;
	v50 =	vshll.u32 v27, $0x4;
	v49 =	vld.idx.msk [tilespmem:v43+s30+$0x0], $0xffff  }
0x276: {  	v12 =	vxor.u32 v15, v12;
	v16 =	vor.u32 $0x9, v16;
	v52 =	vld.idx.msk [tilespmem:v44+s30+$0x0], $0xffff;
	v37 =	vor.u32 v1, v25  }
0x277: {  	v3 =	vxor.u32 v14, v3;
	v36 =	vld.idx.msk [tilespmem:v24+s30+$0x0], $0xffff;
	v24 =	vor.u32 v1, v50;
	v39 =	vor.u32 $0x1, v37  }
0x278: {  	v55 =	vld.idx.msk [tilespmem:v46+s30+$0x0], $0xffff;
	v25 =	vor.u32 $0x2, v37;
	v41 =	vor.u32 $0x3, v37;
	v44 =	vor.u32 $0x5, v37  }
0x279: {  	v58 =	vld.idx.msk [tilespmem:v47+s30+$0x0], $0xffff;
	v26 =	vor.u32 $0x6, v37;
	v46 =	vor.u32 $0x7, v37;
	v47 =	vor.u32 $0x8, v37  }
0x27a: {  	v29 =	vld.idx.msk [tilespmem:v53+s30+$0x0], $0xffff;
	v53 =	vor.u32 $0x2, v24;
	v14 =	vnsel vm13, $0x0, v63;
	v63 =	vor.u32 $0x6, v24  }
0x27b: {  	v34 =	vld.idx.msk [tilespmem:v59+s30+$0x0], $0xffff;
	v13 =	vnsel vm12, $0x0, v42;
	v15 =	vnsel vm13, $0x0, v32;
	v42 =	vor.u32 $0x4, v37  }
0x27c: {  	v38 =	vld.idx.msk [tilespmem:v30+s30+$0x0], $0xffff;
	v20 =	vnsel vm13, $0x0, v20;
	v19 =	vnsel vm13, $0x0, v19;
	v8 =	vxor.u32 v13, v8  }
0x27d: {  	v40 =	vld.idx.msk [tilespmem:v35+s30+$0x0], $0xffff;
	v51 =	vnsel vm12, $0x0, v18;
	v54 =	vnsel vm12, $0x0, v45;
	v57 =	vnsel vm12, $0x0, v17  }
0x27e: {  	v16 =	vld.idx.msk [tilespmem:v16+s30+$0x0], $0xffff;
	v60 =	vnsel vm12, $0x0, v22;
	v62 =	vnsel vm12, $0x0, v49;
	v28 =	vnsel vm12, $0x0, v52  }
0x27f: {  	v31 =	vnsel vm12, $0x0, v55;
	v17 =	vnsel vm12, $0x0, v58;
	v22 =	vld.idx.msk [tilespmem:v61+s30+$0x0], $0xffff;
	v18 =	vnsel vm13, $0x0, v29  }
0x280: {  	v13 =	vnsel vm13, $0x0, v34;
	v43 =	vld.idx.msk [tilespmem:v37+s30+$0x0], $0xffff;
	v49 =	vor.u32 $0x9, v37;
	v52 =	vor.u32 $0x1, v24  }
0x281: {  	v55 =	vor.u32 $0x3, v24;
	v59 =	vld.idx.msk [tilespmem:v24+s30+$0x0], $0xffff;
	v34 =	vor.u32 $0x7, v24;
	v4 =	vxor.u32 v51, v4  }
0x282: {  	v5 =	vxor.u32 v54, v5;
	v6 =	vxor.u32 v57, v6;
	v7 =	vxor.u32 v60, v7;
	v23 =	vld.idx.msk [tilespmem:v39+s30+$0x0], $0xffff  }
0x283: {  	v9 =	vxor.u32 v62, v9;
	v10 =	vxor.u32 v28, v10;
	v11 =	vxor.u32 v31, v11;
	v45 =	vld.idx.msk [tilespmem:v25+s30+$0x0], $0xffff  }
0x284: {  	v12 =	vxor.u32 v17, v12;
	v8 =	vxor.u32 v14, v8;
	v17 =	vnsel vm13, $0x0, v36;
	v51 =	vld.idx.msk [tilespmem:v26+s30+$0x0], $0xffff  }
0x285: {  	v54 =	vld.idx.msk [tilespmem:v47+s30+$0x0], $0xffff;
	v57 =	vor.u32 $0x4, v24;
	v60 =	vor.u32 $0x5, v24;
	v36 =	vor.u32 $0x8, v24  }
0x286: {  	v33 =	vld.idx.msk [tilespmem:v53+s30+$0x0], $0xffff;
	v28 =	vmov s12;
	v24 =	vor.u32 $0x9, v24;
	v4 =	vxor.u32 v18, v4  }
0x287: {  	v5 =	vxor.u32 v15, v5;
	v6 =	vxor.u32 v13, v6;
	v9 =	vxor.u32 v17, v9;
	v18 =	vld.idx.msk [tilespmem:v41+s30+$0x0], $0xffff  }
0x288: {  	v15 =	vld.idx.msk [tilespmem:v44+s30+$0x0], $0xffff;
	v11 =	vxor.u32 v20, v11;
	v14 =	vnsel vm13, $0x0, v40;
	v16 =	vnsel vm12, $0x0, v16  }
0x289: {  	v28 =	vshll.u32 v28, $0x4;
	v20 =	vld.idx.msk [tilespmem:v63+s30+$0x0], $0xffff;
	v12 =	vxor.u32 v14, v12;
	v3 =	vxor.u32 v16, v3  }
0x28a: {  	v48 =	vld.idx.msk [tilespmem:v42+s30+$0x0], $0xffff;
	v22 =	vnsel vm13, $0x0, v22;
	v16 =	vnsel vm13, $0x0, v38;
	v13 =	vnsel vm14, $0x0, v43  }
0x28b: {  	v21 =	vld.idx.msk [tilespmem:v49+s30+$0x0], $0xffff;
	v38 =	vor.u32 v1, v28;
	v40 =	vnsel vm15, $0x0, v59;
	v7 =	vxor.u32 v22, v7  }
0x28c: {  	v62 =	vld.idx.msk [tilespmem:v52+s30+$0x0], $0xffff;
	v10 =	vxor.u32 v16, v10;
	v3 =	vxor.u32 v19, v3;
	v8 =	vxor.u32 v13, v8  }
0x28d: {  	v35 =	vld.idx.msk [tilespmem:v55+s30+$0x0], $0xffff;
	v56 =	vnsel vm14, $0x0, v23;
	v58 =	vnsel vm14, $0x0, v45;
	v14 =	vnsel vm14, $0x0, v51  }
0x28e: {  	v2 =	vld.idx.msk [tilespmem:v34+s30+$0x0], $0xffff;
	v19 =	vnsel vm14, $0x0, v54;
	v28 =	vor.u32 $0x1, v38;
	v39 =	vor.u32 $0x2, v38  }
0x28f: {  	v22 =	vld.idx.msk [tilespmem:v46+s30+$0x0], $0xffff;
	v42 =	vor.u32 $0x3, v38;
	v45 =	vor.u32 $0x4, v38;
	v46 =	vnsel vm15, $0x0, v33  }
0x290: {  	v23 =	vld.idx.msk [tilespmem:v57+s30+$0x0], $0xffff;
	v47 =	vor.u32 $0x5, v38;
	v50 =	vor.u32 $0x6, v38;
	v53 =	vor.u32 $0x7, v38  }
0x291: {  	v37 =	vld.idx.msk [tilespmem:v60+s30+$0x0], $0xffff;
	v59 =	vor.u32 $0x9, v38;
	v4 =	vxor.u32 v56, v4;
	v5 =	vxor.u32 v58, v5  }
0x292: {  	v41 =	vld.idx.msk [tilespmem:v36+s30+$0x0], $0xffff;
	v61 =	vnsel vm14, $0x0, v18;
	v15 =	vnsel vm14, $0x0, v15;
	v10 =	vxor.u32 v14, v10  }
0x293: {  	v44 =	vld.idx.msk [tilespmem:v24+s30+$0x0], $0xffff;
	v8 =	vxor.u32 v40, v8;
	v6 =	vxor.u32 v61, v6;
	v43 =	vnsel vm15, $0x0, v62  }
0x294: {  	v56 =	vor.u32 $0x8, v38;
	v9 =	vxor.u32 v15, v9;
	[tilespmem:v38+s29+$0x0] =	vst.idx.msk $0xffff, v8;
	v4 =	vxor.u32 v43, v4  }
0x295: {  	v32 =	vnsel vm14, $0x0, v48;
	v48 =	vxor.u32 v46, v5;
	v49 =	vnsel vm15, $0x0, v35;
	[tilespmem:v28+s29+$0x0] =	vst.idx.msk $0xffff, v4  }
0x296: {  	v7 =	vxor.u32 v32, v7;
	v51 =	vxor.u32 v49, v6;
	v52 =	vnsel vm15, $0x0, v23;
	[tilespmem:v39+s29+$0x0] =	vst.idx.msk $0xffff, v48  }
0x297: {  	v58 =	vnsel vm15, $0x0, v20;
	v55 =	vnsel vm15, $0x0, v37;
	v54 =	vxor.u32 v52, v7;
	[tilespmem:v42+s29+$0x0] =	vst.idx.msk $0xffff, v51  }
0x298: {  	p0 =	sne.s32 s0, $0xEF0;
	v61 =	vxor.u32 v19, v12;
	v22 =	vnsel vm14, $0x0, v22;
	v57 =	vxor.u32 v55, v9;
	[tilespmem:v45+s29+$0x0] =	vst.idx.msk $0xffff, v54  }
.Ltmp1:
0x299: {  	v5 =	vxor.u32 v58, v10;
	v2 =	vnsel vm15, $0x0, v2;
	v60 =	vxor.u32 v22, v11;
	[tilespmem:v47+s29+$0x0] =	vst.idx.msk $0xffff, v57;
	(pc) =	sbr.rel @p0 .LBB2_4-.Ltmp1, $4  }
0x29a: {  	v21 =	vnsel vm14, $0x0, v21;
	v62 =	vnsel vm15, $0x0, v41;
	v2 =	vxor.u32 v2, v60;
	[tilespmem:v50+s29+$0x0] =	vst.idx.msk $0xffff, v5  }
0x29b: {  	v3 =	vxor.u32 v21, v3;
	v63 =	vnsel vm15, $0x0, v44;
	v4 =	vxor.u32 v62, v61;
	[tilespmem:v53+s29+$0x0] =	vst.idx.msk $0xffff, v2  }
0x29c: {  	v2 =	vxor.u32 v63, v3;
	[tilespmem:v56+s29+$0x0] =	vst.idx.msk $0xffff, v4  }
0x29d: {  	s2 =	sadd.s32 $0x10, s2;
	s0 =	sadd.s32 $0xF0, s0;
	s12 =	sadd.s32 $0x10, s12;
	[tilespmem:v59+s29+$0x0] =	vst.idx.msk $0xffff, v2  }
0x29e: {  	s31 =	sadd.s32 $0x1, s31  }
0x29f: {  	p0 =	sne.s32 s31, s10  }
.Ltmp2:
0x2a0: {  	_ = 	snop;
	(pc) =	sbr.rel @p0 .LBB2_1-.Ltmp2, $4  }
0x2a1: {  	[hbm4b:s9+s4] =	stream.linear.scatter [tilespmem:s29], [sflag:$0x3], $0x1000, $0x38;
	[tilespmem:$0x15310] =	vst v63  }
0x2a2: {  	_ =	swait.ge [sflag:s11], $0x1000  }
0x2a3: {  	[sflag:s11] =	ssyncset.done $0x0  }
0x2a4: {  	[sflag:s11] =	ssyncadd.s32 $0xFFFFF000  }
0x2a5: {  	_ =	sfence.sel $0x180000  }
0x2a6: {  	[bflag:$0x0] =	sbarrier.arrive $0xFFFF  }
0x2a7: {  	_ =	strace $0x90000047  }
0x2a8: {  	s0 =	stileid.u32;
	[bflag:$0x2] =	sbarrier.arrive $0xFFFF  }
0x2a9: {  	p0 =	sne.s32 s0, $0x0;
	s0 =	rddreg [dreg:$0x2]  }
0x2aa: {  	s0 =	sadd.s32 @!p0 $0x100000, s0  }
0x2ab: {  	[sflag:s0] =	ssyncadd.tile.s32 @!p0 $0x1;
	_ =	shalt  }
.Lfunc_end2:
_tile_overlayer_lowered:
.L_overlay_start_2:
0x2ac: {  	(tag) =	ssettag $0x2  }
0x2ad: {  	s0 =	rddreg [dreg:$0x0];
	s2 =	stileid.u32  }
0x2ae: {  	s1 =	rddreg [dreg:$0x1];
	p0 =	sne.s32 s2, $0x0  }
0x2af: {  	s3 =	rddreg [dreg:$0x2];
	[bflag:$0x3] =	sbarrier.arrive $0xFFFF;
	s2 =	simm.s32 @!p0 $0x1C03  }
0x2b0: {  	[timem:s3], [sflag:s2] =	dma.local @!p0 [hbm:s0], s1  }
0x2b1: {  	s0 =	simm.s32 @!p0 $0x3  }
0x2b2: {  	_ =	swait.ge @!p0 [sflag:s0], s1  }
0x2b3: {  	s1 =	ssub.s32 @!p0 $0x0, s1;
	[sflag:s0] =	ssyncset.done @!p0 $0x0  }
0x2b4: {  	[sflag:s0] =	ssyncadd.s32 @!p0 s1  }
0x2b5: {  	[bflag:$0x3] =	sbarrier.arrive $0xFFFF  }
0x2b6: {  	_ =	shalt  }

</sc_bundles>
